<compile_context>
chip_gen: v7x
topology: tpu7x:2x2x1
jax: 0.10.2.dev20260603
libtpu: 0.0.44.dev20260713+nightly
codegen_flags: <defaults>
</compile_context>

<pallas_src>
import functools

import jax
import jax.numpy as jnp
from jax import lax
from jax.experimental import pallas as pl
from jax.experimental.pallas import tpu as pltpu
from jax.experimental.pallas import tpu_sc as plsc

_ANCHORS = [
    (1.3221, 1.73145),
    (3.19275, 4.00944),
    (5.05587, 8.09892),
    (9.47112, 4.84053),
    (11.2364, 10.0071),
]
_OBJECT_SCALE = 5.0
_LN2 = 0.6931471805599453
_B, _C, _H, _W = 16, 25, 32, 32
_A = 5


def _sq(x):
    return x * x


def _log_v(x):
    xi = lax.bitcast_convert_type(x, jnp.int32)
    e = (xi >> 23) - 127
    m = lax.bitcast_convert_type((xi & 0x7FFFFF) | (127 << 23), jnp.float32)
    r = (m - 1.0) / (m + 1.0)
    r2 = r * r
    p = r * (2.0 + r2 * (2.0 / 3.0 + r2 * (2.0 / 5.0
                                           + r2 * (2.0 / 7.0 + r2 * (2.0 / 9.0)))))
    return e.astype(jnp.float32) * _LN2 + p



def _corr_body(pred_hbm, tgt_hbm, out_hbm, cell_v, tgt_v, res_v, dsem):
    c = lax.axis_index("c")
    s = lax.axis_index("s")
    b = s

    @pl.when(c == 0)
    def _():
        pltpu.sync_copy(tgt_hbm, tgt_v)
        lane_i = lax.iota(jnp.int32, 16)
        gv = plsc.load_gather(tgt_v, [jnp.full((16,), b, jnp.int32),
                                      lane_i & 3])

        def pick(off):
            return jnp.sum(jnp.where(lane_i == off, gv, 0.0))

        gx = pick(0) * jnp.float32(_W)
        gy = pick(1) * jnp.float32(_H)
        gw = pick(2) * jnp.float32(_W)
        gh = pick(3) * jnp.float32(_H)
        gi = jnp.clip(gx.astype(jnp.int32), 0, _W - 1)
        gj = jnp.clip(gy.astype(jnp.int32), 0, _H - 1)

        def const_vec(vals):
            v = jnp.full((16,), 1.0, dtype=jnp.float32)
            for idx, val in enumerate(vals):
                v = jnp.where(lane_i == idx, jnp.float32(val), v)
            return v

        awv = const_vec([a[0] for a in _ANCHORS])
        ahv = const_vec([a[1] for a in _ANCHORS])
        inter_v = jnp.minimum(awv, gw) * jnp.minimum(ahv, gh)
        union_v = awv * ahv + gw * gh - inter_v
        ratio_v = jnp.where(lane_i < _A, inter_v / union_v, -1.0)
        best_r = jnp.max(ratio_v)
        hit_v = ratio_v == best_r
        best_a = jnp.min(jnp.where(hit_v, lane_i, jnp.int32(99)))
        aw_b = jnp.sum(jnp.where(lane_i == best_a, awv, 0.0))
        ah_b = jnp.sum(jnp.where(lane_i == best_a, ahv, 0.0))

        cb = 5 * best_a
        pltpu.async_copy(pred_hbm.at[b, pl.ds(cb, 5), gj, :], cell_v,
                         dsem).wait()
        goff = (gi >> 4) << 4
        lane = gi - goff

        def cell_val(k):
            v = cell_v[k, pl.ds(goff, 16)]
            return jnp.full((16,), jnp.sum(jnp.where(lane_i == lane, v, 0.0)))

        t0c = cell_val(0)
        t1c = cell_val(1)
        t2c = cell_val(2)
        t3c = cell_val(3)
        t4c = cell_val(4)
        s0c = 1.0 / (1.0 + jnp.exp(-t0c))
        s1c = 1.0 / (1.0 + jnp.exp(-t1c))
        pcc = 1.0 / (1.0 + jnp.exp(-t4c))
        gif = gi.astype(jnp.float32)
        gjf = gj.astype(jnp.float32)
        gxl = gx - gw * 0.5
        gxr = gx + gw * 0.5
        gyl = gy - gh * 0.5
        gyr = gy + gh * 0.5
        garea = gw * gh
        pbx = s0c + gif
        pby = s1c + gjf
        pbw = jnp.exp(t2c) * aw_b
        pbh = jnp.exp(t3c) * ah_b
        cw = (jnp.minimum(pbx + pbw * 0.5, gxr)
              - jnp.maximum(pbx - pbw * 0.5, gxl))
        chh = (jnp.minimum(pby + pbh * 0.5, gyr)
               - jnp.maximum(pby - pbh * 0.5, gyl))
        carea = jnp.maximum(cw, 0.0) * jnp.maximum(chh, 0.0)
        uarea = pbw * pbh + garea - carea
        tconf = carea / uarea
        mstar = jnp.where(tconf > 0.6, 0.0, 1.0)
        lw = _log_v(jnp.full((16,), gw) / jnp.full((16,), aw_b))
        lh = _log_v(jnp.full((16,), gh) / jnp.full((16,), ah_b))
        delta = (_sq(s0c - (gx - gif)) - _sq(s0c - 0.5)
                 + _sq(s1c - (gy - gjf)) - _sq(s1c - 0.5)
                 + _sq(t2c - lw) - t2c * t2c
                 + _sq(t3c - lh) - t3c * t3c
                 + _OBJECT_SCALE * _sq(pcc - tconf) - mstar * pcc * pcc)
        res_v[...] = jnp.where(lane_i == 0, delta, 0.0)
        pltpu.sync_copy(res_v, out_hbm.at[b])


_corr_sc = functools.partial(
    pl.kernel,
    mesh=plsc.VectorSubcoreMesh(core_axis_name="c", subcore_axis_name="s"),
    out_type=jax.ShapeDtypeStruct((_B, 16), jnp.float32),
    compiler_params=pltpu.CompilerParams(needs_layout_passes=False),
    scratch_types=[
        pltpu.VMEM((5, _W), jnp.float32),
        pltpu.VMEM((_B, 4), jnp.float32),
        pltpu.VMEM((16,), jnp.float32),
        pltpu.SemaphoreType.DMA,
    ],
)(_corr_body)



_BPG = 8


def _base_body(tgt_ref, pred_ref, out_ref, acc_ref):
    bidx = pl.program_id(0)
    colf = lax.broadcasted_iota(jnp.int32, (_H, _W), 1).astype(jnp.float32)
    rowf = lax.broadcasted_iota(jnp.int32, (_H, _W), 0).astype(jnp.float32)
    acc = jnp.zeros((_H, _W), jnp.float32)
    for k in range(_BPG):
        bb = bidx * _BPG + k
        gx = tgt_ref[bb, 0] * jnp.float32(_W)
        gy = tgt_ref[bb, 1] * jnp.float32(_H)
        gw = tgt_ref[bb, 2] * jnp.float32(_W)
        gh = tgt_ref[bb, 3] * jnp.float32(_H)
        gxl = gx - gw * 0.5
        gxr = gx + gw * 0.5
        gyl = gy - gh * 0.5
        gyr = gy + gh * 0.5
        g375 = gw * gh * 0.375
        gxlc = gxl - colf
        gxrc = gxr - colf
        gylc = gyl - rowf
        gyrc = gyr - rowf
        for a in range(_A):
            aw, ah = _ANCHORS[a]
            t0 = pred_ref[k, 5 * a + 0]
            t1 = pred_ref[k, 5 * a + 1]
            t2 = pred_ref[k, 5 * a + 2]
            t3 = pred_ref[k, 5 * a + 3]
            t4 = pred_ref[k, 5 * a + 4]
            s0 = 1.0 / (1.0 + jnp.exp(-t0))
            s1 = 1.0 / (1.0 + jnp.exp(-t1))
            pc = 1.0 / (1.0 + jnp.exp(-t4))
            bw2 = jnp.exp(t2) * jnp.float32(aw * 0.5)
            bh2 = jnp.exp(t3) * jnp.float32(ah * 0.5)
            cw = jnp.minimum(s0 + bw2, gxrc) - jnp.maximum(s0 - bw2, gxlc)
            chh = jnp.minimum(s1 + bh2, gyrc) - jnp.maximum(s1 - bh2, gylc)
            carea = jnp.maximum(cw, 0.0) * jnp.maximum(chh, 0.0)
            thr = 1.5 * (bw2 * bh2) + g375
            contrib = jnp.where(carea > thr, 0.0, pc * pc)
            acc = acc + (_sq(s0 - 0.5) + _sq(s1 - 0.5)
                         + t2 * t2 + t3 * t3 + contrib)

    @pl.when(bidx == 0)
    def _():
        acc_ref[...] = jnp.zeros((_H, _W), jnp.float32)

    acc_ref[...] += acc

    @pl.when(bidx == (_B // _BPG) - 1)
    def _():
        out_ref[0, 0] = jnp.sum(acc_ref[...])


_base_tc = pl.pallas_call(
    _base_body,
    grid=(_B // _BPG,),
    in_specs=[
        pl.BlockSpec(memory_space=pltpu.SMEM),
        pl.BlockSpec((_BPG, _C, _H, _W), lambda b: (b, 0, 0, 0)),
    ],
    out_specs=pl.BlockSpec((1, 1), lambda b: (0, 0), memory_space=pltpu.SMEM),
    out_shape=jax.ShapeDtypeStruct((1, 1), jnp.float32),
    scratch_shapes=[pltpu.VMEM((_H, _W), jnp.float32)],
)


def kernel(pred, target, train_out):
    corr = _corr_sc(pred, target)
    base = _base_tc(target, pred)
    loss = (base[0, 0] + jnp.sum(corr)) * 0.5
    return loss + jnp.asarray(train_out, loss.dtype) * 0.0

# --- scband reference (transcript-rebuilt; emitter-appended) ---
"""Pipeline reference for scband-region-loss-1-class-14439680049763 (READ-ONLY COPY).

The authoritative reference and input builder live on the scoring server;
editing this copy changes nothing except your own understanding.
"""

import jax, jax.numpy as jnp
import numpy as np

ANCHORS = [1.3221, 1.73145, 3.19275, 4.00944, 5.05587, 8.09892, 9.47112, 4.84053, 11.2364, 10.0071]
OBJECT_SCALE = 5.0
NO_OBJECT_SCALE = 1.0
COORD_SCALE = 1.0
SIL_THRESH = 0.6


def _iou_center(x1, y1, w1, h1, x2, y2, w2, h2):
    mx = jnp.minimum(x1 - w1 / 2.0, x2 - w2 / 2.0)
    Mx = jnp.maximum(x1 + w1 / 2.0, x2 + w2 / 2.0)
    my = jnp.minimum(y1 - h1 / 2.0, y2 - h2 / 2.0)
    My = jnp.maximum(y1 + h1 / 2.0, y2 + h2 / 2.0)
    cw = w1 + w2 - (Mx - mx)
    ch = h1 + h2 - (My - my)
    carea = jnp.where((cw > 0) & (ch > 0), cw * ch, 0.0)
    uarea = w1 * h1 + w2 * h2 - carea
    return carea / uarea


def _region_loss(pred, target):
    anchors = jnp.asarray(ANCHORS, dtype=jnp.float32).reshape(-1, 2)
    A = anchors.shape[0]
    B, C, H, W = pred.shape
    target = jax.lax.stop_gradient(target)
    p = pred.reshape(B, A, 5, W, H)
    txy = jax.nn.sigmoid(p[:, :, :2])
    twh = p[:, :, 2:4]
    pred_conf = jax.nn.sigmoid(p[:, :, 4])
    grid_x = jnp.broadcast_to(jnp.arange(W, dtype=jnp.float32)[None, :], (H, W))
    grid_y = jnp.broadcast_to(jnp.arange(H, dtype=jnp.float32)[:, None], (H, W))
    aw = anchors[:, 0][None, :, None, None]
    ah = anchors[:, 1][None, :, None, None]
    txy_d = jax.lax.stop_gradient(txy)
    twh_d = jax.lax.stop_gradient(twh)
    bx = txy_d[:, :, 0] + grid_x
    by = txy_d[:, :, 1] + grid_y
    bw = jnp.exp(twh_d[:, :, 0]) * aw
    bh = jnp.exp(twh_d[:, :, 1]) * ah
    gx = target[:, 0] * W
    gy = target[:, 1] * H
    gw = target[:, 2] * W
    gh = target[:, 3] * H
    ious = _iou_center(bx, by, bw, bh,
                       gx[:, None, None, None], gy[:, None, None, None],
                       gw[:, None, None, None], gh[:, None, None, None])
    conf_mask = jnp.where(ious > SIL_THRESH, 0.0, NO_OBJECT_SCALE).astype(jnp.float32)
    inter = jnp.minimum(anchors[None, :, 0], gw[:, None]) * jnp.minimum(anchors[None, :, 1], gh[:, None])
    union = anchors[None, :, 0] * anchors[None, :, 1] + (gw * gh)[:, None] - inter
    best_a = jnp.argmax(inter / union, axis=1)
    gi = gx.astype(jnp.int32)
    gj = gy.astype(jnp.int32)
    bidx = jnp.arange(B)
    coord_mask = jnp.ones((B, A, H, W), dtype=jnp.float32)
    conf_mask = conf_mask.at[bidx, best_a, gj, gi].set(OBJECT_SCALE)
    aw_b = anchors[best_a, 0]
    ah_b = anchors[best_a, 1]
    tb0 = jnp.full((B, A, H, W), 0.5, dtype=jnp.float32).at[bidx, best_a, gj, gi].set(gx - gi.astype(jnp.float32))
    tb1 = jnp.full((B, A, H, W), 0.5, dtype=jnp.float32).at[bidx, best_a, gj, gi].set(gy - gj.astype(jnp.float32))
    tb2 = jnp.zeros((B, A, H, W), dtype=jnp.float32).at[bidx, best_a, gj, gi].set(jnp.log(gw / aw_b))
    tb3 = jnp.zeros((B, A, H, W), dtype=jnp.float32).at[bidx, best_a, gj, gi].set(jnp.log(gh / ah_b))
    pbx = bx[bidx, best_a, gj, gi]
    pby = by[bidx, best_a, gj, gi]
    pbw = bw[bidx, best_a, gj, gi]
    pbh = bh[bidx, best_a, gj, gi]
    tconf = _iou_center(gx, gy, gw, gh, pbx, pby, pbw, pbh)
    target_conf = jnp.zeros((B, A, H, W), dtype=jnp.float32).at[bidx, best_a, gj, gi].set(tconf)
    conf_mask = jnp.sqrt(conf_mask)
    loss_x = COORD_SCALE * jnp.sum((txy[:, :, 0] * coord_mask - tb0 * coord_mask) ** 2) / 2.0
    loss_y = COORD_SCALE * jnp.sum((txy[:, :, 1] * coord_mask - tb1 * coord_mask) ** 2) / 2.0
    loss_w = COORD_SCALE * jnp.sum((twh[:, :, 0] * coord_mask - tb2 * coord_mask) ** 2) / 2.0
    loss_h = COORD_SCALE * jnp.sum((twh[:, :, 1] * coord_mask - tb3 * coord_mask) ** 2) / 2.0
    loss_conf = jnp.sum((pred_conf * conf_mask - target_conf * conf_mask) ** 2) / 2.0
    loss = loss_x + loss_y + loss_w + loss_h + loss_conf
    return loss, loss_x, loss_y, loss_w, loss_h, loss_conf


def setup_inputs(seed: int = 0):
    key = jax.random.key(seed)
    k1, k2 = jax.random.split(key)
    pred = jax.random.normal(k1, (16, 25, 32, 32), dtype=jnp.float32)
    target = jax.random.uniform(k2, (16, 4), dtype=jnp.float32, minval=0.05, maxval=0.95)
    return {"pred": pred, "target": target, "train_out": 0}


def reference(pred, target, train_out):
    losses = _region_loss(pred, target)
    return losses[0] + jnp.asarray(train_out, dtype=losses[0].dtype) * 0.0

if __name__ == "__main__":
    import jax
    _d = setup_inputs()
    print(jax.jit(kernel)(*tuple(_d.values())))

</pallas_src>

<mosaic_0001>
#map = affine_map<(d0, d1) -> (0, 0, 0, 0)>
#map1 = affine_map<(d0, d1) -> (0, 0)>
module attributes {stable_mosaic.version = 14 : i64} {
  func.func @_corr_body(%arg0: i32, %arg1: i32, %arg2: memref<16x25x32x32xf32, #tpu.memory_space<hbm>>, %arg3: memref<16x4xf32, #tpu.memory_space<hbm>>, %arg4: memref<16x16xf32, #tpu.memory_space<hbm>>, %arg5: memref<5x32xf32, #tpu.memory_space<vmem>>, %arg6: memref<16x4xf32, #tpu.memory_space<vmem>>, %arg7: memref<16xf32, #tpu.memory_space<vmem>>, %arg8: memref<!tpu.dma_semaphore, #tpu.memory_space<semaphore_mem>>) attributes {dimension_semantics = [#tpu.dimension_semantics<core_parallel>, #tpu.dimension_semantics<subcore_parallel>], iteration_bounds = array<i64: 2, 16>, scalar_prefetch = 0 : i64, scratch_operands = 4 : i64, tpu.core_type = #tpu.core_type<sc_vector_subcore>, window_params = [{transform_indices = #map}, {transform_indices = #map1}, {transform_indices = #map1}]} {
    %eq3A = arith.constant 0 : i32
    %eq3A_0 = arith.cmpi eq, %arg0, %eq3A : i32
    %convert_element_type3A = arith.extui %eq3A_0 : i1 to i32
    %cond3A = arith.constant 0 : i32
    %cond3A_1 = arith.cmpi ne, %convert_element_type3A, %cond3A : i32
    scf.if %cond3A_1 {
      "tpu.region"() ({
        %run_scoped3A = tpu.sem_alloc : memref<!tpu.dma_semaphore, #tpu.memory_space<semaphore_mem>>
        tpu.enqueue_dma source(%arg3 : memref<16x4xf32, #tpu.memory_space<hbm>>) target(%arg6 : memref<16x4xf32, #tpu.memory_space<vmem>>) target_semaphore(%run_scoped3A : memref<!tpu.dma_semaphore, #tpu.memory_space<semaphore_mem>>)
        tpu.wait_dma2 semaphore(%run_scoped3A : memref<!tpu.dma_semaphore, #tpu.memory_space<semaphore_mem>>) src(%arg3 : memref<16x4xf32, #tpu.memory_space<hbm>>) dst(%arg6 : memref<16x4xf32, #tpu.memory_space<vmem>>)
        tpu.yield
      }) : () -> ()
      %iota3A = tpu.iota {dimensions = array<i32: 0>} : vector<16xi32>
      %broadcast_in_dim3A = vector.broadcast %arg1 : i32 to vector<16xi32>
      %and3A = arith.constant 3 : i32
      %and3A_2 = vector.broadcast %and3A : i32 to vector<16xi32>
      %and3A_3 = arith.andi %iota3A, %and3A_2 : vector<16xi32>
      %gather3A = tpu.vector_load_idx %arg6[%broadcast_in_dim3A, %and3A_3] : memref<16x4xf32, #tpu.memory_space<vmem>>[vector<16xi32>, vector<16xi32>], vector<16xf32>,
      %eq3A_4 = arith.constant 0 : i32
      %eq3A_5 = vector.broadcast %eq3A_4 : i32 to vector<16xi32>
      %eq3A_6 = arith.cmpi eq, %iota3A, %eq3A_5 : vector<16xi32>
      %jit3A = arith.constant 0.000000e+00 : f32
      %broadcast_in_dim3A_7 = vector.broadcast %jit3A : f32 to vector<16xf32>
      %select_n3A = arith.select %eq3A_6, %gather3A, %broadcast_in_dim3A_7 : vector<16xi1>, vector<16xf32>
      %reduce_sum3A = arith.constant true
      %reduce_sum3A_8 = vector.broadcast %reduce_sum3A : i1 to vector<16xi1>
      %reduce_sum3A_9 = tpu.scan <sum>, %select_n3A masked %reduce_sum3A_8 : vector<16xf32>, vector<16xi1> -> vector<16xf32>
      %reduce_sum3A_10 = vector.extract %reduce_sum3A_9[15] : f32 from vector<16xf32>
      %mul3A = arith.constant 3.200000e+01 : f32
      %mul3A_11 = arith.mulf %reduce_sum3A_10, %mul3A : f32
      %eq3A_12 = arith.constant 1 : i32
      %eq3A_13 = vector.broadcast %eq3A_12 : i32 to vector<16xi32>
      %eq3A_14 = arith.cmpi eq, %iota3A, %eq3A_13 : vector<16xi32>
      %jit3A_15 = arith.constant 0.000000e+00 : f32
      %broadcast_in_dim3A_16 = vector.broadcast %jit3A_15 : f32 to vector<16xf32>
      %select_n3A_17 = arith.select %eq3A_14, %gather3A, %broadcast_in_dim3A_16 : vector<16xi1>, vector<16xf32>
      %reduce_sum3A_18 = arith.constant true
      %reduce_sum3A_19 = vector.broadcast %reduce_sum3A_18 : i1 to vector<16xi1>
      %reduce_sum3A_20 = tpu.scan <sum>, %select_n3A_17 masked %reduce_sum3A_19 : vector<16xf32>, vector<16xi1> -> vector<16xf32>
      %reduce_sum3A_21 = vector.extract %reduce_sum3A_20[15] : f32 from vector<16xf32>
      %mul3A_22 = arith.constant 3.200000e+01 : f32
      %mul3A_23 = arith.mulf %reduce_sum3A_21, %mul3A_22 : f32
      %eq3A_24 = arith.constant 2 : i32
      %eq3A_25 = vector.broadcast %eq3A_24 : i32 to vector<16xi32>
      %eq3A_26 = arith.cmpi eq, %iota3A, %eq3A_25 : vector<16xi32>
      %jit3A_27 = arith.constant 0.000000e+00 : f32
      %broadcast_in_dim3A_28 = vector.broadcast %jit3A_27 : f32 to vector<16xf32>
      %select_n3A_29 = arith.select %eq3A_26, %gather3A, %broadcast_in_dim3A_28 : vector<16xi1>, vector<16xf32>
      %reduce_sum3A_30 = arith.constant true
      %reduce_sum3A_31 = vector.broadcast %reduce_sum3A_30 : i1 to vector<16xi1>
      %reduce_sum3A_32 = tpu.scan <sum>, %select_n3A_29 masked %reduce_sum3A_31 : vector<16xf32>, vector<16xi1> -> vector<16xf32>
      %reduce_sum3A_33 = vector.extract %reduce_sum3A_32[15] : f32 from vector<16xf32>
      %mul3A_34 = arith.constant 3.200000e+01 : f32
      %mul3A_35 = arith.mulf %reduce_sum3A_33, %mul3A_34 : f32
      %eq3A_36 = arith.constant 3 : i32
      %eq3A_37 = vector.broadcast %eq3A_36 : i32 to vector<16xi32>
      %eq3A_38 = arith.cmpi eq, %iota3A, %eq3A_37 : vector<16xi32>
      %jit3A_39 = arith.constant 0.000000e+00 : f32
      %broadcast_in_dim3A_40 = vector.broadcast %jit3A_39 : f32 to vector<16xf32>
      %select_n3A_41 = arith.select %eq3A_38, %gather3A, %broadcast_in_dim3A_40 : vector<16xi1>, vector<16xf32>
      %reduce_sum3A_42 = arith.constant true
      %reduce_sum3A_43 = vector.broadcast %reduce_sum3A_42 : i1 to vector<16xi1>
      %reduce_sum3A_44 = tpu.scan <sum>, %select_n3A_41 masked %reduce_sum3A_43 : vector<16xf32>, vector<16xi1> -> vector<16xf32>
      %reduce_sum3A_45 = vector.extract %reduce_sum3A_44[15] : f32 from vector<16xf32>
      %mul3A_46 = arith.constant 3.200000e+01 : f32
      %mul3A_47 = arith.mulf %reduce_sum3A_45, %mul3A_46 : f32
      %convert_element_type3A_48 = arith.fptosi %mul3A_11 : f32 to i32
      %jit3A_49 = arith.constant 0 : i32
      %jit3A_50 = arith.constant 31 : i32
      %max3A = arith.maxsi %jit3A_49, %convert_element_type3A_48 : i32
      %min3A = arith.minsi %jit3A_50, %max3A : i32
      %convert_element_type3A_51 = arith.fptosi %mul3A_23 : f32 to i32
      %jit3A_52 = arith.constant 0 : i32
      %jit3A_53 = arith.constant 31 : i32
      %max3A_54 = arith.maxsi %jit3A_52, %convert_element_type3A_51 : i32
      %min3A_55 = arith.minsi %jit3A_53, %max3A_54 : i32
      %broadcast_in_dim3A_56 = arith.constant 1.000000e+00 : f32
      %broadcast_in_dim3A_57 = vector.broadcast %broadcast_in_dim3A_56 : f32 to vector<16xf32>
      %eq3A_58 = arith.constant 0 : i32
      %eq3A_59 = vector.broadcast %eq3A_58 : i32 to vector<16xi32>
      %eq3A_60 = arith.cmpi eq, %iota3A, %eq3A_59 : vector<16xi32>
      %jit3A_61 = arith.constant 1.322100e+00 : f32
      %broadcast_in_dim3A_62 = vector.broadcast %jit3A_61 : f32 to vector<16xf32>
      %select_n3A_63 = arith.select %eq3A_60, %broadcast_in_dim3A_62, %broadcast_in_dim3A_57 : vector<16xi1>, vector<16xf32>
      %eq3A_64 = arith.constant 1 : i32
      %eq3A_65 = vector.broadcast %eq3A_64 : i32 to vector<16xi32>
      %eq3A_66 = arith.cmpi eq, %iota3A, %eq3A_65 : vector<16xi32>
      %jit3A_67 = arith.constant 3.192750e+00 : f32
      %broadcast_in_dim3A_68 = vector.broadcast %jit3A_67 : f32 to vector<16xf32>
      %select_n3A_69 = arith.select %eq3A_66, %broadcast_in_dim3A_68, %select_n3A_63 : vector<16xi1>, vector<16xf32>
      %eq3A_70 = arith.constant 2 : i32
      %eq3A_71 = vector.broadcast %eq3A_70 : i32 to vector<16xi32>
      %eq3A_72 = arith.cmpi eq, %iota3A, %eq3A_71 : vector<16xi32>
      %jit3A_73 = arith.constant 5.055870e+00 : f32
      %broadcast_in_dim3A_74 = vector.broadcast %jit3A_73 : f32 to vector<16xf32>
      %select_n3A_75 = arith.select %eq3A_72, %broadcast_in_dim3A_74, %select_n3A_69 : vector<16xi1>, vector<16xf32>
      %eq3A_76 = arith.constant 3 : i32
      %eq3A_77 = vector.broadcast %eq3A_76 : i32 to vector<16xi32>
      %eq3A_78 = arith.cmpi eq, %iota3A, %eq3A_77 : vector<16xi32>
      %jit3A_79 = arith.constant 9.47111988 : f32
      %broadcast_in_dim3A_80 = vector.broadcast %jit3A_79 : f32 to vector<16xf32>
      %select_n3A_81 = arith.select %eq3A_78, %broadcast_in_dim3A_80, %select_n3A_75 : vector<16xi1>, vector<16xf32>
      %eq3A_82 = arith.constant 4 : i32
      %eq3A_83 = vector.broadcast %eq3A_82 : i32 to vector<16xi32>
      %eq3A_84 = arith.cmpi eq, %iota3A, %eq3A_83 : vector<16xi32>
      %jit3A_85 = arith.constant 1.123640e+01 : f32
      %broadcast_in_dim3A_86 = vector.broadcast %jit3A_85 : f32 to vector<16xf32>
      %select_n3A_87 = arith.select %eq3A_84, %broadcast_in_dim3A_86, %select_n3A_81 : vector<16xi1>, vector<16xf32>
      %broadcast_in_dim3A_88 = arith.constant 1.000000e+00 : f32
      %broadcast_in_dim3A_89 = vector.broadcast %broadcast_in_dim3A_88 : f32 to vector<16xf32>
      %eq3A_90 = arith.constant 0 : i32
      %eq3A_91 = vector.broadcast %eq3A_90 : i32 to vector<16xi32>
      %eq3A_92 = arith.cmpi eq, %iota3A, %eq3A_91 : vector<16xi32>
      %jit3A_93 = arith.constant 1.731450e+00 : f32
      %broadcast_in_dim3A_94 = vector.broadcast %jit3A_93 : f32 to vector<16xf32>
      %select_n3A_95 = arith.select %eq3A_92, %broadcast_in_dim3A_94, %broadcast_in_dim3A_89 : vector<16xi1>, vector<16xf32>
      %eq3A_96 = arith.constant 1 : i32
      %eq3A_97 = vector.broadcast %eq3A_96 : i32 to vector<16xi32>
      %eq3A_98 = arith.cmpi eq, %iota3A, %eq3A_97 : vector<16xi32>
      %jit3A_99 = arith.constant 4.009440e+00 : f32
      %broadcast_in_dim3A_100 = vector.broadcast %jit3A_99 : f32 to vector<16xf32>
      %select_n3A_101 = arith.select %eq3A_98, %broadcast_in_dim3A_100, %select_n3A_95 : vector<16xi1>, vector<16xf32>
      %eq3A_102 = arith.constant 2 : i32
      %eq3A_103 = vector.broadcast %eq3A_102 : i32 to vector<16xi32>
      %eq3A_104 = arith.cmpi eq, %iota3A, %eq3A_103 : vector<16xi32>
      %jit3A_105 = arith.constant 8.09891986 : f32
      %broadcast_in_dim3A_106 = vector.broadcast %jit3A_105 : f32 to vector<16xf32>
      %select_n3A_107 = arith.select %eq3A_104, %broadcast_in_dim3A_106, %select_n3A_101 : vector<16xi1>, vector<16xf32>
      %eq3A_108 = arith.constant 3 : i32
      %eq3A_109 = vector.broadcast %eq3A_108 : i32 to vector<16xi32>
      %eq3A_110 = arith.cmpi eq, %iota3A, %eq3A_109 : vector<16xi32>
      %jit3A_111 = arith.constant 4.840530e+00 : f32
      %broadcast_in_dim3A_112 = vector.broadcast %jit3A_111 : f32 to vector<16xf32>
      %select_n3A_113 = arith.select %eq3A_110, %broadcast_in_dim3A_112, %select_n3A_107 : vector<16xi1>, vector<16xf32>
      %eq3A_114 = arith.constant 4 : i32
      %eq3A_115 = vector.broadcast %eq3A_114 : i32 to vector<16xi32>
      %eq3A_116 = arith.cmpi eq, %iota3A, %eq3A_115 : vector<16xi32>
      %jit3A_117 = arith.constant 1.000710e+01 : f32
      %broadcast_in_dim3A_118 = vector.broadcast %jit3A_117 : f32 to vector<16xf32>
      %select_n3A_119 = arith.select %eq3A_116, %broadcast_in_dim3A_118, %select_n3A_113 : vector<16xi1>, vector<16xf32>
      %min3A_120 = vector.broadcast %mul3A_35 : f32 to vector<16xf32>
      %min3A_121 = arith.minimumf %select_n3A_87, %min3A_120 : vector<16xf32>
      %min3A_122 = vector.broadcast %mul3A_47 : f32 to vector<16xf32>
      %min3A_123 = arith.minimumf %select_n3A_119, %min3A_122 : vector<16xf32>
      %mul3A_124 = arith.mulf %min3A_121, %min3A_123 : vector<16xf32>
      %mul3A_125 = arith.mulf %select_n3A_87, %select_n3A_119 : vector<16xf32>
      %mul3A_126 = arith.mulf %mul3A_35, %mul3A_47 : f32
      %add3A = vector.broadcast %mul3A_126 : f32 to vector<16xf32>
      %add3A_127 = arith.addf %mul3A_125, %add3A : vector<16xf32>
      %sub3A = arith.subf %add3A_127, %mul3A_124 : vector<16xf32>
      %lt3A = arith.constant 5 : i32
      %lt3A_128 = vector.broadcast %lt3A : i32 to vector<16xi32>
      %lt3A_129 = arith.cmpi slt, %iota3A, %lt3A_128 : vector<16xi32>
      %div3A = arith.divf %mul3A_124, %sub3A : vector<16xf32>
      %jit3A_130 = arith.constant -1.000000e+00 : f32
      %broadcast_in_dim3A_131 = vector.broadcast %jit3A_130 : f32 to vector<16xf32>
      %select_n3A_132 = arith.select %lt3A_129, %div3A, %broadcast_in_dim3A_131 : vector<16xi1>, vector<16xf32>
      %reduce_max3A = arith.constant true
      %reduce_max3A_133 = vector.broadcast %reduce_max3A : i1 to vector<16xi1>
      %reduce_max3A_134 = tpu.scan <max>, %select_n3A_132 masked %reduce_max3A_133 : vector<16xf32>, vector<16xi1> -> vector<16xf32>
      %reduce_max3A_135 = vector.extract %reduce_max3A_134[15] : f32 from vector<16xf32>
      %eq3A_136 = vector.broadcast %reduce_max3A_135 : f32 to vector<16xf32>
      %eq3A_137 = arith.cmpf oeq, %select_n3A_132, %eq3A_136 : vector<16xf32>
      %jit3A_138 = arith.constant 99 : i32
      %broadcast_in_dim3A_139 = vector.broadcast %jit3A_138 : i32 to vector<16xi32>
      %select_n3A_140 = arith.select %eq3A_137, %iota3A, %broadcast_in_dim3A_139 : vector<16xi1>, vector<16xi32>
      %reduce_min3A = arith.constant true
      %reduce_min3A_141 = vector.broadcast %reduce_min3A : i1 to vector<16xi1>
      %reduce_min3A_142 = arith.constant -2147483648 : i32
      %reduce_min3A_143 = vector.broadcast %reduce_min3A_142 : i32 to vector<16xi32>
      %reduce_min3A_144 = arith.xori %select_n3A_140, %reduce_min3A_143 : vector<16xi32>
      %reduce_min3A_145 = tpu.scan <min>, %reduce_min3A_144 masked %reduce_min3A_141 : vector<16xi32>, vector<16xi1> -> vector<16xi32>
      %reduce_min3A_146 = arith.xori %reduce_min3A_145, %reduce_min3A_143 : vector<16xi32>
      %reduce_min3A_147 = vector.extract %reduce_min3A_146[15] : i32 from vector<16xi32>
      %eq3A_148 = vector.broadcast %reduce_min3A_147 : i32 to vector<16xi32>
      %eq3A_149 = arith.cmpi eq, %iota3A, %eq3A_148 : vector<16xi32>
      %jit3A_150 = arith.constant 0.000000e+00 : f32
      %broadcast_in_dim3A_151 = vector.broadcast %jit3A_150 : f32 to vector<16xf32>
      %select_n3A_152 = arith.select %eq3A_149, %select_n3A_87, %broadcast_in_dim3A_151 : vector<16xi1>, vector<16xf32>
      %reduce_sum3A_153 = arith.constant true
      %reduce_sum3A_154 = vector.broadcast %reduce_sum3A_153 : i1 to vector<16xi1>
      %reduce_sum3A_155 = tpu.scan <sum>, %select_n3A_152 masked %reduce_sum3A_154 : vector<16xf32>, vector<16xi1> -> vector<16xf32>
      %reduce_sum3A_156 = vector.extract %reduce_sum3A_155[15] : f32 from vector<16xf32>
      %eq3A_157 = vector.broadcast %reduce_min3A_147 : i32 to vector<16xi32>
      %eq3A_158 = arith.cmpi eq, %iota3A, %eq3A_157 : vector<16xi32>
      %jit3A_159 = arith.constant 0.000000e+00 : f32
      %broadcast_in_dim3A_160 = vector.broadcast %jit3A_159 : f32 to vector<16xf32>
      %select_n3A_161 = arith.select %eq3A_158, %select_n3A_119, %broadcast_in_dim3A_160 : vector<16xi1>, vector<16xf32>
      %reduce_sum3A_162 = arith.constant true
      %reduce_sum3A_163 = vector.broadcast %reduce_sum3A_162 : i1 to vector<16xi1>
      %reduce_sum3A_164 = tpu.scan <sum>, %select_n3A_161 masked %reduce_sum3A_163 : vector<16xf32>, vector<16xi1> -> vector<16xf32>
      %reduce_sum3A_165 = vector.extract %reduce_sum3A_164[15] : f32 from vector<16xf32>
      %mul3A_166 = arith.constant 5 : i32
      %mul3A_167 = arith.muli %mul3A_166, %reduce_min3A_147 : i32
      %dma_start3A = arith.constant 0 : i32
      %dma_start3A_168 = tpu.memref_slice %arg2[%arg1, %mul3A_167, %min3A_55, %dma_start3A] : memref<16x25x32x32xf32, #tpu.memory_space<hbm>> -> memref<1x5x1x32xf32, #tpu.memory_space<hbm>>
      %dma_start3A_169 = tpu.memref_squeeze %dma_start3A_168 : memref<1x5x1x32xf32, #tpu.memory_space<hbm>> -> memref<5x32xf32, #tpu.memory_space<hbm>>
      %dma_start3A_170 = arith.constant 0 : i32
      %dma_start3A_171 = tpu.memref_slice %arg2[%arg1, %mul3A_167, %min3A_55, %dma_start3A_170] : memref<16x25x32x32xf32, #tpu.memory_space<hbm>> -> memref<1x5x1x32xf32, #tpu.memory_space<hbm>>
      %dma_start3A_172 = tpu.memref_squeeze %dma_start3A_171 : memref<1x5x1x32xf32, #tpu.memory_space<hbm>> -> memref<5x32xf32, #tpu.memory_space<hbm>>
      tpu.enqueue_dma source(%dma_start3A_172 : memref<5x32xf32, #tpu.memory_space<hbm>>) target(%arg5 : memref<5x32xf32, #tpu.memory_space<vmem>>) target_semaphore(%arg8 : memref<!tpu.dma_semaphore, #tpu.memory_space<semaphore_mem>>)
      %dma_wait3A = arith.constant 0 : i32
      %dma_wait3A_173 = tpu.memref_slice %arg2[%arg1, %mul3A_167, %min3A_55, %dma_wait3A] : memref<16x25x32x32xf32, #tpu.memory_space<hbm>> -> memref<1x5x1x32xf32, #tpu.memory_space<hbm>>
      %dma_wait3A_174 = tpu.memref_squeeze %dma_wait3A_173 : memref<1x5x1x32xf32, #tpu.memory_space<hbm>> -> memref<5x32xf32, #tpu.memory_space<hbm>>
      %dma_wait3A_175 = arith.constant 0 : i32
      %dma_wait3A_176 = tpu.memref_slice %arg2[%arg1, %mul3A_167, %min3A_55, %dma_wait3A_175] : memref<16x25x32x32xf32, #tpu.memory_space<hbm>> -> memref<1x5x1x32xf32, #tpu.memory_space<hbm>>
      %dma_wait3A_177 = tpu.memref_squeeze %dma_wait3A_176 : memref<1x5x1x32xf32, #tpu.memory_space<hbm>> -> memref<5x32xf32, #tpu.memory_space<hbm>>
      tpu.wait_dma2 semaphore(%arg8 : memref<!tpu.dma_semaphore, #tpu.memory_space<semaphore_mem>>) src(%dma_wait3A_177 : memref<5x32xf32, #tpu.memory_space<hbm>>) dst(%arg5 : memref<5x32xf32, #tpu.memory_space<vmem>>)
      %shift_right_arithmetic3A = arith.constant 4 : i32
      %shift_right_arithmetic3A_178 = arith.shrsi %min3A, %shift_right_arithmetic3A : i32
      %shift_left3A = arith.constant 4 : i32
      %shift_left3A_179 = arith.shli %shift_right_arithmetic3A_178, %shift_left3A : i32
      %sub3A_180 = arith.subi %min3A, %shift_left3A_179 : i32
      %get3A = arith.constant 0 : i32
      %get3A_181 = arith.index_cast %get3A : i32 to index
      %get3A_182 = arith.index_cast %shift_left3A_179 : i32 to index
      %get3A_183 = tpu.vector_load %arg5[%get3A_181, %get3A_182] {strides = array<i32>} : memref<5x32xf32, #tpu.memory_space<vmem>>, vector<16xf32>,
      %eq3A_184 = vector.broadcast %sub3A_180 : i32 to vector<16xi32>
      %eq3A_185 = arith.cmpi eq, %iota3A, %eq3A_184 : vector<16xi32>
      %jit3A_186 = arith.constant 0.000000e+00 : f32
      %broadcast_in_dim3A_187 = vector.broadcast %jit3A_186 : f32 to vector<16xf32>
      %select_n3A_188 = arith.select %eq3A_185, %get3A_183, %broadcast_in_dim3A_187 : vector<16xi1>, vector<16xf32>
      %reduce_sum3A_189 = arith.constant true
      %reduce_sum3A_190 = vector.broadcast %reduce_sum3A_189 : i1 to vector<16xi1>
      %reduce_sum3A_191 = tpu.scan <sum>, %select_n3A_188 masked %reduce_sum3A_190 : vector<16xf32>, vector<16xi1> -> vector<16xf32>
      %reduce_sum3A_192 = vector.extract %reduce_sum3A_191[15] : f32 from vector<16xf32>
      %broadcast_in_dim3A_193 = vector.broadcast %reduce_sum3A_192 : f32 to vector<16xf32>
      %get3A_194 = arith.constant 1 : i32
      %get3A_195 = arith.index_cast %get3A_194 : i32 to index
      %get3A_196 = arith.index_cast %shift_left3A_179 : i32 to index
      %get3A_197 = tpu.vector_load %arg5[%get3A_195, %get3A_196] {strides = array<i32>} : memref<5x32xf32, #tpu.memory_space<vmem>>, vector<16xf32>,
      %eq3A_198 = vector.broadcast %sub3A_180 : i32 to vector<16xi32>
      %eq3A_199 = arith.cmpi eq, %iota3A, %eq3A_198 : vector<16xi32>
      %jit3A_200 = arith.constant 0.000000e+00 : f32
      %broadcast_in_dim3A_201 = vector.broadcast %jit3A_200 : f32 to vector<16xf32>
      %select_n3A_202 = arith.select %eq3A_199, %get3A_197, %broadcast_in_dim3A_201 : vector<16xi1>, vector<16xf32>
      %reduce_sum3A_203 = arith.constant true
      %reduce_sum3A_204 = vector.broadcast %reduce_sum3A_203 : i1 to vector<16xi1>
      %reduce_sum3A_205 = tpu.scan <sum>, %select_n3A_202 masked %reduce_sum3A_204 : vector<16xf32>, vector<16xi1> -> vector<16xf32>
      %reduce_sum3A_206 = vector.extract %reduce_sum3A_205[15] : f32 from vector<16xf32>
      %broadcast_in_dim3A_207 = vector.broadcast %reduce_sum3A_206 : f32 to vector<16xf32>
      %get3A_208 = arith.constant 2 : i32
      %get3A_209 = arith.index_cast %get3A_208 : i32 to index
      %get3A_210 = arith.index_cast %shift_left3A_179 : i32 to index
      %get3A_211 = tpu.vector_load %arg5[%get3A_209, %get3A_210] {strides = array<i32>} : memref<5x32xf32, #tpu.memory_space<vmem>>, vector<16xf32>,
      %eq3A_212 = vector.broadcast %sub3A_180 : i32 to vector<16xi32>
      %eq3A_213 = arith.cmpi eq, %iota3A, %eq3A_212 : vector<16xi32>
      %jit3A_214 = arith.constant 0.000000e+00 : f32
      %broadcast_in_dim3A_215 = vector.broadcast %jit3A_214 : f32 to vector<16xf32>
      %select_n3A_216 = arith.select %eq3A_213, %get3A_211, %broadcast_in_dim3A_215 : vector<16xi1>, vector<16xf32>
      %reduce_sum3A_217 = arith.constant true
      %reduce_sum3A_218 = vector.broadcast %reduce_sum3A_217 : i1 to vector<16xi1>
      %reduce_sum3A_219 = tpu.scan <sum>, %select_n3A_216 masked %reduce_sum3A_218 : vector<16xf32>, vector<16xi1> -> vector<16xf32>
      %reduce_sum3A_220 = vector.extract %reduce_sum3A_219[15] : f32 from vector<16xf32>
      %broadcast_in_dim3A_221 = vector.broadcast %reduce_sum3A_220 : f32 to vector<16xf32>
      %get3A_222 = arith.constant 3 : i32
      %get3A_223 = arith.index_cast %get3A_222 : i32 to index
      %get3A_224 = arith.index_cast %shift_left3A_179 : i32 to index
      %get3A_225 = tpu.vector_load %arg5[%get3A_223, %get3A_224] {strides = array<i32>} : memref<5x32xf32, #tpu.memory_space<vmem>>, vector<16xf32>,
      %eq3A_226 = vector.broadcast %sub3A_180 : i32 to vector<16xi32>
      %eq3A_227 = arith.cmpi eq, %iota3A, %eq3A_226 : vector<16xi32>
      %jit3A_228 = arith.constant 0.000000e+00 : f32
      %broadcast_in_dim3A_229 = vector.broadcast %jit3A_228 : f32 to vector<16xf32>
      %select_n3A_230 = arith.select %eq3A_227, %get3A_225, %broadcast_in_dim3A_229 : vector<16xi1>, vector<16xf32>
      %reduce_sum3A_231 = arith.constant true
      %reduce_sum3A_232 = vector.broadcast %reduce_sum3A_231 : i1 to vector<16xi1>
      %reduce_sum3A_233 = tpu.scan <sum>, %select_n3A_230 masked %reduce_sum3A_232 : vector<16xf32>, vector<16xi1> -> vector<16xf32>
      %reduce_sum3A_234 = vector.extract %reduce_sum3A_233[15] : f32 from vector<16xf32>
      %broadcast_in_dim3A_235 = vector.broadcast %reduce_sum3A_234 : f32 to vector<16xf32>
      %get3A_236 = arith.constant 4 : i32
      %get3A_237 = arith.index_cast %get3A_236 : i32 to index
      %get3A_238 = arith.index_cast %shift_left3A_179 : i32 to index
      %get3A_239 = tpu.vector_load %arg5[%get3A_237, %get3A_238] {strides = array<i32>} : memref<5x32xf32, #tpu.memory_space<vmem>>, vector<16xf32>,
      %eq3A_240 = vector.broadcast %sub3A_180 : i32 to vector<16xi32>
      %eq3A_241 = arith.cmpi eq, %iota3A, %eq3A_240 : vector<16xi32>
      %jit3A_242 = arith.constant 0.000000e+00 : f32
      %broadcast_in_dim3A_243 = vector.broadcast %jit3A_242 : f32 to vector<16xf32>
      %select_n3A_244 = arith.select %eq3A_241, %get3A_239, %broadcast_in_dim3A_243 : vector<16xi1>, vector<16xf32>
      %reduce_sum3A_245 = arith.constant true
      %reduce_sum3A_246 = vector.broadcast %reduce_sum3A_245 : i1 to vector<16xi1>
      %reduce_sum3A_247 = tpu.scan <sum>, %select_n3A_244 masked %reduce_sum3A_246 : vector<16xf32>, vector<16xi1> -> vector<16xf32>
      %reduce_sum3A_248 = vector.extract %reduce_sum3A_247[15] : f32 from vector<16xf32>
      %broadcast_in_dim3A_249 = vector.broadcast %reduce_sum3A_248 : f32 to vector<16xf32>
      %neg3A = arith.constant 0.000000e+00 : f32
      %neg3A_250 = vector.broadcast %neg3A : f32 to vector<16xf32>
      %neg3A_251 = arith.subf %neg3A_250, %broadcast_in_dim3A_193 : vector<16xf32>
      %exp3A = math.exp %neg3A_251 : vector<16xf32>
      %add3A_252 = arith.constant 1.000000e+00 : f32
      %add3A_253 = vector.broadcast %add3A_252 : f32 to vector<16xf32>
      %add3A_254 = arith.addf %add3A_253, %exp3A : vector<16xf32>
      %div3A_255 = arith.constant 1.000000e+00 : f32
      %div3A_256 = vector.broadcast %div3A_255 : f32 to vector<16xf32>
      %div3A_257 = arith.divf %div3A_256, %add3A_254 : vector<16xf32>
      %neg3A_258 = arith.constant 0.000000e+00 : f32
      %neg3A_259 = vector.broadcast %neg3A_258 : f32 to vector<16xf32>
      %neg3A_260 = arith.subf %neg3A_259, %broadcast_in_dim3A_207 : vector<16xf32>
      %exp3A_261 = math.exp %neg3A_260 : vector<16xf32>
      %add3A_262 = arith.constant 1.000000e+00 : f32
      %add3A_263 = vector.broadcast %add3A_262 : f32 to vector<16xf32>
      %add3A_264 = arith.addf %add3A_263, %exp3A_261 : vector<16xf32>
      %div3A_265 = arith.constant 1.000000e+00 : f32
      %div3A_266 = vector.broadcast %div3A_265 : f32 to vector<16xf32>
      %div3A_267 = arith.divf %div3A_266, %add3A_264 : vector<16xf32>
      %neg3A_268 = arith.constant 0.000000e+00 : f32
      %neg3A_269 = vector.broadcast %neg3A_268 : f32 to vector<16xf32>
      %neg3A_270 = arith.subf %neg3A_269, %broadcast_in_dim3A_249 : vector<16xf32>
      %exp3A_271 = math.exp %neg3A_270 : vector<16xf32>
      %add3A_272 = arith.constant 1.000000e+00 : f32
      %add3A_273 = vector.broadcast %add3A_272 : f32 to vector<16xf32>
      %add3A_274 = arith.addf %add3A_273, %exp3A_271 : vector<16xf32>
      %div3A_275 = arith.constant 1.000000e+00 : f32
      %div3A_276 = vector.broadcast %div3A_275 : f32 to vector<16xf32>
      %div3A_277 = arith.divf %div3A_276, %add3A_274 : vector<16xf32>
      %convert_element_type3A_278 = arith.sitofp %min3A : i32 to f32
      %convert_element_type3A_279 = arith.sitofp %min3A_55 : i32 to f32
      %mul3A_280 = arith.constant 5.000000e-01 : f32
      %mul3A_281 = arith.mulf %mul3A_35, %mul3A_280 : f32
      %sub3A_282 = arith.subf %mul3A_11, %mul3A_281 : f32
      %mul3A_283 = arith.constant 5.000000e-01 : f32
      %mul3A_284 = arith.mulf %mul3A_35, %mul3A_283 : f32
      %add3A_285 = arith.addf %mul3A_11, %mul3A_284 : f32
      %mul3A_286 = arith.constant 5.000000e-01 : f32
      %mul3A_287 = arith.mulf %mul3A_47, %mul3A_286 : f32
      %sub3A_288 = arith.subf %mul3A_23, %mul3A_287 : f32
      %mul3A_289 = arith.constant 5.000000e-01 : f32
      %mul3A_290 = arith.mulf %mul3A_47, %mul3A_289 : f32
      %add3A_291 = arith.addf %mul3A_23, %mul3A_290 : f32
      %mul3A_292 = arith.mulf %mul3A_35, %mul3A_47 : f32
      %add3A_293 = vector.broadcast %convert_element_type3A_278 : f32 to vector<16xf32>
      %add3A_294 = arith.addf %div3A_257, %add3A_293 : vector<16xf32>
      %add3A_295 = vector.broadcast %convert_element_type3A_279 : f32 to vector<16xf32>
      %add3A_296 = arith.addf %div3A_267, %add3A_295 : vector<16xf32>
      %exp3A_297 = math.exp %broadcast_in_dim3A_221 : vector<16xf32>
      %mul3A_298 = vector.broadcast %reduce_sum3A_156 : f32 to vector<16xf32>
      %mul3A_299 = arith.mulf %exp3A_297, %mul3A_298 : vector<16xf32>
      %exp3A_300 = math.exp %broadcast_in_dim3A_235 : vector<16xf32>
      %mul3A_301 = vector.broadcast %reduce_sum3A_165 : f32 to vector<16xf32>
      %mul3A_302 = arith.mulf %exp3A_300, %mul3A_301 : vector<16xf32>
      %mul3A_303 = arith.constant 5.000000e-01 : f32
      %mul3A_304 = vector.broadcast %mul3A_303 : f32 to vector<16xf32>
      %mul3A_305 = arith.mulf %mul3A_299, %mul3A_304 : vector<16xf32>
      %add3A_306 = arith.addf %add3A_294, %mul3A_305 : vector<16xf32>
      %min3A_307 = vector.broadcast %add3A_285 : f32 to vector<16xf32>
      %min3A_308 = arith.minimumf %add3A_306, %min3A_307 : vector<16xf32>
      %mul3A_309 = arith.constant 5.000000e-01 : f32
      %mul3A_310 = vector.broadcast %mul3A_309 : f32 to vector<16xf32>
      %mul3A_311 = arith.mulf %mul3A_299, %mul3A_310 : vector<16xf32>
      %sub3A_312 = arith.subf %add3A_294, %mul3A_311 : vector<16xf32>
      %max3A_313 = vector.broadcast %sub3A_282 : f32 to vector<16xf32>
      %max3A_314 = arith.maximumf %sub3A_312, %max3A_313 : vector<16xf32>
      %sub3A_315 = arith.subf %min3A_308, %max3A_314 : vector<16xf32>
      %mul3A_316 = arith.constant 5.000000e-01 : f32
      %mul3A_317 = vector.broadcast %mul3A_316 : f32 to vector<16xf32>
      %mul3A_318 = arith.mulf %mul3A_302, %mul3A_317 : vector<16xf32>
      %add3A_319 = arith.addf %add3A_296, %mul3A_318 : vector<16xf32>
      %min3A_320 = vector.broadcast %add3A_291 : f32 to vector<16xf32>
      %min3A_321 = arith.minimumf %add3A_319, %min3A_320 : vector<16xf32>
      %mul3A_322 = arith.constant 5.000000e-01 : f32
      %mul3A_323 = vector.broadcast %mul3A_322 : f32 to vector<16xf32>
      %mul3A_324 = arith.mulf %mul3A_302, %mul3A_323 : vector<16xf32>
      %sub3A_325 = arith.subf %add3A_296, %mul3A_324 : vector<16xf32>
      %max3A_326 = vector.broadcast %sub3A_288 : f32 to vector<16xf32>
      %max3A_327 = arith.maximumf %sub3A_325, %max3A_326 : vector<16xf32>
      %sub3A_328 = arith.subf %min3A_321, %max3A_327 : vector<16xf32>
      %max3A_329 = arith.constant 0.000000e+00 : f32
      %max3A_330 = vector.broadcast %max3A_329 : f32 to vector<16xf32>
      %max3A_331 = arith.maximumf %sub3A_315, %max3A_330 : vector<16xf32>
      %max3A_332 = arith.constant 0.000000e+00 : f32
      %max3A_333 = vector.broadcast %max3A_332 : f32 to vector<16xf32>
      %max3A_334 = arith.maximumf %sub3A_328, %max3A_333 : vector<16xf32>
      %mul3A_335 = arith.mulf %max3A_331, %max3A_334 : vector<16xf32>
      %mul3A_336 = arith.mulf %mul3A_299, %mul3A_302 : vector<16xf32>
      %add3A_337 = vector.broadcast %mul3A_292 : f32 to vector<16xf32>
      %add3A_338 = arith.addf %mul3A_336, %add3A_337 : vector<16xf32>
      %sub3A_339 = arith.subf %add3A_338, %mul3A_335 : vector<16xf32>
      %div3A_340 = arith.divf %mul3A_335, %sub3A_339 : vector<16xf32>
      %gt3A = arith.constant 6.000000e-01 : f32
      %gt3A_341 = vector.broadcast %gt3A : f32 to vector<16xf32>
      %gt3A_342 = arith.cmpf ogt, %div3A_340, %gt3A_341 : vector<16xf32>
      %jit3A_343 = arith.constant 0.000000e+00 : f32
      %jit3A_344 = arith.constant 1.000000e+00 : f32
      %broadcast_in_dim3A_345 = vector.broadcast %jit3A_343 : f32 to vector<16xf32>
      %broadcast_in_dim3A_346 = vector.broadcast %jit3A_344 : f32 to vector<16xf32>
      %select_n3A_347 = arith.select %gt3A_342, %broadcast_in_dim3A_345, %broadcast_in_dim3A_346 : vector<16xi1>, vector<16xf32>
      %broadcast_in_dim3A_348 = vector.broadcast %mul3A_35 : f32 to vector<16xf32>
      %broadcast_in_dim3A_349 = vector.broadcast %reduce_sum3A_156 : f32 to vector<16xf32>
      %div3A_350 = arith.divf %broadcast_in_dim3A_348, %broadcast_in_dim3A_349 : vector<16xf32>
      %bitcast_convert_type3A = tpu.bitcast %div3A_350 : vector<16xf32> -> vector<16xi32>
      %shift_right_arithmetic3A_351 = arith.constant 23 : i32
      %shift_right_arithmetic3A_352 = vector.broadcast %shift_right_arithmetic3A_351 : i32 to vector<16xi32>
      %shift_right_arithmetic3A_353 = arith.shrsi %bitcast_convert_type3A, %shift_right_arithmetic3A_352 : vector<16xi32>
      %sub3A_354 = arith.constant 127 : i32
      %sub3A_355 = vector.broadcast %sub3A_354 : i32 to vector<16xi32>
      %sub3A_356 = arith.subi %shift_right_arithmetic3A_353, %sub3A_355 : vector<16xi32>
      %and3A_357 = arith.constant 8388607 : i32
      %and3A_358 = vector.broadcast %and3A_357 : i32 to vector<16xi32>
      %and3A_359 = arith.andi %bitcast_convert_type3A, %and3A_358 : vector<16xi32>
      %or3A = arith.constant 1065353216 : i32
      %or3A_360 = vector.broadcast %or3A : i32 to vector<16xi32>
      %or3A_361 = arith.ori %and3A_359, %or3A_360 : vector<16xi32>
      %bitcast_convert_type3A_362 = tpu.bitcast %or3A_361 : vector<16xi32> -> vector<16xf32>
      %sub3A_363 = arith.constant 1.000000e+00 : f32
      %sub3A_364 = vector.broadcast %sub3A_363 : f32 to vector<16xf32>
      %sub3A_365 = arith.subf %bitcast_convert_type3A_362, %sub3A_364 : vector<16xf32>
      %add3A_366 = arith.constant 1.000000e+00 : f32
      %add3A_367 = vector.broadcast %add3A_366 : f32 to vector<16xf32>
      %add3A_368 = arith.addf %bitcast_convert_type3A_362, %add3A_367 : vector<16xf32>
      %div3A_369 = arith.divf %sub3A_365, %add3A_368 : vector<16xf32>
      %mul3A_370 = arith.mulf %div3A_369, %div3A_369 : vector<16xf32>
      %mul3A_371 = arith.constant 0.222222224 : f32
      %mul3A_372 = vector.broadcast %mul3A_371 : f32 to vector<16xf32>
      %mul3A_373 = arith.mulf %mul3A_370, %mul3A_372 : vector<16xf32>
      %add3A_374 = arith.constant 0.285714298 : f32
      %add3A_375 = vector.broadcast %add3A_374 : f32 to vector<16xf32>
      %add3A_376 = arith.addf %add3A_375, %mul3A_373 : vector<16xf32>
      %mul3A_377 = arith.mulf %mul3A_370, %add3A_376 : vector<16xf32>
      %add3A_378 = arith.constant 4.000000e-01 : f32
      %add3A_379 = vector.broadcast %add3A_378 : f32 to vector<16xf32>
      %add3A_380 = arith.addf %add3A_379, %mul3A_377 : vector<16xf32>
      %mul3A_381 = arith.mulf %mul3A_370, %add3A_380 : vector<16xf32>
      %add3A_382 = arith.constant 0.666666686 : f32
      %add3A_383 = vector.broadcast %add3A_382 : f32 to vector<16xf32>
      %add3A_384 = arith.addf %add3A_383, %mul3A_381 : vector<16xf32>
      %mul3A_385 = arith.mulf %mul3A_370, %add3A_384 : vector<16xf32>
      %add3A_386 = arith.constant 2.000000e+00 : f32
      %add3A_387 = vector.broadcast %add3A_386 : f32 to vector<16xf32>
      %add3A_388 = arith.addf %add3A_387, %mul3A_385 : vector<16xf32>
      %mul3A_389 = arith.mulf %div3A_369, %add3A_388 : vector<16xf32>
      %convert_element_type3A_390 = arith.sitofp %sub3A_356 : vector<16xi32> to vector<16xf32>
      %mul3A_391 = arith.constant 0.693147182 : f32
      %mul3A_392 = vector.broadcast %mul3A_391 : f32 to vector<16xf32>
      %mul3A_393 = arith.mulf %convert_element_type3A_390, %mul3A_392 : vector<16xf32>
      %add3A_394 = arith.addf %mul3A_393, %mul3A_389 : vector<16xf32>
      %broadcast_in_dim3A_395 = vector.broadcast %mul3A_47 : f32 to vector<16xf32>
      %broadcast_in_dim3A_396 = vector.broadcast %reduce_sum3A_165 : f32 to vector<16xf32>
      %div3A_397 = arith.divf %broadcast_in_dim3A_395, %broadcast_in_dim3A_396 : vector<16xf32>
      %bitcast_convert_type3A_398 = tpu.bitcast %div3A_397 : vector<16xf32> -> vector<16xi32>
      %shift_right_arithmetic3A_399 = arith.constant 23 : i32
      %shift_right_arithmetic3A_400 = vector.broadcast %shift_right_arithmetic3A_399 : i32 to vector<16xi32>
      %shift_right_arithmetic3A_401 = arith.shrsi %bitcast_convert_type3A_398, %shift_right_arithmetic3A_400 : vector<16xi32>
      %sub3A_402 = arith.constant 127 : i32
      %sub3A_403 = vector.broadcast %sub3A_402 : i32 to vector<16xi32>
      %sub3A_404 = arith.subi %shift_right_arithmetic3A_401, %sub3A_403 : vector<16xi32>
      %and3A_405 = arith.constant 8388607 : i32
      %and3A_406 = vector.broadcast %and3A_405 : i32 to vector<16xi32>
      %and3A_407 = arith.andi %bitcast_convert_type3A_398, %and3A_406 : vector<16xi32>
      %or3A_408 = arith.constant 1065353216 : i32
      %or3A_409 = vector.broadcast %or3A_408 : i32 to vector<16xi32>
      %or3A_410 = arith.ori %and3A_407, %or3A_409 : vector<16xi32>
      %bitcast_convert_type3A_411 = tpu.bitcast %or3A_410 : vector<16xi32> -> vector<16xf32>
      %sub3A_412 = arith.constant 1.000000e+00 : f32
      %sub3A_413 = vector.broadcast %sub3A_412 : f32 to vector<16xf32>
      %sub3A_414 = arith.subf %bitcast_convert_type3A_411, %sub3A_413 : vector<16xf32>
      %add3A_415 = arith.constant 1.000000e+00 : f32
      %add3A_416 = vector.broadcast %add3A_415 : f32 to vector<16xf32>
      %add3A_417 = arith.addf %bitcast_convert_type3A_411, %add3A_416 : vector<16xf32>
      %div3A_418 = arith.divf %sub3A_414, %add3A_417 : vector<16xf32>
      %mul3A_419 = arith.mulf %div3A_418, %div3A_418 : vector<16xf32>
      %mul3A_420 = arith.constant 0.222222224 : f32
      %mul3A_421 = vector.broadcast %mul3A_420 : f32 to vector<16xf32>
      %mul3A_422 = arith.mulf %mul3A_419, %mul3A_421 : vector<16xf32>
      %add3A_423 = arith.constant 0.285714298 : f32
      %add3A_424 = vector.broadcast %add3A_423 : f32 to vector<16xf32>
      %add3A_425 = arith.addf %add3A_424, %mul3A_422 : vector<16xf32>
      %mul3A_426 = arith.mulf %mul3A_419, %add3A_425 : vector<16xf32>
      %add3A_427 = arith.constant 4.000000e-01 : f32
      %add3A_428 = vector.broadcast %add3A_427 : f32 to vector<16xf32>
      %add3A_429 = arith.addf %add3A_428, %mul3A_426 : vector<16xf32>
      %mul3A_430 = arith.mulf %mul3A_419, %add3A_429 : vector<16xf32>
      %add3A_431 = arith.constant 0.666666686 : f32
      %add3A_432 = vector.broadcast %add3A_431 : f32 to vector<16xf32>
      %add3A_433 = arith.addf %add3A_432, %mul3A_430 : vector<16xf32>
      %mul3A_434 = arith.mulf %mul3A_419, %add3A_433 : vector<16xf32>
      %add3A_435 = arith.constant 2.000000e+00 : f32
      %add3A_436 = vector.broadcast %add3A_435 : f32 to vector<16xf32>
      %add3A_437 = arith.addf %add3A_436, %mul3A_434 : vector<16xf32>
      %mul3A_438 = arith.mulf %div3A_418, %add3A_437 : vector<16xf32>
      %convert_element_type3A_439 = arith.sitofp %sub3A_404 : vector<16xi32> to vector<16xf32>
      %mul3A_440 = arith.constant 0.693147182 : f32
      %mul3A_441 = vector.broadcast %mul3A_440 : f32 to vector<16xf32>
      %mul3A_442 = arith.mulf %convert_element_type3A_439, %mul3A_441 : vector<16xf32>
      %add3A_443 = arith.addf %mul3A_442, %mul3A_438 : vector<16xf32>
      %sub3A_444 = arith.subf %mul3A_11, %convert_element_type3A_278 : f32
      %sub3A_445 = vector.broadcast %sub3A_444 : f32 to vector<16xf32>
      %sub3A_446 = arith.subf %div3A_257, %sub3A_445 : vector<16xf32>
      %mul3A_447 = arith.mulf %sub3A_446, %sub3A_446 : vector<16xf32>
      %sub3A_448 = arith.constant 5.000000e-01 : f32
      %sub3A_449 = vector.broadcast %sub3A_448 : f32 to vector<16xf32>
      %sub3A_450 = arith.subf %div3A_257, %sub3A_449 : vector<16xf32>
      %mul3A_451 = arith.mulf %sub3A_450, %sub3A_450 : vector<16xf32>
      %sub3A_452 = arith.subf %mul3A_447, %mul3A_451 : vector<16xf32>
      %sub3A_453 = arith.subf %mul3A_23, %convert_element_type3A_279 : f32
      %sub3A_454 = vector.broadcast %sub3A_453 : f32 to vector<16xf32>
      %sub3A_455 = arith.subf %div3A_267, %sub3A_454 : vector<16xf32>
      %mul3A_456 = arith.mulf %sub3A_455, %sub3A_455 : vector<16xf32>
      %add3A_457 = arith.addf %sub3A_452, %mul3A_456 : vector<16xf32>
      %sub3A_458 = arith.constant 5.000000e-01 : f32
      %sub3A_459 = vector.broadcast %sub3A_458 : f32 to vector<16xf32>
      %sub3A_460 = arith.subf %div3A_267, %sub3A_459 : vector<16xf32>
      %mul3A_461 = arith.mulf %sub3A_460, %sub3A_460 : vector<16xf32>
      %sub3A_462 = arith.subf %add3A_457, %mul3A_461 : vector<16xf32>
      %sub3A_463 = arith.subf %broadcast_in_dim3A_221, %add3A_394 : vector<16xf32>
      %mul3A_464 = arith.mulf %sub3A_463, %sub3A_463 : vector<16xf32>
      %add3A_465 = arith.addf %sub3A_462, %mul3A_464 : vector<16xf32>
      %mul3A_466 = arith.mulf %broadcast_in_dim3A_221, %broadcast_in_dim3A_221 : vector<16xf32>
      %sub3A_467 = arith.subf %add3A_465, %mul3A_466 : vector<16xf32>
      %sub3A_468 = arith.subf %broadcast_in_dim3A_235, %add3A_443 : vector<16xf32>
      %mul3A_469 = arith.mulf %sub3A_468, %sub3A_468 : vector<16xf32>
      %add3A_470 = arith.addf %sub3A_467, %mul3A_469 : vector<16xf32>
      %mul3A_471 = arith.mulf %broadcast_in_dim3A_235, %broadcast_in_dim3A_235 : vector<16xf32>
      %sub3A_472 = arith.subf %add3A_470, %mul3A_471 : vector<16xf32>
      %sub3A_473 = arith.subf %div3A_277, %div3A_340 : vector<16xf32>
      %mul3A_474 = arith.mulf %sub3A_473, %sub3A_473 : vector<16xf32>
      %mul3A_475 = arith.constant 5.000000e+00 : f32
      %mul3A_476 = vector.broadcast %mul3A_475 : f32 to vector<16xf32>
      %mul3A_477 = arith.mulf %mul3A_476, %mul3A_474 : vector<16xf32>
      %add3A_478 = arith.addf %sub3A_472, %mul3A_477 : vector<16xf32>
      %mul3A_479 = arith.mulf %select_n3A_347, %div3A_277 : vector<16xf32>
      %mul3A_480 = arith.mulf %mul3A_479, %div3A_277 : vector<16xf32>
      %sub3A_481 = arith.subf %add3A_478, %mul3A_480 : vector<16xf32>
      %eq3A_482 = arith.constant 0 : i32
      %eq3A_483 = vector.broadcast %eq3A_482 : i32 to vector<16xi32>
      %eq3A_484 = arith.cmpi eq, %iota3A, %eq3A_483 : vector<16xi32>
      %jit3A_485 = arith.constant 0.000000e+00 : f32
      %broadcast_in_dim3A_486 = vector.broadcast %jit3A_485 : f32 to vector<16xf32>
      %select_n3A_487 = arith.select %eq3A_484, %sub3A_481, %broadcast_in_dim3A_486 : vector<16xi1>, vector<16xf32>
      %swap3A = arith.constant 0 : index
      %swap3A_488 = tpu.vector_load %arg7[%swap3A] {strides = array<i32>} : memref<16xf32, #tpu.memory_space<vmem>>, vector<16xf32>,
      tpu.vector_store %arg7[%swap3A], %select_n3A_487 {strides = array<i32>} : memref<16xf32, #tpu.memory_space<vmem>>, vector<16xf32>,
      "tpu.region"() ({
        %run_scoped3A = tpu.sem_alloc : memref<!tpu.dma_semaphore, #tpu.memory_space<semaphore_mem>>
        %dma_start3A_489 = arith.constant 0 : i32
        %dma_start3A_490 = tpu.memref_slice %arg4[%arg1, %dma_start3A_489] : memref<16x16xf32, #tpu.memory_space<hbm>> -> memref<1x16xf32, #tpu.memory_space<hbm>>
        %dma_start3A_491 = tpu.memref_squeeze %dma_start3A_490 : memref<1x16xf32, #tpu.memory_space<hbm>> -> memref<16xf32, #tpu.memory_space<hbm>>
        %dma_start3A_492 = arith.constant 0 : i32
        %dma_start3A_493 = tpu.memref_slice %arg4[%arg1, %dma_start3A_492] : memref<16x16xf32, #tpu.memory_space<hbm>> -> memref<1x16xf32, #tpu.memory_space<hbm>>
        %dma_start3A_494 = tpu.memref_squeeze %dma_start3A_493 : memref<1x16xf32, #tpu.memory_space<hbm>> -> memref<16xf32, #tpu.memory_space<hbm>>
        tpu.enqueue_dma source(%arg7 : memref<16xf32, #tpu.memory_space<vmem>>) target(%dma_start3A_494 : memref<16xf32, #tpu.memory_space<hbm>>) target_semaphore(%run_scoped3A : memref<!tpu.dma_semaphore, #tpu.memory_space<semaphore_mem>>)
        %dma_wait3A_495 = arith.constant 0 : i32
        %dma_wait3A_496 = tpu.memref_slice %arg4[%arg1, %dma_wait3A_495] : memref<16x16xf32, #tpu.memory_space<hbm>> -> memref<1x16xf32, #tpu.memory_space<hbm>>
        %dma_wait3A_497 = tpu.memref_squeeze %dma_wait3A_496 : memref<1x16xf32, #tpu.memory_space<hbm>> -> memref<16xf32, #tpu.memory_space<hbm>>
        %dma_wait3A_498 = arith.constant 0 : i32
        %dma_wait3A_499 = tpu.memref_slice %arg4[%arg1, %dma_wait3A_498] : memref<16x16xf32, #tpu.memory_space<hbm>> -> memref<1x16xf32, #tpu.memory_space<hbm>>
        %dma_wait3A_500 = tpu.memref_squeeze %dma_wait3A_499 : memref<1x16xf32, #tpu.memory_space<hbm>> -> memref<16xf32, #tpu.memory_space<hbm>>
        tpu.wait_dma2 semaphore(%run_scoped3A : memref<!tpu.dma_semaphore, #tpu.memory_space<semaphore_mem>>) src(%arg7 : memref<16xf32, #tpu.memory_space<vmem>>) dst(%dma_wait3A_500 : memref<16xf32, #tpu.memory_space<hbm>>)
        tpu.yield
      }) : () -> ()
    } else {
    }
    return
  }
}

module attributes {stable_mosaic.version = 14 : i64} {
  func.func @_base_body(%arg0: i32, %arg1: memref<16x4xf32, #tpu.memory_space<smem>>, %arg2: memref<8x25x32x32xf32, #tpu.memory_space<vmem>>, %arg3: memref<1x1xf32, #tpu.memory_space<smem>>, %arg4: memref<32x32xf32, #tpu.memory_space<vmem>>) attributes {dimension_semantics = [#tpu.dimension_semantics<arbitrary>], iteration_bounds = array<i64: 2>, scalar_prefetch = 0 : i64, scratch_operands = 1 : i64, tpu.core_type = #tpu.core_type<tc>, window_params = [{transform_indices = @transform_0, window_bounds = array<i64: 16, 4>}, {transform_indices = @transform_1, window_bounds = array<i64: 8, 25, 32, 32>}, {transform_indices = @transform_2, window_bounds = array<i64: 1, 1>}]} {
    %iota3A = tpu.iota {dimensions = array<i32: 1>} : vector<32x32xi32>
    %convert_element_type3A = arith.sitofp %iota3A : vector<32x32xi32> to vector<32x32xf32>
    %iota3A_0 = tpu.iota {dimensions = array<i32: 0>} : vector<32x32xi32>
    %convert_element_type3A_1 = arith.sitofp %iota3A_0 : vector<32x32xi32> to vector<32x32xf32>
    %broadcast_in_dim3A = arith.constant 0.000000e+00 : f32
    %broadcast_in_dim3A_2 = vector.broadcast %broadcast_in_dim3A : f32 to vector<32x32xf32>
    %mul3A = arith.constant 8 : i32
    %mul3A_3 = arith.muli %arg0, %mul3A : i32
    %add3A = arith.constant 0 : i32
    %add3A_4 = arith.addi %mul3A_3, %add3A : i32
    %get3A = arith.index_cast %add3A_4 : i32 to index
    %get3A_5 = arith.constant 0 : index
    %get3A_6 = memref.load %arg1[%get3A, %get3A_5] : memref<16x4xf32, #tpu.memory_space<smem>>
    %mul3A_7 = arith.constant 3.200000e+01 : f32
    %mul3A_8 = arith.mulf %get3A_6, %mul3A_7 : f32
    %get3A_9 = arith.index_cast %add3A_4 : i32 to index
    %get3A_10 = arith.constant 1 : index
    %get3A_11 = memref.load %arg1[%get3A_9, %get3A_10] : memref<16x4xf32, #tpu.memory_space<smem>>
    %mul3A_12 = arith.constant 3.200000e+01 : f32
    %mul3A_13 = arith.mulf %get3A_11, %mul3A_12 : f32
    %get3A_14 = arith.index_cast %add3A_4 : i32 to index
    %get3A_15 = arith.constant 2 : index
    %get3A_16 = memref.load %arg1[%get3A_14, %get3A_15] : memref<16x4xf32, #tpu.memory_space<smem>>
    %mul3A_17 = arith.constant 3.200000e+01 : f32
    %mul3A_18 = arith.mulf %get3A_16, %mul3A_17 : f32
    %get3A_19 = arith.index_cast %add3A_4 : i32 to index
    %get3A_20 = arith.constant 3 : index
    %get3A_21 = memref.load %arg1[%get3A_19, %get3A_20] : memref<16x4xf32, #tpu.memory_space<smem>>
    %mul3A_22 = arith.constant 3.200000e+01 : f32
    %mul3A_23 = arith.mulf %get3A_21, %mul3A_22 : f32
    %mul3A_24 = arith.constant 5.000000e-01 : f32
    %mul3A_25 = arith.mulf %mul3A_18, %mul3A_24 : f32
    %sub3A = arith.subf %mul3A_8, %mul3A_25 : f32
    %mul3A_26 = arith.constant 5.000000e-01 : f32
    %mul3A_27 = arith.mulf %mul3A_18, %mul3A_26 : f32
    %add3A_28 = arith.addf %mul3A_8, %mul3A_27 : f32
    %mul3A_29 = arith.constant 5.000000e-01 : f32
    %mul3A_30 = arith.mulf %mul3A_23, %mul3A_29 : f32
    %sub3A_31 = arith.subf %mul3A_13, %mul3A_30 : f32
    %mul3A_32 = arith.constant 5.000000e-01 : f32
    %mul3A_33 = arith.mulf %mul3A_23, %mul3A_32 : f32
    %add3A_34 = arith.addf %mul3A_13, %mul3A_33 : f32
    %mul3A_35 = arith.mulf %mul3A_18, %mul3A_23 : f32
    %mul3A_36 = arith.constant 3.750000e-01 : f32
    %mul3A_37 = arith.mulf %mul3A_35, %mul3A_36 : f32
    %sub3A_38 = vector.broadcast %sub3A : f32 to vector<32x32xf32>
    %sub3A_39 = arith.subf %sub3A_38, %convert_element_type3A : vector<32x32xf32>
    %sub3A_40 = vector.broadcast %add3A_28 : f32 to vector<32x32xf32>
    %sub3A_41 = arith.subf %sub3A_40, %convert_element_type3A : vector<32x32xf32>
    %sub3A_42 = vector.broadcast %sub3A_31 : f32 to vector<32x32xf32>
    %sub3A_43 = arith.subf %sub3A_42, %convert_element_type3A_1 : vector<32x32xf32>
    %sub3A_44 = vector.broadcast %add3A_34 : f32 to vector<32x32xf32>
    %sub3A_45 = arith.subf %sub3A_44, %convert_element_type3A_1 : vector<32x32xf32>
    %get3A_46 = arith.constant 0 : index
    %get3A_47 = arith.constant 0 : index
    %get3A_48 = arith.constant 0 : index
    %get3A_49 = arith.constant 0 : index
    %get3A_50 = vector.load %arg2[%get3A_46, %get3A_47, %get3A_48, %get3A_49] : memref<8x25x32x32xf32, #tpu.memory_space<vmem>>, vector<1x1x32x32xf32>
    %get3A_51 = vector.shape_cast %get3A_50 : vector<1x1x32x32xf32> to vector<32x32xf32>
    %get3A_52 = arith.constant 0 : index
    %get3A_53 = arith.constant 1 : index
    %get3A_54 = arith.constant 0 : index
    %get3A_55 = arith.constant 0 : index
    %get3A_56 = vector.load %arg2[%get3A_52, %get3A_53, %get3A_54, %get3A_55] : memref<8x25x32x32xf32, #tpu.memory_space<vmem>>, vector<1x1x32x32xf32>
    %get3A_57 = vector.shape_cast %get3A_56 : vector<1x1x32x32xf32> to vector<32x32xf32>
    %get3A_58 = arith.constant 0 : index
    %get3A_59 = arith.constant 2 : index
    %get3A_60 = arith.constant 0 : index
    %get3A_61 = arith.constant 0 : index
    %get3A_62 = vector.load %arg2[%get3A_58, %get3A_59, %get3A_60, %get3A_61] : memref<8x25x32x32xf32, #tpu.memory_space<vmem>>, vector<1x1x32x32xf32>
    %get3A_63 = vector.shape_cast %get3A_62 : vector<1x1x32x32xf32> to vector<32x32xf32>
    %get3A_64 = arith.constant 0 : index
    %get3A_65 = arith.constant 3 : index
    %get3A_66 = arith.constant 0 : index
    %get3A_67 = arith.constant 0 : index
    %get3A_68 = vector.load %arg2[%get3A_64, %get3A_65, %get3A_66, %get3A_67] : memref<8x25x32x32xf32, #tpu.memory_space<vmem>>, vector<1x1x32x32xf32>
    %get3A_69 = vector.shape_cast %get3A_68 : vector<1x1x32x32xf32> to vector<32x32xf32>
    %get3A_70 = arith.constant 0 : index
    %get3A_71 = arith.constant 4 : index
    %get3A_72 = arith.constant 0 : index
    %get3A_73 = arith.constant 0 : index
    %get3A_74 = vector.load %arg2[%get3A_70, %get3A_71, %get3A_72, %get3A_73] : memref<8x25x32x32xf32, #tpu.memory_space<vmem>>, vector<1x1x32x32xf32>
    %get3A_75 = vector.shape_cast %get3A_74 : vector<1x1x32x32xf32> to vector<32x32xf32>
    %neg3A = arith.constant 0.000000e+00 : f32
    %neg3A_76 = vector.broadcast %neg3A : f32 to vector<32x32xf32>
    %neg3A_77 = arith.subf %neg3A_76, %get3A_51 : vector<32x32xf32>
    %exp3A = math.exp %neg3A_77 : vector<32x32xf32>
    %add3A_78 = arith.constant 1.000000e+00 : f32
    %add3A_79 = vector.broadcast %add3A_78 : f32 to vector<32x32xf32>
    %add3A_80 = arith.addf %add3A_79, %exp3A : vector<32x32xf32>
    %div3A = arith.constant 1.000000e+00 : f32
    %div3A_81 = vector.broadcast %div3A : f32 to vector<32x32xf32>
    %div3A_82 = arith.divf %div3A_81, %add3A_80 : vector<32x32xf32>
    %neg3A_83 = arith.constant 0.000000e+00 : f32
    %neg3A_84 = vector.broadcast %neg3A_83 : f32 to vector<32x32xf32>
    %neg3A_85 = arith.subf %neg3A_84, %get3A_57 : vector<32x32xf32>
    %exp3A_86 = math.exp %neg3A_85 : vector<32x32xf32>
    %add3A_87 = arith.constant 1.000000e+00 : f32
    %add3A_88 = vector.broadcast %add3A_87 : f32 to vector<32x32xf32>
    %add3A_89 = arith.addf %add3A_88, %exp3A_86 : vector<32x32xf32>
    %div3A_90 = arith.constant 1.000000e+00 : f32
    %div3A_91 = vector.broadcast %div3A_90 : f32 to vector<32x32xf32>
    %div3A_92 = arith.divf %div3A_91, %add3A_89 : vector<32x32xf32>
    %neg3A_93 = arith.constant 0.000000e+00 : f32
    %neg3A_94 = vector.broadcast %neg3A_93 : f32 to vector<32x32xf32>
    %neg3A_95 = arith.subf %neg3A_94, %get3A_75 : vector<32x32xf32>
    %exp3A_96 = math.exp %neg3A_95 : vector<32x32xf32>
    %add3A_97 = arith.constant 1.000000e+00 : f32
    %add3A_98 = vector.broadcast %add3A_97 : f32 to vector<32x32xf32>
    %add3A_99 = arith.addf %add3A_98, %exp3A_96 : vector<32x32xf32>
    %div3A_100 = arith.constant 1.000000e+00 : f32
    %div3A_101 = vector.broadcast %div3A_100 : f32 to vector<32x32xf32>
    %div3A_102 = arith.divf %div3A_101, %add3A_99 : vector<32x32xf32>
    %exp3A_103 = math.exp %get3A_63 : vector<32x32xf32>
    %mul3A_104 = arith.constant 6.610500e-01 : f32
    %mul3A_105 = vector.broadcast %mul3A_104 : f32 to vector<32x32xf32>
    %mul3A_106 = arith.mulf %exp3A_103, %mul3A_105 : vector<32x32xf32>
    %exp3A_107 = math.exp %get3A_69 : vector<32x32xf32>
    %mul3A_108 = arith.constant 0.86572498 : f32
    %mul3A_109 = vector.broadcast %mul3A_108 : f32 to vector<32x32xf32>
    %mul3A_110 = arith.mulf %exp3A_107, %mul3A_109 : vector<32x32xf32>
    %add3A_111 = arith.addf %div3A_82, %mul3A_106 : vector<32x32xf32>
    %min3A = arith.minimumf %add3A_111, %sub3A_41 : vector<32x32xf32>
    %sub3A_112 = arith.subf %div3A_82, %mul3A_106 : vector<32x32xf32>
    %max3A = arith.maximumf %sub3A_112, %sub3A_39 : vector<32x32xf32>
    %sub3A_113 = arith.subf %min3A, %max3A : vector<32x32xf32>
    %add3A_114 = arith.addf %div3A_92, %mul3A_110 : vector<32x32xf32>
    %min3A_115 = arith.minimumf %add3A_114, %sub3A_45 : vector<32x32xf32>
    %sub3A_116 = arith.subf %div3A_92, %mul3A_110 : vector<32x32xf32>
    %max3A_117 = arith.maximumf %sub3A_116, %sub3A_43 : vector<32x32xf32>
    %sub3A_118 = arith.subf %min3A_115, %max3A_117 : vector<32x32xf32>
    %max3A_119 = arith.constant 0.000000e+00 : f32
    %max3A_120 = vector.broadcast %max3A_119 : f32 to vector<32x32xf32>
    %max3A_121 = arith.maximumf %sub3A_113, %max3A_120 : vector<32x32xf32>
    %max3A_122 = arith.constant 0.000000e+00 : f32
    %max3A_123 = vector.broadcast %max3A_122 : f32 to vector<32x32xf32>
    %max3A_124 = arith.maximumf %sub3A_118, %max3A_123 : vector<32x32xf32>
    %mul3A_125 = arith.mulf %max3A_121, %max3A_124 : vector<32x32xf32>
    %mul3A_126 = arith.mulf %mul3A_106, %mul3A_110 : vector<32x32xf32>
    %mul3A_127 = arith.constant 1.500000e+00 : f32
    %mul3A_128 = vector.broadcast %mul3A_127 : f32 to vector<32x32xf32>
    %mul3A_129 = arith.mulf %mul3A_128, %mul3A_126 : vector<32x32xf32>
    %add3A_130 = vector.broadcast %mul3A_37 : f32 to vector<32x32xf32>
    %add3A_131 = arith.addf %mul3A_129, %add3A_130 : vector<32x32xf32>
    %gt3A = arith.cmpf ogt, %mul3A_125, %add3A_131 : vector<32x32xf32>
    %mul3A_132 = arith.mulf %div3A_102, %div3A_102 : vector<32x32xf32>
    %jit3A = arith.constant 0.000000e+00 : f32
    %broadcast_in_dim3A_133 = vector.broadcast %jit3A : f32 to vector<32x32xf32>
    %select_n3A = arith.select %gt3A, %broadcast_in_dim3A_133, %mul3A_132 : vector<32x32xi1>, vector<32x32xf32>
    %sub3A_134 = arith.constant 5.000000e-01 : f32
    %sub3A_135 = vector.broadcast %sub3A_134 : f32 to vector<32x32xf32>
    %sub3A_136 = arith.subf %div3A_82, %sub3A_135 : vector<32x32xf32>
    %mul3A_137 = arith.mulf %sub3A_136, %sub3A_136 : vector<32x32xf32>
    %sub3A_138 = arith.constant 5.000000e-01 : f32
    %sub3A_139 = vector.broadcast %sub3A_138 : f32 to vector<32x32xf32>
    %sub3A_140 = arith.subf %div3A_92, %sub3A_139 : vector<32x32xf32>
    %mul3A_141 = arith.mulf %sub3A_140, %sub3A_140 : vector<32x32xf32>
    %add3A_142 = arith.addf %mul3A_137, %mul3A_141 : vector<32x32xf32>
    %mul3A_143 = arith.mulf %get3A_63, %get3A_63 : vector<32x32xf32>
    %add3A_144 = arith.addf %add3A_142, %mul3A_143 : vector<32x32xf32>
    %mul3A_145 = arith.mulf %get3A_69, %get3A_69 : vector<32x32xf32>
    %add3A_146 = arith.addf %add3A_144, %mul3A_145 : vector<32x32xf32>
    %add3A_147 = arith.addf %add3A_146, %select_n3A : vector<32x32xf32>
    %add3A_148 = arith.addf %broadcast_in_dim3A_2, %add3A_147 : vector<32x32xf32>
    %get3A_149 = arith.constant 0 : index
    %get3A_150 = arith.constant 5 : index
    %get3A_151 = arith.constant 0 : index
    %get3A_152 = arith.constant 0 : index
    %get3A_153 = vector.load %arg2[%get3A_149, %get3A_150, %get3A_151, %get3A_152] : memref<8x25x32x32xf32, #tpu.memory_space<vmem>>, vector<1x1x32x32xf32>
    %get3A_154 = vector.shape_cast %get3A_153 : vector<1x1x32x32xf32> to vector<32x32xf32>
    %get3A_155 = arith.constant 0 : index
    %get3A_156 = arith.constant 6 : index
    %get3A_157 = arith.constant 0 : index
    %get3A_158 = arith.constant 0 : index
    %get3A_159 = vector.load %arg2[%get3A_155, %get3A_156, %get3A_157, %get3A_158] : memref<8x25x32x32xf32, #tpu.memory_space<vmem>>, vector<1x1x32x32xf32>
    %get3A_160 = vector.shape_cast %get3A_159 : vector<1x1x32x32xf32> to vector<32x32xf32>
    %get3A_161 = arith.constant 0 : index
    %get3A_162 = arith.constant 7 : index
    %get3A_163 = arith.constant 0 : index
    %get3A_164 = arith.constant 0 : index
    %get3A_165 = vector.load %arg2[%get3A_161, %get3A_162, %get3A_163, %get3A_164] : memref<8x25x32x32xf32, #tpu.memory_space<vmem>>, vector<1x1x32x32xf32>
    %get3A_166 = vector.shape_cast %get3A_165 : vector<1x1x32x32xf32> to vector<32x32xf32>
    %get3A_167 = arith.constant 0 : index
    %get3A_168 = arith.constant 8 : index
    %get3A_169 = arith.constant 0 : index
    %get3A_170 = arith.constant 0 : index
    %get3A_171 = vector.load %arg2[%get3A_167, %get3A_168, %get3A_169, %get3A_170] : memref<8x25x32x32xf32, #tpu.memory_space<vmem>>, vector<1x1x32x32xf32>
    %get3A_172 = vector.shape_cast %get3A_171 : vector<1x1x32x32xf32> to vector<32x32xf32>
    %get3A_173 = arith.constant 0 : index
    %get3A_174 = arith.constant 9 : index
    %get3A_175 = arith.constant 0 : index
    %get3A_176 = arith.constant 0 : index
    %get3A_177 = vector.load %arg2[%get3A_173, %get3A_174, %get3A_175, %get3A_176] : memref<8x25x32x32xf32, #tpu.memory_space<vmem>>, vector<1x1x32x32xf32>
    %get3A_178 = vector.shape_cast %get3A_177 : vector<1x1x32x32xf32> to vector<32x32xf32>
    %neg3A_179 = arith.constant 0.000000e+00 : f32
    %neg3A_180 = vector.broadcast %neg3A_179 : f32 to vector<32x32xf32>
    %neg3A_181 = arith.subf %neg3A_180, %get3A_154 : vector<32x32xf32>
    %exp3A_182 = math.exp %neg3A_181 : vector<32x32xf32>
    %add3A_183 = arith.constant 1.000000e+00 : f32
    %add3A_184 = vector.broadcast %add3A_183 : f32 to vector<32x32xf32>
    %add3A_185 = arith.addf %add3A_184, %exp3A_182 : vector<32x32xf32>
    %div3A_186 = arith.constant 1.000000e+00 : f32
    %div3A_187 = vector.broadcast %div3A_186 : f32 to vector<32x32xf32>
    %div3A_188 = arith.divf %div3A_187, %add3A_185 : vector<32x32xf32>
    %neg3A_189 = arith.constant 0.000000e+00 : f32
    %neg3A_190 = vector.broadcast %neg3A_189 : f32 to vector<32x32xf32>
    %neg3A_191 = arith.subf %neg3A_190, %get3A_160 : vector<32x32xf32>
    %exp3A_192 = math.exp %neg3A_191 : vector<32x32xf32>
    %add3A_193 = arith.constant 1.000000e+00 : f32
    %add3A_194 = vector.broadcast %add3A_193 : f32 to vector<32x32xf32>
    %add3A_195 = arith.addf %add3A_194, %exp3A_192 : vector<32x32xf32>
    %div3A_196 = arith.constant 1.000000e+00 : f32
    %div3A_197 = vector.broadcast %div3A_196 : f32 to vector<32x32xf32>
    %div3A_198 = arith.divf %div3A_197, %add3A_195 : vector<32x32xf32>
    %neg3A_199 = arith.constant 0.000000e+00 : f32
    %neg3A_200 = vector.broadcast %neg3A_199 : f32 to vector<32x32xf32>
    %neg3A_201 = arith.subf %neg3A_200, %get3A_178 : vector<32x32xf32>
    %exp3A_202 = math.exp %neg3A_201 : vector<32x32xf32>
    %add3A_203 = arith.constant 1.000000e+00 : f32
    %add3A_204 = vector.broadcast %add3A_203 : f32 to vector<32x32xf32>
    %add3A_205 = arith.addf %add3A_204, %exp3A_202 : vector<32x32xf32>
    %div3A_206 = arith.constant 1.000000e+00 : f32
    %div3A_207 = vector.broadcast %div3A_206 : f32 to vector<32x32xf32>
    %div3A_208 = arith.divf %div3A_207, %add3A_205 : vector<32x32xf32>
    %exp3A_209 = math.exp %get3A_166 : vector<32x32xf32>
    %mul3A_210 = arith.constant 1.59637499 : f32
    %mul3A_211 = vector.broadcast %mul3A_210 : f32 to vector<32x32xf32>
    %mul3A_212 = arith.mulf %exp3A_209, %mul3A_211 : vector<32x32xf32>
    %exp3A_213 = math.exp %get3A_172 : vector<32x32xf32>
    %mul3A_214 = arith.constant 2.004720e+00 : f32
    %mul3A_215 = vector.broadcast %mul3A_214 : f32 to vector<32x32xf32>
    %mul3A_216 = arith.mulf %exp3A_213, %mul3A_215 : vector<32x32xf32>
    %add3A_217 = arith.addf %div3A_188, %mul3A_212 : vector<32x32xf32>
    %min3A_218 = arith.minimumf %add3A_217, %sub3A_41 : vector<32x32xf32>
    %sub3A_219 = arith.subf %div3A_188, %mul3A_212 : vector<32x32xf32>
    %max3A_220 = arith.maximumf %sub3A_219, %sub3A_39 : vector<32x32xf32>
    %sub3A_221 = arith.subf %min3A_218, %max3A_220 : vector<32x32xf32>
    %add3A_222 = arith.addf %div3A_198, %mul3A_216 : vector<32x32xf32>
    %min3A_223 = arith.minimumf %add3A_222, %sub3A_45 : vector<32x32xf32>
    %sub3A_224 = arith.subf %div3A_198, %mul3A_216 : vector<32x32xf32>
    %max3A_225 = arith.maximumf %sub3A_224, %sub3A_43 : vector<32x32xf32>
    %sub3A_226 = arith.subf %min3A_223, %max3A_225 : vector<32x32xf32>
    %max3A_227 = arith.constant 0.000000e+00 : f32
    %max3A_228 = vector.broadcast %max3A_227 : f32 to vector<32x32xf32>
    %max3A_229 = arith.maximumf %sub3A_221, %max3A_228 : vector<32x32xf32>
    %max3A_230 = arith.constant 0.000000e+00 : f32
    %max3A_231 = vector.broadcast %max3A_230 : f32 to vector<32x32xf32>
    %max3A_232 = arith.maximumf %sub3A_226, %max3A_231 : vector<32x32xf32>
    %mul3A_233 = arith.mulf %max3A_229, %max3A_232 : vector<32x32xf32>
    %mul3A_234 = arith.mulf %mul3A_212, %mul3A_216 : vector<32x32xf32>
    %mul3A_235 = arith.constant 1.500000e+00 : f32
    %mul3A_236 = vector.broadcast %mul3A_235 : f32 to vector<32x32xf32>
    %mul3A_237 = arith.mulf %mul3A_236, %mul3A_234 : vector<32x32xf32>
    %add3A_238 = vector.broadcast %mul3A_37 : f32 to vector<32x32xf32>
    %add3A_239 = arith.addf %mul3A_237, %add3A_238 : vector<32x32xf32>
    %gt3A_240 = arith.cmpf ogt, %mul3A_233, %add3A_239 : vector<32x32xf32>
    %mul3A_241 = arith.mulf %div3A_208, %div3A_208 : vector<32x32xf32>
    %jit3A_242 = arith.constant 0.000000e+00 : f32
    %broadcast_in_dim3A_243 = vector.broadcast %jit3A_242 : f32 to vector<32x32xf32>
    %select_n3A_244 = arith.select %gt3A_240, %broadcast_in_dim3A_243, %mul3A_241 : vector<32x32xi1>, vector<32x32xf32>
    %sub3A_245 = arith.constant 5.000000e-01 : f32
    %sub3A_246 = vector.broadcast %sub3A_245 : f32 to vector<32x32xf32>
    %sub3A_247 = arith.subf %div3A_188, %sub3A_246 : vector<32x32xf32>
    %mul3A_248 = arith.mulf %sub3A_247, %sub3A_247 : vector<32x32xf32>
    %sub3A_249 = arith.constant 5.000000e-01 : f32
    %sub3A_250 = vector.broadcast %sub3A_249 : f32 to vector<32x32xf32>
    %sub3A_251 = arith.subf %div3A_198, %sub3A_250 : vector<32x32xf32>
    %mul3A_252 = arith.mulf %sub3A_251, %sub3A_251 : vector<32x32xf32>
    %add3A_253 = arith.addf %mul3A_248, %mul3A_252 : vector<32x32xf32>
    %mul3A_254 = arith.mulf %get3A_166, %get3A_166 : vector<32x32xf32>
    %add3A_255 = arith.addf %add3A_253, %mul3A_254 : vector<32x32xf32>
    %mul3A_256 = arith.mulf %get3A_172, %get3A_172 : vector<32x32xf32>
    %add3A_257 = arith.addf %add3A_255, %mul3A_256 : vector<32x32xf32>
    %add3A_258 = arith.addf %add3A_257, %select_n3A_244 : vector<32x32xf32>
    %add3A_259 = arith.addf %add3A_148, %add3A_258 : vector<32x32xf32>
    %get3A_260 = arith.constant 0 : index
    %get3A_261 = arith.constant 10 : index
    %get3A_262 = arith.constant 0 : index
    %get3A_263 = arith.constant 0 : index
    %get3A_264 = vector.load %arg2[%get3A_260, %get3A_261, %get3A_262, %get3A_263] : memref<8x25x32x32xf32, #tpu.memory_space<vmem>>, vector<1x1x32x32xf32>
    %get3A_265 = vector.shape_cast %get3A_264 : vector<1x1x32x32xf32> to vector<32x32xf32>
    %get3A_266 = arith.constant 0 : index
    %get3A_267 = arith.constant 11 : index
    %get3A_268 = arith.constant 0 : index
    %get3A_269 = arith.constant 0 : index
    %get3A_270 = vector.load %arg2[%get3A_266, %get3A_267, %get3A_268, %get3A_269] : memref<8x25x32x32xf32, #tpu.memory_space<vmem>>, vector<1x1x32x32xf32>
    %get3A_271 = vector.shape_cast %get3A_270 : vector<1x1x32x32xf32> to vector<32x32xf32>
    %get3A_272 = arith.constant 0 : index
    %get3A_273 = arith.constant 12 : index
    %get3A_274 = arith.constant 0 : index
    %get3A_275 = arith.constant 0 : index
    %get3A_276 = vector.load %arg2[%get3A_272, %get3A_273, %get3A_274, %get3A_275] : memref<8x25x32x32xf32, #tpu.memory_space<vmem>>, vector<1x1x32x32xf32>
    %get3A_277 = vector.shape_cast %get3A_276 : vector<1x1x32x32xf32> to vector<32x32xf32>
    %get3A_278 = arith.constant 0 : index
    %get3A_279 = arith.constant 13 : index
    %get3A_280 = arith.constant 0 : index
    %get3A_281 = arith.constant 0 : index
    %get3A_282 = vector.load %arg2[%get3A_278, %get3A_279, %get3A_280, %get3A_281] : memref<8x25x32x32xf32, #tpu.memory_space<vmem>>, vector<1x1x32x32xf32>
    %get3A_283 = vector.shape_cast %get3A_282 : vector<1x1x32x32xf32> to vector<32x32xf32>
    %get3A_284 = arith.constant 0 : index
    %get3A_285 = arith.constant 14 : index
    %get3A_286 = arith.constant 0 : index
    %get3A_287 = arith.constant 0 : index
    %get3A_288 = vector.load %arg2[%get3A_284, %get3A_285, %get3A_286, %get3A_287] : memref<8x25x32x32xf32, #tpu.memory_space<vmem>>, vector<1x1x32x32xf32>
    %get3A_289 = vector.shape_cast %get3A_288 : vector<1x1x32x32xf32> to vector<32x32xf32>
    %neg3A_290 = arith.constant 0.000000e+00 : f32
    %neg3A_291 = vector.broadcast %neg3A_290 : f32 to vector<32x32xf32>
    %neg3A_292 = arith.subf %neg3A_291, %get3A_265 : vector<32x32xf32>
    %exp3A_293 = math.exp %neg3A_292 : vector<32x32xf32>
    %add3A_294 = arith.constant 1.000000e+00 : f32
    %add3A_295 = vector.broadcast %add3A_294 : f32 to vector<32x32xf32>
    %add3A_296 = arith.addf %add3A_295, %exp3A_293 : vector<32x32xf32>
    %div3A_297 = arith.constant 1.000000e+00 : f32
    %div3A_298 = vector.broadcast %div3A_297 : f32 to vector<32x32xf32>
    %div3A_299 = arith.divf %div3A_298, %add3A_296 : vector<32x32xf32>
    %neg3A_300 = arith.constant 0.000000e+00 : f32
    %neg3A_301 = vector.broadcast %neg3A_300 : f32 to vector<32x32xf32>
    %neg3A_302 = arith.subf %neg3A_301, %get3A_271 : vector<32x32xf32>
    %exp3A_303 = math.exp %neg3A_302 : vector<32x32xf32>
    %add3A_304 = arith.constant 1.000000e+00 : f32
    %add3A_305 = vector.broadcast %add3A_304 : f32 to vector<32x32xf32>
    %add3A_306 = arith.addf %add3A_305, %exp3A_303 : vector<32x32xf32>
    %div3A_307 = arith.constant 1.000000e+00 : f32
    %div3A_308 = vector.broadcast %div3A_307 : f32 to vector<32x32xf32>
    %div3A_309 = arith.divf %div3A_308, %add3A_306 : vector<32x32xf32>
    %neg3A_310 = arith.constant 0.000000e+00 : f32
    %neg3A_311 = vector.broadcast %neg3A_310 : f32 to vector<32x32xf32>
    %neg3A_312 = arith.subf %neg3A_311, %get3A_289 : vector<32x32xf32>
    %exp3A_313 = math.exp %neg3A_312 : vector<32x32xf32>
    %add3A_314 = arith.constant 1.000000e+00 : f32
    %add3A_315 = vector.broadcast %add3A_314 : f32 to vector<32x32xf32>
    %add3A_316 = arith.addf %add3A_315, %exp3A_313 : vector<32x32xf32>
    %div3A_317 = arith.constant 1.000000e+00 : f32
    %div3A_318 = vector.broadcast %div3A_317 : f32 to vector<32x32xf32>
    %div3A_319 = arith.divf %div3A_318, %add3A_316 : vector<32x32xf32>
    %exp3A_320 = math.exp %get3A_277 : vector<32x32xf32>
    %mul3A_321 = arith.constant 2.52793503 : f32
    %mul3A_322 = vector.broadcast %mul3A_321 : f32 to vector<32x32xf32>
    %mul3A_323 = arith.mulf %exp3A_320, %mul3A_322 : vector<32x32xf32>
    %exp3A_324 = math.exp %get3A_283 : vector<32x32xf32>
    %mul3A_325 = arith.constant 4.049460e+00 : f32
    %mul3A_326 = vector.broadcast %mul3A_325 : f32 to vector<32x32xf32>
    %mul3A_327 = arith.mulf %exp3A_324, %mul3A_326 : vector<32x32xf32>
    %add3A_328 = arith.addf %div3A_299, %mul3A_323 : vector<32x32xf32>
    %min3A_329 = arith.minimumf %add3A_328, %sub3A_41 : vector<32x32xf32>
    %sub3A_330 = arith.subf %div3A_299, %mul3A_323 : vector<32x32xf32>
    %max3A_331 = arith.maximumf %sub3A_330, %sub3A_39 : vector<32x32xf32>
    %sub3A_332 = arith.subf %min3A_329, %max3A_331 : vector<32x32xf32>
    %add3A_333 = arith.addf %div3A_309, %mul3A_327 : vector<32x32xf32>
    %min3A_334 = arith.minimumf %add3A_333, %sub3A_45 : vector<32x32xf32>
    %sub3A_335 = arith.subf %div3A_309, %mul3A_327 : vector<32x32xf32>
    %max3A_336 = arith.maximumf %sub3A_335, %sub3A_43 : vector<32x32xf32>
    %sub3A_337 = arith.subf %min3A_334, %max3A_336 : vector<32x32xf32>
    %max3A_338 = arith.constant 0.000000e+00 : f32
    %max3A_339 = vector.broadcast %max3A_338 : f32 to vector<32x32xf32>
    %max3A_340 = arith.maximumf %sub3A_332, %max3A_339 : vector<32x32xf32>
    %max3A_341 = arith.constant 0.000000e+00 : f32
    %max3A_342 = vector.broadcast %max3A_341 : f32 to vector<32x32xf32>
    %max3A_343 = arith.maximumf %sub3A_337, %max3A_342 : vector<32x32xf32>
    %mul3A_344 = arith.mulf %max3A_340, %max3A_343 : vector<32x32xf32>
    %mul3A_345 = arith.mulf %mul3A_323, %mul3A_327 : vector<32x32xf32>
    %mul3A_346 = arith.constant 1.500000e+00 : f32
    %mul3A_347 = vector.broadcast %mul3A_346 : f32 to vector<32x32xf32>
    %mul3A_348 = arith.mulf %mul3A_347, %mul3A_345 : vector<32x32xf32>
    %add3A_349 = vector.broadcast %mul3A_37 : f32 to vector<32x32xf32>
    %add3A_350 = arith.addf %mul3A_348, %add3A_349 : vector<32x32xf32>
    %gt3A_351 = arith.cmpf ogt, %mul3A_344, %add3A_350 : vector<32x32xf32>
    %mul3A_352 = arith.mulf %div3A_319, %div3A_319 : vector<32x32xf32>
    %jit3A_353 = arith.constant 0.000000e+00 : f32
    %broadcast_in_dim3A_354 = vector.broadcast %jit3A_353 : f32 to vector<32x32xf32>
    %select_n3A_355 = arith.select %gt3A_351, %broadcast_in_dim3A_354, %mul3A_352 : vector<32x32xi1>, vector<32x32xf32>
    %sub3A_356 = arith.constant 5.000000e-01 : f32
    %sub3A_357 = vector.broadcast %sub3A_356 : f32 to vector<32x32xf32>
    %sub3A_358 = arith.subf %div3A_299, %sub3A_357 : vector<32x32xf32>
    %mul3A_359 = arith.mulf %sub3A_358, %sub3A_358 : vector<32x32xf32>
    %sub3A_360 = arith.constant 5.000000e-01 : f32
    %sub3A_361 = vector.broadcast %sub3A_360 : f32 to vector<32x32xf32>
    %sub3A_362 = arith.subf %div3A_309, %sub3A_361 : vector<32x32xf32>
    %mul3A_363 = arith.mulf %sub3A_362, %sub3A_362 : vector<32x32xf32>
    %add3A_364 = arith.addf %mul3A_359, %mul3A_363 : vector<32x32xf32>
    %mul3A_365 = arith.mulf %get3A_277, %get3A_277 : vector<32x32xf32>
    %add3A_366 = arith.addf %add3A_364, %mul3A_365 : vector<32x32xf32>
    %mul3A_367 = arith.mulf %get3A_283, %get3A_283 : vector<32x32xf32>
    %add3A_368 = arith.addf %add3A_366, %mul3A_367 : vector<32x32xf32>
    %add3A_369 = arith.addf %add3A_368, %select_n3A_355 : vector<32x32xf32>
    %add3A_370 = arith.addf %add3A_259, %add3A_369 : vector<32x32xf32>
    %get3A_371 = arith.constant 0 : index
    %get3A_372 = arith.constant 15 : index
    %get3A_373 = arith.constant 0 : index
    %get3A_374 = arith.constant 0 : index
    %get3A_375 = vector.load %arg2[%get3A_371, %get3A_372, %get3A_373, %get3A_374] : memref<8x25x32x32xf32, #tpu.memory_space<vmem>>, vector<1x1x32x32xf32>
    %get3A_376 = vector.shape_cast %get3A_375 : vector<1x1x32x32xf32> to vector<32x32xf32>
    %get3A_377 = arith.constant 0 : index
    %get3A_378 = arith.constant 16 : index
    %get3A_379 = arith.constant 0 : index
    %get3A_380 = arith.constant 0 : index
    %get3A_381 = vector.load %arg2[%get3A_377, %get3A_378, %get3A_379, %get3A_380] : memref<8x25x32x32xf32, #tpu.memory_space<vmem>>, vector<1x1x32x32xf32>
    %get3A_382 = vector.shape_cast %get3A_381 : vector<1x1x32x32xf32> to vector<32x32xf32>
    %get3A_383 = arith.constant 0 : index
    %get3A_384 = arith.constant 17 : index
    %get3A_385 = arith.constant 0 : index
    %get3A_386 = arith.constant 0 : index
    %get3A_387 = vector.load %arg2[%get3A_383, %get3A_384, %get3A_385, %get3A_386] : memref<8x25x32x32xf32, #tpu.memory_space<vmem>>, vector<1x1x32x32xf32>
    %get3A_388 = vector.shape_cast %get3A_387 : vector<1x1x32x32xf32> to vector<32x32xf32>
    %get3A_389 = arith.constant 0 : index
    %get3A_390 = arith.constant 18 : index
    %get3A_391 = arith.constant 0 : index
    %get3A_392 = arith.constant 0 : index
    %get3A_393 = vector.load %arg2[%get3A_389, %get3A_390, %get3A_391, %get3A_392] : memref<8x25x32x32xf32, #tpu.memory_space<vmem>>, vector<1x1x32x32xf32>
    %get3A_394 = vector.shape_cast %get3A_393 : vector<1x1x32x32xf32> to vector<32x32xf32>
    %get3A_395 = arith.constant 0 : index
    %get3A_396 = arith.constant 19 : index
    %get3A_397 = arith.constant 0 : index
    %get3A_398 = arith.constant 0 : index
    %get3A_399 = vector.load %arg2[%get3A_395, %get3A_396, %get3A_397, %get3A_398] : memref<8x25x32x32xf32, #tpu.memory_space<vmem>>, vector<1x1x32x32xf32>
    %get3A_400 = vector.shape_cast %get3A_399 : vector<1x1x32x32xf32> to vector<32x32xf32>
    %neg3A_401 = arith.constant 0.000000e+00 : f32
    %neg3A_402 = vector.broadcast %neg3A_401 : f32 to vector<32x32xf32>
    %neg3A_403 = arith.subf %neg3A_402, %get3A_376 : vector<32x32xf32>
    %exp3A_404 = math.exp %neg3A_403 : vector<32x32xf32>
    %add3A_405 = arith.constant 1.000000e+00 : f32
    %add3A_406 = vector.broadcast %add3A_405 : f32 to vector<32x32xf32>
    %add3A_407 = arith.addf %add3A_406, %exp3A_404 : vector<32x32xf32>
    %div3A_408 = arith.constant 1.000000e+00 : f32
    %div3A_409 = vector.broadcast %div3A_408 : f32 to vector<32x32xf32>
    %div3A_410 = arith.divf %div3A_409, %add3A_407 : vector<32x32xf32>
    %neg3A_411 = arith.constant 0.000000e+00 : f32
    %neg3A_412 = vector.broadcast %neg3A_411 : f32 to vector<32x32xf32>
    %neg3A_413 = arith.subf %neg3A_412, %get3A_382 : vector<32x32xf32>
    %exp3A_414 = math.exp %neg3A_413 : vector<32x32xf32>
    %add3A_415 = arith.constant 1.000000e+00 : f32
    %add3A_416 = vector.broadcast %add3A_415 : f32 to vector<32x32xf32>
    %add3A_417 = arith.addf %add3A_416, %exp3A_414 : vector<32x32xf32>
    %div3A_418 = arith.constant 1.000000e+00 : f32
    %div3A_419 = vector.broadcast %div3A_418 : f32 to vector<32x32xf32>
    %div3A_420 = arith.divf %div3A_419, %add3A_417 : vector<32x32xf32>
    %neg3A_421 = arith.constant 0.000000e+00 : f32
    %neg3A_422 = vector.broadcast %neg3A_421 : f32 to vector<32x32xf32>
    %neg3A_423 = arith.subf %neg3A_422, %get3A_400 : vector<32x32xf32>
    %exp3A_424 = math.exp %neg3A_423 : vector<32x32xf32>
    %add3A_425 = arith.constant 1.000000e+00 : f32
    %add3A_426 = vector.broadcast %add3A_425 : f32 to vector<32x32xf32>
    %add3A_427 = arith.addf %add3A_426, %exp3A_424 : vector<32x32xf32>
    %div3A_428 = arith.constant 1.000000e+00 : f32
    %div3A_429 = vector.broadcast %div3A_428 : f32 to vector<32x32xf32>
    %div3A_430 = arith.divf %div3A_429, %add3A_427 : vector<32x32xf32>
    %exp3A_431 = math.exp %get3A_388 : vector<32x32xf32>
    %mul3A_432 = arith.constant 4.735560e+00 : f32
    %mul3A_433 = vector.broadcast %mul3A_432 : f32 to vector<32x32xf32>
    %mul3A_434 = arith.mulf %exp3A_431, %mul3A_433 : vector<32x32xf32>
    %exp3A_435 = math.exp %get3A_394 : vector<32x32xf32>
    %mul3A_436 = arith.constant 2.42026496 : f32
    %mul3A_437 = vector.broadcast %mul3A_436 : f32 to vector<32x32xf32>
    %mul3A_438 = arith.mulf %exp3A_435, %mul3A_437 : vector<32x32xf32>
    %add3A_439 = arith.addf %div3A_410, %mul3A_434 : vector<32x32xf32>
    %min3A_440 = arith.minimumf %add3A_439, %sub3A_41 : vector<32x32xf32>
    %sub3A_441 = arith.subf %div3A_410, %mul3A_434 : vector<32x32xf32>
    %max3A_442 = arith.maximumf %sub3A_441, %sub3A_39 : vector<32x32xf32>
    %sub3A_443 = arith.subf %min3A_440, %max3A_442 : vector<32x32xf32>
    %add3A_444 = arith.addf %div3A_420, %mul3A_438 : vector<32x32xf32>
    %min3A_445 = arith.minimumf %add3A_444, %sub3A_45 : vector<32x32xf32>
    %sub3A_446 = arith.subf %div3A_420, %mul3A_438 : vector<32x32xf32>
    %max3A_447 = arith.maximumf %sub3A_446, %sub3A_43 : vector<32x32xf32>
    %sub3A_448 = arith.subf %min3A_445, %max3A_447 : vector<32x32xf32>
    %max3A_449 = arith.constant 0.000000e+00 : f32
    %max3A_450 = vector.broadcast %max3A_449 : f32 to vector<32x32xf32>
    %max3A_451 = arith.maximumf %sub3A_443, %max3A_450 : vector<32x32xf32>
    %max3A_452 = arith.constant 0.000000e+00 : f32
    %max3A_453 = vector.broadcast %max3A_452 : f32 to vector<32x32xf32>
    %max3A_454 = arith.maximumf %sub3A_448, %max3A_453 : vector<32x32xf32>
    %mul3A_455 = arith.mulf %max3A_451, %max3A_454 : vector<32x32xf32>
    %mul3A_456 = arith.mulf %mul3A_434, %mul3A_438 : vector<32x32xf32>
    %mul3A_457 = arith.constant 1.500000e+00 : f32
    %mul3A_458 = vector.broadcast %mul3A_457 : f32 to vector<32x32xf32>
    %mul3A_459 = arith.mulf %mul3A_458, %mul3A_456 : vector<32x32xf32>
    %add3A_460 = vector.broadcast %mul3A_37 : f32 to vector<32x32xf32>
    %add3A_461 = arith.addf %mul3A_459, %add3A_460 : vector<32x32xf32>
    %gt3A_462 = arith.cmpf ogt, %mul3A_455, %add3A_461 : vector<32x32xf32>
    %mul3A_463 = arith.mulf %div3A_430, %div3A_430 : vector<32x32xf32>
    %jit3A_464 = arith.constant 0.000000e+00 : f32
    %broadcast_in_dim3A_465 = vector.broadcast %jit3A_464 : f32 to vector<32x32xf32>
    %select_n3A_466 = arith.select %gt3A_462, %broadcast_in_dim3A_465, %mul3A_463 : vector<32x32xi1>, vector<32x32xf32>
    %sub3A_467 = arith.constant 5.000000e-01 : f32
    %sub3A_468 = vector.broadcast %sub3A_467 : f32 to vector<32x32xf32>
    %sub3A_469 = arith.subf %div3A_410, %sub3A_468 : vector<32x32xf32>
    %mul3A_470 = arith.mulf %sub3A_469, %sub3A_469 : vector<32x32xf32>
    %sub3A_471 = arith.constant 5.000000e-01 : f32
    %sub3A_472 = vector.broadcast %sub3A_471 : f32 to vector<32x32xf32>
    %sub3A_473 = arith.subf %div3A_420, %sub3A_472 : vector<32x32xf32>
    %mul3A_474 = arith.mulf %sub3A_473, %sub3A_473 : vector<32x32xf32>
    %add3A_475 = arith.addf %mul3A_470, %mul3A_474 : vector<32x32xf32>
    %mul3A_476 = arith.mulf %get3A_388, %get3A_388 : vector<32x32xf32>
    %add3A_477 = arith.addf %add3A_475, %mul3A_476 : vector<32x32xf32>
    %mul3A_478 = arith.mulf %get3A_394, %get3A_394 : vector<32x32xf32>
    %add3A_479 = arith.addf %add3A_477, %mul3A_478 : vector<32x32xf32>
    %add3A_480 = arith.addf %add3A_479, %select_n3A_466 : vector<32x32xf32>
    %add3A_481 = arith.addf %add3A_370, %add3A_480 : vector<32x32xf32>
    %get3A_482 = arith.constant 0 : index
    %get3A_483 = arith.constant 20 : index
    %get3A_484 = arith.constant 0 : index
    %get3A_485 = arith.constant 0 : index
    %get3A_486 = vector.load %arg2[%get3A_482, %get3A_483, %get3A_484, %get3A_485] : memref<8x25x32x32xf32, #tpu.memory_space<vmem>>, vector<1x1x32x32xf32>
    %get3A_487 = vector.shape_cast %get3A_486 : vector<1x1x32x32xf32> to vector<32x32xf32>
    %get3A_488 = arith.constant 0 : index
    %get3A_489 = arith.constant 21 : index
    %get3A_490 = arith.constant 0 : index
    %get3A_491 = arith.constant 0 : index
    %get3A_492 = vector.load %arg2[%get3A_488, %get3A_489, %get3A_490, %get3A_491] : memref<8x25x32x32xf32, #tpu.memory_space<vmem>>, vector<1x1x32x32xf32>
    %get3A_493 = vector.shape_cast %get3A_492 : vector<1x1x32x32xf32> to vector<32x32xf32>
    %get3A_494 = arith.constant 0 : index
    %get3A_495 = arith.constant 22 : index
    %get3A_496 = arith.constant 0 : index
    %get3A_497 = arith.constant 0 : index
    %get3A_498 = vector.load %arg2[%get3A_494, %get3A_495, %get3A_496, %get3A_497] : memref<8x25x32x32xf32, #tpu.memory_space<vmem>>, vector<1x1x32x32xf32>
    %get3A_499 = vector.shape_cast %get3A_498 : vector<1x1x32x32xf32> to vector<32x32xf32>
    %get3A_500 = arith.constant 0 : index
    %get3A_501 = arith.constant 23 : index
    %get3A_502 = arith.constant 0 : index
    %get3A_503 = arith.constant 0 : index
    %get3A_504 = vector.load %arg2[%get3A_500, %get3A_501, %get3A_502, %get3A_503] : memref<8x25x32x32xf32, #tpu.memory_space<vmem>>, vector<1x1x32x32xf32>
    %get3A_505 = vector.shape_cast %get3A_504 : vector<1x1x32x32xf32> to vector<32x32xf32>
    %get3A_506 = arith.constant 0 : index
    %get3A_507 = arith.constant 24 : index
    %get3A_508 = arith.constant 0 : index
    %get3A_509 = arith.constant 0 : index
    %get3A_510 = vector.load %arg2[%get3A_506, %get3A_507, %get3A_508, %get3A_509] : memref<8x25x32x32xf32, #tpu.memory_space<vmem>>, vector<1x1x32x32xf32>
    %get3A_511 = vector.shape_cast %get3A_510 : vector<1x1x32x32xf32> to vector<32x32xf32>
    %neg3A_512 = arith.constant 0.000000e+00 : f32
    %neg3A_513 = vector.broadcast %neg3A_512 : f32 to vector<32x32xf32>
    %neg3A_514 = arith.subf %neg3A_513, %get3A_487 : vector<32x32xf32>
    %exp3A_515 = math.exp %neg3A_514 : vector<32x32xf32>
    %add3A_516 = arith.constant 1.000000e+00 : f32
    %add3A_517 = vector.broadcast %add3A_516 : f32 to vector<32x32xf32>
    %add3A_518 = arith.addf %add3A_517, %exp3A_515 : vector<32x32xf32>
    %div3A_519 = arith.constant 1.000000e+00 : f32
    %div3A_520 = vector.broadcast %div3A_519 : f32 to vector<32x32xf32>
    %div3A_521 = arith.divf %div3A_520, %add3A_518 : vector<32x32xf32>
    %neg3A_522 = arith.constant 0.000000e+00 : f32
    %neg3A_523 = vector.broadcast %neg3A_522 : f32 to vector<32x32xf32>
    %neg3A_524 = arith.subf %neg3A_523, %get3A_493 : vector<32x32xf32>
    %exp3A_525 = math.exp %neg3A_524 : vector<32x32xf32>
    %add3A_526 = arith.constant 1.000000e+00 : f32
    %add3A_527 = vector.broadcast %add3A_526 : f32 to vector<32x32xf32>
    %add3A_528 = arith.addf %add3A_527, %exp3A_525 : vector<32x32xf32>
    %div3A_529 = arith.constant 1.000000e+00 : f32
    %div3A_530 = vector.broadcast %div3A_529 : f32 to vector<32x32xf32>
    %div3A_531 = arith.divf %div3A_530, %add3A_528 : vector<32x32xf32>
    %neg3A_532 = arith.constant 0.000000e+00 : f32
    %neg3A_533 = vector.broadcast %neg3A_532 : f32 to vector<32x32xf32>
    %neg3A_534 = arith.subf %neg3A_533, %get3A_511 : vector<32x32xf32>
    %exp3A_535 = math.exp %neg3A_534 : vector<32x32xf32>
    %add3A_536 = arith.constant 1.000000e+00 : f32
    %add3A_537 = vector.broadcast %add3A_536 : f32 to vector<32x32xf32>
    %add3A_538 = arith.addf %add3A_537, %exp3A_535 : vector<32x32xf32>
    %div3A_539 = arith.constant 1.000000e+00 : f32
    %div3A_540 = vector.broadcast %div3A_539 : f32 to vector<32x32xf32>
    %div3A_541 = arith.divf %div3A_540, %add3A_538 : vector<32x32xf32>
    %exp3A_542 = math.exp %get3A_499 : vector<32x32xf32>
    %mul3A_543 = arith.constant 5.618200e+00 : f32
    %mul3A_544 = vector.broadcast %mul3A_543 : f32 to vector<32x32xf32>
    %mul3A_545 = arith.mulf %exp3A_542, %mul3A_544 : vector<32x32xf32>
    %exp3A_546 = math.exp %get3A_505 : vector<32x32xf32>
    %mul3A_547 = arith.constant 5.003550e+00 : f32
    %mul3A_548 = vector.broadcast %mul3A_547 : f32 to vector<32x32xf32>
    %mul3A_549 = arith.mulf %exp3A_546, %mul3A_548 : vector<32x32xf32>
    %add3A_550 = arith.addf %div3A_521, %mul3A_545 : vector<32x32xf32>
    %min3A_551 = arith.minimumf %add3A_550, %sub3A_41 : vector<32x32xf32>
    %sub3A_552 = arith.subf %div3A_521, %mul3A_545 : vector<32x32xf32>
    %max3A_553 = arith.maximumf %sub3A_552, %sub3A_39 : vector<32x32xf32>
    %sub3A_554 = arith.subf %min3A_551, %max3A_553 : vector<32x32xf32>
    %add3A_555 = arith.addf %div3A_531, %mul3A_549 : vector<32x32xf32>
    %min3A_556 = arith.minimumf %add3A_555, %sub3A_45 : vector<32x32xf32>
    %sub3A_557 = arith.subf %div3A_531, %mul3A_549 : vector<32x32xf32>
    %max3A_558 = arith.maximumf %sub3A_557, %sub3A_43 : vector<32x32xf32>
    %sub3A_559 = arith.subf %min3A_556, %max3A_558 : vector<32x32xf32>
    %max3A_560 = arith.constant 0.000000e+00 : f32
    %max3A_561 = vector.broadcast %max3A_560 : f32 to vector<32x32xf32>
    %max3A_562 = arith.maximumf %sub3A_554, %max3A_561 : vector<32x32xf32>
    %max3A_563 = arith.constant 0.000000e+00 : f32
    %max3A_564 = vector.broadcast %max3A_563 : f32 to vector<32x32xf32>
    %max3A_565 = arith.maximumf %sub3A_559, %max3A_564 : vector<32x32xf32>
    %mul3A_566 = arith.mulf %max3A_562, %max3A_565 : vector<32x32xf32>
    %mul3A_567 = arith.mulf %mul3A_545, %mul3A_549 : vector<32x32xf32>
    %mul3A_568 = arith.constant 1.500000e+00 : f32
    %mul3A_569 = vector.broadcast %mul3A_568 : f32 to vector<32x32xf32>
    %mul3A_570 = arith.mulf %mul3A_569, %mul3A_567 : vector<32x32xf32>
    %add3A_571 = vector.broadcast %mul3A_37 : f32 to vector<32x32xf32>
    %add3A_572 = arith.addf %mul3A_570, %add3A_571 : vector<32x32xf32>
    %gt3A_573 = arith.cmpf ogt, %mul3A_566, %add3A_572 : vector<32x32xf32>
    %mul3A_574 = arith.mulf %div3A_541, %div3A_541 : vector<32x32xf32>
    %jit3A_575 = arith.constant 0.000000e+00 : f32
    %broadcast_in_dim3A_576 = vector.broadcast %jit3A_575 : f32 to vector<32x32xf32>
    %select_n3A_577 = arith.select %gt3A_573, %broadcast_in_dim3A_576, %mul3A_574 : vector<32x32xi1>, vector<32x32xf32>
    %sub3A_578 = arith.constant 5.000000e-01 : f32
    %sub3A_579 = vector.broadcast %sub3A_578 : f32 to vector<32x32xf32>
    %sub3A_580 = arith.subf %div3A_521, %sub3A_579 : vector<32x32xf32>
    %mul3A_581 = arith.mulf %sub3A_580, %sub3A_580 : vector<32x32xf32>
    %sub3A_582 = arith.constant 5.000000e-01 : f32
    %sub3A_583 = vector.broadcast %sub3A_582 : f32 to vector<32x32xf32>
    %sub3A_584 = arith.subf %div3A_531, %sub3A_583 : vector<32x32xf32>
    %mul3A_585 = arith.mulf %sub3A_584, %sub3A_584 : vector<32x32xf32>
    %add3A_586 = arith.addf %mul3A_581, %mul3A_585 : vector<32x32xf32>
    %mul3A_587 = arith.mulf %get3A_499, %get3A_499 : vector<32x32xf32>
    %add3A_588 = arith.addf %add3A_586, %mul3A_587 : vector<32x32xf32>
    %mul3A_589 = arith.mulf %get3A_505, %get3A_505 : vector<32x32xf32>
    %add3A_590 = arith.addf %add3A_588, %mul3A_589 : vector<32x32xf32>
    %add3A_591 = arith.addf %add3A_590, %select_n3A_577 : vector<32x32xf32>
    %add3A_592 = arith.addf %add3A_481, %add3A_591 : vector<32x32xf32>
    %mul3A_593 = arith.constant 8 : i32
    %mul3A_594 = arith.muli %arg0, %mul3A_593 : i32
    %add3A_595 = arith.constant 1 : i32
    %add3A_596 = arith.addi %mul3A_594, %add3A_595 : i32
    %get3A_597 = arith.index_cast %add3A_596 : i32 to index
    %get3A_598 = arith.constant 0 : index
    %get3A_599 = memref.load %arg1[%get3A_597, %get3A_598] : memref<16x4xf32, #tpu.memory_space<smem>>
    %mul3A_600 = arith.constant 3.200000e+01 : f32
    %mul3A_601 = arith.mulf %get3A_599, %mul3A_600 : f32
    %get3A_602 = arith.index_cast %add3A_596 : i32 to index
    %get3A_603 = arith.constant 1 : index
    %get3A_604 = memref.load %arg1[%get3A_602, %get3A_603] : memref<16x4xf32, #tpu.memory_space<smem>>
    %mul3A_605 = arith.constant 3.200000e+01 : f32
    %mul3A_606 = arith.mulf %get3A_604, %mul3A_605 : f32
    %get3A_607 = arith.index_cast %add3A_596 : i32 to index
    %get3A_608 = arith.constant 2 : index
    %get3A_609 = memref.load %arg1[%get3A_607, %get3A_608] : memref<16x4xf32, #tpu.memory_space<smem>>
    %mul3A_610 = arith.constant 3.200000e+01 : f32
    %mul3A_611 = arith.mulf %get3A_609, %mul3A_610 : f32
    %get3A_612 = arith.index_cast %add3A_596 : i32 to index
    %get3A_613 = arith.constant 3 : index
    %get3A_614 = memref.load %arg1[%get3A_612, %get3A_613] : memref<16x4xf32, #tpu.memory_space<smem>>
    %mul3A_615 = arith.constant 3.200000e+01 : f32
    %mul3A_616 = arith.mulf %get3A_614, %mul3A_615 : f32
    %mul3A_617 = arith.constant 5.000000e-01 : f32
    %mul3A_618 = arith.mulf %mul3A_611, %mul3A_617 : f32
    %sub3A_619 = arith.subf %mul3A_601, %mul3A_618 : f32
    %mul3A_620 = arith.constant 5.000000e-01 : f32
    %mul3A_621 = arith.mulf %mul3A_611, %mul3A_620 : f32
    %add3A_622 = arith.addf %mul3A_601, %mul3A_621 : f32
    %mul3A_623 = arith.constant 5.000000e-01 : f32
    %mul3A_624 = arith.mulf %mul3A_616, %mul3A_623 : f32
    %sub3A_625 = arith.subf %mul3A_606, %mul3A_624 : f32
    %mul3A_626 = arith.constant 5.000000e-01 : f32
    %mul3A_627 = arith.mulf %mul3A_616, %mul3A_626 : f32
    %add3A_628 = arith.addf %mul3A_606, %mul3A_627 : f32
    %mul3A_629 = arith.mulf %mul3A_611, %mul3A_616 : f32
    %mul3A_630 = arith.constant 3.750000e-01 : f32
    %mul3A_631 = arith.mulf %mul3A_629, %mul3A_630 : f32
    %sub3A_632 = vector.broadcast %sub3A_619 : f32 to vector<32x32xf32>
    %sub3A_633 = arith.subf %sub3A_632, %convert_element_type3A : vector<32x32xf32>
    %sub3A_634 = vector.broadcast %add3A_622 : f32 to vector<32x32xf32>
    %sub3A_635 = arith.subf %sub3A_634, %convert_element_type3A : vector<32x32xf32>
    %sub3A_636 = vector.broadcast %sub3A_625 : f32 to vector<32x32xf32>
    %sub3A_637 = arith.subf %sub3A_636, %convert_element_type3A_1 : vector<32x32xf32>
    %sub3A_638 = vector.broadcast %add3A_628 : f32 to vector<32x32xf32>
    %sub3A_639 = arith.subf %sub3A_638, %convert_element_type3A_1 : vector<32x32xf32>
    %get3A_640 = arith.constant 1 : index
    %get3A_641 = arith.constant 0 : index
    %get3A_642 = arith.constant 0 : index
    %get3A_643 = arith.constant 0 : index
    %get3A_644 = vector.load %arg2[%get3A_640, %get3A_641, %get3A_642, %get3A_643] : memref<8x25x32x32xf32, #tpu.memory_space<vmem>>, vector<1x1x32x32xf32>
    %get3A_645 = vector.shape_cast %get3A_644 : vector<1x1x32x32xf32> to vector<32x32xf32>
    %get3A_646 = arith.constant 1 : index
    %get3A_647 = arith.constant 1 : index
    %get3A_648 = arith.constant 0 : index
    %get3A_649 = arith.constant 0 : index
    %get3A_650 = vector.load %arg2[%get3A_646, %get3A_647, %get3A_648, %get3A_649] : memref<8x25x32x32xf32, #tpu.memory_space<vmem>>, vector<1x1x32x32xf32>
    %get3A_651 = vector.shape_cast %get3A_650 : vector<1x1x32x32xf32> to vector<32x32xf32>
    %get3A_652 = arith.constant 1 : index
    %get3A_653 = arith.constant 2 : index
    %get3A_654 = arith.constant 0 : index
    %get3A_655 = arith.constant 0 : index
    %get3A_656 = vector.load %arg2[%get3A_652, %get3A_653, %get3A_654, %get3A_655] : memref<8x25x32x32xf32, #tpu.memory_space<vmem>>, vector<1x1x32x32xf32>
    %get3A_657 = vector.shape_cast %get3A_656 : vector<1x1x32x32xf32> to vector<32x32xf32>
    %get3A_658 = arith.constant 1 : index
    %get3A_659 = arith.constant 3 : index
    %get3A_660 = arith.constant 0 : index
    %get3A_661 = arith.constant 0 : index
    %get3A_662 = vector.load %arg2[%get3A_658, %get3A_659, %get3A_660, %get3A_661] : memref<8x25x32x32xf32, #tpu.memory_space<vmem>>, vector<1x1x32x32xf32>
    %get3A_663 = vector.shape_cast %get3A_662 : vector<1x1x32x32xf32> to vector<32x32xf32>
    %get3A_664 = arith.constant 1 : index
    %get3A_665 = arith.constant 4 : index
    %get3A_666 = arith.constant 0 : index
    %get3A_667 = arith.constant 0 : index
    %get3A_668 = vector.load %arg2[%get3A_664, %get3A_665, %get3A_666, %get3A_667] : memref<8x25x32x32xf32, #tpu.memory_space<vmem>>, vector<1x1x32x32xf32>
    %get3A_669 = vector.shape_cast %get3A_668 : vector<1x1x32x32xf32> to vector<32x32xf32>
    %neg3A_670 = arith.constant 0.000000e+00 : f32
    %neg3A_671 = vector.broadcast %neg3A_670 : f32 to vector<32x32xf32>
    %neg3A_672 = arith.subf %neg3A_671, %get3A_645 : vector<32x32xf32>
    %exp3A_673 = math.exp %neg3A_672 : vector<32x32xf32>
    %add3A_674 = arith.constant 1.000000e+00 : f32
    %add3A_675 = vector.broadcast %add3A_674 : f32 to vector<32x32xf32>
    %add3A_676 = arith.addf %add3A_675, %exp3A_673 : vector<32x32xf32>
    %div3A_677 = arith.constant 1.000000e+00 : f32
    %div3A_678 = vector.broadcast %div3A_677 : f32 to vector<32x32xf32>
    %div3A_679 = arith.divf %div3A_678, %add3A_676 : vector<32x32xf32>
    %neg3A_680 = arith.constant 0.000000e+00 : f32
    %neg3A_681 = vector.broadcast %neg3A_680 : f32 to vector<32x32xf32>
    %neg3A_682 = arith.subf %neg3A_681, %get3A_651 : vector<32x32xf32>
    %exp3A_683 = math.exp %neg3A_682 : vector<32x32xf32>
    %add3A_684 = arith.constant 1.000000e+00 : f32
    %add3A_685 = vector.broadcast %add3A_684 : f32 to vector<32x32xf32>
    %add3A_686 = arith.addf %add3A_685, %exp3A_683 : vector<32x32xf32>
    %div3A_687 = arith.constant 1.000000e+00 : f32
    %div3A_688 = vector.broadcast %div3A_687 : f32 to vector<32x32xf32>
    %div3A_689 = arith.divf %div3A_688, %add3A_686 : vector<32x32xf32>
    %neg3A_690 = arith.constant 0.000000e+00 : f32
    %neg3A_691 = vector.broadcast %neg3A_690 : f32 to vector<32x32xf32>
    %neg3A_692 = arith.subf %neg3A_691, %get3A_669 : vector<32x32xf32>
    %exp3A_693 = math.exp %neg3A_692 : vector<32x32xf32>
    %add3A_694 = arith.constant 1.000000e+00 : f32
    %add3A_695 = vector.broadcast %add3A_694 : f32 to vector<32x32xf32>
    %add3A_696 = arith.addf %add3A_695, %exp3A_693 : vector<32x32xf32>
    %div3A_697 = arith.constant 1.000000e+00 : f32
    %div3A_698 = vector.broadcast %div3A_697 : f32 to vector<32x32xf32>
    %div3A_699 = arith.divf %div3A_698, %add3A_696 : vector<32x32xf32>
    %exp3A_700 = math.exp %get3A_657 : vector<32x32xf32>
    %mul3A_701 = arith.constant 6.610500e-01 : f32
    %mul3A_702 = vector.broadcast %mul3A_701 : f32 to vector<32x32xf32>
    %mul3A_703 = arith.mulf %exp3A_700, %mul3A_702 : vector<32x32xf32>
    %exp3A_704 = math.exp %get3A_663 : vector<32x32xf32>
    %mul3A_705 = arith.constant 0.86572498 : f32
    %mul3A_706 = vector.broadcast %mul3A_705 : f32 to vector<32x32xf32>
    %mul3A_707 = arith.mulf %exp3A_704, %mul3A_706 : vector<32x32xf32>
    %add3A_708 = arith.addf %div3A_679, %mul3A_703 : vector<32x32xf32>
    %min3A_709 = arith.minimumf %add3A_708, %sub3A_635 : vector<32x32xf32>
    %sub3A_710 = arith.subf %div3A_679, %mul3A_703 : vector<32x32xf32>
    %max3A_711 = arith.maximumf %sub3A_710, %sub3A_633 : vector<32x32xf32>
    %sub3A_712 = arith.subf %min3A_709, %max3A_711 : vector<32x32xf32>
    %add3A_713 = arith.addf %div3A_689, %mul3A_707 : vector<32x32xf32>
    %min3A_714 = arith.minimumf %add3A_713, %sub3A_639 : vector<32x32xf32>
    %sub3A_715 = arith.subf %div3A_689, %mul3A_707 : vector<32x32xf32>
    %max3A_716 = arith.maximumf %sub3A_715, %sub3A_637 : vector<32x32xf32>
    %sub3A_717 = arith.subf %min3A_714, %max3A_716 : vector<32x32xf32>
    %max3A_718 = arith.constant 0.000000e+00 : f32
    %max3A_719 = vector.broadcast %max3A_718 : f32 to vector<32x32xf32>
    %max3A_720 = arith.maximumf %sub3A_712, %max3A_719 : vector<32x32xf32>
    %max3A_721 = arith.constant 0.000000e+00 : f32
    %max3A_722 = vector.broadcast %max3A_721 : f32 to vector<32x32xf32>
    %max3A_723 = arith.maximumf %sub3A_717, %max3A_722 : vector<32x32xf32>
    %mul3A_724 = arith.mulf %max3A_720, %max3A_723 : vector<32x32xf32>
    %mul3A_725 = arith.mulf %mul3A_703, %mul3A_707 : vector<32x32xf32>
    %mul3A_726 = arith.constant 1.500000e+00 : f32
    %mul3A_727 = vector.broadcast %mul3A_726 : f32 to vector<32x32xf32>
    %mul3A_728 = arith.mulf %mul3A_727, %mul3A_725 : vector<32x32xf32>
    %add3A_729 = vector.broadcast %mul3A_631 : f32 to vector<32x32xf32>
    %add3A_730 = arith.addf %mul3A_728, %add3A_729 : vector<32x32xf32>
    %gt3A_731 = arith.cmpf ogt, %mul3A_724, %add3A_730 : vector<32x32xf32>
    %mul3A_732 = arith.mulf %div3A_699, %div3A_699 : vector<32x32xf32>
    %jit3A_733 = arith.constant 0.000000e+00 : f32
    %broadcast_in_dim3A_734 = vector.broadcast %jit3A_733 : f32 to vector<32x32xf32>
    %select_n3A_735 = arith.select %gt3A_731, %broadcast_in_dim3A_734, %mul3A_732 : vector<32x32xi1>, vector<32x32xf32>
    %sub3A_736 = arith.constant 5.000000e-01 : f32
    %sub3A_737 = vector.broadcast %sub3A_736 : f32 to vector<32x32xf32>
    %sub3A_738 = arith.subf %div3A_679, %sub3A_737 : vector<32x32xf32>
    %mul3A_739 = arith.mulf %sub3A_738, %sub3A_738 : vector<32x32xf32>
    %sub3A_740 = arith.constant 5.000000e-01 : f32
    %sub3A_741 = vector.broadcast %sub3A_740 : f32 to vector<32x32xf32>
    %sub3A_742 = arith.subf %div3A_689, %sub3A_741 : vector<32x32xf32>
    %mul3A_743 = arith.mulf %sub3A_742, %sub3A_742 : vector<32x32xf32>
    %add3A_744 = arith.addf %mul3A_739, %mul3A_743 : vector<32x32xf32>
    %mul3A_745 = arith.mulf %get3A_657, %get3A_657 : vector<32x32xf32>
    %add3A_746 = arith.addf %add3A_744, %mul3A_745 : vector<32x32xf32>
    %mul3A_747 = arith.mulf %get3A_663, %get3A_663 : vector<32x32xf32>
    %add3A_748 = arith.addf %add3A_746, %mul3A_747 : vector<32x32xf32>
    %add3A_749 = arith.addf %add3A_748, %select_n3A_735 : vector<32x32xf32>
    %add3A_750 = arith.addf %add3A_592, %add3A_749 : vector<32x32xf32>
    %get3A_751 = arith.constant 1 : index
    %get3A_752 = arith.constant 5 : index
    %get3A_753 = arith.constant 0 : index
    %get3A_754 = arith.constant 0 : index
    %get3A_755 = vector.load %arg2[%get3A_751, %get3A_752, %get3A_753, %get3A_754] : memref<8x25x32x32xf32, #tpu.memory_space<vmem>>, vector<1x1x32x32xf32>
    %get3A_756 = vector.shape_cast %get3A_755 : vector<1x1x32x32xf32> to vector<32x32xf32>
    %get3A_757 = arith.constant 1 : index
    %get3A_758 = arith.constant 6 : index
    %get3A_759 = arith.constant 0 : index
    %get3A_760 = arith.constant 0 : index
    %get3A_761 = vector.load %arg2[%get3A_757, %get3A_758, %get3A_759, %get3A_760] : memref<8x25x32x32xf32, #tpu.memory_space<vmem>>, vector<1x1x32x32xf32>
    %get3A_762 = vector.shape_cast %get3A_761 : vector<1x1x32x32xf32> to vector<32x32xf32>
    %get3A_763 = arith.constant 1 : index
    %get3A_764 = arith.constant 7 : index
    %get3A_765 = arith.constant 0 : index
    %get3A_766 = arith.constant 0 : index
    %get3A_767 = vector.load %arg2[%get3A_763, %get3A_764, %get3A_765, %get3A_766] : memref<8x25x32x32xf32, #tpu.memory_space<vmem>>, vector<1x1x32x32xf32>
    %get3A_768 = vector.shape_cast %get3A_767 : vector<1x1x32x32xf32> to vector<32x32xf32>
    %get3A_769 = arith.constant 1 : index
    %get3A_770 = arith.constant 8 : index
    %get3A_771 = arith.constant 0 : index
    %get3A_772 = arith.constant 0 : index
    %get3A_773 = vector.load %arg2[%get3A_769, %get3A_770, %get3A_771, %get3A_772] : memref<8x25x32x32xf32, #tpu.memory_space<vmem>>, vector<1x1x32x32xf32>
    %get3A_774 = vector.shape_cast %get3A_773 : vector<1x1x32x32xf32> to vector<32x32xf32>
    %get3A_775 = arith.constant 1 : index
    %get3A_776 = arith.constant 9 : index
    %get3A_777 = arith.constant 0 : index
    %get3A_778 = arith.constant 0 : index
    %get3A_779 = vector.load %arg2[%get3A_775, %get3A_776, %get3A_777, %get3A_778] : memref<8x25x32x32xf32, #tpu.memory_space<vmem>>, vector<1x1x32x32xf32>
    %get3A_780 = vector.shape_cast %get3A_779 : vector<1x1x32x32xf32> to vector<32x32xf32>
    %neg3A_781 = arith.constant 0.000000e+00 : f32
    %neg3A_782 = vector.broadcast %neg3A_781 : f32 to vector<32x32xf32>
    %neg3A_783 = arith.subf %neg3A_782, %get3A_756 : vector<32x32xf32>
    %exp3A_784 = math.exp %neg3A_783 : vector<32x32xf32>
    %add3A_785 = arith.constant 1.000000e+00 : f32
    %add3A_786 = vector.broadcast %add3A_785 : f32 to vector<32x32xf32>
    %add3A_787 = arith.addf %add3A_786, %exp3A_784 : vector<32x32xf32>
    %div3A_788 = arith.constant 1.000000e+00 : f32
    %div3A_789 = vector.broadcast %div3A_788 : f32 to vector<32x32xf32>
    %div3A_790 = arith.divf %div3A_789, %add3A_787 : vector<32x32xf32>
    %neg3A_791 = arith.constant 0.000000e+00 : f32
    %neg3A_792 = vector.broadcast %neg3A_791 : f32 to vector<32x32xf32>
    %neg3A_793 = arith.subf %neg3A_792, %get3A_762 : vector<32x32xf32>
    %exp3A_794 = math.exp %neg3A_793 : vector<32x32xf32>
    %add3A_795 = arith.constant 1.000000e+00 : f32
    %add3A_796 = vector.broadcast %add3A_795 : f32 to vector<32x32xf32>
    %add3A_797 = arith.addf %add3A_796, %exp3A_794 : vector<32x32xf32>
    %div3A_798 = arith.constant 1.000000e+00 : f32
    %div3A_799 = vector.broadcast %div3A_798 : f32 to vector<32x32xf32>
    %div3A_800 = arith.divf %div3A_799, %add3A_797 : vector<32x32xf32>
    %neg3A_801 = arith.constant 0.000000e+00 : f32
    %neg3A_802 = vector.broadcast %neg3A_801 : f32 to vector<32x32xf32>
    %neg3A_803 = arith.subf %neg3A_802, %get3A_780 : vector<32x32xf32>
    %exp3A_804 = math.exp %neg3A_803 : vector<32x32xf32>
    %add3A_805 = arith.constant 1.000000e+00 : f32
    %add3A_806 = vector.broadcast %add3A_805 : f32 to vector<32x32xf32>
    %add3A_807 = arith.addf %add3A_806, %exp3A_804 : vector<32x32xf32>
    %div3A_808 = arith.constant 1.000000e+00 : f32
    %div3A_809 = vector.broadcast %div3A_808 : f32 to vector<32x32xf32>
    %div3A_810 = arith.divf %div3A_809, %add3A_807 : vector<32x32xf32>
    %exp3A_811 = math.exp %get3A_768 : vector<32x32xf32>
    %mul3A_812 = arith.constant 1.59637499 : f32
    %mul3A_813 = vector.broadcast %mul3A_812 : f32 to vector<32x32xf32>
    %mul3A_814 = arith.mulf %exp3A_811, %mul3A_813 : vector<32x32xf32>
    %exp3A_815 = math.exp %get3A_774 : vector<32x32xf32>
    %mul3A_816 = arith.constant 2.004720e+00 : f32
    %mul3A_817 = vector.broadcast %mul3A_816 : f32 to vector<32x32xf32>
    %mul3A_818 = arith.mulf %exp3A_815, %mul3A_817 : vector<32x32xf32>
    %add3A_819 = arith.addf %div3A_790, %mul3A_814 : vector<32x32xf32>
    %min3A_820 = arith.minimumf %add3A_819, %sub3A_635 : vector<32x32xf32>
    %sub3A_821 = arith.subf %div3A_790, %mul3A_814 : vector<32x32xf32>
    %max3A_822 = arith.maximumf %sub3A_821, %sub3A_633 : vector<32x32xf32>
    %sub3A_823 = arith.subf %min3A_820, %max3A_822 : vector<32x32xf32>
    %add3A_824 = arith.addf %div3A_800, %mul3A_818 : vector<32x32xf32>
    %min3A_825 = arith.minimumf %add3A_824, %sub3A_639 : vector<32x32xf32>
    %sub3A_826 = arith.subf %div3A_800, %mul3A_818 : vector<32x32xf32>
    %max3A_827 = arith.maximumf %sub3A_826, %sub3A_637 : vector<32x32xf32>
    %sub3A_828 = arith.subf %min3A_825, %max3A_827 : vector<32x32xf32>
    %max3A_829 = arith.constant 0.000000e+00 : f32
    %max3A_830 = vector.broadcast %max3A_829 : f32 to vector<32x32xf32>
    %max3A_831 = arith.maximumf %sub3A_823, %max3A_830 : vector<32x32xf32>
    %max3A_832 = arith.constant 0.000000e+00 : f32
    %max3A_833 = vector.broadcast %max3A_832 : f32 to vector<32x32xf32>
    %max3A_834 = arith.maximumf %sub3A_828, %max3A_833 : vector<32x32xf32>
    %mul3A_835 = arith.mulf %max3A_831, %max3A_834 : vector<32x32xf32>
    %mul3A_836 = arith.mulf %mul3A_814, %mul3A_818 : vector<32x32xf32>
    %mul3A_837 = arith.constant 1.500000e+00 : f32
    %mul3A_838 = vector.broadcast %mul3A_837 : f32 to vector<32x32xf32>
    %mul3A_839 = arith.mulf %mul3A_838, %mul3A_836 : vector<32x32xf32>
    %add3A_840 = vector.broadcast %mul3A_631 : f32 to vector<32x32xf32>
    %add3A_841 = arith.addf %mul3A_839, %add3A_840 : vector<32x32xf32>
    %gt3A_842 = arith.cmpf ogt, %mul3A_835, %add3A_841 : vector<32x32xf32>
    %mul3A_843 = arith.mulf %div3A_810, %div3A_810 : vector<32x32xf32>
    %jit3A_844 = arith.constant 0.000000e+00 : f32
    %broadcast_in_dim3A_845 = vector.broadcast %jit3A_844 : f32 to vector<32x32xf32>
    %select_n3A_846 = arith.select %gt3A_842, %broadcast_in_dim3A_845, %mul3A_843 : vector<32x32xi1>, vector<32x32xf32>
    %sub3A_847 = arith.constant 5.000000e-01 : f32
    %sub3A_848 = vector.broadcast %sub3A_847 : f32 to vector<32x32xf32>
    %sub3A_849 = arith.subf %div3A_790, %sub3A_848 : vector<32x32xf32>
    %mul3A_850 = arith.mulf %sub3A_849, %sub3A_849 : vector<32x32xf32>
    %sub3A_851 = arith.constant 5.000000e-01 : f32
    %sub3A_852 = vector.broadcast %sub3A_851 : f32 to vector<32x32xf32>
    %sub3A_853 = arith.subf %div3A_800, %sub3A_852 : vector<32x32xf32>
    %mul3A_854 = arith.mulf %sub3A_853, %sub3A_853 : vector<32x32xf32>
    %add3A_855 = arith.addf %mul3A_850, %mul3A_854 : vector<32x32xf32>
    %mul3A_856 = arith.mulf %get3A_768, %get3A_768 : vector<32x32xf32>
    %add3A_857 = arith.addf %add3A_855, %mul3A_856 : vector<32x32xf32>
    %mul3A_858 = arith.mulf %get3A_774, %get3A_774 : vector<32x32xf32>
    %add3A_859 = arith.addf %add3A_857, %mul3A_858 : vector<32x32xf32>
    %add3A_860 = arith.addf %add3A_859, %select_n3A_846 : vector<32x32xf32>
    %add3A_861 = arith.addf %add3A_750, %add3A_860 : vector<32x32xf32>
    %get3A_862 = arith.constant 1 : index
    %get3A_863 = arith.constant 10 : index
    %get3A_864 = arith.constant 0 : index
    %get3A_865 = arith.constant 0 : index
    %get3A_866 = vector.load %arg2[%get3A_862, %get3A_863, %get3A_864, %get3A_865] : memref<8x25x32x32xf32, #tpu.memory_space<vmem>>, vector<1x1x32x32xf32>
    %get3A_867 = vector.shape_cast %get3A_866 : vector<1x1x32x32xf32> to vector<32x32xf32>
    %get3A_868 = arith.constant 1 : index
    %get3A_869 = arith.constant 11 : index
    %get3A_870 = arith.constant 0 : index
    %get3A_871 = arith.constant 0 : index
    %get3A_872 = vector.load %arg2[%get3A_868, %get3A_869, %get3A_870, %get3A_871] : memref<8x25x32x32xf32, #tpu.memory_space<vmem>>, vector<1x1x32x32xf32>
    %get3A_873 = vector.shape_cast %get3A_872 : vector<1x1x32x32xf32> to vector<32x32xf32>
    %get3A_874 = arith.constant 1 : index
    %get3A_875 = arith.constant 12 : index
    %get3A_876 = arith.constant 0 : index
    %get3A_877 = arith.constant 0 : index
    %get3A_878 = vector.load %arg2[%get3A_874, %get3A_875, %get3A_876, %get3A_877] : memref<8x25x32x32xf32, #tpu.memory_space<vmem>>, vector<1x1x32x32xf32>
    %get3A_879 = vector.shape_cast %get3A_878 : vector<1x1x32x32xf32> to vector<32x32xf32>
    %get3A_880 = arith.constant 1 : index
    %get3A_881 = arith.constant 13 : index
    %get3A_882 = arith.constant 0 : index
    %get3A_883 = arith.constant 0 : index
    %get3A_884 = vector.load %arg2[%get3A_880, %get3A_881, %get3A_882, %get3A_883] : memref<8x25x32x32xf32, #tpu.memory_space<vmem>>, vector<1x1x32x32xf32>
    %get3A_885 = vector.shape_cast %get3A_884 : vector<1x1x32x32xf32> to vector<32x32xf32>
    %get3A_886 = arith.constant 1 : index
    %get3A_887 = arith.constant 14 : index
    %get3A_888 = arith.constant 0 : index
    %get3A_889 = arith.constant 0 : index
    %get3A_890 = vector.load %arg2[%get3A_886, %get3A_887, %get3A_888, %get3A_889] : memref<8x25x32x32xf32, #tpu.memory_space<vmem>>, vector<1x1x32x32xf32>
    %get3A_891 = vector.shape_cast %get3A_890 : vector<1x1x32x32xf32> to vector<32x32xf32>
    %neg3A_892 = arith.constant 0.000000e+00 : f32
    %neg3A_893 = vector.broadcast %neg3A_892 : f32 to vector<32x32xf32>
    %neg3A_894 = arith.subf %neg3A_893, %get3A_867 : vector<32x32xf32>
    %exp3A_895 = math.exp %neg3A_894 : vector<32x32xf32>
    %add3A_896 = arith.constant 1.000000e+00 : f32
    %add3A_897 = vector.broadcast %add3A_896 : f32 to vector<32x32xf32>
    %add3A_898 = arith.addf %add3A_897, %exp3A_895 : vector<32x32xf32>
    %div3A_899 = arith.constant 1.000000e+00 : f32
    %div3A_900 = vector.broadcast %div3A_899 : f32 to vector<32x32xf32>
    %div3A_901 = arith.divf %div3A_900, %add3A_898 : vector<32x32xf32>
    %neg3A_902 = arith.constant 0.000000e+00 : f32
    %neg3A_903 = vector.broadcast %neg3A_902 : f32 to vector<32x32xf32>
    %neg3A_904 = arith.subf %neg3A_903, %get3A_873 : vector<32x32xf32>
    %exp3A_905 = math.exp %neg3A_904 : vector<32x32xf32>
    %add3A_906 = arith.constant 1.000000e+00 : f32
    %add3A_907 = vector.broadcast %add3A_906 : f32 to vector<32x32xf32>
    %add3A_908 = arith.addf %add3A_907, %exp3A_905 : vector<32x32xf32>
    %div3A_909 = arith.constant 1.000000e+00 : f32
    %div3A_910 = vector.broadcast %div3A_909 : f32 to vector<32x32xf32>
    %div3A_911 = arith.divf %div3A_910, %add3A_908 : vector<32x32xf32>
    %neg3A_912 = arith.constant 0.000000e+00 : f32
    %neg3A_913 = vector.broadcast %neg3A_912 : f32 to vector<32x32xf32>
    %neg3A_914 = arith.subf %neg3A_913, %get3A_891 : vector<32x32xf32>
    %exp3A_915 = math.exp %neg3A_914 : vector<32x32xf32>
    %add3A_916 = arith.constant 1.000000e+00 : f32
    %add3A_917 = vector.broadcast %add3A_916 : f32 to vector<32x32xf32>
    %add3A_918 = arith.addf %add3A_917, %exp3A_915 : vector<32x32xf32>
    %div3A_919 = arith.constant 1.000000e+00 : f32
    %div3A_920 = vector.broadcast %div3A_919 : f32 to vector<32x32xf32>
    %div3A_921 = arith.divf %div3A_920, %add3A_918 : vector<32x32xf32>
    %exp3A_922 = math.exp %get3A_879 : vector<32x32xf32>
    %mul3A_923 = arith.constant 2.52793503 : f32
    %mul3A_924 = vector.broadcast %mul3A_923 : f32 to vector<32x32xf32>
    %mul3A_925 = arith.mulf %exp3A_922, %mul3A_924 : vector<32x32xf32>
    %exp3A_926 = math.exp %get3A_885 : vector<32x32xf32>
    %mul3A_927 = arith.constant 4.049460e+00 : f32
    %mul3A_928 = vector.broadcast %mul3A_927 : f32 to vector<32x32xf32>
    %mul3A_929 = arith.mulf %exp3A_926, %mul3A_928 : vector<32x32xf32>
    %add3A_930 = arith.addf %div3A_901, %mul3A_925 : vector<32x32xf32>
    %min3A_931 = arith.minimumf %add3A_930, %sub3A_635 : vector<32x32xf32>
    %sub3A_932 = arith.subf %div3A_901, %mul3A_925 : vector<32x32xf32>
    %max3A_933 = arith.maximumf %sub3A_932, %sub3A_633 : vector<32x32xf32>
    %sub3A_934 = arith.subf %min3A_931, %max3A_933 : vector<32x32xf32>
    %add3A_935 = arith.addf %div3A_911, %mul3A_929 : vector<32x32xf32>
    %min3A_936 = arith.minimumf %add3A_935, %sub3A_639 : vector<32x32xf32>
    %sub3A_937 = arith.subf %div3A_911, %mul3A_929 : vector<32x32xf32>
    %max3A_938 = arith.maximumf %sub3A_937, %sub3A_637 : vector<32x32xf32>
    %sub3A_939 = arith.subf %min3A_936, %max3A_938 : vector<32x32xf32>
    %max3A_940 = arith.constant 0.000000e+00 : f32
    %max3A_941 = vector.broadcast %max3A_940 : f32 to vector<32x32xf32>
    %max3A_942 = arith.maximumf %sub3A_934, %max3A_941 : vector<32x32xf32>
    %max3A_943 = arith.constant 0.000000e+00 : f32
    %max3A_944 = vector.broadcast %max3A_943 : f32 to vector<32x32xf32>
    %max3A_945 = arith.maximumf %sub3A_939, %max3A_944 : vector<32x32xf32>
    %mul3A_946 = arith.mulf %max3A_942, %max3A_945 : vector<32x32xf32>
    %mul3A_947 = arith.mulf %mul3A_925, %mul3A_929 : vector<32x32xf32>
    %mul3A_948 = arith.constant 1.500000e+00 : f32
    %mul3A_949 = vector.broadcast %mul3A_948 : f32 to vector<32x32xf32>
    %mul3A_950 = arith.mulf %mul3A_949, %mul3A_947 : vector<32x32xf32>
    %add3A_951 = vector.broadcast %mul3A_631 : f32 to vector<32x32xf32>
    %add3A_952 = arith.addf %mul3A_950, %add3A_951 : vector<32x32xf32>
    %gt3A_953 = arith.cmpf ogt, %mul3A_946, %add3A_952 : vector<32x32xf32>
    %mul3A_954 = arith.mulf %div3A_921, %div3A_921 : vector<32x32xf32>
    %jit3A_955 = arith.constant 0.000000e+00 : f32
    %broadcast_in_dim3A_956 = vector.broadcast %jit3A_955 : f32 to vector<32x32xf32>
    %select_n3A_957 = arith.select %gt3A_953, %broadcast_in_dim3A_956, %mul3A_954 : vector<32x32xi1>, vector<32x32xf32>
    %sub3A_958 = arith.constant 5.000000e-01 : f32
    %sub3A_959 = vector.broadcast %sub3A_958 : f32 to vector<32x32xf32>
    %sub3A_960 = arith.subf %div3A_901, %sub3A_959 : vector<32x32xf32>
    %mul3A_961 = arith.mulf %sub3A_960, %sub3A_960 : vector<32x32xf32>
    %sub3A_962 = arith.constant 5.000000e-01 : f32
    %sub3A_963 = vector.broadcast %sub3A_962 : f32 to vector<32x32xf32>
    %sub3A_964 = arith.subf %div3A_911, %sub3A_963 : vector<32x32xf32>
    %mul3A_965 = arith.mulf %sub3A_964, %sub3A_964 : vector<32x32xf32>
    %add3A_966 = arith.addf %mul3A_961, %mul3A_965 : vector<32x32xf32>
    %mul3A_967 = arith.mulf %get3A_879, %get3A_879 : vector<32x32xf32>
    %add3A_968 = arith.addf %add3A_966, %mul3A_967 : vector<32x32xf32>
    %mul3A_969 = arith.mulf %get3A_885, %get3A_885 : vector<32x32xf32>
    %add3A_970 = arith.addf %add3A_968, %mul3A_969 : vector<32x32xf32>
    %add3A_971 = arith.addf %add3A_970, %select_n3A_957 : vector<32x32xf32>
    %add3A_972 = arith.addf %add3A_861, %add3A_971 : vector<32x32xf32>
    %get3A_973 = arith.constant 1 : index
    %get3A_974 = arith.constant 15 : index
    %get3A_975 = arith.constant 0 : index
    %get3A_976 = arith.constant 0 : index
    %get3A_977 = vector.load %arg2[%get3A_973, %get3A_974, %get3A_975, %get3A_976] : memref<8x25x32x32xf32, #tpu.memory_space<vmem>>, vector<1x1x32x32xf32>
    %get3A_978 = vector.shape_cast %get3A_977 : vector<1x1x32x32xf32> to vector<32x32xf32>
    %get3A_979 = arith.constant 1 : index
    %get3A_980 = arith.constant 16 : index
    %get3A_981 = arith.constant 0 : index
    %get3A_982 = arith.constant 0 : index
    %get3A_983 = vector.load %arg2[%get3A_979, %get3A_980, %get3A_981, %get3A_982] : memref<8x25x32x32xf32, #tpu.memory_space<vmem>>, vector<1x1x32x32xf32>
    %get3A_984 = vector.shape_cast %get3A_983 : vector<1x1x32x32xf32> to vector<32x32xf32>
    %get3A_985 = arith.constant 1 : index
    %get3A_986 = arith.constant 17 : index
    %get3A_987 = arith.constant 0 : index
    %get3A_988 = arith.constant 0 : index
    %get3A_989 = vector.load %arg2[%get3A_985, %get3A_986, %get3A_987, %get3A_988] : memref<8x25x32x32xf32, #tpu.memory_space<vmem>>, vector<1x1x32x32xf32>
    %get3A_990 = vector.shape_cast %get3A_989 : vector<1x1x32x32xf32> to vector<32x32xf32>
    %get3A_991 = arith.constant 1 : index
    %get3A_992 = arith.constant 18 : index
    %get3A_993 = arith.constant 0 : index
    %get3A_994 = arith.constant 0 : index
    %get3A_995 = vector.load %arg2[%get3A_991, %get3A_992, %get3A_993, %get3A_994] : memref<8x25x32x32xf32, #tpu.memory_space<vmem>>, vector<1x1x32x32xf32>
    %get3A_996 = vector.shape_cast %get3A_995 : vector<1x1x32x32xf32> to vector<32x32xf32>
    %get3A_997 = arith.constant 1 : index
    %get3A_998 = arith.constant 19 : index
    %get3A_999 = arith.constant 0 : index
    %get3A_1000 = arith.constant 0 : index
    %get3A_1001 = vector.load %arg2[%get3A_997, %get3A_998, %get3A_999, %get3A_1000] : memref<8x25x32x32xf32, #tpu.memory_space<vmem>>, vector<1x1x32x32xf32>
    %get3A_1002 = vector.shape_cast %get3A_1001 : vector<1x1x32x32xf32> to vector<32x32xf32>
    %neg3A_1003 = arith.constant 0.000000e+00 : f32
    %neg3A_1004 = vector.broadcast %neg3A_1003 : f32 to vector<32x32xf32>
    %neg3A_1005 = arith.subf %neg3A_1004, %get3A_978 : vector<32x32xf32>
    %exp3A_1006 = math.exp %neg3A_1005 : vector<32x32xf32>
    %add3A_1007 = arith.constant 1.000000e+00 : f32
    %add3A_1008 = vector.broadcast %add3A_1007 : f32 to vector<32x32xf32>
    %add3A_1009 = arith.addf %add3A_1008, %exp3A_1006 : vector<32x32xf32>
    %div3A_1010 = arith.constant 1.000000e+00 : f32
    %div3A_1011 = vector.broadcast %div3A_1010 : f32 to vector<32x32xf32>
    %div3A_1012 = arith.divf %div3A_1011, %add3A_1009 : vector<32x32xf32>
    %neg3A_1013 = arith.constant 0.000000e+00 : f32
    %neg3A_1014 = vector.broadcast %neg3A_1013 : f32 to vector<32x32xf32>
    %neg3A_1015 = arith.subf %neg3A_1014, %get3A_984 : vector<32x32xf32>
    %exp3A_1016 = math.exp %neg3A_1015 : vector<32x32xf32>
    %add3A_1017 = arith.constant 1.000000e+00 : f32
    %add3A_1018 = vector.broadcast %add3A_1017 : f32 to vector<32x32xf32>
    %add3A_1019 = arith.addf %add3A_1018, %exp3A_1016 : vector<32x32xf32>
    %div3A_1020 = arith.constant 1.000000e+00 : f32
    %div3A_1021 = vector.broadcast %div3A_1020 : f32 to vector<32x32xf32>
    %div3A_1022 = arith.divf %div3A_1021, %add3A_1019 : vector<32x32xf32>
    %neg3A_1023 = arith.constant 0.000000e+00 : f32
    %neg3A_1024 = vector.broadcast %neg3A_1023 : f32 to vector<32x32xf32>
    %neg3A_1025 = arith.subf %neg3A_1024, %get3A_1002 : vector<32x32xf32>
    %exp3A_1026 = math.exp %neg3A_1025 : vector<32x32xf32>
    %add3A_1027 = arith.constant 1.000000e+00 : f32
    %add3A_1028 = vector.broadcast %add3A_1027 : f32 to vector<32x32xf32>
    %add3A_1029 = arith.addf %add3A_1028, %exp3A_1026 : vector<32x32xf32>
    %div3A_1030 = arith.constant 1.000000e+00 : f32
    %div3A_1031 = vector.broadcast %div3A_1030 : f32 to vector<32x32xf32>
    %div3A_1032 = arith.divf %div3A_1031, %add3A_1029 : vector<32x32xf32>
    %exp3A_1033 = math.exp %get3A_990 : vector<32x32xf32>
    %mul3A_1034 = arith.constant 4.735560e+00 : f32
    %mul3A_1035 = vector.broadcast %mul3A_1034 : f32 to vector<32x32xf32>
    %mul3A_1036 = arith.mulf %exp3A_1033, %mul3A_1035 : vector<32x32xf32>
    %exp3A_1037 = math.exp %get3A_996 : vector<32x32xf32>
    %mul3A_1038 = arith.constant 2.42026496 : f32
    %mul3A_1039 = vector.broadcast %mul3A_1038 : f32 to vector<32x32xf32>
    %mul3A_1040 = arith.mulf %exp3A_1037, %mul3A_1039 : vector<32x32xf32>
    %add3A_1041 = arith.addf %div3A_1012, %mul3A_1036 : vector<32x32xf32>
    %min3A_1042 = arith.minimumf %add3A_1041, %sub3A_635 : vector<32x32xf32>
    %sub3A_1043 = arith.subf %div3A_1012, %mul3A_1036 : vector<32x32xf32>
    %max3A_1044 = arith.maximumf %sub3A_1043, %sub3A_633 : vector<32x32xf32>
    %sub3A_1045 = arith.subf %min3A_1042, %max3A_1044 : vector<32x32xf32>
    %add3A_1046 = arith.addf %div3A_1022, %mul3A_1040 : vector<32x32xf32>
    %min3A_1047 = arith.minimumf %add3A_1046, %sub3A_639 : vector<32x32xf32>
    %sub3A_1048 = arith.subf %div3A_1022, %mul3A_1040 : vector<32x32xf32>
    %max3A_1049 = arith.maximumf %sub3A_1048, %sub3A_637 : vector<32x32xf32>
    %sub3A_1050 = arith.subf %min3A_1047, %max3A_1049 : vector<32x32xf32>
    %max3A_1051 = arith.constant 0.000000e+00 : f32
    %max3A_1052 = vector.broadcast %max3A_1051 : f32 to vector<32x32xf32>
    %max3A_1053 = arith.maximumf %sub3A_1045, %max3A_1052 : vector<32x32xf32>
    %max3A_1054 = arith.constant 0.000000e+00 : f32
    %max3A_1055 = vector.broadcast %max3A_1054 : f32 to vector<32x32xf32>
    %max3A_1056 = arith.maximumf %sub3A_1050, %max3A_1055 : vector<32x32xf32>
    %mul3A_1057 = arith.mulf %max3A_1053, %max3A_1056 : vector<32x32xf32>
    %mul3A_1058 = arith.mulf %mul3A_1036, %mul3A_1040 : vector<32x32xf32>
    %mul3A_1059 = arith.constant 1.500000e+00 : f32
    %mul3A_1060 = vector.broadcast %mul3A_1059 : f32 to vector<32x32xf32>
    %mul3A_1061 = arith.mulf %mul3A_1060, %mul3A_1058 : vector<32x32xf32>
    %add3A_1062 = vector.broadcast %mul3A_631 : f32 to vector<32x32xf32>
    %add3A_1063 = arith.addf %mul3A_1061, %add3A_1062 : vector<32x32xf32>
    %gt3A_1064 = arith.cmpf ogt, %mul3A_1057, %add3A_1063 : vector<32x32xf32>
    %mul3A_1065 = arith.mulf %div3A_1032, %div3A_1032 : vector<32x32xf32>
    %jit3A_1066 = arith.constant 0.000000e+00 : f32
    %broadcast_in_dim3A_1067 = vector.broadcast %jit3A_1066 : f32 to vector<32x32xf32>
    %select_n3A_1068 = arith.select %gt3A_1064, %broadcast_in_dim3A_1067, %mul3A_1065 : vector<32x32xi1>, vector<32x32xf32>
    %sub3A_1069 = arith.constant 5.000000e-01 : f32
    %sub3A_1070 = vector.broadcast %sub3A_1069 : f32 to vector<32x32xf32>
    %sub3A_1071 = arith.subf %div3A_1012, %sub3A_1070 : vector<32x32xf32>
    %mul3A_1072 = arith.mulf %sub3A_1071, %sub3A_1071 : vector<32x32xf32>
    %sub3A_1073 = arith.constant 5.000000e-01 : f32
    %sub3A_1074 = vector.broadcast %sub3A_1073 : f32 to vector<32x32xf32>
    %sub3A_1075 = arith.subf %div3A_1022, %sub3A_1074 : vector<32x32xf32>
    %mul3A_1076 = arith.mulf %sub3A_1075, %sub3A_1075 : vector<32x32xf32>
    %add3A_1077 = arith.addf %mul3A_1072, %mul3A_1076 : vector<32x32xf32>
    %mul3A_1078 = arith.mulf %get3A_990, %get3A_990 : vector<32x32xf32>
    %add3A_1079 = arith.addf %add3A_1077, %mul3A_1078 : vector<32x32xf32>
    %mul3A_1080 = arith.mulf %get3A_996, %get3A_996 : vector<32x32xf32>
    %add3A_1081 = arith.addf %add3A_1079, %mul3A_1080 : vector<32x32xf32>
    %add3A_1082 = arith.addf %add3A_1081, %select_n3A_1068 : vector<32x32xf32>
    %add3A_1083 = arith.addf %add3A_972, %add3A_1082 : vector<32x32xf32>
    %get3A_1084 = arith.constant 1 : index
    %get3A_1085 = arith.constant 20 : index
    %get3A_1086 = arith.constant 0 : index
    %get3A_1087 = arith.constant 0 : index
    %get3A_1088 = vector.load %arg2[%get3A_1084, %get3A_1085, %get3A_1086, %get3A_1087] : memref<8x25x32x32xf32, #tpu.memory_space<vmem>>, vector<1x1x32x32xf32>
    %get3A_1089 = vector.shape_cast %get3A_1088 : vector<1x1x32x32xf32> to vector<32x32xf32>
    %get3A_1090 = arith.constant 1 : index
    %get3A_1091 = arith.constant 21 : index
    %get3A_1092 = arith.constant 0 : index
    %get3A_1093 = arith.constant 0 : index
    %get3A_1094 = vector.load %arg2[%get3A_1090, %get3A_1091, %get3A_1092, %get3A_1093] : memref<8x25x32x32xf32, #tpu.memory_space<vmem>>, vector<1x1x32x32xf32>
    %get3A_1095 = vector.shape_cast %get3A_1094 : vector<1x1x32x32xf32> to vector<32x32xf32>
    %get3A_1096 = arith.constant 1 : index
    %get3A_1097 = arith.constant 22 : index
    %get3A_1098 = arith.constant 0 : index
    %get3A_1099 = arith.constant 0 : index
    %get3A_1100 = vector.load %arg2[%get3A_1096, %get3A_1097, %get3A_1098, %get3A_1099] : memref<8x25x32x32xf32, #tpu.memory_space<vmem>>, vector<1x1x32x32xf32>
    %get3A_1101 = vector.shape_cast %get3A_1100 : vector<1x1x32x32xf32> to vector<32x32xf32>
    %get3A_1102 = arith.constant 1 : index
    %get3A_1103 = arith.constant 23 : index
    %get3A_1104 = arith.constant 0 : index
    %get3A_1105 = arith.constant 0 : index
    %get3A_1106 = vector.load %arg2[%get3A_1102, %get3A_1103, %get3A_1104, %get3A_1105] : memref<8x25x32x32xf32, #tpu.memory_space<vmem>>, vector<1x1x32x32xf32>
    %get3A_1107 = vector.shape_cast %get3A_1106 : vector<1x1x32x32xf32> to vector<32x32xf32>
    %get3A_1108 = arith.constant 1 : index
    %get3A_1109 = arith.constant 24 : index
    %get3A_1110 = arith.constant 0 : index
    %get3A_1111 = arith.constant 0 : index
    %get3A_1112 = vector.load %arg2[%get3A_1108, %get3A_1109, %get3A_1110, %get3A_1111] : memref<8x25x32x32xf32, #tpu.memory_space<vmem>>, vector<1x1x32x32xf32>
    %get3A_1113 = vector.shape_cast %get3A_1112 : vector<1x1x32x32xf32> to vector<32x32xf32>
    %neg3A_1114 = arith.constant 0.000000e+00 : f32
    %neg3A_1115 = vector.broadcast %neg3A_1114 : f32 to vector<32x32xf32>
    %neg3A_1116 = arith.subf %neg3A_1115, %get3A_1089 : vector<32x32xf32>
    %exp3A_1117 = math.exp %neg3A_1116 : vector<32x32xf32>
    %add3A_1118 = arith.constant 1.000000e+00 : f32
    %add3A_1119 = vector.broadcast %add3A_1118 : f32 to vector<32x32xf32>
    %add3A_1120 = arith.addf %add3A_1119, %exp3A_1117 : vector<32x32xf32>
    %div3A_1121 = arith.constant 1.000000e+00 : f32
    %div3A_1122 = vector.broadcast %div3A_1121 : f32 to vector<32x32xf32>
    %div3A_1123 = arith.divf %div3A_1122, %add3A_1120 : vector<32x32xf32>
    %neg3A_1124 = arith.constant 0.000000e+00 : f32
    %neg3A_1125 = vector.broadcast %neg3A_1124 : f32 to vector<32x32xf32>
    %neg3A_1126 = arith.subf %neg3A_1125, %get3A_1095 : vector<32x32xf32>
    %exp3A_1127 = math.exp %neg3A_1126 : vector<32x32xf32>
    %add3A_1128 = arith.constant 1.000000e+00 : f32
    %add3A_1129 = vector.broadcast %add3A_1128 : f32 to vector<32x32xf32>
    %add3A_1130 = arith.addf %add3A_1129, %exp3A_1127 : vector<32x32xf32>
    %div3A_1131 = arith.constant 1.000000e+00 : f32
    %div3A_1132 = vector.broadcast %div3A_1131 : f32 to vector<32x32xf32>
    %div3A_1133 = arith.divf %div3A_1132, %add3A_1130 : vector<32x32xf32>
    %neg3A_1134 = arith.constant 0.000000e+00 : f32
    %neg3A_1135 = vector.broadcast %neg3A_1134 : f32 to vector<32x32xf32>
    %neg3A_1136 = arith.subf %neg3A_1135, %get3A_1113 : vector<32x32xf32>
    %exp3A_1137 = math.exp %neg3A_1136 : vector<32x32xf32>
    %add3A_1138 = arith.constant 1.000000e+00 : f32
    %add3A_1139 = vector.broadcast %add3A_1138 : f32 to vector<32x32xf32>
    %add3A_1140 = arith.addf %add3A_1139, %exp3A_1137 : vector<32x32xf32>
    %div3A_1141 = arith.constant 1.000000e+00 : f32
    %div3A_1142 = vector.broadcast %div3A_1141 : f32 to vector<32x32xf32>
    %div3A_1143 = arith.divf %div3A_1142, %add3A_1140 : vector<32x32xf32>
    %exp3A_1144 = math.exp %get3A_1101 : vector<32x32xf32>
    %mul3A_1145 = arith.constant 5.618200e+00 : f32
    %mul3A_1146 = vector.broadcast %mul3A_1145 : f32 to vector<32x32xf32>
    %mul3A_1147 = arith.mulf %exp3A_1144, %mul3A_1146 : vector<32x32xf32>
    %exp3A_1148 = math.exp %get3A_1107 : vector<32x32xf32>
    %mul3A_1149 = arith.constant 5.003550e+00 : f32
    %mul3A_1150 = vector.broadcast %mul3A_1149 : f32 to vector<32x32xf32>
    %mul3A_1151 = arith.mulf %exp3A_1148, %mul3A_1150 : vector<32x32xf32>
    %add3A_1152 = arith.addf %div3A_1123, %mul3A_1147 : vector<32x32xf32>
    %min3A_1153 = arith.minimumf %add3A_1152, %sub3A_635 : vector<32x32xf32>
    %sub3A_1154 = arith.subf %div3A_1123, %mul3A_1147 : vector<32x32xf32>
    %max3A_1155 = arith.maximumf %sub3A_1154, %sub3A_633 : vector<32x32xf32>
    %sub3A_1156 = arith.subf %min3A_1153, %max3A_1155 : vector<32x32xf32>
    %add3A_1157 = arith.addf %div3A_1133, %mul3A_1151 : vector<32x32xf32>
    %min3A_1158 = arith.minimumf %add3A_1157, %sub3A_639 : vector<32x32xf32>
    %sub3A_1159 = arith.subf %div3A_1133, %mul3A_1151 : vector<32x32xf32>
    %max3A_1160 = arith.maximumf %sub3A_1159, %sub3A_637 : vector<32x32xf32>
    %sub3A_1161 = arith.subf %min3A_1158, %max3A_1160 : vector<32x32xf32>
    %max3A_1162 = arith.constant 0.000000e+00 : f32
    %max3A_1163 = vector.broadcast %max3A_1162 : f32 to vector<32x32xf32>
    %max3A_1164 = arith.maximumf %sub3A_1156, %max3A_1163 : vector<32x32xf32>
    %max3A_1165 = arith.constant 0.000000e+00 : f32
    %max3A_1166 = vector.broadcast %max3A_1165 : f32 to vector<32x32xf32>
    %max3A_1167 = arith.maximumf %sub3A_1161, %max3A_1166 : vector<32x32xf32>
    %mul3A_1168 = arith.mulf %max3A_1164, %max3A_1167 : vector<32x32xf32>
    %mul3A_1169 = arith.mulf %mul3A_1147, %mul3A_1151 : vector<32x32xf32>
    %mul3A_1170 = arith.constant 1.500000e+00 : f32
    %mul3A_1171 = vector.broadcast %mul3A_1170 : f32 to vector<32x32xf32>
    %mul3A_1172 = arith.mulf %mul3A_1171, %mul3A_1169 : vector<32x32xf32>
    %add3A_1173 = vector.broadcast %mul3A_631 : f32 to vector<32x32xf32>
    %add3A_1174 = arith.addf %mul3A_1172, %add3A_1173 : vector<32x32xf32>
    %gt3A_1175 = arith.cmpf ogt, %mul3A_1168, %add3A_1174 : vector<32x32xf32>
    %mul3A_1176 = arith.mulf %div3A_1143, %div3A_1143 : vector<32x32xf32>
    %jit3A_1177 = arith.constant 0.000000e+00 : f32
    %broadcast_in_dim3A_1178 = vector.broadcast %jit3A_1177 : f32 to vector<32x32xf32>
    %select_n3A_1179 = arith.select %gt3A_1175, %broadcast_in_dim3A_1178, %mul3A_1176 : vector<32x32xi1>, vector<32x32xf32>
    %sub3A_1180 = arith.constant 5.000000e-01 : f32
    %sub3A_1181 = vector.broadcast %sub3A_1180 : f32 to vector<32x32xf32>
    %sub3A_1182 = arith.subf %div3A_1123, %sub3A_1181 : vector<32x32xf32>
    %mul3A_1183 = arith.mulf %sub3A_1182, %sub3A_1182 : vector<32x32xf32>
    %sub3A_1184 = arith.constant 5.000000e-01 : f32
    %sub3A_1185 = vector.broadcast %sub3A_1184 : f32 to vector<32x32xf32>
    %sub3A_1186 = arith.subf %div3A_1133, %sub3A_1185 : vector<32x32xf32>
    %mul3A_1187 = arith.mulf %sub3A_1186, %sub3A_1186 : vector<32x32xf32>
    %add3A_1188 = arith.addf %mul3A_1183, %mul3A_1187 : vector<32x32xf32>
    %mul3A_1189 = arith.mulf %get3A_1101, %get3A_1101 : vector<32x32xf32>
    %add3A_1190 = arith.addf %add3A_1188, %mul3A_1189 : vector<32x32xf32>
    %mul3A_1191 = arith.mulf %get3A_1107, %get3A_1107 : vector<32x32xf32>
    %add3A_1192 = arith.addf %add3A_1190, %mul3A_1191 : vector<32x32xf32>
    %add3A_1193 = arith.addf %add3A_1192, %select_n3A_1179 : vector<32x32xf32>
    %add3A_1194 = arith.addf %add3A_1083, %add3A_1193 : vector<32x32xf32>
    %mul3A_1195 = arith.constant 8 : i32
    %mul3A_1196 = arith.muli %arg0, %mul3A_1195 : i32
    %add3A_1197 = arith.constant 2 : i32
    %add3A_1198 = arith.addi %mul3A_1196, %add3A_1197 : i32
    %get3A_1199 = arith.index_cast %add3A_1198 : i32 to index
    %get3A_1200 = arith.constant 0 : index
    %get3A_1201 = memref.load %arg1[%get3A_1199, %get3A_1200] : memref<16x4xf32, #tpu.memory_space<smem>>
    %mul3A_1202 = arith.constant 3.200000e+01 : f32
    %mul3A_1203 = arith.mulf %get3A_1201, %mul3A_1202 : f32
    %get3A_1204 = arith.index_cast %add3A_1198 : i32 to index
    %get3A_1205 = arith.constant 1 : index
    %get3A_1206 = memref.load %arg1[%get3A_1204, %get3A_1205] : memref<16x4xf32, #tpu.memory_space<smem>>
    %mul3A_1207 = arith.constant 3.200000e+01 : f32
    %mul3A_1208 = arith.mulf %get3A_1206, %mul3A_1207 : f32
    %get3A_1209 = arith.index_cast %add3A_1198 : i32 to index
    %get3A_1210 = arith.constant 2 : index
    %get3A_1211 = memref.load %arg1[%get3A_1209, %get3A_1210] : memref<16x4xf32, #tpu.memory_space<smem>>
    %mul3A_1212 = arith.constant 3.200000e+01 : f32
    %mul3A_1213 = arith.mulf %get3A_1211, %mul3A_1212 : f32
    %get3A_1214 = arith.index_cast %add3A_1198 : i32 to index
    %get3A_1215 = arith.constant 3 : index
    %get3A_1216 = memref.load %arg1[%get3A_1214, %get3A_1215] : memref<16x4xf32, #tpu.memory_space<smem>>
    %mul3A_1217 = arith.constant 3.200000e+01 : f32
    %mul3A_1218 = arith.mulf %get3A_1216, %mul3A_1217 : f32
    %mul3A_1219 = arith.constant 5.000000e-01 : f32
    %mul3A_1220 = arith.mulf %mul3A_1213, %mul3A_1219 : f32
    %sub3A_1221 = arith.subf %mul3A_1203, %mul3A_1220 : f32
    %mul3A_1222 = arith.constant 5.000000e-01 : f32
    %mul3A_1223 = arith.mulf %mul3A_1213, %mul3A_1222 : f32
    %add3A_1224 = arith.addf %mul3A_1203, %mul3A_1223 : f32
    %mul3A_1225 = arith.constant 5.000000e-01 : f32
    %mul3A_1226 = arith.mulf %mul3A_1218, %mul3A_1225 : f32
    %sub3A_1227 = arith.subf %mul3A_1208, %mul3A_1226 : f32
    %mul3A_1228 = arith.constant 5.000000e-01 : f32
    %mul3A_1229 = arith.mulf %mul3A_1218, %mul3A_1228 : f32
    %add3A_1230 = arith.addf %mul3A_1208, %mul3A_1229 : f32
    %mul3A_1231 = arith.mulf %mul3A_1213, %mul3A_1218 : f32
    %mul3A_1232 = arith.constant 3.750000e-01 : f32
    %mul3A_1233 = arith.mulf %mul3A_1231, %mul3A_1232 : f32
    %sub3A_1234 = vector.broadcast %sub3A_1221 : f32 to vector<32x32xf32>
    %sub3A_1235 = arith.subf %sub3A_1234, %convert_element_type3A : vector<32x32xf32>
    %sub3A_1236 = vector.broadcast %add3A_1224 : f32 to vector<32x32xf32>
    %sub3A_1237 = arith.subf %sub3A_1236, %convert_element_type3A : vector<32x32xf32>
    %sub3A_1238 = vector.broadcast %sub3A_1227 : f32 to vector<32x32xf32>
    %sub3A_1239 = arith.subf %sub3A_1238, %convert_element_type3A_1 : vector<32x32xf32>
    %sub3A_1240 = vector.broadcast %add3A_1230 : f32 to vector<32x32xf32>
    %sub3A_1241 = arith.subf %sub3A_1240, %convert_element_type3A_1 : vector<32x32xf32>
    %get3A_1242 = arith.constant 2 : index
    %get3A_1243 = arith.constant 0 : index
    %get3A_1244 = arith.constant 0 : index
    %get3A_1245 = arith.constant 0 : index
    %get3A_1246 = vector.load %arg2[%get3A_1242, %get3A_1243, %get3A_1244, %get3A_1245] : memref<8x25x32x32xf32, #tpu.memory_space<vmem>>, vector<1x1x32x32xf32>
    %get3A_1247 = vector.shape_cast %get3A_1246 : vector<1x1x32x32xf32> to vector<32x32xf32>
    %get3A_1248 = arith.constant 2 : index
    %get3A_1249 = arith.constant 1 : index
    %get3A_1250 = arith.constant 0 : index
    %get3A_1251 = arith.constant 0 : index
    %get3A_1252 = vector.load %arg2[%get3A_1248, %get3A_1249, %get3A_1250, %get3A_1251] : memref<8x25x32x32xf32, #tpu.memory_space<vmem>>, vector<1x1x32x32xf32>
    %get3A_1253 = vector.shape_cast %get3A_1252 : vector<1x1x32x32xf32> to vector<32x32xf32>
    %get3A_1254 = arith.constant 2 : index
    %get3A_1255 = arith.constant 2 : index
    %get3A_1256 = arith.constant 0 : index
    %get3A_1257 = arith.constant 0 : index
    %get3A_1258 = vector.load %arg2[%get3A_1254, %get3A_1255, %get3A_1256, %get3A_1257] : memref<8x25x32x32xf32, #tpu.memory_space<vmem>>, vector<1x1x32x32xf32>
    %get3A_1259 = vector.shape_cast %get3A_1258 : vector<1x1x32x32xf32> to vector<32x32xf32>
    %get3A_1260 = arith.constant 2 : index
    %get3A_1261 = arith.constant 3 : index
    %get3A_1262 = arith.constant 0 : index
    %get3A_1263 = arith.constant 0 : index
    %get3A_1264 = vector.load %arg2[%get3A_1260, %get3A_1261, %get3A_1262, %get3A_1263] : memref<8x25x32x32xf32, #tpu.memory_space<vmem>>, vector<1x1x32x32xf32>
    %get3A_1265 = vector.shape_cast %get3A_1264 : vector<1x1x32x32xf32> to vector<32x32xf32>
    %get3A_1266 = arith.constant 2 : index
    %get3A_1267 = arith.constant 4 : index
    %get3A_1268 = arith.constant 0 : index
    %get3A_1269 = arith.constant 0 : index
    %get3A_1270 = vector.load %arg2[%get3A_1266, %get3A_1267, %get3A_1268, %get3A_1269] : memref<8x25x32x32xf32, #tpu.memory_space<vmem>>, vector<1x1x32x32xf32>
    %get3A_1271 = vector.shape_cast %get3A_1270 : vector<1x1x32x32xf32> to vector<32x32xf32>
    %neg3A_1272 = arith.constant 0.000000e+00 : f32
    %neg3A_1273 = vector.broadcast %neg3A_1272 : f32 to vector<32x32xf32>
    %neg3A_1274 = arith.subf %neg3A_1273, %get3A_1247 : vector<32x32xf32>
    %exp3A_1275 = math.exp %neg3A_1274 : vector<32x32xf32>
    %add3A_1276 = arith.constant 1.000000e+00 : f32
    %add3A_1277 = vector.broadcast %add3A_1276 : f32 to vector<32x32xf32>
    %add3A_1278 = arith.addf %add3A_1277, %exp3A_1275 : vector<32x32xf32>
    %div3A_1279 = arith.constant 1.000000e+00 : f32
    %div3A_1280 = vector.broadcast %div3A_1279 : f32 to vector<32x32xf32>
    %div3A_1281 = arith.divf %div3A_1280, %add3A_1278 : vector<32x32xf32>
    %neg3A_1282 = arith.constant 0.000000e+00 : f32
    %neg3A_1283 = vector.broadcast %neg3A_1282 : f32 to vector<32x32xf32>
    %neg3A_1284 = arith.subf %neg3A_1283, %get3A_1253 : vector<32x32xf32>
    %exp3A_1285 = math.exp %neg3A_1284 : vector<32x32xf32>
    %add3A_1286 = arith.constant 1.000000e+00 : f32
    %add3A_1287 = vector.broadcast %add3A_1286 : f32 to vector<32x32xf32>
    %add3A_1288 = arith.addf %add3A_1287, %exp3A_1285 : vector<32x32xf32>
    %div3A_1289 = arith.constant 1.000000e+00 : f32
    %div3A_1290 = vector.broadcast %div3A_1289 : f32 to vector<32x32xf32>
    %div3A_1291 = arith.divf %div3A_1290, %add3A_1288 : vector<32x32xf32>
    %neg3A_1292 = arith.constant 0.000000e+00 : f32
    %neg3A_1293 = vector.broadcast %neg3A_1292 : f32 to vector<32x32xf32>
    %neg3A_1294 = arith.subf %neg3A_1293, %get3A_1271 : vector<32x32xf32>
    %exp3A_1295 = math.exp %neg3A_1294 : vector<32x32xf32>
    %add3A_1296 = arith.constant 1.000000e+00 : f32
    %add3A_1297 = vector.broadcast %add3A_1296 : f32 to vector<32x32xf32>
    %add3A_1298 = arith.addf %add3A_1297, %exp3A_1295 : vector<32x32xf32>
    %div3A_1299 = arith.constant 1.000000e+00 : f32
    %div3A_1300 = vector.broadcast %div3A_1299 : f32 to vector<32x32xf32>
    %div3A_1301 = arith.divf %div3A_1300, %add3A_1298 : vector<32x32xf32>
    %exp3A_1302 = math.exp %get3A_1259 : vector<32x32xf32>
    %mul3A_1303 = arith.constant 6.610500e-01 : f32
    %mul3A_1304 = vector.broadcast %mul3A_1303 : f32 to vector<32x32xf32>
    %mul3A_1305 = arith.mulf %exp3A_1302, %mul3A_1304 : vector<32x32xf32>
    %exp3A_1306 = math.exp %get3A_1265 : vector<32x32xf32>
    %mul3A_1307 = arith.constant 0.86572498 : f32
    %mul3A_1308 = vector.broadcast %mul3A_1307 : f32 to vector<32x32xf32>
    %mul3A_1309 = arith.mulf %exp3A_1306, %mul3A_1308 : vector<32x32xf32>
    %add3A_1310 = arith.addf %div3A_1281, %mul3A_1305 : vector<32x32xf32>
    %min3A_1311 = arith.minimumf %add3A_1310, %sub3A_1237 : vector<32x32xf32>
    %sub3A_1312 = arith.subf %div3A_1281, %mul3A_1305 : vector<32x32xf32>
    %max3A_1313 = arith.maximumf %sub3A_1312, %sub3A_1235 : vector<32x32xf32>
    %sub3A_1314 = arith.subf %min3A_1311, %max3A_1313 : vector<32x32xf32>
    %add3A_1315 = arith.addf %div3A_1291, %mul3A_1309 : vector<32x32xf32>
    %min3A_1316 = arith.minimumf %add3A_1315, %sub3A_1241 : vector<32x32xf32>
    %sub3A_1317 = arith.subf %div3A_1291, %mul3A_1309 : vector<32x32xf32>
    %max3A_1318 = arith.maximumf %sub3A_1317, %sub3A_1239 : vector<32x32xf32>
    %sub3A_1319 = arith.subf %min3A_1316, %max3A_1318 : vector<32x32xf32>
    %max3A_1320 = arith.constant 0.000000e+00 : f32
    %max3A_1321 = vector.broadcast %max3A_1320 : f32 to vector<32x32xf32>
    %max3A_1322 = arith.maximumf %sub3A_1314, %max3A_1321 : vector<32x32xf32>
    %max3A_1323 = arith.constant 0.000000e+00 : f32
    %max3A_1324 = vector.broadcast %max3A_1323 : f32 to vector<32x32xf32>
    %max3A_1325 = arith.maximumf %sub3A_1319, %max3A_1324 : vector<32x32xf32>
    %mul3A_1326 = arith.mulf %max3A_1322, %max3A_1325 : vector<32x32xf32>
    %mul3A_1327 = arith.mulf %mul3A_1305, %mul3A_1309 : vector<32x32xf32>
    %mul3A_1328 = arith.constant 1.500000e+00 : f32
    %mul3A_1329 = vector.broadcast %mul3A_1328 : f32 to vector<32x32xf32>
    %mul3A_1330 = arith.mulf %mul3A_1329, %mul3A_1327 : vector<32x32xf32>
    %add3A_1331 = vector.broadcast %mul3A_1233 : f32 to vector<32x32xf32>
    %add3A_1332 = arith.addf %mul3A_1330, %add3A_1331 : vector<32x32xf32>
    %gt3A_1333 = arith.cmpf ogt, %mul3A_1326, %add3A_1332 : vector<32x32xf32>
    %mul3A_1334 = arith.mulf %div3A_1301, %div3A_1301 : vector<32x32xf32>
    %jit3A_1335 = arith.constant 0.000000e+00 : f32
    %broadcast_in_dim3A_1336 = vector.broadcast %jit3A_1335 : f32 to vector<32x32xf32>
    %select_n3A_1337 = arith.select %gt3A_1333, %broadcast_in_dim3A_1336, %mul3A_1334 : vector<32x32xi1>, vector<32x32xf32>
    %sub3A_1338 = arith.constant 5.000000e-01 : f32
    %sub3A_1339 = vector.broadcast %sub3A_1338 : f32 to vector<32x32xf32>
    %sub3A_1340 = arith.subf %div3A_1281, %sub3A_1339 : vector<32x32xf32>
    %mul3A_1341 = arith.mulf %sub3A_1340, %sub3A_1340 : vector<32x32xf32>
    %sub3A_1342 = arith.constant 5.000000e-01 : f32
    %sub3A_1343 = vector.broadcast %sub3A_1342 : f32 to vector<32x32xf32>
    %sub3A_1344 = arith.subf %div3A_1291, %sub3A_1343 : vector<32x32xf32>
    %mul3A_1345 = arith.mulf %sub3A_1344, %sub3A_1344 : vector<32x32xf32>
    %add3A_1346 = arith.addf %mul3A_1341, %mul3A_1345 : vector<32x32xf32>
    %mul3A_1347 = arith.mulf %get3A_1259, %get3A_1259 : vector<32x32xf32>
    %add3A_1348 = arith.addf %add3A_1346, %mul3A_1347 : vector<32x32xf32>
    %mul3A_1349 = arith.mulf %get3A_1265, %get3A_1265 : vector<32x32xf32>
    %add3A_1350 = arith.addf %add3A_1348, %mul3A_1349 : vector<32x32xf32>
    %add3A_1351 = arith.addf %add3A_1350, %select_n3A_1337 : vector<32x32xf32>
    %add3A_1352 = arith.addf %add3A_1194, %add3A_1351 : vector<32x32xf32>
    %get3A_1353 = arith.constant 2 : index
    %get3A_1354 = arith.constant 5 : index
    %get3A_1355 = arith.constant 0 : index
    %get3A_1356 = arith.constant 0 : index
    %get3A_1357 = vector.load %arg2[%get3A_1353, %get3A_1354, %get3A_1355, %get3A_1356] : memref<8x25x32x32xf32, #tpu.memory_space<vmem>>, vector<1x1x32x32xf32>
    %get3A_1358 = vector.shape_cast %get3A_1357 : vector<1x1x32x32xf32> to vector<32x32xf32>
    %get3A_1359 = arith.constant 2 : index
    %get3A_1360 = arith.constant 6 : index
    %get3A_1361 = arith.constant 0 : index
    %get3A_1362 = arith.constant 0 : index
    %get3A_1363 = vector.load %arg2[%get3A_1359, %get3A_1360, %get3A_1361, %get3A_1362] : memref<8x25x32x32xf32, #tpu.memory_space<vmem>>, vector<1x1x32x32xf32>
    %get3A_1364 = vector.shape_cast %get3A_1363 : vector<1x1x32x32xf32> to vector<32x32xf32>
    %get3A_1365 = arith.constant 2 : index
    %get3A_1366 = arith.constant 7 : index
    %get3A_1367 = arith.constant 0 : index
    %get3A_1368 = arith.constant 0 : index
    %get3A_1369 = vector.load %arg2[%get3A_1365, %get3A_1366, %get3A_1367, %get3A_1368] : memref<8x25x32x32xf32, #tpu.memory_space<vmem>>, vector<1x1x32x32xf32>
    %get3A_1370 = vector.shape_cast %get3A_1369 : vector<1x1x32x32xf32> to vector<32x32xf32>
    %get3A_1371 = arith.constant 2 : index
    %get3A_1372 = arith.constant 8 : index
    %get3A_1373 = arith.constant 0 : index
    %get3A_1374 = arith.constant 0 : index
    %get3A_1375 = vector.load %arg2[%get3A_1371, %get3A_1372, %get3A_1373, %get3A_1374] : memref<8x25x32x32xf32, #tpu.memory_space<vmem>>, vector<1x1x32x32xf32>
    %get3A_1376 = vector.shape_cast %get3A_1375 : vector<1x1x32x32xf32> to vector<32x32xf32>
    %get3A_1377 = arith.constant 2 : index
    %get3A_1378 = arith.constant 9 : index
    %get3A_1379 = arith.constant 0 : index
    %get3A_1380 = arith.constant 0 : index
    %get3A_1381 = vector.load %arg2[%get3A_1377, %get3A_1378, %get3A_1379, %get3A_1380] : memref<8x25x32x32xf32, #tpu.memory_space<vmem>>, vector<1x1x32x32xf32>
    %get3A_1382 = vector.shape_cast %get3A_1381 : vector<1x1x32x32xf32> to vector<32x32xf32>
    %neg3A_1383 = arith.constant 0.000000e+00 : f32
    %neg3A_1384 = vector.broadcast %neg3A_1383 : f32 to vector<32x32xf32>
    %neg3A_1385 = arith.subf %neg3A_1384, %get3A_1358 : vector<32x32xf32>
    %exp3A_1386 = math.exp %neg3A_1385 : vector<32x32xf32>
    %add3A_1387 = arith.constant 1.000000e+00 : f32
    %add3A_1388 = vector.broadcast %add3A_1387 : f32 to vector<32x32xf32>
    %add3A_1389 = arith.addf %add3A_1388, %exp3A_1386 : vector<32x32xf32>
    %div3A_1390 = arith.constant 1.000000e+00 : f32
    %div3A_1391 = vector.broadcast %div3A_1390 : f32 to vector<32x32xf32>
    %div3A_1392 = arith.divf %div3A_1391, %add3A_1389 : vector<32x32xf32>
    %neg3A_1393 = arith.constant 0.000000e+00 : f32
    %neg3A_1394 = vector.broadcast %neg3A_1393 : f32 to vector<32x32xf32>
    %neg3A_1395 = arith.subf %neg3A_1394, %get3A_1364 : vector<32x32xf32>
    %exp3A_1396 = math.exp %neg3A_1395 : vector<32x32xf32>
    %add3A_1397 = arith.constant 1.000000e+00 : f32
    %add3A_1398 = vector.broadcast %add3A_1397 : f32 to vector<32x32xf32>
    %add3A_1399 = arith.addf %add3A_1398, %exp3A_1396 : vector<32x32xf32>
    %div3A_1400 = arith.constant 1.000000e+00 : f32
    %div3A_1401 = vector.broadcast %div3A_1400 : f32 to vector<32x32xf32>
    %div3A_1402 = arith.divf %div3A_1401, %add3A_1399 : vector<32x32xf32>
    %neg3A_1403 = arith.constant 0.000000e+00 : f32
    %neg3A_1404 = vector.broadcast %neg3A_1403 : f32 to vector<32x32xf32>
    %neg3A_1405 = arith.subf %neg3A_1404, %get3A_1382 : vector<32x32xf32>
    %exp3A_1406 = math.exp %neg3A_1405 : vector<32x32xf32>
    %add3A_1407 = arith.constant 1.000000e+00 : f32
    %add3A_1408 = vector.broadcast %add3A_1407 : f32 to vector<32x32xf32>
    %add3A_1409 = arith.addf %add3A_1408, %exp3A_1406 : vector<32x32xf32>
    %div3A_1410 = arith.constant 1.000000e+00 : f32
    %div3A_1411 = vector.broadcast %div3A_1410 : f32 to vector<32x32xf32>
    %div3A_1412 = arith.divf %div3A_1411, %add3A_1409 : vector<32x32xf32>
    %exp3A_1413 = math.exp %get3A_1370 : vector<32x32xf32>
    %mul3A_1414 = arith.constant 1.59637499 : f32
    %mul3A_1415 = vector.broadcast %mul3A_1414 : f32 to vector<32x32xf32>
    %mul3A_1416 = arith.mulf %exp3A_1413, %mul3A_1415 : vector<32x32xf32>
    %exp3A_1417 = math.exp %get3A_1376 : vector<32x32xf32>
    %mul3A_1418 = arith.constant 2.004720e+00 : f32
    %mul3A_1419 = vector.broadcast %mul3A_1418 : f32 to vector<32x32xf32>
    %mul3A_1420 = arith.mulf %exp3A_1417, %mul3A_1419 : vector<32x32xf32>
    %add3A_1421 = arith.addf %div3A_1392, %mul3A_1416 : vector<32x32xf32>
    %min3A_1422 = arith.minimumf %add3A_1421, %sub3A_1237 : vector<32x32xf32>
    %sub3A_1423 = arith.subf %div3A_1392, %mul3A_1416 : vector<32x32xf32>
    %max3A_1424 = arith.maximumf %sub3A_1423, %sub3A_1235 : vector<32x32xf32>
    %sub3A_1425 = arith.subf %min3A_1422, %max3A_1424 : vector<32x32xf32>
    %add3A_1426 = arith.addf %div3A_1402, %mul3A_1420 : vector<32x32xf32>
    %min3A_1427 = arith.minimumf %add3A_1426, %sub3A_1241 : vector<32x32xf32>
    %sub3A_1428 = arith.subf %div3A_1402, %mul3A_1420 : vector<32x32xf32>
    %max3A_1429 = arith.maximumf %sub3A_1428, %sub3A_1239 : vector<32x32xf32>
    %sub3A_1430 = arith.subf %min3A_1427, %max3A_1429 : vector<32x32xf32>
    %max3A_1431 = arith.constant 0.000000e+00 : f32
    %max3A_1432 = vector.broadcast %max3A_1431 : f32 to vector<32x32xf32>
    %max3A_1433 = arith.maximumf %sub3A_1425, %max3A_1432 : vector<32x32xf32>
    %max3A_1434 = arith.constant 0.000000e+00 : f32
    %max3A_1435 = vector.broadcast %max3A_1434 : f32 to vector<32x32xf32>
    %max3A_1436 = arith.maximumf %sub3A_1430, %max3A_1435 : vector<32x32xf32>
    %mul3A_1437 = arith.mulf %max3A_1433, %max3A_1436 : vector<32x32xf32>
    %mul3A_1438 = arith.mulf %mul3A_1416, %mul3A_1420 : vector<32x32xf32>
    %mul3A_1439 = arith.constant 1.500000e+00 : f32
    %mul3A_1440 = vector.broadcast %mul3A_1439 : f32 to vector<32x32xf32>
    %mul3A_1441 = arith.mulf %mul3A_1440, %mul3A_1438 : vector<32x32xf32>
    %add3A_1442 = vector.broadcast %mul3A_1233 : f32 to vector<32x32xf32>
    %add3A_1443 = arith.addf %mul3A_1441, %add3A_1442 : vector<32x32xf32>
    %gt3A_1444 = arith.cmpf ogt, %mul3A_1437, %add3A_1443 : vector<32x32xf32>
    %mul3A_1445 = arith.mulf %div3A_1412, %div3A_1412 : vector<32x32xf32>
    %jit3A_1446 = arith.constant 0.000000e+00 : f32
    %broadcast_in_dim3A_1447 = vector.broadcast %jit3A_1446 : f32 to vector<32x32xf32>
    %select_n3A_1448 = arith.select %gt3A_1444, %broadcast_in_dim3A_1447, %mul3A_1445 : vector<32x32xi1>, vector<32x32xf32>
    %sub3A_1449 = arith.constant 5.000000e-01 : f32
    %sub3A_1450 = vector.broadcast %sub3A_1449 : f32 to vector<32x32xf32>
    %sub3A_1451 = arith.subf %div3A_1392, %sub3A_1450 : vector<32x32xf32>
    %mul3A_1452 = arith.mulf %sub3A_1451, %sub3A_1451 : vector<32x32xf32>
    %sub3A_1453 = arith.constant 5.000000e-01 : f32
    %sub3A_1454 = vector.broadcast %sub3A_1453 : f32 to vector<32x32xf32>
    %sub3A_1455 = arith.subf %div3A_1402, %sub3A_1454 : vector<32x32xf32>
    %mul3A_1456 = arith.mulf %sub3A_1455, %sub3A_1455 : vector<32x32xf32>
    %add3A_1457 = arith.addf %mul3A_1452, %mul3A_1456 : vector<32x32xf32>
    %mul3A_1458 = arith.mulf %get3A_1370, %get3A_1370 : vector<32x32xf32>
    %add3A_1459 = arith.addf %add3A_1457, %mul3A_1458 : vector<32x32xf32>
    %mul3A_1460 = arith.mulf %get3A_1376, %get3A_1376 : vector<32x32xf32>
    %add3A_1461 = arith.addf %add3A_1459, %mul3A_1460 : vector<32x32xf32>
    %add3A_1462 = arith.addf %add3A_1461, %select_n3A_1448 : vector<32x32xf32>
    %add3A_1463 = arith.addf %add3A_1352, %add3A_1462 : vector<32x32xf32>
    %get3A_1464 = arith.constant 2 : index
    %get3A_1465 = arith.constant 10 : index
    %get3A_1466 = arith.constant 0 : index
    %get3A_1467 = arith.constant 0 : index
    %get3A_1468 = vector.load %arg2[%get3A_1464, %get3A_1465, %get3A_1466, %get3A_1467] : memref<8x25x32x32xf32, #tpu.memory_space<vmem>>, vector<1x1x32x32xf32>
    %get3A_1469 = vector.shape_cast %get3A_1468 : vector<1x1x32x32xf32> to vector<32x32xf32>
    %get3A_1470 = arith.constant 2 : index
    %get3A_1471 = arith.constant 11 : index
    %get3A_1472 = arith.constant 0 : index
    %get3A_1473 = arith.constant 0 : index
    %get3A_1474 = vector.load %arg2[%get3A_1470, %get3A_1471, %get3A_1472, %get3A_1473] : memref<8x25x32x32xf32, #tpu.memory_space<vmem>>, vector<1x1x32x32xf32>
    %get3A_1475 = vector.shape_cast %get3A_1474 : vector<1x1x32x32xf32> to vector<32x32xf32>
    %get3A_1476 = arith.constant 2 : index
    %get3A_1477 = arith.constant 12 : index
    %get3A_1478 = arith.constant 0 : index
    %get3A_1479 = arith.constant 0 : index
    %get3A_1480 = vector.load %arg2[%get3A_1476, %get3A_1477, %get3A_1478, %get3A_1479] : memref<8x25x32x32xf32, #tpu.memory_space<vmem>>, vector<1x1x32x32xf32>
    %get3A_1481 = vector.shape_cast %get3A_1480 : vector<1x1x32x32xf32> to vector<32x32xf32>
    %get3A_1482 = arith.constant 2 : index
    %get3A_1483 = arith.constant 13 : index
    %get3A_1484 = arith.constant 0 : index
    %get3A_1485 = arith.constant 0 : index
    %get3A_1486 = vector.load %arg2[%get3A_1482, %get3A_1483, %get3A_1484, %get3A_1485] : memref<8x25x32x32xf32, #tpu.memory_space<vmem>>, vector<1x1x32x32xf32>
    %get3A_1487 = vector.shape_cast %get3A_1486 : vector<1x1x32x32xf32> to vector<32x32xf32>
    %get3A_1488 = arith.constant 2 : index
    %get3A_1489 = arith.constant 14 : index
    %get3A_1490 = arith.constant 0 : index
    %get3A_1491 = arith.constant 0 : index
    %get3A_1492 = vector.load %arg2[%get3A_1488, %get3A_1489, %get3A_1490, %get3A_1491] : memref<8x25x32x32xf32, #tpu.memory_space<vmem>>, vector<1x1x32x32xf32>
    %get3A_1493 = vector.shape_cast %get3A_1492 : vector<1x1x32x32xf32> to vector<32x32xf32>
    %neg3A_1494 = arith.constant 0.000000e+00 : f32
    %neg3A_1495 = vector.broadcast %neg3A_1494 : f32 to vector<32x32xf32>
    %neg3A_1496 = arith.subf %neg3A_1495, %get3A_1469 : vector<32x32xf32>
    %exp3A_1497 = math.exp %neg3A_1496 : vector<32x32xf32>
    %add3A_1498 = arith.constant 1.000000e+00 : f32
    %add3A_1499 = vector.broadcast %add3A_1498 : f32 to vector<32x32xf32>
    %add3A_1500 = arith.addf %add3A_1499, %exp3A_1497 : vector<32x32xf32>
    %div3A_1501 = arith.constant 1.000000e+00 : f32
    %div3A_1502 = vector.broadcast %div3A_1501 : f32 to vector<32x32xf32>
    %div3A_1503 = arith.divf %div3A_1502, %add3A_1500 : vector<32x32xf32>
    %neg3A_1504 = arith.constant 0.000000e+00 : f32
    %neg3A_1505 = vector.broadcast %neg3A_1504 : f32 to vector<32x32xf32>
    %neg3A_1506 = arith.subf %neg3A_1505, %get3A_1475 : vector<32x32xf32>
    %exp3A_1507 = math.exp %neg3A_1506 : vector<32x32xf32>
    %add3A_1508 = arith.constant 1.000000e+00 : f32
    %add3A_1509 = vector.broadcast %add3A_1508 : f32 to vector<32x32xf32>
    %add3A_1510 = arith.addf %add3A_1509, %exp3A_1507 : vector<32x32xf32>
    %div3A_1511 = arith.constant 1.000000e+00 : f32
    %div3A_1512 = vector.broadcast %div3A_1511 : f32 to vector<32x32xf32>
    %div3A_1513 = arith.divf %div3A_1512, %add3A_1510 : vector<32x32xf32>
    %neg3A_1514 = arith.constant 0.000000e+00 : f32
    %neg3A_1515 = vector.broadcast %neg3A_1514 : f32 to vector<32x32xf32>
    %neg3A_1516 = arith.subf %neg3A_1515, %get3A_1493 : vector<32x32xf32>
    %exp3A_1517 = math.exp %neg3A_1516 : vector<32x32xf32>
    %add3A_1518 = arith.constant 1.000000e+00 : f32
    %add3A_1519 = vector.broadcast %add3A_1518 : f32 to vector<32x32xf32>
    %add3A_1520 = arith.addf %add3A_1519, %exp3A_1517 : vector<32x32xf32>
    %div3A_1521 = arith.constant 1.000000e+00 : f32
    %div3A_1522 = vector.broadcast %div3A_1521 : f32 to vector<32x32xf32>
    %div3A_1523 = arith.divf %div3A_1522, %add3A_1520 : vector<32x32xf32>
    %exp3A_1524 = math.exp %get3A_1481 : vector<32x32xf32>
    %mul3A_1525 = arith.constant 2.52793503 : f32
    %mul3A_1526 = vector.broadcast %mul3A_1525 : f32 to vector<32x32xf32>
    %mul3A_1527 = arith.mulf %exp3A_1524, %mul3A_1526 : vector<32x32xf32>
    %exp3A_1528 = math.exp %get3A_1487 : vector<32x32xf32>
    %mul3A_1529 = arith.constant 4.049460e+00 : f32
    %mul3A_1530 = vector.broadcast %mul3A_1529 : f32 to vector<32x32xf32>
    %mul3A_1531 = arith.mulf %exp3A_1528, %mul3A_1530 : vector<32x32xf32>
    %add3A_1532 = arith.addf %div3A_1503, %mul3A_1527 : vector<32x32xf32>
    %min3A_1533 = arith.minimumf %add3A_1532, %sub3A_1237 : vector<32x32xf32>
    %sub3A_1534 = arith.subf %div3A_1503, %mul3A_1527 : vector<32x32xf32>
    %max3A_1535 = arith.maximumf %sub3A_1534, %sub3A_1235 : vector<32x32xf32>
    %sub3A_1536 = arith.subf %min3A_1533, %max3A_1535 : vector<32x32xf32>
    %add3A_1537 = arith.addf %div3A_1513, %mul3A_1531 : vector<32x32xf32>
    %min3A_1538 = arith.minimumf %add3A_1537, %sub3A_1241 : vector<32x32xf32>
    %sub3A_1539 = arith.subf %div3A_1513, %mul3A_1531 : vector<32x32xf32>
    %max3A_1540 = arith.maximumf %sub3A_1539, %sub3A_1239 : vector<32x32xf32>
    %sub3A_1541 = arith.subf %min3A_1538, %max3A_1540 : vector<32x32xf32>
    %max3A_1542 = arith.constant 0.000000e+00 : f32
    %max3A_1543 = vector.broadcast %max3A_1542 : f32 to vector<32x32xf32>
    %max3A_1544 = arith.maximumf %sub3A_1536, %max3A_1543 : vector<32x32xf32>
    %max3A_1545 = arith.constant 0.000000e+00 : f32
    %max3A_1546 = vector.broadcast %max3A_1545 : f32 to vector<32x32xf32>
    %max3A_1547 = arith.maximumf %sub3A_1541, %max3A_1546 : vector<32x32xf32>
    %mul3A_1548 = arith.mulf %max3A_1544, %max3A_1547 : vector<32x32xf32>
    %mul3A_1549 = arith.mulf %mul3A_1527, %mul3A_1531 : vector<32x32xf32>
    %mul3A_1550 = arith.constant 1.500000e+00 : f32
    %mul3A_1551 = vector.broadcast %mul3A_1550 : f32 to vector<32x32xf32>
    %mul3A_1552 = arith.mulf %mul3A_1551, %mul3A_1549 : vector<32x32xf32>
    %add3A_1553 = vector.broadcast %mul3A_1233 : f32 to vector<32x32xf32>
    %add3A_1554 = arith.addf %mul3A_1552, %add3A_1553 : vector<32x32xf32>
    %gt3A_1555 = arith.cmpf ogt, %mul3A_1548, %add3A_1554 : vector<32x32xf32>
    %mul3A_1556 = arith.mulf %div3A_1523, %div3A_1523 : vector<32x32xf32>
    %jit3A_1557 = arith.constant 0.000000e+00 : f32
    %broadcast_in_dim3A_1558 = vector.broadcast %jit3A_1557 : f32 to vector<32x32xf32>
    %select_n3A_1559 = arith.select %gt3A_1555, %broadcast_in_dim3A_1558, %mul3A_1556 : vector<32x32xi1>, vector<32x32xf32>
    %sub3A_1560 = arith.constant 5.000000e-01 : f32
    %sub3A_1561 = vector.broadcast %sub3A_1560 : f32 to vector<32x32xf32>
    %sub3A_1562 = arith.subf %div3A_1503, %sub3A_1561 : vector<32x32xf32>
    %mul3A_1563 = arith.mulf %sub3A_1562, %sub3A_1562 : vector<32x32xf32>
    %sub3A_1564 = arith.constant 5.000000e-01 : f32
    %sub3A_1565 = vector.broadcast %sub3A_1564 : f32 to vector<32x32xf32>
    %sub3A_1566 = arith.subf %div3A_1513, %sub3A_1565 : vector<32x32xf32>
    %mul3A_1567 = arith.mulf %sub3A_1566, %sub3A_1566 : vector<32x32xf32>
    %add3A_1568 = arith.addf %mul3A_1563, %mul3A_1567 : vector<32x32xf32>
    %mul3A_1569 = arith.mulf %get3A_1481, %get3A_1481 : vector<32x32xf32>
    %add3A_1570 = arith.addf %add3A_1568, %mul3A_1569 : vector<32x32xf32>
    %mul3A_1571 = arith.mulf %get3A_1487, %get3A_1487 : vector<32x32xf32>
    %add3A_1572 = arith.addf %add3A_1570, %mul3A_1571 : vector<32x32xf32>
    %add3A_1573 = arith.addf %add3A_1572, %select_n3A_1559 : vector<32x32xf32>
    %add3A_1574 = arith.addf %add3A_1463, %add3A_1573 : vector<32x32xf32>
    %get3A_1575 = arith.constant 2 : index
    %get3A_1576 = arith.constant 15 : index
    %get3A_1577 = arith.constant 0 : index
    %get3A_1578 = arith.constant 0 : index
    %get3A_1579 = vector.load %arg2[%get3A_1575, %get3A_1576, %get3A_1577, %get3A_1578] : memref<8x25x32x32xf32, #tpu.memory_space<vmem>>, vector<1x1x32x32xf32>
    %get3A_1580 = vector.shape_cast %get3A_1579 : vector<1x1x32x32xf32> to vector<32x32xf32>
    %get3A_1581 = arith.constant 2 : index
    %get3A_1582 = arith.constant 16 : index
    %get3A_1583 = arith.constant 0 : index
    %get3A_1584 = arith.constant 0 : index
    %get3A_1585 = vector.load %arg2[%get3A_1581, %get3A_1582, %get3A_1583, %get3A_1584] : memref<8x25x32x32xf32, #tpu.memory_space<vmem>>, vector<1x1x32x32xf32>
    %get3A_1586 = vector.shape_cast %get3A_1585 : vector<1x1x32x32xf32> to vector<32x32xf32>
    %get3A_1587 = arith.constant 2 : index
    %get3A_1588 = arith.constant 17 : index
    %get3A_1589 = arith.constant 0 : index
    %get3A_1590 = arith.constant 0 : index
    %get3A_1591 = vector.load %arg2[%get3A_1587, %get3A_1588, %get3A_1589, %get3A_1590] : memref<8x25x32x32xf32, #tpu.memory_space<vmem>>, vector<1x1x32x32xf32>
    %get3A_1592 = vector.shape_cast %get3A_1591 : vector<1x1x32x32xf32> to vector<32x32xf32>
    %get3A_1593 = arith.constant 2 : index
    %get3A_1594 = arith.constant 18 : index
    %get3A_1595 = arith.constant 0 : index
    %get3A_1596 = arith.constant 0 : index
    %get3A_1597 = vector.load %arg2[%get3A_1593, %get3A_1594, %get3A_1595, %get3A_1596] : memref<8x25x32x32xf32, #tpu.memory_space<vmem>>, vector<1x1x32x32xf32>
    %get3A_1598 = vector.shape_cast %get3A_1597 : vector<1x1x32x32xf32> to vector<32x32xf32>
    %get3A_1599 = arith.constant 2 : index
    %get3A_1600 = arith.constant 19 : index
    %get3A_1601 = arith.constant 0 : index
    %get3A_1602 = arith.constant 0 : index
    %get3A_1603 = vector.load %arg2[%get3A_1599, %get3A_1600, %get3A_1601, %get3A_1602] : memref<8x25x32x32xf32, #tpu.memory_space<vmem>>, vector<1x1x32x32xf32>
    %get3A_1604 = vector.shape_cast %get3A_1603 : vector<1x1x32x32xf32> to vector<32x32xf32>
    %neg3A_1605 = arith.constant 0.000000e+00 : f32
    %neg3A_1606 = vector.broadcast %neg3A_1605 : f32 to vector<32x32xf32>
    %neg3A_1607 = arith.subf %neg3A_1606, %get3A_1580 : vector<32x32xf32>
    %exp3A_1608 = math.exp %neg3A_1607 : vector<32x32xf32>
    %add3A_1609 = arith.constant 1.000000e+00 : f32
    %add3A_1610 = vector.broadcast %add3A_1609 : f32 to vector<32x32xf32>
    %add3A_1611 = arith.addf %add3A_1610, %exp3A_1608 : vector<32x32xf32>
    %div3A_1612 = arith.constant 1.000000e+00 : f32
    %div3A_1613 = vector.broadcast %div3A_1612 : f32 to vector<32x32xf32>
    %div3A_1614 = arith.divf %div3A_1613, %add3A_1611 : vector<32x32xf32>
    %neg3A_1615 = arith.constant 0.000000e+00 : f32
    %neg3A_1616 = vector.broadcast %neg3A_1615 : f32 to vector<32x32xf32>
    %neg3A_1617 = arith.subf %neg3A_1616, %get3A_1586 : vector<32x32xf32>
    %exp3A_1618 = math.exp %neg3A_1617 : vector<32x32xf32>
    %add3A_1619 = arith.constant 1.000000e+00 : f32
    %add3A_1620 = vector.broadcast %add3A_1619 : f32 to vector<32x32xf32>
    %add3A_1621 = arith.addf %add3A_1620, %exp3A_1618 : vector<32x32xf32>
    %div3A_1622 = arith.constant 1.000000e+00 : f32
    %div3A_1623 = vector.broadcast %div3A_1622 : f32 to vector<32x32xf32>
    %div3A_1624 = arith.divf %div3A_1623, %add3A_1621 : vector<32x32xf32>
    %neg3A_1625 = arith.constant 0.000000e+00 : f32
    %neg3A_1626 = vector.broadcast %neg3A_1625 : f32 to vector<32x32xf32>
    %neg3A_1627 = arith.subf %neg3A_1626, %get3A_1604 : vector<32x32xf32>
    %exp3A_1628 = math.exp %neg3A_1627 : vector<32x32xf32>
    %add3A_1629 = arith.constant 1.000000e+00 : f32
    %add3A_1630 = vector.broadcast %add3A_1629 : f32 to vector<32x32xf32>
    %add3A_1631 = arith.addf %add3A_1630, %exp3A_1628 : vector<32x32xf32>
    %div3A_1632 = arith.constant 1.000000e+00 : f32
    %div3A_1633 = vector.broadcast %div3A_1632 : f32 to vector<32x32xf32>
    %div3A_1634 = arith.divf %div3A_1633, %add3A_1631 : vector<32x32xf32>
    %exp3A_1635 = math.exp %get3A_1592 : vector<32x32xf32>
    %mul3A_1636 = arith.constant 4.735560e+00 : f32
    %mul3A_1637 = vector.broadcast %mul3A_1636 : f32 to vector<32x32xf32>
    %mul3A_1638 = arith.mulf %exp3A_1635, %mul3A_1637 : vector<32x32xf32>
    %exp3A_1639 = math.exp %get3A_1598 : vector<32x32xf32>
    %mul3A_1640 = arith.constant 2.42026496 : f32
    %mul3A_1641 = vector.broadcast %mul3A_1640 : f32 to vector<32x32xf32>
    %mul3A_1642 = arith.mulf %exp3A_1639, %mul3A_1641 : vector<32x32xf32>
    %add3A_1643 = arith.addf %div3A_1614, %mul3A_1638 : vector<32x32xf32>
    %min3A_1644 = arith.minimumf %add3A_1643, %sub3A_1237 : vector<32x32xf32>
    %sub3A_1645 = arith.subf %div3A_1614, %mul3A_1638 : vector<32x32xf32>
    %max3A_1646 = arith.maximumf %sub3A_1645, %sub3A_1235 : vector<32x32xf32>
    %sub3A_1647 = arith.subf %min3A_1644, %max3A_1646 : vector<32x32xf32>
    %add3A_1648 = arith.addf %div3A_1624, %mul3A_1642 : vector<32x32xf32>
    %min3A_1649 = arith.minimumf %add3A_1648, %sub3A_1241 : vector<32x32xf32>
    %sub3A_1650 = arith.subf %div3A_1624, %mul3A_1642 : vector<32x32xf32>
    %max3A_1651 = arith.maximumf %sub3A_1650, %sub3A_1239 : vector<32x32xf32>
    %sub3A_1652 = arith.subf %min3A_1649, %max3A_1651 : vector<32x32xf32>
    %max3A_1653 = arith.constant 0.000000e+00 : f32
    %max3A_1654 = vector.broadcast %max3A_1653 : f32 to vector<32x32xf32>
    %max3A_1655 = arith.maximumf %sub3A_1647, %max3A_1654 : vector<32x32xf32>
    %max3A_1656 = arith.constant 0.000000e+00 : f32
    %max3A_1657 = vector.broadcast %max3A_1656 : f32 to vector<32x32xf32>
    %max3A_1658 = arith.maximumf %sub3A_1652, %max3A_1657 : vector<32x32xf32>
    %mul3A_1659 = arith.mulf %max3A_1655, %max3A_1658 : vector<32x32xf32>
    %mul3A_1660 = arith.mulf %mul3A_1638, %mul3A_1642 : vector<32x32xf32>
    %mul3A_1661 = arith.constant 1.500000e+00 : f32
    %mul3A_1662 = vector.broadcast %mul3A_1661 : f32 to vector<32x32xf32>
    %mul3A_1663 = arith.mulf %mul3A_1662, %mul3A_1660 : vector<32x32xf32>
    %add3A_1664 = vector.broadcast %mul3A_1233 : f32 to vector<32x32xf32>
    %add3A_1665 = arith.addf %mul3A_1663, %add3A_1664 : vector<32x32xf32>
    %gt3A_1666 = arith.cmpf ogt, %mul3A_1659, %add3A_1665 : vector<32x32xf32>
    %mul3A_1667 = arith.mulf %div3A_1634, %div3A_1634 : vector<32x32xf32>
    %jit3A_1668 = arith.constant 0.000000e+00 : f32
    %broadcast_in_dim3A_1669 = vector.broadcast %jit3A_1668 : f32 to vector<32x32xf32>
    %select_n3A_1670 = arith.select %gt3A_1666, %broadcast_in_dim3A_1669, %mul3A_1667 : vector<32x32xi1>, vector<32x32xf32>
    %sub3A_1671 = arith.constant 5.000000e-01 : f32
    %sub3A_1672 = vector.broadcast %sub3A_1671 : f32 to vector<32x32xf32>
    %sub3A_1673 = arith.subf %div3A_1614, %sub3A_1672 : vector<32x32xf32>
    %mul3A_1674 = arith.mulf %sub3A_1673, %sub3A_1673 : vector<32x32xf32>
    %sub3A_1675 = arith.constant 5.000000e-01 : f32
    %sub3A_1676 = vector.broadcast %sub3A_1675 : f32 to vector<32x32xf32>
    %sub3A_1677 = arith.subf %div3A_1624, %sub3A_1676 : vector<32x32xf32>
    %mul3A_1678 = arith.mulf %sub3A_1677, %sub3A_1677 : vector<32x32xf32>
    %add3A_1679 = arith.addf %mul3A_1674, %mul3A_1678 : vector<32x32xf32>
    %mul3A_1680 = arith.mulf %get3A_1592, %get3A_1592 : vector<32x32xf32>
    %add3A_1681 = arith.addf %add3A_1679, %mul3A_1680 : vector<32x32xf32>
    %mul3A_1682 = arith.mulf %get3A_1598, %get3A_1598 : vector<32x32xf32>
    %add3A_1683 = arith.addf %add3A_1681, %mul3A_1682 : vector<32x32xf32>
    %add3A_1684 = arith.addf %add3A_1683, %select_n3A_1670 : vector<32x32xf32>
    %add3A_1685 = arith.addf %add3A_1574, %add3A_1684 : vector<32x32xf32>
    %get3A_1686 = arith.constant 2 : index
    %get3A_1687 = arith.constant 20 : index
    %get3A_1688 = arith.constant 0 : index
    %get3A_1689 = arith.constant 0 : index
    %get3A_1690 = vector.load %arg2[%get3A_1686, %get3A_1687, %get3A_1688, %get3A_1689] : memref<8x25x32x32xf32, #tpu.memory_space<vmem>>, vector<1x1x32x32xf32>
    %get3A_1691 = vector.shape_cast %get3A_1690 : vector<1x1x32x32xf32> to vector<32x32xf32>
    %get3A_1692 = arith.constant 2 : index
    %get3A_1693 = arith.constant 21 : index
    %get3A_1694 = arith.constant 0 : index
    %get3A_1695 = arith.constant 0 : index
    %get3A_1696 = vector.load %arg2[%get3A_1692, %get3A_1693, %get3A_1694, %get3A_1695] : memref<8x25x32x32xf32, #tpu.memory_space<vmem>>, vector<1x1x32x32xf32>
    %get3A_1697 = vector.shape_cast %get3A_1696 : vector<1x1x32x32xf32> to vector<32x32xf32>
    %get3A_1698 = arith.constant 2 : index
    %get3A_1699 = arith.constant 22 : index
    %get3A_1700 = arith.constant 0 : index
    %get3A_1701 = arith.constant 0 : index
    %get3A_1702 = vector.load %arg2[%get3A_1698, %get3A_1699, %get3A_1700, %get3A_1701] : memref<8x25x32x32xf32, #tpu.memory_space<vmem>>, vector<1x1x32x32xf32>
    %get3A_1703 = vector.shape_cast %get3A_1702 : vector<1x1x32x32xf32> to vector<32x32xf32>
    %get3A_1704 = arith.constant 2 : index
    %get3A_1705 = arith.constant 23 : index
    %get3A_1706 = arith.constant 0 : index
    %get3A_1707 = arith.constant 0 : index
    %get3A_1708 = vector.load %arg2[%get3A_1704, %get3A_1705, %get3A_1706, %get3A_1707] : memref<8x25x32x32xf32, #tpu.memory_space<vmem>>, vector<1x1x32x32xf32>
    %get3A_1709 = vector.shape_cast %get3A_1708 : vector<1x1x32x32xf32> to vector<32x32xf32>
    %get3A_1710 = arith.constant 2 : index
    %get3A_1711 = arith.constant 24 : index
    %get3A_1712 = arith.constant 0 : index
    %get3A_1713 = arith.constant 0 : index
    %get3A_1714 = vector.load %arg2[%get3A_1710, %get3A_1711, %get3A_1712, %get3A_1713] : memref<8x25x32x32xf32, #tpu.memory_space<vmem>>, vector<1x1x32x32xf32>
    %get3A_1715 = vector.shape_cast %get3A_1714 : vector<1x1x32x32xf32> to vector<32x32xf32>
    %neg3A_1716 = arith.constant 0.000000e+00 : f32
    %neg3A_1717 = vector.broadcast %neg3A_1716 : f32 to vector<32x32xf32>
    %neg3A_1718 = arith.subf %neg3A_1717, %get3A_1691 : vector<32x32xf32>
    %exp3A_1719 = math.exp %neg3A_1718 : vector<32x32xf32>
    %add3A_1720 = arith.constant 1.000000e+00 : f32
    %add3A_1721 = vector.broadcast %add3A_1720 : f32 to vector<32x32xf32>
    %add3A_1722 = arith.addf %add3A_1721, %exp3A_1719 : vector<32x32xf32>
    %div3A_1723 = arith.constant 1.000000e+00 : f32
    %div3A_1724 = vector.broadcast %div3A_1723 : f32 to vector<32x32xf32>
    %div3A_1725 = arith.divf %div3A_1724, %add3A_1722 : vector<32x32xf32>
    %neg3A_1726 = arith.constant 0.000000e+00 : f32
    %neg3A_1727 = vector.broadcast %neg3A_1726 : f32 to vector<32x32xf32>
    %neg3A_1728 = arith.subf %neg3A_1727, %get3A_1697 : vector<32x32xf32>
    %exp3A_1729 = math.exp %neg3A_1728 : vector<32x32xf32>
    %add3A_1730 = arith.constant 1.000000e+00 : f32
    %add3A_1731 = vector.broadcast %add3A_1730 : f32 to vector<32x32xf32>
    %add3A_1732 = arith.addf %add3A_1731, %exp3A_1729 : vector<32x32xf32>
    %div3A_1733 = arith.constant 1.000000e+00 : f32
    %div3A_1734 = vector.broadcast %div3A_1733 : f32 to vector<32x32xf32>
    %div3A_1735 = arith.divf %div3A_1734, %add3A_1732 : vector<32x32xf32>
    %neg3A_1736 = arith.constant 0.000000e+00 : f32
    %neg3A_1737 = vector.broadcast %neg3A_1736 : f32 to vector<32x32xf32>
    %neg3A_1738 = arith.subf %neg3A_1737, %get3A_1715 : vector<32x32xf32>
    %exp3A_1739 = math.exp %neg3A_1738 : vector<32x32xf32>
    %add3A_1740 = arith.constant 1.000000e+00 : f32
    %add3A_1741 = vector.broadcast %add3A_1740 : f32 to vector<32x32xf32>
    %add3A_1742 = arith.addf %add3A_1741, %exp3A_1739 : vector<32x32xf32>
    %div3A_1743 = arith.constant 1.000000e+00 : f32
    %div3A_1744 = vector.broadcast %div3A_1743 : f32 to vector<32x32xf32>
    %div3A_1745 = arith.divf %div3A_1744, %add3A_1742 : vector<32x32xf32>
    %exp3A_1746 = math.exp %get3A_1703 : vector<32x32xf32>
    %mul3A_1747 = arith.constant 5.618200e+00 : f32
    %mul3A_1748 = vector.broadcast %mul3A_1747 : f32 to vector<32x32xf32>
    %mul3A_1749 = arith.mulf %exp3A_1746, %mul3A_1748 : vector<32x32xf32>
    %exp3A_1750 = math.exp %get3A_1709 : vector<32x32xf32>
    %mul3A_1751 = arith.constant 5.003550e+00 : f32
    %mul3A_1752 = vector.broadcast %mul3A_1751 : f32 to vector<32x32xf32>
    %mul3A_1753 = arith.mulf %exp3A_1750, %mul3A_1752 : vector<32x32xf32>
    %add3A_1754 = arith.addf %div3A_1725, %mul3A_1749 : vector<32x32xf32>
    %min3A_1755 = arith.minimumf %add3A_1754, %sub3A_1237 : vector<32x32xf32>
    %sub3A_1756 = arith.subf %div3A_1725, %mul3A_1749 : vector<32x32xf32>
    %max3A_1757 = arith.maximumf %sub3A_1756, %sub3A_1235 : vector<32x32xf32>
    %sub3A_1758 = arith.subf %min3A_1755, %max3A_1757 : vector<32x32xf32>
    %add3A_1759 = arith.addf %div3A_1735, %mul3A_1753 : vector<32x32xf32>
    %min3A_1760 = arith.minimumf %add3A_1759, %sub3A_1241 : vector<32x32xf32>
    %sub3A_1761 = arith.subf %div3A_1735, %mul3A_1753 : vector<32x32xf32>
    %max3A_1762 = arith.maximumf %sub3A_1761, %sub3A_1239 : vector<32x32xf32>
    %sub3A_1763 = arith.subf %min3A_1760, %max3A_1762 : vector<32x32xf32>
    %max3A_1764 = arith.constant 0.000000e+00 : f32
    %max3A_1765 = vector.broadcast %max3A_1764 : f32 to vector<32x32xf32>
    %max3A_1766 = arith.maximumf %sub3A_1758, %max3A_1765 : vector<32x32xf32>
    %max3A_1767 = arith.constant 0.000000e+00 : f32
    %max3A_1768 = vector.broadcast %max3A_1767 : f32 to vector<32x32xf32>
    %max3A_1769 = arith.maximumf %sub3A_1763, %max3A_1768 : vector<32x32xf32>
    %mul3A_1770 = arith.mulf %max3A_1766, %max3A_1769 : vector<32x32xf32>
    %mul3A_1771 = arith.mulf %mul3A_1749, %mul3A_1753 : vector<32x32xf32>
    %mul3A_1772 = arith.constant 1.500000e+00 : f32
    %mul3A_1773 = vector.broadcast %mul3A_1772 : f32 to vector<32x32xf32>
    %mul3A_1774 = arith.mulf %mul3A_1773, %mul3A_1771 : vector<32x32xf32>
    %add3A_1775 = vector.broadcast %mul3A_1233 : f32 to vector<32x32xf32>
    %add3A_1776 = arith.addf %mul3A_1774, %add3A_1775 : vector<32x32xf32>
    %gt3A_1777 = arith.cmpf ogt, %mul3A_1770, %add3A_1776 : vector<32x32xf32>
    %mul3A_1778 = arith.mulf %div3A_1745, %div3A_1745 : vector<32x32xf32>
    %jit3A_1779 = arith.constant 0.000000e+00 : f32
    %broadcast_in_dim3A_1780 = vector.broadcast %jit3A_1779 : f32 to vector<32x32xf32>
    %select_n3A_1781 = arith.select %gt3A_1777, %broadcast_in_dim3A_1780, %mul3A_1778 : vector<32x32xi1>, vector<32x32xf32>
    %sub3A_1782 = arith.constant 5.000000e-01 : f32
    %sub3A_1783 = vector.broadcast %sub3A_1782 : f32 to vector<32x32xf32>
    %sub3A_1784 = arith.subf %div3A_1725, %sub3A_1783 : vector<32x32xf32>
    %mul3A_1785 = arith.mulf %sub3A_1784, %sub3A_1784 : vector<32x32xf32>
    %sub3A_1786 = arith.constant 5.000000e-01 : f32
    %sub3A_1787 = vector.broadcast %sub3A_1786 : f32 to vector<32x32xf32>
    %sub3A_1788 = arith.subf %div3A_1735, %sub3A_1787 : vector<32x32xf32>
    %mul3A_1789 = arith.mulf %sub3A_1788, %sub3A_1788 : vector<32x32xf32>
    %add3A_1790 = arith.addf %mul3A_1785, %mul3A_1789 : vector<32x32xf32>
    %mul3A_1791 = arith.mulf %get3A_1703, %get3A_1703 : vector<32x32xf32>
    %add3A_1792 = arith.addf %add3A_1790, %mul3A_1791 : vector<32x32xf32>
    %mul3A_1793 = arith.mulf %get3A_1709, %get3A_1709 : vector<32x32xf32>
    %add3A_1794 = arith.addf %add3A_1792, %mul3A_1793 : vector<32x32xf32>
    %add3A_1795 = arith.addf %add3A_1794, %select_n3A_1781 : vector<32x32xf32>
    %add3A_1796 = arith.addf %add3A_1685, %add3A_1795 : vector<32x32xf32>
    %mul3A_1797 = arith.constant 8 : i32
    %mul3A_1798 = arith.muli %arg0, %mul3A_1797 : i32
    %add3A_1799 = arith.constant 3 : i32
    %add3A_1800 = arith.addi %mul3A_1798, %add3A_1799 : i32
    %get3A_1801 = arith.index_cast %add3A_1800 : i32 to index
    %get3A_1802 = arith.constant 0 : index
    %get3A_1803 = memref.load %arg1[%get3A_1801, %get3A_1802] : memref<16x4xf32, #tpu.memory_space<smem>>
    %mul3A_1804 = arith.constant 3.200000e+01 : f32
    %mul3A_1805 = arith.mulf %get3A_1803, %mul3A_1804 : f32
    %get3A_1806 = arith.index_cast %add3A_1800 : i32 to index
    %get3A_1807 = arith.constant 1 : index
    %get3A_1808 = memref.load %arg1[%get3A_1806, %get3A_1807] : memref<16x4xf32, #tpu.memory_space<smem>>
    %mul3A_1809 = arith.constant 3.200000e+01 : f32
    %mul3A_1810 = arith.mulf %get3A_1808, %mul3A_1809 : f32
    %get3A_1811 = arith.index_cast %add3A_1800 : i32 to index
    %get3A_1812 = arith.constant 2 : index
    %get3A_1813 = memref.load %arg1[%get3A_1811, %get3A_1812] : memref<16x4xf32, #tpu.memory_space<smem>>
    %mul3A_1814 = arith.constant 3.200000e+01 : f32
    %mul3A_1815 = arith.mulf %get3A_1813, %mul3A_1814 : f32
    %get3A_1816 = arith.index_cast %add3A_1800 : i32 to index
    %get3A_1817 = arith.constant 3 : index
    %get3A_1818 = memref.load %arg1[%get3A_1816, %get3A_1817] : memref<16x4xf32, #tpu.memory_space<smem>>
    %mul3A_1819 = arith.constant 3.200000e+01 : f32
    %mul3A_1820 = arith.mulf %get3A_1818, %mul3A_1819 : f32
    %mul3A_1821 = arith.constant 5.000000e-01 : f32
    %mul3A_1822 = arith.mulf %mul3A_1815, %mul3A_1821 : f32
    %sub3A_1823 = arith.subf %mul3A_1805, %mul3A_1822 : f32
    %mul3A_1824 = arith.constant 5.000000e-01 : f32
    %mul3A_1825 = arith.mulf %mul3A_1815, %mul3A_1824 : f32
    %add3A_1826 = arith.addf %mul3A_1805, %mul3A_1825 : f32
    %mul3A_1827 = arith.constant 5.000000e-01 : f32
    %mul3A_1828 = arith.mulf %mul3A_1820, %mul3A_1827 : f32
    %sub3A_1829 = arith.subf %mul3A_1810, %mul3A_1828 : f32
    %mul3A_1830 = arith.constant 5.000000e-01 : f32
    %mul3A_1831 = arith.mulf %mul3A_1820, %mul3A_1830 : f32
    %add3A_1832 = arith.addf %mul3A_1810, %mul3A_1831 : f32
    %mul3A_1833 = arith.mulf %mul3A_1815, %mul3A_1820 : f32
    %mul3A_1834 = arith.constant 3.750000e-01 : f32
    %mul3A_1835 = arith.mulf %mul3A_1833, %mul3A_1834 : f32
    %sub3A_1836 = vector.broadcast %sub3A_1823 : f32 to vector<32x32xf32>
    %sub3A_1837 = arith.subf %sub3A_1836, %convert_element_type3A : vector<32x32xf32>
    %sub3A_1838 = vector.broadcast %add3A_1826 : f32 to vector<32x32xf32>
    %sub3A_1839 = arith.subf %sub3A_1838, %convert_element_type3A : vector<32x32xf32>
    %sub3A_1840 = vector.broadcast %sub3A_1829 : f32 to vector<32x32xf32>
    %sub3A_1841 = arith.subf %sub3A_1840, %convert_element_type3A_1 : vector<32x32xf32>
    %sub3A_1842 = vector.broadcast %add3A_1832 : f32 to vector<32x32xf32>
    %sub3A_1843 = arith.subf %sub3A_1842, %convert_element_type3A_1 : vector<32x32xf32>
    %get3A_1844 = arith.constant 3 : index
    %get3A_1845 = arith.constant 0 : index
    %get3A_1846 = arith.constant 0 : index
    %get3A_1847 = arith.constant 0 : index
    %get3A_1848 = vector.load %arg2[%get3A_1844, %get3A_1845, %get3A_1846, %get3A_1847] : memref<8x25x32x32xf32, #tpu.memory_space<vmem>>, vector<1x1x32x32xf32>
    %get3A_1849 = vector.shape_cast %get3A_1848 : vector<1x1x32x32xf32> to vector<32x32xf32>
    %get3A_1850 = arith.constant 3 : index
    %get3A_1851 = arith.constant 1 : index
    %get3A_1852 = arith.constant 0 : index
    %get3A_1853 = arith.constant 0 : index
    %get3A_1854 = vector.load %arg2[%get3A_1850, %get3A_1851, %get3A_1852, %get3A_1853] : memref<8x25x32x32xf32, #tpu.memory_space<vmem>>, vector<1x1x32x32xf32>
    %get3A_1855 = vector.shape_cast %get3A_1854 : vector<1x1x32x32xf32> to vector<32x32xf32>
    %get3A_1856 = arith.constant 3 : index
    %get3A_1857 = arith.constant 2 : index
    %get3A_1858 = arith.constant 0 : index
    %get3A_1859 = arith.constant 0 : index
    %get3A_1860 = vector.load %arg2[%get3A_1856, %get3A_1857, %get3A_1858, %get3A_1859] : memref<8x25x32x32xf32, #tpu.memory_space<vmem>>, vector<1x1x32x32xf32>
    %get3A_1861 = vector.shape_cast %get3A_1860 : vector<1x1x32x32xf32> to vector<32x32xf32>
    %get3A_1862 = arith.constant 3 : index
    %get3A_1863 = arith.constant 3 : index
    %get3A_1864 = arith.constant 0 : index
    %get3A_1865 = arith.constant 0 : index
    %get3A_1866 = vector.load %arg2[%get3A_1862, %get3A_1863, %get3A_1864, %get3A_1865] : memref<8x25x32x32xf32, #tpu.memory_space<vmem>>, vector<1x1x32x32xf32>
    %get3A_1867 = vector.shape_cast %get3A_1866 : vector<1x1x32x32xf32> to vector<32x32xf32>
    %get3A_1868 = arith.constant 3 : index
    %get3A_1869 = arith.constant 4 : index
    %get3A_1870 = arith.constant 0 : index
    %get3A_1871 = arith.constant 0 : index
    %get3A_1872 = vector.load %arg2[%get3A_1868, %get3A_1869, %get3A_1870, %get3A_1871] : memref<8x25x32x32xf32, #tpu.memory_space<vmem>>, vector<1x1x32x32xf32>
    %get3A_1873 = vector.shape_cast %get3A_1872 : vector<1x1x32x32xf32> to vector<32x32xf32>
    %neg3A_1874 = arith.constant 0.000000e+00 : f32
    %neg3A_1875 = vector.broadcast %neg3A_1874 : f32 to vector<32x32xf32>
    %neg3A_1876 = arith.subf %neg3A_1875, %get3A_1849 : vector<32x32xf32>
    %exp3A_1877 = math.exp %neg3A_1876 : vector<32x32xf32>
    %add3A_1878 = arith.constant 1.000000e+00 : f32
    %add3A_1879 = vector.broadcast %add3A_1878 : f32 to vector<32x32xf32>
    %add3A_1880 = arith.addf %add3A_1879, %exp3A_1877 : vector<32x32xf32>
    %div3A_1881 = arith.constant 1.000000e+00 : f32
    %div3A_1882 = vector.broadcast %div3A_1881 : f32 to vector<32x32xf32>
    %div3A_1883 = arith.divf %div3A_1882, %add3A_1880 : vector<32x32xf32>
    %neg3A_1884 = arith.constant 0.000000e+00 : f32
    %neg3A_1885 = vector.broadcast %neg3A_1884 : f32 to vector<32x32xf32>
    %neg3A_1886 = arith.subf %neg3A_1885, %get3A_1855 : vector<32x32xf32>
    %exp3A_1887 = math.exp %neg3A_1886 : vector<32x32xf32>
    %add3A_1888 = arith.constant 1.000000e+00 : f32
    %add3A_1889 = vector.broadcast %add3A_1888 : f32 to vector<32x32xf32>
    %add3A_1890 = arith.addf %add3A_1889, %exp3A_1887 : vector<32x32xf32>
    %div3A_1891 = arith.constant 1.000000e+00 : f32
    %div3A_1892 = vector.broadcast %div3A_1891 : f32 to vector<32x32xf32>
    %div3A_1893 = arith.divf %div3A_1892, %add3A_1890 : vector<32x32xf32>
    %neg3A_1894 = arith.constant 0.000000e+00 : f32
    %neg3A_1895 = vector.broadcast %neg3A_1894 : f32 to vector<32x32xf32>
    %neg3A_1896 = arith.subf %neg3A_1895, %get3A_1873 : vector<32x32xf32>
    %exp3A_1897 = math.exp %neg3A_1896 : vector<32x32xf32>
    %add3A_1898 = arith.constant 1.000000e+00 : f32
    %add3A_1899 = vector.broadcast %add3A_1898 : f32 to vector<32x32xf32>
    %add3A_1900 = arith.addf %add3A_1899, %exp3A_1897 : vector<32x32xf32>
    %div3A_1901 = arith.constant 1.000000e+00 : f32
    %div3A_1902 = vector.broadcast %div3A_1901 : f32 to vector<32x32xf32>
    %div3A_1903 = arith.divf %div3A_1902, %add3A_1900 : vector<32x32xf32>
    %exp3A_1904 = math.exp %get3A_1861 : vector<32x32xf32>
    %mul3A_1905 = arith.constant 6.610500e-01 : f32
    %mul3A_1906 = vector.broadcast %mul3A_1905 : f32 to vector<32x32xf32>
    %mul3A_1907 = arith.mulf %exp3A_1904, %mul3A_1906 : vector<32x32xf32>
    %exp3A_1908 = math.exp %get3A_1867 : vector<32x32xf32>
    %mul3A_1909 = arith.constant 0.86572498 : f32
    %mul3A_1910 = vector.broadcast %mul3A_1909 : f32 to vector<32x32xf32>
    %mul3A_1911 = arith.mulf %exp3A_1908, %mul3A_1910 : vector<32x32xf32>
    %add3A_1912 = arith.addf %div3A_1883, %mul3A_1907 : vector<32x32xf32>
    %min3A_1913 = arith.minimumf %add3A_1912, %sub3A_1839 : vector<32x32xf32>
    %sub3A_1914 = arith.subf %div3A_1883, %mul3A_1907 : vector<32x32xf32>
    %max3A_1915 = arith.maximumf %sub3A_1914, %sub3A_1837 : vector<32x32xf32>
    %sub3A_1916 = arith.subf %min3A_1913, %max3A_1915 : vector<32x32xf32>
    %add3A_1917 = arith.addf %div3A_1893, %mul3A_1911 : vector<32x32xf32>
    %min3A_1918 = arith.minimumf %add3A_1917, %sub3A_1843 : vector<32x32xf32>
    %sub3A_1919 = arith.subf %div3A_1893, %mul3A_1911 : vector<32x32xf32>
    %max3A_1920 = arith.maximumf %sub3A_1919, %sub3A_1841 : vector<32x32xf32>
    %sub3A_1921 = arith.subf %min3A_1918, %max3A_1920 : vector<32x32xf32>
    %max3A_1922 = arith.constant 0.000000e+00 : f32
    %max3A_1923 = vector.broadcast %max3A_1922 : f32 to vector<32x32xf32>
    %max3A_1924 = arith.maximumf %sub3A_1916, %max3A_1923 : vector<32x32xf32>
    %max3A_1925 = arith.constant 0.000000e+00 : f32
    %max3A_1926 = vector.broadcast %max3A_1925 : f32 to vector<32x32xf32>
    %max3A_1927 = arith.maximumf %sub3A_1921, %max3A_1926 : vector<32x32xf32>
    %mul3A_1928 = arith.mulf %max3A_1924, %max3A_1927 : vector<32x32xf32>
    %mul3A_1929 = arith.mulf %mul3A_1907, %mul3A_1911 : vector<32x32xf32>
    %mul3A_1930 = arith.constant 1.500000e+00 : f32
    %mul3A_1931 = vector.broadcast %mul3A_1930 : f32 to vector<32x32xf32>
    %mul3A_1932 = arith.mulf %mul3A_1931, %mul3A_1929 : vector<32x32xf32>
    %add3A_1933 = vector.broadcast %mul3A_1835 : f32 to vector<32x32xf32>
    %add3A_1934 = arith.addf %mul3A_1932, %add3A_1933 : vector<32x32xf32>
    %gt3A_1935 = arith.cmpf ogt, %mul3A_1928, %add3A_1934 : vector<32x32xf32>
    %mul3A_1936 = arith.mulf %div3A_1903, %div3A_1903 : vector<32x32xf32>
    %jit3A_1937 = arith.constant 0.000000e+00 : f32
    %broadcast_in_dim3A_1938 = vector.broadcast %jit3A_1937 : f32 to vector<32x32xf32>
    %select_n3A_1939 = arith.select %gt3A_1935, %broadcast_in_dim3A_1938, %mul3A_1936 : vector<32x32xi1>, vector<32x32xf32>
    %sub3A_1940 = arith.constant 5.000000e-01 : f32
    %sub3A_1941 = vector.broadcast %sub3A_1940 : f32 to vector<32x32xf32>
    %sub3A_1942 = arith.subf %div3A_1883, %sub3A_1941 : vector<32x32xf32>
    %mul3A_1943 = arith.mulf %sub3A_1942, %sub3A_1942 : vector<32x32xf32>
    %sub3A_1944 = arith.constant 5.000000e-01 : f32
    %sub3A_1945 = vector.broadcast %sub3A_1944 : f32 to vector<32x32xf32>
    %sub3A_1946 = arith.subf %div3A_1893, %sub3A_1945 : vector<32x32xf32>
    %mul3A_1947 = arith.mulf %sub3A_1946, %sub3A_1946 : vector<32x32xf32>
    %add3A_1948 = arith.addf %mul3A_1943, %mul3A_1947 : vector<32x32xf32>
    %mul3A_1949 = arith.mulf %get3A_1861, %get3A_1861 : vector<32x32xf32>
    %add3A_1950 = arith.addf %add3A_1948, %mul3A_1949 : vector<32x32xf32>
    %mul3A_1951 = arith.mulf %get3A_1867, %get3A_1867 : vector<32x32xf32>
    %add3A_1952 = arith.addf %add3A_1950, %mul3A_1951 : vector<32x32xf32>
    %add3A_1953 = arith.addf %add3A_1952, %select_n3A_1939 : vector<32x32xf32>
    %add3A_1954 = arith.addf %add3A_1796, %add3A_1953 : vector<32x32xf32>
    %get3A_1955 = arith.constant 3 : index
    %get3A_1956 = arith.constant 5 : index
    %get3A_1957 = arith.constant 0 : index
    %get3A_1958 = arith.constant 0 : index
    %get3A_1959 = vector.load %arg2[%get3A_1955, %get3A_1956, %get3A_1957, %get3A_1958] : memref<8x25x32x32xf32, #tpu.memory_space<vmem>>, vector<1x1x32x32xf32>
    %get3A_1960 = vector.shape_cast %get3A_1959 : vector<1x1x32x32xf32> to vector<32x32xf32>
    %get3A_1961 = arith.constant 3 : index
    %get3A_1962 = arith.constant 6 : index
    %get3A_1963 = arith.constant 0 : index
    %get3A_1964 = arith.constant 0 : index
    %get3A_1965 = vector.load %arg2[%get3A_1961, %get3A_1962, %get3A_1963, %get3A_1964] : memref<8x25x32x32xf32, #tpu.memory_space<vmem>>, vector<1x1x32x32xf32>
    %get3A_1966 = vector.shape_cast %get3A_1965 : vector<1x1x32x32xf32> to vector<32x32xf32>
    %get3A_1967 = arith.constant 3 : index
    %get3A_1968 = arith.constant 7 : index
    %get3A_1969 = arith.constant 0 : index
    %get3A_1970 = arith.constant 0 : index
    %get3A_1971 = vector.load %arg2[%get3A_1967, %get3A_1968, %get3A_1969, %get3A_1970] : memref<8x25x32x32xf32, #tpu.memory_space<vmem>>, vector<1x1x32x32xf32>
    %get3A_1972 = vector.shape_cast %get3A_1971 : vector<1x1x32x32xf32> to vector<32x32xf32>
    %get3A_1973 = arith.constant 3 : index
    %get3A_1974 = arith.constant 8 : index
    %get3A_1975 = arith.constant 0 : index
    %get3A_1976 = arith.constant 0 : index
    %get3A_1977 = vector.load %arg2[%get3A_1973, %get3A_1974, %get3A_1975, %get3A_1976] : memref<8x25x32x32xf32, #tpu.memory_space<vmem>>, vector<1x1x32x32xf32>
    %get3A_1978 = vector.shape_cast %get3A_1977 : vector<1x1x32x32xf32> to vector<32x32xf32>
    %get3A_1979 = arith.constant 3 : index
    %get3A_1980 = arith.constant 9 : index
    %get3A_1981 = arith.constant 0 : index
    %get3A_1982 = arith.constant 0 : index
    %get3A_1983 = vector.load %arg2[%get3A_1979, %get3A_1980, %get3A_1981, %get3A_1982] : memref<8x25x32x32xf32, #tpu.memory_space<vmem>>, vector<1x1x32x32xf32>
    %get3A_1984 = vector.shape_cast %get3A_1983 : vector<1x1x32x32xf32> to vector<32x32xf32>
    %neg3A_1985 = arith.constant 0.000000e+00 : f32
    %neg3A_1986 = vector.broadcast %neg3A_1985 : f32 to vector<32x32xf32>
    %neg3A_1987 = arith.subf %neg3A_1986, %get3A_1960 : vector<32x32xf32>
    %exp3A_1988 = math.exp %neg3A_1987 : vector<32x32xf32>
    %add3A_1989 = arith.constant 1.000000e+00 : f32
    %add3A_1990 = vector.broadcast %add3A_1989 : f32 to vector<32x32xf32>
    %add3A_1991 = arith.addf %add3A_1990, %exp3A_1988 : vector<32x32xf32>
    %div3A_1992 = arith.constant 1.000000e+00 : f32
    %div3A_1993 = vector.broadcast %div3A_1992 : f32 to vector<32x32xf32>
    %div3A_1994 = arith.divf %div3A_1993, %add3A_1991 : vector<32x32xf32>
    %neg3A_1995 = arith.constant 0.000000e+00 : f32
    %neg3A_1996 = vector.broadcast %neg3A_1995 : f32 to vector<32x32xf32>
    %neg3A_1997 = arith.subf %neg3A_1996, %get3A_1966 : vector<32x32xf32>
    %exp3A_1998 = math.exp %neg3A_1997 : vector<32x32xf32>
    %add3A_1999 = arith.constant 1.000000e+00 : f32
    %add3A_2000 = vector.broadcast %add3A_1999 : f32 to vector<32x32xf32>
    %add3A_2001 = arith.addf %add3A_2000, %exp3A_1998 : vector<32x32xf32>
    %div3A_2002 = arith.constant 1.000000e+00 : f32
    %div3A_2003 = vector.broadcast %div3A_2002 : f32 to vector<32x32xf32>
    %div3A_2004 = arith.divf %div3A_2003, %add3A_2001 : vector<32x32xf32>
    %neg3A_2005 = arith.constant 0.000000e+00 : f32
    %neg3A_2006 = vector.broadcast %neg3A_2005 : f32 to vector<32x32xf32>
    %neg3A_2007 = arith.subf %neg3A_2006, %get3A_1984 : vector<32x32xf32>
    %exp3A_2008 = math.exp %neg3A_2007 : vector<32x32xf32>
    %add3A_2009 = arith.constant 1.000000e+00 : f32
    %add3A_2010 = vector.broadcast %add3A_2009 : f32 to vector<32x32xf32>
    %add3A_2011 = arith.addf %add3A_2010, %exp3A_2008 : vector<32x32xf32>
    %div3A_2012 = arith.constant 1.000000e+00 : f32
    %div3A_2013 = vector.broadcast %div3A_2012 : f32 to vector<32x32xf32>
    %div3A_2014 = arith.divf %div3A_2013, %add3A_2011 : vector<32x32xf32>
    %exp3A_2015 = math.exp %get3A_1972 : vector<32x32xf32>
    %mul3A_2016 = arith.constant 1.59637499 : f32
    %mul3A_2017 = vector.broadcast %mul3A_2016 : f32 to vector<32x32xf32>
    %mul3A_2018 = arith.mulf %exp3A_2015, %mul3A_2017 : vector<32x32xf32>
    %exp3A_2019 = math.exp %get3A_1978 : vector<32x32xf32>
    %mul3A_2020 = arith.constant 2.004720e+00 : f32
    %mul3A_2021 = vector.broadcast %mul3A_2020 : f32 to vector<32x32xf32>
    %mul3A_2022 = arith.mulf %exp3A_2019, %mul3A_2021 : vector<32x32xf32>
    %add3A_2023 = arith.addf %div3A_1994, %mul3A_2018 : vector<32x32xf32>
    %min3A_2024 = arith.minimumf %add3A_2023, %sub3A_1839 : vector<32x32xf32>
    %sub3A_2025 = arith.subf %div3A_1994, %mul3A_2018 : vector<32x32xf32>
    %max3A_2026 = arith.maximumf %sub3A_2025, %sub3A_1837 : vector<32x32xf32>
    %sub3A_2027 = arith.subf %min3A_2024, %max3A_2026 : vector<32x32xf32>
    %add3A_2028 = arith.addf %div3A_2004, %mul3A_2022 : vector<32x32xf32>
    %min3A_2029 = arith.minimumf %add3A_2028, %sub3A_1843 : vector<32x32xf32>
    %sub3A_2030 = arith.subf %div3A_2004, %mul3A_2022 : vector<32x32xf32>
    %max3A_2031 = arith.maximumf %sub3A_2030, %sub3A_1841 : vector<32x32xf32>
    %sub3A_2032 = arith.subf %min3A_2029, %max3A_2031 : vector<32x32xf32>
    %max3A_2033 = arith.constant 0.000000e+00 : f32
    %max3A_2034 = vector.broadcast %max3A_2033 : f32 to vector<32x32xf32>
    %max3A_2035 = arith.maximumf %sub3A_2027, %max3A_2034 : vector<32x32xf32>
    %max3A_2036 = arith.constant 0.000000e+00 : f32
    %max3A_2037 = vector.broadcast %max3A_2036 : f32 to vector<32x32xf32>
    %max3A_2038 = arith.maximumf %sub3A_2032, %max3A_2037 : vector<32x32xf32>
    %mul3A_2039 = arith.mulf %max3A_2035, %max3A_2038 : vector<32x32xf32>
    %mul3A_2040 = arith.mulf %mul3A_2018, %mul3A_2022 : vector<32x32xf32>
    %mul3A_2041 = arith.constant 1.500000e+00 : f32
    %mul3A_2042 = vector.broadcast %mul3A_2041 : f32 to vector<32x32xf32>
    %mul3A_2043 = arith.mulf %mul3A_2042, %mul3A_2040 : vector<32x32xf32>
    %add3A_2044 = vector.broadcast %mul3A_1835 : f32 to vector<32x32xf32>
    %add3A_2045 = arith.addf %mul3A_2043, %add3A_2044 : vector<32x32xf32>
    %gt3A_2046 = arith.cmpf ogt, %mul3A_2039, %add3A_2045 : vector<32x32xf32>
    %mul3A_2047 = arith.mulf %div3A_2014, %div3A_2014 : vector<32x32xf32>
    %jit3A_2048 = arith.constant 0.000000e+00 : f32
    %broadcast_in_dim3A_2049 = vector.broadcast %jit3A_2048 : f32 to vector<32x32xf32>
    %select_n3A_2050 = arith.select %gt3A_2046, %broadcast_in_dim3A_2049, %mul3A_2047 : vector<32x32xi1>, vector<32x32xf32>
    %sub3A_2051 = arith.constant 5.000000e-01 : f32
    %sub3A_2052 = vector.broadcast %sub3A_2051 : f32 to vector<32x32xf32>
    %sub3A_2053 = arith.subf %div3A_1994, %sub3A_2052 : vector<32x32xf32>
    %mul3A_2054 = arith.mulf %sub3A_2053, %sub3A_2053 : vector<32x32xf32>
    %sub3A_2055 = arith.constant 5.000000e-01 : f32
    %sub3A_2056 = vector.broadcast %sub3A_2055 : f32 to vector<32x32xf32>
    %sub3A_2057 = arith.subf %div3A_2004, %sub3A_2056 : vector<32x32xf32>
    %mul3A_2058 = arith.mulf %sub3A_2057, %sub3A_2057 : vector<32x32xf32>
    %add3A_2059 = arith.addf %mul3A_2054, %mul3A_2058 : vector<32x32xf32>
    %mul3A_2060 = arith.mulf %get3A_1972, %get3A_1972 : vector<32x32xf32>
    %add3A_2061 = arith.addf %add3A_2059, %mul3A_2060 : vector<32x32xf32>
    %mul3A_2062 = arith.mulf %get3A_1978, %get3A_1978 : vector<32x32xf32>
    %add3A_2063 = arith.addf %add3A_2061, %mul3A_2062 : vector<32x32xf32>
    %add3A_2064 = arith.addf %add3A_2063, %select_n3A_2050 : vector<32x32xf32>
    %add3A_2065 = arith.addf %add3A_1954, %add3A_2064 : vector<32x32xf32>
    %get3A_2066 = arith.constant 3 : index
    %get3A_2067 = arith.constant 10 : index
    %get3A_2068 = arith.constant 0 : index
    %get3A_2069 = arith.constant 0 : index
    %get3A_2070 = vector.load %arg2[%get3A_2066, %get3A_2067, %get3A_2068, %get3A_2069] : memref<8x25x32x32xf32, #tpu.memory_space<vmem>>, vector<1x1x32x32xf32>
    %get3A_2071 = vector.shape_cast %get3A_2070 : vector<1x1x32x32xf32> to vector<32x32xf32>
    %get3A_2072 = arith.constant 3 : index
    %get3A_2073 = arith.constant 11 : index
    %get3A_2074 = arith.constant 0 : index
    %get3A_2075 = arith.constant 0 : index
    %get3A_2076 = vector.load %arg2[%get3A_2072, %get3A_2073, %get3A_2074, %get3A_2075] : memref<8x25x32x32xf32, #tpu.memory_space<vmem>>, vector<1x1x32x32xf32>
    %get3A_2077 = vector.shape_cast %get3A_2076 : vector<1x1x32x32xf32> to vector<32x32xf32>
    %get3A_2078 = arith.constant 3 : index
    %get3A_2079 = arith.constant 12 : index
    %get3A_2080 = arith.constant 0 : index
    %get3A_2081 = arith.constant 0 : index
    %get3A_2082 = vector.load %arg2[%get3A_2078, %get3A_2079, %get3A_2080, %get3A_2081] : memref<8x25x32x32xf32, #tpu.memory_space<vmem>>, vector<1x1x32x32xf32>
    %get3A_2083 = vector.shape_cast %get3A_2082 : vector<1x1x32x32xf32> to vector<32x32xf32>
    %get3A_2084 = arith.constant 3 : index
    %get3A_2085 = arith.constant 13 : index
    %get3A_2086 = arith.constant 0 : index
    %get3A_2087 = arith.constant 0 : index
    %get3A_2088 = vector.load %arg2[%get3A_2084, %get3A_2085, %get3A_2086, %get3A_2087] : memref<8x25x32x32xf32, #tpu.memory_space<vmem>>, vector<1x1x32x32xf32>
    %get3A_2089 = vector.shape_cast %get3A_2088 : vector<1x1x32x32xf32> to vector<32x32xf32>
    %get3A_2090 = arith.constant 3 : index
    %get3A_2091 = arith.constant 14 : index
    %get3A_2092 = arith.constant 0 : index
    %get3A_2093 = arith.constant 0 : index
    %get3A_2094 = vector.load %arg2[%get3A_2090, %get3A_2091, %get3A_2092, %get3A_2093] : memref<8x25x32x32xf32, #tpu.memory_space<vmem>>, vector<1x1x32x32xf32>
    %get3A_2095 = vector.shape_cast %get3A_2094 : vector<1x1x32x32xf32> to vector<32x32xf32>
    %neg3A_2096 = arith.constant 0.000000e+00 : f32
    %neg3A_2097 = vector.broadcast %neg3A_2096 : f32 to vector<32x32xf32>
    %neg3A_2098 = arith.subf %neg3A_2097, %get3A_2071 : vector<32x32xf32>
    %exp3A_2099 = math.exp %neg3A_2098 : vector<32x32xf32>
    %add3A_2100 = arith.constant 1.000000e+00 : f32
    %add3A_2101 = vector.broadcast %add3A_2100 : f32 to vector<32x32xf32>
    %add3A_2102 = arith.addf %add3A_2101, %exp3A_2099 : vector<32x32xf32>
    %div3A_2103 = arith.constant 1.000000e+00 : f32
    %div3A_2104 = vector.broadcast %div3A_2103 : f32 to vector<32x32xf32>
    %div3A_2105 = arith.divf %div3A_2104, %add3A_2102 : vector<32x32xf32>
    %neg3A_2106 = arith.constant 0.000000e+00 : f32
    %neg3A_2107 = vector.broadcast %neg3A_2106 : f32 to vector<32x32xf32>
    %neg3A_2108 = arith.subf %neg3A_2107, %get3A_2077 : vector<32x32xf32>
    %exp3A_2109 = math.exp %neg3A_2108 : vector<32x32xf32>
    %add3A_2110 = arith.constant 1.000000e+00 : f32
    %add3A_2111 = vector.broadcast %add3A_2110 : f32 to vector<32x32xf32>
    %add3A_2112 = arith.addf %add3A_2111, %exp3A_2109 : vector<32x32xf32>
    %div3A_2113 = arith.constant 1.000000e+00 : f32
    %div3A_2114 = vector.broadcast %div3A_2113 : f32 to vector<32x32xf32>
    %div3A_2115 = arith.divf %div3A_2114, %add3A_2112 : vector<32x32xf32>
    %neg3A_2116 = arith.constant 0.000000e+00 : f32
    %neg3A_2117 = vector.broadcast %neg3A_2116 : f32 to vector<32x32xf32>
    %neg3A_2118 = arith.subf %neg3A_2117, %get3A_2095 : vector<32x32xf32>
    %exp3A_2119 = math.exp %neg3A_2118 : vector<32x32xf32>
    %add3A_2120 = arith.constant 1.000000e+00 : f32
    %add3A_2121 = vector.broadcast %add3A_2120 : f32 to vector<32x32xf32>
    %add3A_2122 = arith.addf %add3A_2121, %exp3A_2119 : vector<32x32xf32>
    %div3A_2123 = arith.constant 1.000000e+00 : f32
    %div3A_2124 = vector.broadcast %div3A_2123 : f32 to vector<32x32xf32>
    %div3A_2125 = arith.divf %div3A_2124, %add3A_2122 : vector<32x32xf32>
    %exp3A_2126 = math.exp %get3A_2083 : vector<32x32xf32>
    %mul3A_2127 = arith.constant 2.52793503 : f32
    %mul3A_2128 = vector.broadcast %mul3A_2127 : f32 to vector<32x32xf32>
    %mul3A_2129 = arith.mulf %exp3A_2126, %mul3A_2128 : vector<32x32xf32>
    %exp3A_2130 = math.exp %get3A_2089 : vector<32x32xf32>
    %mul3A_2131 = arith.constant 4.049460e+00 : f32
    %mul3A_2132 = vector.broadcast %mul3A_2131 : f32 to vector<32x32xf32>
    %mul3A_2133 = arith.mulf %exp3A_2130, %mul3A_2132 : vector<32x32xf32>
    %add3A_2134 = arith.addf %div3A_2105, %mul3A_2129 : vector<32x32xf32>
    %min3A_2135 = arith.minimumf %add3A_2134, %sub3A_1839 : vector<32x32xf32>
    %sub3A_2136 = arith.subf %div3A_2105, %mul3A_2129 : vector<32x32xf32>
    %max3A_2137 = arith.maximumf %sub3A_2136, %sub3A_1837 : vector<32x32xf32>
    %sub3A_2138 = arith.subf %min3A_2135, %max3A_2137 : vector<32x32xf32>
    %add3A_2139 = arith.addf %div3A_2115, %mul3A_2133 : vector<32x32xf32>
    %min3A_2140 = arith.minimumf %add3A_2139, %sub3A_1843 : vector<32x32xf32>
    %sub3A_2141 = arith.subf %div3A_2115, %mul3A_2133 : vector<32x32xf32>
    %max3A_2142 = arith.maximumf %sub3A_2141, %sub3A_1841 : vector<32x32xf32>
    %sub3A_2143 = arith.subf %min3A_2140, %max3A_2142 : vector<32x32xf32>
    %max3A_2144 = arith.constant 0.000000e+00 : f32
    %max3A_2145 = vector.broadcast %max3A_2144 : f32 to vector<32x32xf32>
    %max3A_2146 = arith.maximumf %sub3A_2138, %max3A_2145 : vector<32x32xf32>
    %max3A_2147 = arith.constant 0.000000e+00 : f32
    %max3A_2148 = vector.broadcast %max3A_2147 : f32 to vector<32x32xf32>
    %max3A_2149 = arith.maximumf %sub3A_2143, %max3A_2148 : vector<32x32xf32>
    %mul3A_2150 = arith.mulf %max3A_2146, %max3A_2149 : vector<32x32xf32>
    %mul3A_2151 = arith.mulf %mul3A_2129, %mul3A_2133 : vector<32x32xf32>
    %mul3A_2152 = arith.constant 1.500000e+00 : f32
    %mul3A_2153 = vector.broadcast %mul3A_2152 : f32 to vector<32x32xf32>
    %mul3A_2154 = arith.mulf %mul3A_2153, %mul3A_2151 : vector<32x32xf32>
    %add3A_2155 = vector.broadcast %mul3A_1835 : f32 to vector<32x32xf32>
    %add3A_2156 = arith.addf %mul3A_2154, %add3A_2155 : vector<32x32xf32>
    %gt3A_2157 = arith.cmpf ogt, %mul3A_2150, %add3A_2156 : vector<32x32xf32>
    %mul3A_2158 = arith.mulf %div3A_2125, %div3A_2125 : vector<32x32xf32>
    %jit3A_2159 = arith.constant 0.000000e+00 : f32
    %broadcast_in_dim3A_2160 = vector.broadcast %jit3A_2159 : f32 to vector<32x32xf32>
    %select_n3A_2161 = arith.select %gt3A_2157, %broadcast_in_dim3A_2160, %mul3A_2158 : vector<32x32xi1>, vector<32x32xf32>
    %sub3A_2162 = arith.constant 5.000000e-01 : f32
    %sub3A_2163 = vector.broadcast %sub3A_2162 : f32 to vector<32x32xf32>
    %sub3A_2164 = arith.subf %div3A_2105, %sub3A_2163 : vector<32x32xf32>
    %mul3A_2165 = arith.mulf %sub3A_2164, %sub3A_2164 : vector<32x32xf32>
    %sub3A_2166 = arith.constant 5.000000e-01 : f32
    %sub3A_2167 = vector.broadcast %sub3A_2166 : f32 to vector<32x32xf32>
    %sub3A_2168 = arith.subf %div3A_2115, %sub3A_2167 : vector<32x32xf32>
    %mul3A_2169 = arith.mulf %sub3A_2168, %sub3A_2168 : vector<32x32xf32>
    %add3A_2170 = arith.addf %mul3A_2165, %mul3A_2169 : vector<32x32xf32>
    %mul3A_2171 = arith.mulf %get3A_2083, %get3A_2083 : vector<32x32xf32>
    %add3A_2172 = arith.addf %add3A_2170, %mul3A_2171 : vector<32x32xf32>
    %mul3A_2173 = arith.mulf %get3A_2089, %get3A_2089 : vector<32x32xf32>
    %add3A_2174 = arith.addf %add3A_2172, %mul3A_2173 : vector<32x32xf32>
    %add3A_2175 = arith.addf %add3A_2174, %select_n3A_2161 : vector<32x32xf32>
    %add3A_2176 = arith.addf %add3A_2065, %add3A_2175 : vector<32x32xf32>
    %get3A_2177 = arith.constant 3 : index
    %get3A_2178 = arith.constant 15 : index
    %get3A_2179 = arith.constant 0 : index
    %get3A_2180 = arith.constant 0 : index
    %get3A_2181 = vector.load %arg2[%get3A_2177, %get3A_2178, %get3A_2179, %get3A_2180] : memref<8x25x32x32xf32, #tpu.memory_space<vmem>>, vector<1x1x32x32xf32>
    %get3A_2182 = vector.shape_cast %get3A_2181 : vector<1x1x32x32xf32> to vector<32x32xf32>
    %get3A_2183 = arith.constant 3 : index
    %get3A_2184 = arith.constant 16 : index
    %get3A_2185 = arith.constant 0 : index
    %get3A_2186 = arith.constant 0 : index
    %get3A_2187 = vector.load %arg2[%get3A_2183, %get3A_2184, %get3A_2185, %get3A_2186] : memref<8x25x32x32xf32, #tpu.memory_space<vmem>>, vector<1x1x32x32xf32>
    %get3A_2188 = vector.shape_cast %get3A_2187 : vector<1x1x32x32xf32> to vector<32x32xf32>
    %get3A_2189 = arith.constant 3 : index
    %get3A_2190 = arith.constant 17 : index
    %get3A_2191 = arith.constant 0 : index
    %get3A_2192 = arith.constant 0 : index
    %get3A_2193 = vector.load %arg2[%get3A_2189, %get3A_2190, %get3A_2191, %get3A_2192] : memref<8x25x32x32xf32, #tpu.memory_space<vmem>>, vector<1x1x32x32xf32>
    %get3A_2194 = vector.shape_cast %get3A_2193 : vector<1x1x32x32xf32> to vector<32x32xf32>
    %get3A_2195 = arith.constant 3 : index
    %get3A_2196 = arith.constant 18 : index
    %get3A_2197 = arith.constant 0 : index
    %get3A_2198 = arith.constant 0 : index
    %get3A_2199 = vector.load %arg2[%get3A_2195, %get3A_2196, %get3A_2197, %get3A_2198] : memref<8x25x32x32xf32, #tpu.memory_space<vmem>>, vector<1x1x32x32xf32>
    %get3A_2200 = vector.shape_cast %get3A_2199 : vector<1x1x32x32xf32> to vector<32x32xf32>
    %get3A_2201 = arith.constant 3 : index
    %get3A_2202 = arith.constant 19 : index
    %get3A_2203 = arith.constant 0 : index
    %get3A_2204 = arith.constant 0 : index
    %get3A_2205 = vector.load %arg2[%get3A_2201, %get3A_2202, %get3A_2203, %get3A_2204] : memref<8x25x32x32xf32, #tpu.memory_space<vmem>>, vector<1x1x32x32xf32>
    %get3A_2206 = vector.shape_cast %get3A_2205 : vector<1x1x32x32xf32> to vector<32x32xf32>
    %neg3A_2207 = arith.constant 0.000000e+00 : f32
    %neg3A_2208 = vector.broadcast %neg3A_2207 : f32 to vector<32x32xf32>
    %neg3A_2209 = arith.subf %neg3A_2208, %get3A_2182 : vector<32x32xf32>
    %exp3A_2210 = math.exp %neg3A_2209 : vector<32x32xf32>
    %add3A_2211 = arith.constant 1.000000e+00 : f32
    %add3A_2212 = vector.broadcast %add3A_2211 : f32 to vector<32x32xf32>
    %add3A_2213 = arith.addf %add3A_2212, %exp3A_2210 : vector<32x32xf32>
    %div3A_2214 = arith.constant 1.000000e+00 : f32
    %div3A_2215 = vector.broadcast %div3A_2214 : f32 to vector<32x32xf32>
    %div3A_2216 = arith.divf %div3A_2215, %add3A_2213 : vector<32x32xf32>
    %neg3A_2217 = arith.constant 0.000000e+00 : f32
    %neg3A_2218 = vector.broadcast %neg3A_2217 : f32 to vector<32x32xf32>
    %neg3A_2219 = arith.subf %neg3A_2218, %get3A_2188 : vector<32x32xf32>
    %exp3A_2220 = math.exp %neg3A_2219 : vector<32x32xf32>
    %add3A_2221 = arith.constant 1.000000e+00 : f32
    %add3A_2222 = vector.broadcast %add3A_2221 : f32 to vector<32x32xf32>
    %add3A_2223 = arith.addf %add3A_2222, %exp3A_2220 : vector<32x32xf32>
    %div3A_2224 = arith.constant 1.000000e+00 : f32
    %div3A_2225 = vector.broadcast %div3A_2224 : f32 to vector<32x32xf32>
    %div3A_2226 = arith.divf %div3A_2225, %add3A_2223 : vector<32x32xf32>
    %neg3A_2227 = arith.constant 0.000000e+00 : f32
    %neg3A_2228 = vector.broadcast %neg3A_2227 : f32 to vector<32x32xf32>
    %neg3A_2229 = arith.subf %neg3A_2228, %get3A_2206 : vector<32x32xf32>
    %exp3A_2230 = math.exp %neg3A_2229 : vector<32x32xf32>
    %add3A_2231 = arith.constant 1.000000e+00 : f32
    %add3A_2232 = vector.broadcast %add3A_2231 : f32 to vector<32x32xf32>
    %add3A_2233 = arith.addf %add3A_2232, %exp3A_2230 : vector<32x32xf32>
    %div3A_2234 = arith.constant 1.000000e+00 : f32
    %div3A_2235 = vector.broadcast %div3A_2234 : f32 to vector<32x32xf32>
    %div3A_2236 = arith.divf %div3A_2235, %add3A_2233 : vector<32x32xf32>
    %exp3A_2237 = math.exp %get3A_2194 : vector<32x32xf32>
    %mul3A_2238 = arith.constant 4.735560e+00 : f32
    %mul3A_2239 = vector.broadcast %mul3A_2238 : f32 to vector<32x32xf32>
    %mul3A_2240 = arith.mulf %exp3A_2237, %mul3A_2239 : vector<32x32xf32>
    %exp3A_2241 = math.exp %get3A_2200 : vector<32x32xf32>
    %mul3A_2242 = arith.constant 2.42026496 : f32
    %mul3A_2243 = vector.broadcast %mul3A_2242 : f32 to vector<32x32xf32>
    %mul3A_2244 = arith.mulf %exp3A_2241, %mul3A_2243 : vector<32x32xf32>
    %add3A_2245 = arith.addf %div3A_2216, %mul3A_2240 : vector<32x32xf32>
    %min3A_2246 = arith.minimumf %add3A_2245, %sub3A_1839 : vector<32x32xf32>
    %sub3A_2247 = arith.subf %div3A_2216, %mul3A_2240 : vector<32x32xf32>
    %max3A_2248 = arith.maximumf %sub3A_2247, %sub3A_1837 : vector<32x32xf32>
    %sub3A_2249 = arith.subf %min3A_2246, %max3A_2248 : vector<32x32xf32>
    %add3A_2250 = arith.addf %div3A_2226, %mul3A_2244 : vector<32x32xf32>
    %min3A_2251 = arith.minimumf %add3A_2250, %sub3A_1843 : vector<32x32xf32>
    %sub3A_2252 = arith.subf %div3A_2226, %mul3A_2244 : vector<32x32xf32>
    %max3A_2253 = arith.maximumf %sub3A_2252, %sub3A_1841 : vector<32x32xf32>
    %sub3A_2254 = arith.subf %min3A_2251, %max3A_2253 : vector<32x32xf32>
    %max3A_2255 = arith.constant 0.000000e+00 : f32
    %max3A_2256 = vector.broadcast %max3A_2255 : f32 to vector<32x32xf32>
    %max3A_2257 = arith.maximumf %sub3A_2249, %max3A_2256 : vector<32x32xf32>
    %max3A_2258 = arith.constant 0.000000e+00 : f32
    %max3A_2259 = vector.broadcast %max3A_2258 : f32 to vector<32x32xf32>
    %max3A_2260 = arith.maximumf %sub3A_2254, %max3A_2259 : vector<32x32xf32>
    %mul3A_2261 = arith.mulf %max3A_2257, %max3A_2260 : vector<32x32xf32>
    %mul3A_2262 = arith.mulf %mul3A_2240, %mul3A_2244 : vector<32x32xf32>
    %mul3A_2263 = arith.constant 1.500000e+00 : f32
    %mul3A_2264 = vector.broadcast %mul3A_2263 : f32 to vector<32x32xf32>
    %mul3A_2265 = arith.mulf %mul3A_2264, %mul3A_2262 : vector<32x32xf32>
    %add3A_2266 = vector.broadcast %mul3A_1835 : f32 to vector<32x32xf32>
    %add3A_2267 = arith.addf %mul3A_2265, %add3A_2266 : vector<32x32xf32>
    %gt3A_2268 = arith.cmpf ogt, %mul3A_2261, %add3A_2267 : vector<32x32xf32>
    %mul3A_2269 = arith.mulf %div3A_2236, %div3A_2236 : vector<32x32xf32>
    %jit3A_2270 = arith.constant 0.000000e+00 : f32
    %broadcast_in_dim3A_2271 = vector.broadcast %jit3A_2270 : f32 to vector<32x32xf32>
    %select_n3A_2272 = arith.select %gt3A_2268, %broadcast_in_dim3A_2271, %mul3A_2269 : vector<32x32xi1>, vector<32x32xf32>
    %sub3A_2273 = arith.constant 5.000000e-01 : f32
    %sub3A_2274 = vector.broadcast %sub3A_2273 : f32 to vector<32x32xf32>
    %sub3A_2275 = arith.subf %div3A_2216, %sub3A_2274 : vector<32x32xf32>
    %mul3A_2276 = arith.mulf %sub3A_2275, %sub3A_2275 : vector<32x32xf32>
    %sub3A_2277 = arith.constant 5.000000e-01 : f32
    %sub3A_2278 = vector.broadcast %sub3A_2277 : f32 to vector<32x32xf32>
    %sub3A_2279 = arith.subf %div3A_2226, %sub3A_2278 : vector<32x32xf32>
    %mul3A_2280 = arith.mulf %sub3A_2279, %sub3A_2279 : vector<32x32xf32>
    %add3A_2281 = arith.addf %mul3A_2276, %mul3A_2280 : vector<32x32xf32>
    %mul3A_2282 = arith.mulf %get3A_2194, %get3A_2194 : vector<32x32xf32>
    %add3A_2283 = arith.addf %add3A_2281, %mul3A_2282 : vector<32x32xf32>
    %mul3A_2284 = arith.mulf %get3A_2200, %get3A_2200 : vector<32x32xf32>
    %add3A_2285 = arith.addf %add3A_2283, %mul3A_2284 : vector<32x32xf32>
    %add3A_2286 = arith.addf %add3A_2285, %select_n3A_2272 : vector<32x32xf32>
    %add3A_2287 = arith.addf %add3A_2176, %add3A_2286 : vector<32x32xf32>
    %get3A_2288 = arith.constant 3 : index
    %get3A_2289 = arith.constant 20 : index
    %get3A_2290 = arith.constant 0 : index
    %get3A_2291 = arith.constant 0 : index
    %get3A_2292 = vector.load %arg2[%get3A_2288, %get3A_2289, %get3A_2290, %get3A_2291] : memref<8x25x32x32xf32, #tpu.memory_space<vmem>>, vector<1x1x32x32xf32>
    %get3A_2293 = vector.shape_cast %get3A_2292 : vector<1x1x32x32xf32> to vector<32x32xf32>
    %get3A_2294 = arith.constant 3 : index
    %get3A_2295 = arith.constant 21 : index
    %get3A_2296 = arith.constant 0 : index
    %get3A_2297 = arith.constant 0 : index
    %get3A_2298 = vector.load %arg2[%get3A_2294, %get3A_2295, %get3A_2296, %get3A_2297] : memref<8x25x32x32xf32, #tpu.memory_space<vmem>>, vector<1x1x32x32xf32>
    %get3A_2299 = vector.shape_cast %get3A_2298 : vector<1x1x32x32xf32> to vector<32x32xf32>
    %get3A_2300 = arith.constant 3 : index
    %get3A_2301 = arith.constant 22 : index
    %get3A_2302 = arith.constant 0 : index
    %get3A_2303 = arith.constant 0 : index
    %get3A_2304 = vector.load %arg2[%get3A_2300, %get3A_2301, %get3A_2302, %get3A_2303] : memref<8x25x32x32xf32, #tpu.memory_space<vmem>>, vector<1x1x32x32xf32>
    %get3A_2305 = vector.shape_cast %get3A_2304 : vector<1x1x32x32xf32> to vector<32x32xf32>
    %get3A_2306 = arith.constant 3 : index
    %get3A_2307 = arith.constant 23 : index
    %get3A_2308 = arith.constant 0 : index
    %get3A_2309 = arith.constant 0 : index
    %get3A_2310 = vector.load %arg2[%get3A_2306, %get3A_2307, %get3A_2308, %get3A_2309] : memref<8x25x32x32xf32, #tpu.memory_space<vmem>>, vector<1x1x32x32xf32>
    %get3A_2311 = vector.shape_cast %get3A_2310 : vector<1x1x32x32xf32> to vector<32x32xf32>
    %get3A_2312 = arith.constant 3 : index
    %get3A_2313 = arith.constant 24 : index
    %get3A_2314 = arith.constant 0 : index
    %get3A_2315 = arith.constant 0 : index
    %get3A_2316 = vector.load %arg2[%get3A_2312, %get3A_2313, %get3A_2314, %get3A_2315] : memref<8x25x32x32xf32, #tpu.memory_space<vmem>>, vector<1x1x32x32xf32>
    %get3A_2317 = vector.shape_cast %get3A_2316 : vector<1x1x32x32xf32> to vector<32x32xf32>
    %neg3A_2318 = arith.constant 0.000000e+00 : f32
    %neg3A_2319 = vector.broadcast %neg3A_2318 : f32 to vector<32x32xf32>
    %neg3A_2320 = arith.subf %neg3A_2319, %get3A_2293 : vector<32x32xf32>
    %exp3A_2321 = math.exp %neg3A_2320 : vector<32x32xf32>
    %add3A_2322 = arith.constant 1.000000e+00 : f32
    %add3A_2323 = vector.broadcast %add3A_2322 : f32 to vector<32x32xf32>
    %add3A_2324 = arith.addf %add3A_2323, %exp3A_2321 : vector<32x32xf32>
    %div3A_2325 = arith.constant 1.000000e+00 : f32
    %div3A_2326 = vector.broadcast %div3A_2325 : f32 to vector<32x32xf32>
    %div3A_2327 = arith.divf %div3A_2326, %add3A_2324 : vector<32x32xf32>
    %neg3A_2328 = arith.constant 0.000000e+00 : f32
    %neg3A_2329 = vector.broadcast %neg3A_2328 : f32 to vector<32x32xf32>
    %neg3A_2330 = arith.subf %neg3A_2329, %get3A_2299 : vector<32x32xf32>
    %exp3A_2331 = math.exp %neg3A_2330 : vector<32x32xf32>
    %add3A_2332 = arith.constant 1.000000e+00 : f32
    %add3A_2333 = vector.broadcast %add3A_2332 : f32 to vector<32x32xf32>
    %add3A_2334 = arith.addf %add3A_2333, %exp3A_2331 : vector<32x32xf32>
    %div3A_2335 = arith.constant 1.000000e+00 : f32
    %div3A_2336 = vector.broadcast %div3A_2335 : f32 to vector<32x32xf32>
    %div3A_2337 = arith.divf %div3A_2336, %add3A_2334 : vector<32x32xf32>
    %neg3A_2338 = arith.constant 0.000000e+00 : f32
    %neg3A_2339 = vector.broadcast %neg3A_2338 : f32 to vector<32x32xf32>
    %neg3A_2340 = arith.subf %neg3A_2339, %get3A_2317 : vector<32x32xf32>
    %exp3A_2341 = math.exp %neg3A_2340 : vector<32x32xf32>
    %add3A_2342 = arith.constant 1.000000e+00 : f32
    %add3A_2343 = vector.broadcast %add3A_2342 : f32 to vector<32x32xf32>
    %add3A_2344 = arith.addf %add3A_2343, %exp3A_2341 : vector<32x32xf32>
    %div3A_2345 = arith.constant 1.000000e+00 : f32
    %div3A_2346 = vector.broadcast %div3A_2345 : f32 to vector<32x32xf32>
    %div3A_2347 = arith.divf %div3A_2346, %add3A_2344 : vector<32x32xf32>
    %exp3A_2348 = math.exp %get3A_2305 : vector<32x32xf32>
    %mul3A_2349 = arith.constant 5.618200e+00 : f32
    %mul3A_2350 = vector.broadcast %mul3A_2349 : f32 to vector<32x32xf32>
    %mul3A_2351 = arith.mulf %exp3A_2348, %mul3A_2350 : vector<32x32xf32>
    %exp3A_2352 = math.exp %get3A_2311 : vector<32x32xf32>
    %mul3A_2353 = arith.constant 5.003550e+00 : f32
    %mul3A_2354 = vector.broadcast %mul3A_2353 : f32 to vector<32x32xf32>
    %mul3A_2355 = arith.mulf %exp3A_2352, %mul3A_2354 : vector<32x32xf32>
    %add3A_2356 = arith.addf %div3A_2327, %mul3A_2351 : vector<32x32xf32>
    %min3A_2357 = arith.minimumf %add3A_2356, %sub3A_1839 : vector<32x32xf32>
    %sub3A_2358 = arith.subf %div3A_2327, %mul3A_2351 : vector<32x32xf32>
    %max3A_2359 = arith.maximumf %sub3A_2358, %sub3A_1837 : vector<32x32xf32>
    %sub3A_2360 = arith.subf %min3A_2357, %max3A_2359 : vector<32x32xf32>
    %add3A_2361 = arith.addf %div3A_2337, %mul3A_2355 : vector<32x32xf32>
    %min3A_2362 = arith.minimumf %add3A_2361, %sub3A_1843 : vector<32x32xf32>
    %sub3A_2363 = arith.subf %div3A_2337, %mul3A_2355 : vector<32x32xf32>
    %max3A_2364 = arith.maximumf %sub3A_2363, %sub3A_1841 : vector<32x32xf32>
    %sub3A_2365 = arith.subf %min3A_2362, %max3A_2364 : vector<32x32xf32>
    %max3A_2366 = arith.constant 0.000000e+00 : f32
    %max3A_2367 = vector.broadcast %max3A_2366 : f32 to vector<32x32xf32>
    %max3A_2368 = arith.maximumf %sub3A_2360, %max3A_2367 : vector<32x32xf32>
    %max3A_2369 = arith.constant 0.000000e+00 : f32
    %max3A_2370 = vector.broadcast %max3A_2369 : f32 to vector<32x32xf32>
    %max3A_2371 = arith.maximumf %sub3A_2365, %max3A_2370 : vector<32x32xf32>
    %mul3A_2372 = arith.mulf %max3A_2368, %max3A_2371 : vector<32x32xf32>
    %mul3A_2373 = arith.mulf %mul3A_2351, %mul3A_2355 : vector<32x32xf32>
    %mul3A_2374 = arith.constant 1.500000e+00 : f32
    %mul3A_2375 = vector.broadcast %mul3A_2374 : f32 to vector<32x32xf32>
    %mul3A_2376 = arith.mulf %mul3A_2375, %mul3A_2373 : vector<32x32xf32>
    %add3A_2377 = vector.broadcast %mul3A_1835 : f32 to vector<32x32xf32>
    %add3A_2378 = arith.addf %mul3A_2376, %add3A_2377 : vector<32x32xf32>
    %gt3A_2379 = arith.cmpf ogt, %mul3A_2372, %add3A_2378 : vector<32x32xf32>
    %mul3A_2380 = arith.mulf %div3A_2347, %div3A_2347 : vector<32x32xf32>
    %jit3A_2381 = arith.constant 0.000000e+00 : f32
    %broadcast_in_dim3A_2382 = vector.broadcast %jit3A_2381 : f32 to vector<32x32xf32>
    %select_n3A_2383 = arith.select %gt3A_2379, %broadcast_in_dim3A_2382, %mul3A_2380 : vector<32x32xi1>, vector<32x32xf32>
    %sub3A_2384 = arith.constant 5.000000e-01 : f32
    %sub3A_2385 = vector.broadcast %sub3A_2384 : f32 to vector<32x32xf32>
    %sub3A_2386 = arith.subf %div3A_2327, %sub3A_2385 : vector<32x32xf32>
    %mul3A_2387 = arith.mulf %sub3A_2386, %sub3A_2386 : vector<32x32xf32>
    %sub3A_2388 = arith.constant 5.000000e-01 : f32
    %sub3A_2389 = vector.broadcast %sub3A_2388 : f32 to vector<32x32xf32>
    %sub3A_2390 = arith.subf %div3A_2337, %sub3A_2389 : vector<32x32xf32>
    %mul3A_2391 = arith.mulf %sub3A_2390, %sub3A_2390 : vector<32x32xf32>
    %add3A_2392 = arith.addf %mul3A_2387, %mul3A_2391 : vector<32x32xf32>
    %mul3A_2393 = arith.mulf %get3A_2305, %get3A_2305 : vector<32x32xf32>
    %add3A_2394 = arith.addf %add3A_2392, %mul3A_2393 : vector<32x32xf32>
    %mul3A_2395 = arith.mulf %get3A_2311, %get3A_2311 : vector<32x32xf32>
    %add3A_2396 = arith.addf %add3A_2394, %mul3A_2395 : vector<32x32xf32>
    %add3A_2397 = arith.addf %add3A_2396, %select_n3A_2383 : vector<32x32xf32>
    %add3A_2398 = arith.addf %add3A_2287, %add3A_2397 : vector<32x32xf32>
    %mul3A_2399 = arith.constant 8 : i32
    %mul3A_2400 = arith.muli %arg0, %mul3A_2399 : i32
    %add3A_2401 = arith.constant 4 : i32
    %add3A_2402 = arith.addi %mul3A_2400, %add3A_2401 : i32
    %get3A_2403 = arith.index_cast %add3A_2402 : i32 to index
    %get3A_2404 = arith.constant 0 : index
    %get3A_2405 = memref.load %arg1[%get3A_2403, %get3A_2404] : memref<16x4xf32, #tpu.memory_space<smem>>
    %mul3A_2406 = arith.constant 3.200000e+01 : f32
    %mul3A_2407 = arith.mulf %get3A_2405, %mul3A_2406 : f32
    %get3A_2408 = arith.index_cast %add3A_2402 : i32 to index
    %get3A_2409 = arith.constant 1 : index
    %get3A_2410 = memref.load %arg1[%get3A_2408, %get3A_2409] : memref<16x4xf32, #tpu.memory_space<smem>>
    %mul3A_2411 = arith.constant 3.200000e+01 : f32
    %mul3A_2412 = arith.mulf %get3A_2410, %mul3A_2411 : f32
    %get3A_2413 = arith.index_cast %add3A_2402 : i32 to index
    %get3A_2414 = arith.constant 2 : index
    %get3A_2415 = memref.load %arg1[%get3A_2413, %get3A_2414] : memref<16x4xf32, #tpu.memory_space<smem>>
    %mul3A_2416 = arith.constant 3.200000e+01 : f32
    %mul3A_2417 = arith.mulf %get3A_2415, %mul3A_2416 : f32
    %get3A_2418 = arith.index_cast %add3A_2402 : i32 to index
    %get3A_2419 = arith.constant 3 : index
    %get3A_2420 = memref.load %arg1[%get3A_2418, %get3A_2419] : memref<16x4xf32, #tpu.memory_space<smem>>
    %mul3A_2421 = arith.constant 3.200000e+01 : f32
    %mul3A_2422 = arith.mulf %get3A_2420, %mul3A_2421 : f32
    %mul3A_2423 = arith.constant 5.000000e-01 : f32
    %mul3A_2424 = arith.mulf %mul3A_2417, %mul3A_2423 : f32
    %sub3A_2425 = arith.subf %mul3A_2407, %mul3A_2424 : f32
    %mul3A_2426 = arith.constant 5.000000e-01 : f32
    %mul3A_2427 = arith.mulf %mul3A_2417, %mul3A_2426 : f32
    %add3A_2428 = arith.addf %mul3A_2407, %mul3A_2427 : f32
    %mul3A_2429 = arith.constant 5.000000e-01 : f32
    %mul3A_2430 = arith.mulf %mul3A_2422, %mul3A_2429 : f32
    %sub3A_2431 = arith.subf %mul3A_2412, %mul3A_2430 : f32
    %mul3A_2432 = arith.constant 5.000000e-01 : f32
    %mul3A_2433 = arith.mulf %mul3A_2422, %mul3A_2432 : f32
    %add3A_2434 = arith.addf %mul3A_2412, %mul3A_2433 : f32
    %mul3A_2435 = arith.mulf %mul3A_2417, %mul3A_2422 : f32
    %mul3A_2436 = arith.constant 3.750000e-01 : f32
    %mul3A_2437 = arith.mulf %mul3A_2435, %mul3A_2436 : f32
    %sub3A_2438 = vector.broadcast %sub3A_2425 : f32 to vector<32x32xf32>
    %sub3A_2439 = arith.subf %sub3A_2438, %convert_element_type3A : vector<32x32xf32>
    %sub3A_2440 = vector.broadcast %add3A_2428 : f32 to vector<32x32xf32>
    %sub3A_2441 = arith.subf %sub3A_2440, %convert_element_type3A : vector<32x32xf32>
    %sub3A_2442 = vector.broadcast %sub3A_2431 : f32 to vector<32x32xf32>
    %sub3A_2443 = arith.subf %sub3A_2442, %convert_element_type3A_1 : vector<32x32xf32>
    %sub3A_2444 = vector.broadcast %add3A_2434 : f32 to vector<32x32xf32>
    %sub3A_2445 = arith.subf %sub3A_2444, %convert_element_type3A_1 : vector<32x32xf32>
    %get3A_2446 = arith.constant 4 : index
    %get3A_2447 = arith.constant 0 : index
    %get3A_2448 = arith.constant 0 : index
    %get3A_2449 = arith.constant 0 : index
    %get3A_2450 = vector.load %arg2[%get3A_2446, %get3A_2447, %get3A_2448, %get3A_2449] : memref<8x25x32x32xf32, #tpu.memory_space<vmem>>, vector<1x1x32x32xf32>
    %get3A_2451 = vector.shape_cast %get3A_2450 : vector<1x1x32x32xf32> to vector<32x32xf32>
    %get3A_2452 = arith.constant 4 : index
    %get3A_2453 = arith.constant 1 : index
    %get3A_2454 = arith.constant 0 : index
    %get3A_2455 = arith.constant 0 : index
    %get3A_2456 = vector.load %arg2[%get3A_2452, %get3A_2453, %get3A_2454, %get3A_2455] : memref<8x25x32x32xf32, #tpu.memory_space<vmem>>, vector<1x1x32x32xf32>
    %get3A_2457 = vector.shape_cast %get3A_2456 : vector<1x1x32x32xf32> to vector<32x32xf32>
    %get3A_2458 = arith.constant 4 : index
    %get3A_2459 = arith.constant 2 : index
    %get3A_2460 = arith.constant 0 : index
    %get3A_2461 = arith.constant 0 : index
    %get3A_2462 = vector.load %arg2[%get3A_2458, %get3A_2459, %get3A_2460, %get3A_2461] : memref<8x25x32x32xf32, #tpu.memory_space<vmem>>, vector<1x1x32x32xf32>
    %get3A_2463 = vector.shape_cast %get3A_2462 : vector<1x1x32x32xf32> to vector<32x32xf32>
    %get3A_2464 = arith.constant 4 : index
    %get3A_2465 = arith.constant 3 : index
    %get3A_2466 = arith.constant 0 : index
    %get3A_2467 = arith.constant 0 : index
    %get3A_2468 = vector.load %arg2[%get3A_2464, %get3A_2465, %get3A_2466, %get3A_2467] : memref<8x25x32x32xf32, #tpu.memory_space<vmem>>, vector<1x1x32x32xf32>
    %get3A_2469 = vector.shape_cast %get3A_2468 : vector<1x1x32x32xf32> to vector<32x32xf32>
    %get3A_2470 = arith.constant 4 : index
    %get3A_2471 = arith.constant 4 : index
    %get3A_2472 = arith.constant 0 : index
    %get3A_2473 = arith.constant 0 : index
    %get3A_2474 = vector.load %arg2[%get3A_2470, %get3A_2471, %get3A_2472, %get3A_2473] : memref<8x25x32x32xf32, #tpu.memory_space<vmem>>, vector<1x1x32x32xf32>
    %get3A_2475 = vector.shape_cast %get3A_2474 : vector<1x1x32x32xf32> to vector<32x32xf32>
    %neg3A_2476 = arith.constant 0.000000e+00 : f32
    %neg3A_2477 = vector.broadcast %neg3A_2476 : f32 to vector<32x32xf32>
    %neg3A_2478 = arith.subf %neg3A_2477, %get3A_2451 : vector<32x32xf32>
    %exp3A_2479 = math.exp %neg3A_2478 : vector<32x32xf32>
    %add3A_2480 = arith.constant 1.000000e+00 : f32
    %add3A_2481 = vector.broadcast %add3A_2480 : f32 to vector<32x32xf32>
    %add3A_2482 = arith.addf %add3A_2481, %exp3A_2479 : vector<32x32xf32>
    %div3A_2483 = arith.constant 1.000000e+00 : f32
    %div3A_2484 = vector.broadcast %div3A_2483 : f32 to vector<32x32xf32>
    %div3A_2485 = arith.divf %div3A_2484, %add3A_2482 : vector<32x32xf32>
    %neg3A_2486 = arith.constant 0.000000e+00 : f32
    %neg3A_2487 = vector.broadcast %neg3A_2486 : f32 to vector<32x32xf32>
    %neg3A_2488 = arith.subf %neg3A_2487, %get3A_2457 : vector<32x32xf32>
    %exp3A_2489 = math.exp %neg3A_2488 : vector<32x32xf32>
    %add3A_2490 = arith.constant 1.000000e+00 : f32
    %add3A_2491 = vector.broadcast %add3A_2490 : f32 to vector<32x32xf32>
    %add3A_2492 = arith.addf %add3A_2491, %exp3A_2489 : vector<32x32xf32>
    %div3A_2493 = arith.constant 1.000000e+00 : f32
    %div3A_2494 = vector.broadcast %div3A_2493 : f32 to vector<32x32xf32>
    %div3A_2495 = arith.divf %div3A_2494, %add3A_2492 : vector<32x32xf32>
    %neg3A_2496 = arith.constant 0.000000e+00 : f32
    %neg3A_2497 = vector.broadcast %neg3A_2496 : f32 to vector<32x32xf32>
    %neg3A_2498 = arith.subf %neg3A_2497, %get3A_2475 : vector<32x32xf32>
    %exp3A_2499 = math.exp %neg3A_2498 : vector<32x32xf32>
    %add3A_2500 = arith.constant 1.000000e+00 : f32
    %add3A_2501 = vector.broadcast %add3A_2500 : f32 to vector<32x32xf32>
    %add3A_2502 = arith.addf %add3A_2501, %exp3A_2499 : vector<32x32xf32>
    %div3A_2503 = arith.constant 1.000000e+00 : f32
    %div3A_2504 = vector.broadcast %div3A_2503 : f32 to vector<32x32xf32>
    %div3A_2505 = arith.divf %div3A_2504, %add3A_2502 : vector<32x32xf32>
    %exp3A_2506 = math.exp %get3A_2463 : vector<32x32xf32>
    %mul3A_2507 = arith.constant 6.610500e-01 : f32
    %mul3A_2508 = vector.broadcast %mul3A_2507 : f32 to vector<32x32xf32>
    %mul3A_2509 = arith.mulf %exp3A_2506, %mul3A_2508 : vector<32x32xf32>
    %exp3A_2510 = math.exp %get3A_2469 : vector<32x32xf32>
    %mul3A_2511 = arith.constant 0.86572498 : f32
    %mul3A_2512 = vector.broadcast %mul3A_2511 : f32 to vector<32x32xf32>
    %mul3A_2513 = arith.mulf %exp3A_2510, %mul3A_2512 : vector<32x32xf32>
    %add3A_2514 = arith.addf %div3A_2485, %mul3A_2509 : vector<32x32xf32>
    %min3A_2515 = arith.minimumf %add3A_2514, %sub3A_2441 : vector<32x32xf32>
    %sub3A_2516 = arith.subf %div3A_2485, %mul3A_2509 : vector<32x32xf32>
    %max3A_2517 = arith.maximumf %sub3A_2516, %sub3A_2439 : vector<32x32xf32>
    %sub3A_2518 = arith.subf %min3A_2515, %max3A_2517 : vector<32x32xf32>
    %add3A_2519 = arith.addf %div3A_2495, %mul3A_2513 : vector<32x32xf32>
    %min3A_2520 = arith.minimumf %add3A_2519, %sub3A_2445 : vector<32x32xf32>
    %sub3A_2521 = arith.subf %div3A_2495, %mul3A_2513 : vector<32x32xf32>
    %max3A_2522 = arith.maximumf %sub3A_2521, %sub3A_2443 : vector<32x32xf32>
    %sub3A_2523 = arith.subf %min3A_2520, %max3A_2522 : vector<32x32xf32>
    %max3A_2524 = arith.constant 0.000000e+00 : f32
    %max3A_2525 = vector.broadcast %max3A_2524 : f32 to vector<32x32xf32>
    %max3A_2526 = arith.maximumf %sub3A_2518, %max3A_2525 : vector<32x32xf32>
    %max3A_2527 = arith.constant 0.000000e+00 : f32
    %max3A_2528 = vector.broadcast %max3A_2527 : f32 to vector<32x32xf32>
    %max3A_2529 = arith.maximumf %sub3A_2523, %max3A_2528 : vector<32x32xf32>
    %mul3A_2530 = arith.mulf %max3A_2526, %max3A_2529 : vector<32x32xf32>
    %mul3A_2531 = arith.mulf %mul3A_2509, %mul3A_2513 : vector<32x32xf32>
    %mul3A_2532 = arith.constant 1.500000e+00 : f32
    %mul3A_2533 = vector.broadcast %mul3A_2532 : f32 to vector<32x32xf32>
    %mul3A_2534 = arith.mulf %mul3A_2533, %mul3A_2531 : vector<32x32xf32>
    %add3A_2535 = vector.broadcast %mul3A_2437 : f32 to vector<32x32xf32>
    %add3A_2536 = arith.addf %mul3A_2534, %add3A_2535 : vector<32x32xf32>
    %gt3A_2537 = arith.cmpf ogt, %mul3A_2530, %add3A_2536 : vector<32x32xf32>
    %mul3A_2538 = arith.mulf %div3A_2505, %div3A_2505 : vector<32x32xf32>
    %jit3A_2539 = arith.constant 0.000000e+00 : f32
    %broadcast_in_dim3A_2540 = vector.broadcast %jit3A_2539 : f32 to vector<32x32xf32>
    %select_n3A_2541 = arith.select %gt3A_2537, %broadcast_in_dim3A_2540, %mul3A_2538 : vector<32x32xi1>, vector<32x32xf32>
    %sub3A_2542 = arith.constant 5.000000e-01 : f32
    %sub3A_2543 = vector.broadcast %sub3A_2542 : f32 to vector<32x32xf32>
    %sub3A_2544 = arith.subf %div3A_2485, %sub3A_2543 : vector<32x32xf32>
    %mul3A_2545 = arith.mulf %sub3A_2544, %sub3A_2544 : vector<32x32xf32>
    %sub3A_2546 = arith.constant 5.000000e-01 : f32
    %sub3A_2547 = vector.broadcast %sub3A_2546 : f32 to vector<32x32xf32>
    %sub3A_2548 = arith.subf %div3A_2495, %sub3A_2547 : vector<32x32xf32>
    %mul3A_2549 = arith.mulf %sub3A_2548, %sub3A_2548 : vector<32x32xf32>
    %add3A_2550 = arith.addf %mul3A_2545, %mul3A_2549 : vector<32x32xf32>
    %mul3A_2551 = arith.mulf %get3A_2463, %get3A_2463 : vector<32x32xf32>
    %add3A_2552 = arith.addf %add3A_2550, %mul3A_2551 : vector<32x32xf32>
    %mul3A_2553 = arith.mulf %get3A_2469, %get3A_2469 : vector<32x32xf32>
    %add3A_2554 = arith.addf %add3A_2552, %mul3A_2553 : vector<32x32xf32>
    %add3A_2555 = arith.addf %add3A_2554, %select_n3A_2541 : vector<32x32xf32>
    %add3A_2556 = arith.addf %add3A_2398, %add3A_2555 : vector<32x32xf32>
    %get3A_2557 = arith.constant 4 : index
    %get3A_2558 = arith.constant 5 : index
    %get3A_2559 = arith.constant 0 : index
    %get3A_2560 = arith.constant 0 : index
    %get3A_2561 = vector.load %arg2[%get3A_2557, %get3A_2558, %get3A_2559, %get3A_2560] : memref<8x25x32x32xf32, #tpu.memory_space<vmem>>, vector<1x1x32x32xf32>
    %get3A_2562 = vector.shape_cast %get3A_2561 : vector<1x1x32x32xf32> to vector<32x32xf32>
    %get3A_2563 = arith.constant 4 : index
    %get3A_2564 = arith.constant 6 : index
    %get3A_2565 = arith.constant 0 : index
    %get3A_2566 = arith.constant 0 : index
    %get3A_2567 = vector.load %arg2[%get3A_2563, %get3A_2564, %get3A_2565, %get3A_2566] : memref<8x25x32x32xf32, #tpu.memory_space<vmem>>, vector<1x1x32x32xf32>
    %get3A_2568 = vector.shape_cast %get3A_2567 : vector<1x1x32x32xf32> to vector<32x32xf32>
    %get3A_2569 = arith.constant 4 : index
    %get3A_2570 = arith.constant 7 : index
    %get3A_2571 = arith.constant 0 : index
    %get3A_2572 = arith.constant 0 : index
    %get3A_2573 = vector.load %arg2[%get3A_2569, %get3A_2570, %get3A_2571, %get3A_2572] : memref<8x25x32x32xf32, #tpu.memory_space<vmem>>, vector<1x1x32x32xf32>
    %get3A_2574 = vector.shape_cast %get3A_2573 : vector<1x1x32x32xf32> to vector<32x32xf32>
    %get3A_2575 = arith.constant 4 : index
    %get3A_2576 = arith.constant 8 : index
    %get3A_2577 = arith.constant 0 : index
    %get3A_2578 = arith.constant 0 : index
    %get3A_2579 = vector.load %arg2[%get3A_2575, %get3A_2576, %get3A_2577, %get3A_2578] : memref<8x25x32x32xf32, #tpu.memory_space<vmem>>, vector<1x1x32x32xf32>
    %get3A_2580 = vector.shape_cast %get3A_2579 : vector<1x1x32x32xf32> to vector<32x32xf32>
    %get3A_2581 = arith.constant 4 : index
    %get3A_2582 = arith.constant 9 : index
    %get3A_2583 = arith.constant 0 : index
    %get3A_2584 = arith.constant 0 : index
    %get3A_2585 = vector.load %arg2[%get3A_2581, %get3A_2582, %get3A_2583, %get3A_2584] : memref<8x25x32x32xf32, #tpu.memory_space<vmem>>, vector<1x1x32x32xf32>
    %get3A_2586 = vector.shape_cast %get3A_2585 : vector<1x1x32x32xf32> to vector<32x32xf32>
    %neg3A_2587 = arith.constant 0.000000e+00 : f32
    %neg3A_2588 = vector.broadcast %neg3A_2587 : f32 to vector<32x32xf32>
    %neg3A_2589 = arith.subf %neg3A_2588, %get3A_2562 : vector<32x32xf32>
    %exp3A_2590 = math.exp %neg3A_2589 : vector<32x32xf32>
    %add3A_2591 = arith.constant 1.000000e+00 : f32
    %add3A_2592 = vector.broadcast %add3A_2591 : f32 to vector<32x32xf32>
    %add3A_2593 = arith.addf %add3A_2592, %exp3A_2590 : vector<32x32xf32>
    %div3A_2594 = arith.constant 1.000000e+00 : f32
    %div3A_2595 = vector.broadcast %div3A_2594 : f32 to vector<32x32xf32>
    %div3A_2596 = arith.divf %div3A_2595, %add3A_2593 : vector<32x32xf32>
    %neg3A_2597 = arith.constant 0.000000e+00 : f32
    %neg3A_2598 = vector.broadcast %neg3A_2597 : f32 to vector<32x32xf32>
    %neg3A_2599 = arith.subf %neg3A_2598, %get3A_2568 : vector<32x32xf32>
    %exp3A_2600 = math.exp %neg3A_2599 : vector<32x32xf32>
    %add3A_2601 = arith.constant 1.000000e+00 : f32
    %add3A_2602 = vector.broadcast %add3A_2601 : f32 to vector<32x32xf32>
    %add3A_2603 = arith.addf %add3A_2602, %exp3A_2600 : vector<32x32xf32>
    %div3A_2604 = arith.constant 1.000000e+00 : f32
    %div3A_2605 = vector.broadcast %div3A_2604 : f32 to vector<32x32xf32>
    %div3A_2606 = arith.divf %div3A_2605, %add3A_2603 : vector<32x32xf32>
    %neg3A_2607 = arith.constant 0.000000e+00 : f32
    %neg3A_2608 = vector.broadcast %neg3A_2607 : f32 to vector<32x32xf32>
    %neg3A_2609 = arith.subf %neg3A_2608, %get3A_2586 : vector<32x32xf32>
    %exp3A_2610 = math.exp %neg3A_2609 : vector<32x32xf32>
    %add3A_2611 = arith.constant 1.000000e+00 : f32
    %add3A_2612 = vector.broadcast %add3A_2611 : f32 to vector<32x32xf32>
    %add3A_2613 = arith.addf %add3A_2612, %exp3A_2610 : vector<32x32xf32>
    %div3A_2614 = arith.constant 1.000000e+00 : f32
    %div3A_2615 = vector.broadcast %div3A_2614 : f32 to vector<32x32xf32>
    %div3A_2616 = arith.divf %div3A_2615, %add3A_2613 : vector<32x32xf32>
    %exp3A_2617 = math.exp %get3A_2574 : vector<32x32xf32>
    %mul3A_2618 = arith.constant 1.59637499 : f32
    %mul3A_2619 = vector.broadcast %mul3A_2618 : f32 to vector<32x32xf32>
    %mul3A_2620 = arith.mulf %exp3A_2617, %mul3A_2619 : vector<32x32xf32>
    %exp3A_2621 = math.exp %get3A_2580 : vector<32x32xf32>
    %mul3A_2622 = arith.constant 2.004720e+00 : f32
    %mul3A_2623 = vector.broadcast %mul3A_2622 : f32 to vector<32x32xf32>
    %mul3A_2624 = arith.mulf %exp3A_2621, %mul3A_2623 : vector<32x32xf32>
    %add3A_2625 = arith.addf %div3A_2596, %mul3A_2620 : vector<32x32xf32>
    %min3A_2626 = arith.minimumf %add3A_2625, %sub3A_2441 : vector<32x32xf32>
    %sub3A_2627 = arith.subf %div3A_2596, %mul3A_2620 : vector<32x32xf32>
    %max3A_2628 = arith.maximumf %sub3A_2627, %sub3A_2439 : vector<32x32xf32>
    %sub3A_2629 = arith.subf %min3A_2626, %max3A_2628 : vector<32x32xf32>
    %add3A_2630 = arith.addf %div3A_2606, %mul3A_2624 : vector<32x32xf32>
    %min3A_2631 = arith.minimumf %add3A_2630, %sub3A_2445 : vector<32x32xf32>
    %sub3A_2632 = arith.subf %div3A_2606, %mul3A_2624 : vector<32x32xf32>
    %max3A_2633 = arith.maximumf %sub3A_2632, %sub3A_2443 : vector<32x32xf32>
    %sub3A_2634 = arith.subf %min3A_2631, %max3A_2633 : vector<32x32xf32>
    %max3A_2635 = arith.constant 0.000000e+00 : f32
    %max3A_2636 = vector.broadcast %max3A_2635 : f32 to vector<32x32xf32>
    %max3A_2637 = arith.maximumf %sub3A_2629, %max3A_2636 : vector<32x32xf32>
    %max3A_2638 = arith.constant 0.000000e+00 : f32
    %max3A_2639 = vector.broadcast %max3A_2638 : f32 to vector<32x32xf32>
    %max3A_2640 = arith.maximumf %sub3A_2634, %max3A_2639 : vector<32x32xf32>
    %mul3A_2641 = arith.mulf %max3A_2637, %max3A_2640 : vector<32x32xf32>
    %mul3A_2642 = arith.mulf %mul3A_2620, %mul3A_2624 : vector<32x32xf32>
    %mul3A_2643 = arith.constant 1.500000e+00 : f32
    %mul3A_2644 = vector.broadcast %mul3A_2643 : f32 to vector<32x32xf32>
    %mul3A_2645 = arith.mulf %mul3A_2644, %mul3A_2642 : vector<32x32xf32>
    %add3A_2646 = vector.broadcast %mul3A_2437 : f32 to vector<32x32xf32>
    %add3A_2647 = arith.addf %mul3A_2645, %add3A_2646 : vector<32x32xf32>
    %gt3A_2648 = arith.cmpf ogt, %mul3A_2641, %add3A_2647 : vector<32x32xf32>
    %mul3A_2649 = arith.mulf %div3A_2616, %div3A_2616 : vector<32x32xf32>
    %jit3A_2650 = arith.constant 0.000000e+00 : f32
    %broadcast_in_dim3A_2651 = vector.broadcast %jit3A_2650 : f32 to vector<32x32xf32>
    %select_n3A_2652 = arith.select %gt3A_2648, %broadcast_in_dim3A_2651, %mul3A_2649 : vector<32x32xi1>, vector<32x32xf32>
    %sub3A_2653 = arith.constant 5.000000e-01 : f32
    %sub3A_2654 = vector.broadcast %sub3A_2653 : f32 to vector<32x32xf32>
    %sub3A_2655 = arith.subf %div3A_2596, %sub3A_2654 : vector<32x32xf32>
    %mul3A_2656 = arith.mulf %sub3A_2655, %sub3A_2655 : vector<32x32xf32>
    %sub3A_2657 = arith.constant 5.000000e-01 : f32
    %sub3A_2658 = vector.broadcast %sub3A_2657 : f32 to vector<32x32xf32>
    %sub3A_2659 = arith.subf %div3A_2606, %sub3A_2658 : vector<32x32xf32>
    %mul3A_2660 = arith.mulf %sub3A_2659, %sub3A_2659 : vector<32x32xf32>
    %add3A_2661 = arith.addf %mul3A_2656, %mul3A_2660 : vector<32x32xf32>
    %mul3A_2662 = arith.mulf %get3A_2574, %get3A_2574 : vector<32x32xf32>
    %add3A_2663 = arith.addf %add3A_2661, %mul3A_2662 : vector<32x32xf32>
    %mul3A_2664 = arith.mulf %get3A_2580, %get3A_2580 : vector<32x32xf32>
    %add3A_2665 = arith.addf %add3A_2663, %mul3A_2664 : vector<32x32xf32>
    %add3A_2666 = arith.addf %add3A_2665, %select_n3A_2652 : vector<32x32xf32>
    %add3A_2667 = arith.addf %add3A_2556, %add3A_2666 : vector<32x32xf32>
    %get3A_2668 = arith.constant 4 : index
    %get3A_2669 = arith.constant 10 : index
    %get3A_2670 = arith.constant 0 : index
    %get3A_2671 = arith.constant 0 : index
    %get3A_2672 = vector.load %arg2[%get3A_2668, %get3A_2669, %get3A_2670, %get3A_2671] : memref<8x25x32x32xf32, #tpu.memory_space<vmem>>, vector<1x1x32x32xf32>
    %get3A_2673 = vector.shape_cast %get3A_2672 : vector<1x1x32x32xf32> to vector<32x32xf32>
    %get3A_2674 = arith.constant 4 : index
    %get3A_2675 = arith.constant 11 : index
    %get3A_2676 = arith.constant 0 : index
    %get3A_2677 = arith.constant 0 : index
    %get3A_2678 = vector.load %arg2[%get3A_2674, %get3A_2675, %get3A_2676, %get3A_2677] : memref<8x25x32x32xf32, #tpu.memory_space<vmem>>, vector<1x1x32x32xf32>
    %get3A_2679 = vector.shape_cast %get3A_2678 : vector<1x1x32x32xf32> to vector<32x32xf32>
    %get3A_2680 = arith.constant 4 : index
    %get3A_2681 = arith.constant 12 : index
    %get3A_2682 = arith.constant 0 : index
    %get3A_2683 = arith.constant 0 : index
    %get3A_2684 = vector.load %arg2[%get3A_2680, %get3A_2681, %get3A_2682, %get3A_2683] : memref<8x25x32x32xf32, #tpu.memory_space<vmem>>, vector<1x1x32x32xf32>
    %get3A_2685 = vector.shape_cast %get3A_2684 : vector<1x1x32x32xf32> to vector<32x32xf32>
    %get3A_2686 = arith.constant 4 : index
    %get3A_2687 = arith.constant 13 : index
    %get3A_2688 = arith.constant 0 : index
    %get3A_2689 = arith.constant 0 : index
    %get3A_2690 = vector.load %arg2[%get3A_2686, %get3A_2687, %get3A_2688, %get3A_2689] : memref<8x25x32x32xf32, #tpu.memory_space<vmem>>, vector<1x1x32x32xf32>
    %get3A_2691 = vector.shape_cast %get3A_2690 : vector<1x1x32x32xf32> to vector<32x32xf32>
    %get3A_2692 = arith.constant 4 : index
    %get3A_2693 = arith.constant 14 : index
    %get3A_2694 = arith.constant 0 : index
    %get3A_2695 = arith.constant 0 : index
    %get3A_2696 = vector.load %arg2[%get3A_2692, %get3A_2693, %get3A_2694, %get3A_2695] : memref<8x25x32x32xf32, #tpu.memory_space<vmem>>, vector<1x1x32x32xf32>
    %get3A_2697 = vector.shape_cast %get3A_2696 : vector<1x1x32x32xf32> to vector<32x32xf32>
    %neg3A_2698 = arith.constant 0.000000e+00 : f32
    %neg3A_2699 = vector.broadcast %neg3A_2698 : f32 to vector<32x32xf32>
    %neg3A_2700 = arith.subf %neg3A_2699, %get3A_2673 : vector<32x32xf32>
    %exp3A_2701 = math.exp %neg3A_2700 : vector<32x32xf32>
    %add3A_2702 = arith.constant 1.000000e+00 : f32
    %add3A_2703 = vector.broadcast %add3A_2702 : f32 to vector<32x32xf32>
    %add3A_2704 = arith.addf %add3A_2703, %exp3A_2701 : vector<32x32xf32>
    %div3A_2705 = arith.constant 1.000000e+00 : f32
    %div3A_2706 = vector.broadcast %div3A_2705 : f32 to vector<32x32xf32>
    %div3A_2707 = arith.divf %div3A_2706, %add3A_2704 : vector<32x32xf32>
    %neg3A_2708 = arith.constant 0.000000e+00 : f32
    %neg3A_2709 = vector.broadcast %neg3A_2708 : f32 to vector<32x32xf32>
    %neg3A_2710 = arith.subf %neg3A_2709, %get3A_2679 : vector<32x32xf32>
    %exp3A_2711 = math.exp %neg3A_2710 : vector<32x32xf32>
    %add3A_2712 = arith.constant 1.000000e+00 : f32
    %add3A_2713 = vector.broadcast %add3A_2712 : f32 to vector<32x32xf32>
    %add3A_2714 = arith.addf %add3A_2713, %exp3A_2711 : vector<32x32xf32>
    %div3A_2715 = arith.constant 1.000000e+00 : f32
    %div3A_2716 = vector.broadcast %div3A_2715 : f32 to vector<32x32xf32>
    %div3A_2717 = arith.divf %div3A_2716, %add3A_2714 : vector<32x32xf32>
    %neg3A_2718 = arith.constant 0.000000e+00 : f32
    %neg3A_2719 = vector.broadcast %neg3A_2718 : f32 to vector<32x32xf32>
    %neg3A_2720 = arith.subf %neg3A_2719, %get3A_2697 : vector<32x32xf32>
    %exp3A_2721 = math.exp %neg3A_2720 : vector<32x32xf32>
    %add3A_2722 = arith.constant 1.000000e+00 : f32
    %add3A_2723 = vector.broadcast %add3A_2722 : f32 to vector<32x32xf32>
    %add3A_2724 = arith.addf %add3A_2723, %exp3A_2721 : vector<32x32xf32>
    %div3A_2725 = arith.constant 1.000000e+00 : f32
    %div3A_2726 = vector.broadcast %div3A_2725 : f32 to vector<32x32xf32>
    %div3A_2727 = arith.divf %div3A_2726, %add3A_2724 : vector<32x32xf32>
    %exp3A_2728 = math.exp %get3A_2685 : vector<32x32xf32>
    %mul3A_2729 = arith.constant 2.52793503 : f32
    %mul3A_2730 = vector.broadcast %mul3A_2729 : f32 to vector<32x32xf32>
    %mul3A_2731 = arith.mulf %exp3A_2728, %mul3A_2730 : vector<32x32xf32>
    %exp3A_2732 = math.exp %get3A_2691 : vector<32x32xf32>
    %mul3A_2733 = arith.constant 4.049460e+00 : f32
    %mul3A_2734 = vector.broadcast %mul3A_2733 : f32 to vector<32x32xf32>
    %mul3A_2735 = arith.mulf %exp3A_2732, %mul3A_2734 : vector<32x32xf32>
    %add3A_2736 = arith.addf %div3A_2707, %mul3A_2731 : vector<32x32xf32>
    %min3A_2737 = arith.minimumf %add3A_2736, %sub3A_2441 : vector<32x32xf32>
    %sub3A_2738 = arith.subf %div3A_2707, %mul3A_2731 : vector<32x32xf32>
    %max3A_2739 = arith.maximumf %sub3A_2738, %sub3A_2439 : vector<32x32xf32>
    %sub3A_2740 = arith.subf %min3A_2737, %max3A_2739 : vector<32x32xf32>
    %add3A_2741 = arith.addf %div3A_2717, %mul3A_2735 : vector<32x32xf32>
    %min3A_2742 = arith.minimumf %add3A_2741, %sub3A_2445 : vector<32x32xf32>
    %sub3A_2743 = arith.subf %div3A_2717, %mul3A_2735 : vector<32x32xf32>
    %max3A_2744 = arith.maximumf %sub3A_2743, %sub3A_2443 : vector<32x32xf32>
    %sub3A_2745 = arith.subf %min3A_2742, %max3A_2744 : vector<32x32xf32>
    %max3A_2746 = arith.constant 0.000000e+00 : f32
    %max3A_2747 = vector.broadcast %max3A_2746 : f32 to vector<32x32xf32>
    %max3A_2748 = arith.maximumf %sub3A_2740, %max3A_2747 : vector<32x32xf32>
    %max3A_2749 = arith.constant 0.000000e+00 : f32
    %max3A_2750 = vector.broadcast %max3A_2749 : f32 to vector<32x32xf32>
    %max3A_2751 = arith.maximumf %sub3A_2745, %max3A_2750 : vector<32x32xf32>
    %mul3A_2752 = arith.mulf %max3A_2748, %max3A_2751 : vector<32x32xf32>
    %mul3A_2753 = arith.mulf %mul3A_2731, %mul3A_2735 : vector<32x32xf32>
    %mul3A_2754 = arith.constant 1.500000e+00 : f32
    %mul3A_2755 = vector.broadcast %mul3A_2754 : f32 to vector<32x32xf32>
    %mul3A_2756 = arith.mulf %mul3A_2755, %mul3A_2753 : vector<32x32xf32>
    %add3A_2757 = vector.broadcast %mul3A_2437 : f32 to vector<32x32xf32>
    %add3A_2758 = arith.addf %mul3A_2756, %add3A_2757 : vector<32x32xf32>
    %gt3A_2759 = arith.cmpf ogt, %mul3A_2752, %add3A_2758 : vector<32x32xf32>
    %mul3A_2760 = arith.mulf %div3A_2727, %div3A_2727 : vector<32x32xf32>
    %jit3A_2761 = arith.constant 0.000000e+00 : f32
    %broadcast_in_dim3A_2762 = vector.broadcast %jit3A_2761 : f32 to vector<32x32xf32>
    %select_n3A_2763 = arith.select %gt3A_2759, %broadcast_in_dim3A_2762, %mul3A_2760 : vector<32x32xi1>, vector<32x32xf32>
    %sub3A_2764 = arith.constant 5.000000e-01 : f32
    %sub3A_2765 = vector.broadcast %sub3A_2764 : f32 to vector<32x32xf32>
    %sub3A_2766 = arith.subf %div3A_2707, %sub3A_2765 : vector<32x32xf32>
    %mul3A_2767 = arith.mulf %sub3A_2766, %sub3A_2766 : vector<32x32xf32>
    %sub3A_2768 = arith.constant 5.000000e-01 : f32
    %sub3A_2769 = vector.broadcast %sub3A_2768 : f32 to vector<32x32xf32>
    %sub3A_2770 = arith.subf %div3A_2717, %sub3A_2769 : vector<32x32xf32>
    %mul3A_2771 = arith.mulf %sub3A_2770, %sub3A_2770 : vector<32x32xf32>
    %add3A_2772 = arith.addf %mul3A_2767, %mul3A_2771 : vector<32x32xf32>
    %mul3A_2773 = arith.mulf %get3A_2685, %get3A_2685 : vector<32x32xf32>
    %add3A_2774 = arith.addf %add3A_2772, %mul3A_2773 : vector<32x32xf32>
    %mul3A_2775 = arith.mulf %get3A_2691, %get3A_2691 : vector<32x32xf32>
    %add3A_2776 = arith.addf %add3A_2774, %mul3A_2775 : vector<32x32xf32>
    %add3A_2777 = arith.addf %add3A_2776, %select_n3A_2763 : vector<32x32xf32>
    %add3A_2778 = arith.addf %add3A_2667, %add3A_2777 : vector<32x32xf32>
    %get3A_2779 = arith.constant 4 : index
    %get3A_2780 = arith.constant 15 : index
    %get3A_2781 = arith.constant 0 : index
    %get3A_2782 = arith.constant 0 : index
    %get3A_2783 = vector.load %arg2[%get3A_2779, %get3A_2780, %get3A_2781, %get3A_2782] : memref<8x25x32x32xf32, #tpu.memory_space<vmem>>, vector<1x1x32x32xf32>
    %get3A_2784 = vector.shape_cast %get3A_2783 : vector<1x1x32x32xf32> to vector<32x32xf32>
    %get3A_2785 = arith.constant 4 : index
    %get3A_2786 = arith.constant 16 : index
    %get3A_2787 = arith.constant 0 : index
    %get3A_2788 = arith.constant 0 : index
    %get3A_2789 = vector.load %arg2[%get3A_2785, %get3A_2786, %get3A_2787, %get3A_2788] : memref<8x25x32x32xf32, #tpu.memory_space<vmem>>, vector<1x1x32x32xf32>
    %get3A_2790 = vector.shape_cast %get3A_2789 : vector<1x1x32x32xf32> to vector<32x32xf32>
    %get3A_2791 = arith.constant 4 : index
    %get3A_2792 = arith.constant 17 : index
    %get3A_2793 = arith.constant 0 : index
    %get3A_2794 = arith.constant 0 : index
    %get3A_2795 = vector.load %arg2[%get3A_2791, %get3A_2792, %get3A_2793, %get3A_2794] : memref<8x25x32x32xf32, #tpu.memory_space<vmem>>, vector<1x1x32x32xf32>
    %get3A_2796 = vector.shape_cast %get3A_2795 : vector<1x1x32x32xf32> to vector<32x32xf32>
    %get3A_2797 = arith.constant 4 : index
    %get3A_2798 = arith.constant 18 : index
    %get3A_2799 = arith.constant 0 : index
    %get3A_2800 = arith.constant 0 : index
    %get3A_2801 = vector.load %arg2[%get3A_2797, %get3A_2798, %get3A_2799, %get3A_2800] : memref<8x25x32x32xf32, #tpu.memory_space<vmem>>, vector<1x1x32x32xf32>
    %get3A_2802 = vector.shape_cast %get3A_2801 : vector<1x1x32x32xf32> to vector<32x32xf32>
    %get3A_2803 = arith.constant 4 : index
    %get3A_2804 = arith.constant 19 : index
    %get3A_2805 = arith.constant 0 : index
    %get3A_2806 = arith.constant 0 : index
    %get3A_2807 = vector.load %arg2[%get3A_2803, %get3A_2804, %get3A_2805, %get3A_2806] : memref<8x25x32x32xf32, #tpu.memory_space<vmem>>, vector<1x1x32x32xf32>
    %get3A_2808 = vector.shape_cast %get3A_2807 : vector<1x1x32x32xf32> to vector<32x32xf32>
    %neg3A_2809 = arith.constant 0.000000e+00 : f32
    %neg3A_2810 = vector.broadcast %neg3A_2809 : f32 to vector<32x32xf32>
    %neg3A_2811 = arith.subf %neg3A_2810, %get3A_2784 : vector<32x32xf32>
    %exp3A_2812 = math.exp %neg3A_2811 : vector<32x32xf32>
    %add3A_2813 = arith.constant 1.000000e+00 : f32
    %add3A_2814 = vector.broadcast %add3A_2813 : f32 to vector<32x32xf32>
    %add3A_2815 = arith.addf %add3A_2814, %exp3A_2812 : vector<32x32xf32>
    %div3A_2816 = arith.constant 1.000000e+00 : f32
    %div3A_2817 = vector.broadcast %div3A_2816 : f32 to vector<32x32xf32>
    %div3A_2818 = arith.divf %div3A_2817, %add3A_2815 : vector<32x32xf32>
    %neg3A_2819 = arith.constant 0.000000e+00 : f32
    %neg3A_2820 = vector.broadcast %neg3A_2819 : f32 to vector<32x32xf32>
    %neg3A_2821 = arith.subf %neg3A_2820, %get3A_2790 : vector<32x32xf32>
    %exp3A_2822 = math.exp %neg3A_2821 : vector<32x32xf32>
    %add3A_2823 = arith.constant 1.000000e+00 : f32
    %add3A_2824 = vector.broadcast %add3A_2823 : f32 to vector<32x32xf32>
    %add3A_2825 = arith.addf %add3A_2824, %exp3A_2822 : vector<32x32xf32>
    %div3A_2826 = arith.constant 1.000000e+00 : f32
    %div3A_2827 = vector.broadcast %div3A_2826 : f32 to vector<32x32xf32>
    %div3A_2828 = arith.divf %div3A_2827, %add3A_2825 : vector<32x32xf32>
    %neg3A_2829 = arith.constant 0.000000e+00 : f32
    %neg3A_2830 = vector.broadcast %neg3A_2829 : f32 to vector<32x32xf32>
    %neg3A_2831 = arith.subf %neg3A_2830, %get3A_2808 : vector<32x32xf32>
    %exp3A_2832 = math.exp %neg3A_2831 : vector<32x32xf32>
    %add3A_2833 = arith.constant 1.000000e+00 : f32
    %add3A_2834 = vector.broadcast %add3A_2833 : f32 to vector<32x32xf32>
    %add3A_2835 = arith.addf %add3A_2834, %exp3A_2832 : vector<32x32xf32>
    %div3A_2836 = arith.constant 1.000000e+00 : f32
    %div3A_2837 = vector.broadcast %div3A_2836 : f32 to vector<32x32xf32>
    %div3A_2838 = arith.divf %div3A_2837, %add3A_2835 : vector<32x32xf32>
    %exp3A_2839 = math.exp %get3A_2796 : vector<32x32xf32>
    %mul3A_2840 = arith.constant 4.735560e+00 : f32
    %mul3A_2841 = vector.broadcast %mul3A_2840 : f32 to vector<32x32xf32>
    %mul3A_2842 = arith.mulf %exp3A_2839, %mul3A_2841 : vector<32x32xf32>
    %exp3A_2843 = math.exp %get3A_2802 : vector<32x32xf32>
    %mul3A_2844 = arith.constant 2.42026496 : f32
    %mul3A_2845 = vector.broadcast %mul3A_2844 : f32 to vector<32x32xf32>
    %mul3A_2846 = arith.mulf %exp3A_2843, %mul3A_2845 : vector<32x32xf32>
    %add3A_2847 = arith.addf %div3A_2818, %mul3A_2842 : vector<32x32xf32>
    %min3A_2848 = arith.minimumf %add3A_2847, %sub3A_2441 : vector<32x32xf32>
    %sub3A_2849 = arith.subf %div3A_2818, %mul3A_2842 : vector<32x32xf32>
    %max3A_2850 = arith.maximumf %sub3A_2849, %sub3A_2439 : vector<32x32xf32>
    %sub3A_2851 = arith.subf %min3A_2848, %max3A_2850 : vector<32x32xf32>
    %add3A_2852 = arith.addf %div3A_2828, %mul3A_2846 : vector<32x32xf32>
    %min3A_2853 = arith.minimumf %add3A_2852, %sub3A_2445 : vector<32x32xf32>
    %sub3A_2854 = arith.subf %div3A_2828, %mul3A_2846 : vector<32x32xf32>
    %max3A_2855 = arith.maximumf %sub3A_2854, %sub3A_2443 : vector<32x32xf32>
    %sub3A_2856 = arith.subf %min3A_2853, %max3A_2855 : vector<32x32xf32>
    %max3A_2857 = arith.constant 0.000000e+00 : f32
    %max3A_2858 = vector.broadcast %max3A_2857 : f32 to vector<32x32xf32>
    %max3A_2859 = arith.maximumf %sub3A_2851, %max3A_2858 : vector<32x32xf32>
    %max3A_2860 = arith.constant 0.000000e+00 : f32
    %max3A_2861 = vector.broadcast %max3A_2860 : f32 to vector<32x32xf32>
    %max3A_2862 = arith.maximumf %sub3A_2856, %max3A_2861 : vector<32x32xf32>
    %mul3A_2863 = arith.mulf %max3A_2859, %max3A_2862 : vector<32x32xf32>
    %mul3A_2864 = arith.mulf %mul3A_2842, %mul3A_2846 : vector<32x32xf32>
    %mul3A_2865 = arith.constant 1.500000e+00 : f32
    %mul3A_2866 = vector.broadcast %mul3A_2865 : f32 to vector<32x32xf32>
    %mul3A_2867 = arith.mulf %mul3A_2866, %mul3A_2864 : vector<32x32xf32>
    %add3A_2868 = vector.broadcast %mul3A_2437 : f32 to vector<32x32xf32>
    %add3A_2869 = arith.addf %mul3A_2867, %add3A_2868 : vector<32x32xf32>
    %gt3A_2870 = arith.cmpf ogt, %mul3A_2863, %add3A_2869 : vector<32x32xf32>
    %mul3A_2871 = arith.mulf %div3A_2838, %div3A_2838 : vector<32x32xf32>
    %jit3A_2872 = arith.constant 0.000000e+00 : f32
    %broadcast_in_dim3A_2873 = vector.broadcast %jit3A_2872 : f32 to vector<32x32xf32>
    %select_n3A_2874 = arith.select %gt3A_2870, %broadcast_in_dim3A_2873, %mul3A_2871 : vector<32x32xi1>, vector<32x32xf32>
    %sub3A_2875 = arith.constant 5.000000e-01 : f32
    %sub3A_2876 = vector.broadcast %sub3A_2875 : f32 to vector<32x32xf32>
    %sub3A_2877 = arith.subf %div3A_2818, %sub3A_2876 : vector<32x32xf32>
    %mul3A_2878 = arith.mulf %sub3A_2877, %sub3A_2877 : vector<32x32xf32>
    %sub3A_2879 = arith.constant 5.000000e-01 : f32
    %sub3A_2880 = vector.broadcast %sub3A_2879 : f32 to vector<32x32xf32>
    %sub3A_2881 = arith.subf %div3A_2828, %sub3A_2880 : vector<32x32xf32>
    %mul3A_2882 = arith.mulf %sub3A_2881, %sub3A_2881 : vector<32x32xf32>
    %add3A_2883 = arith.addf %mul3A_2878, %mul3A_2882 : vector<32x32xf32>
    %mul3A_2884 = arith.mulf %get3A_2796, %get3A_2796 : vector<32x32xf32>
    %add3A_2885 = arith.addf %add3A_2883, %mul3A_2884 : vector<32x32xf32>
    %mul3A_2886 = arith.mulf %get3A_2802, %get3A_2802 : vector<32x32xf32>
    %add3A_2887 = arith.addf %add3A_2885, %mul3A_2886 : vector<32x32xf32>
    %add3A_2888 = arith.addf %add3A_2887, %select_n3A_2874 : vector<32x32xf32>
    %add3A_2889 = arith.addf %add3A_2778, %add3A_2888 : vector<32x32xf32>
    %get3A_2890 = arith.constant 4 : index
    %get3A_2891 = arith.constant 20 : index
    %get3A_2892 = arith.constant 0 : index
    %get3A_2893 = arith.constant 0 : index
    %get3A_2894 = vector.load %arg2[%get3A_2890, %get3A_2891, %get3A_2892, %get3A_2893] : memref<8x25x32x32xf32, #tpu.memory_space<vmem>>, vector<1x1x32x32xf32>
    %get3A_2895 = vector.shape_cast %get3A_2894 : vector<1x1x32x32xf32> to vector<32x32xf32>
    %get3A_2896 = arith.constant 4 : index
    %get3A_2897 = arith.constant 21 : index
    %get3A_2898 = arith.constant 0 : index
    %get3A_2899 = arith.constant 0 : index
    %get3A_2900 = vector.load %arg2[%get3A_2896, %get3A_2897, %get3A_2898, %get3A_2899] : memref<8x25x32x32xf32, #tpu.memory_space<vmem>>, vector<1x1x32x32xf32>
    %get3A_2901 = vector.shape_cast %get3A_2900 : vector<1x1x32x32xf32> to vector<32x32xf32>
    %get3A_2902 = arith.constant 4 : index
    %get3A_2903 = arith.constant 22 : index
    %get3A_2904 = arith.constant 0 : index
    %get3A_2905 = arith.constant 0 : index
    %get3A_2906 = vector.load %arg2[%get3A_2902, %get3A_2903, %get3A_2904, %get3A_2905] : memref<8x25x32x32xf32, #tpu.memory_space<vmem>>, vector<1x1x32x32xf32>
    %get3A_2907 = vector.shape_cast %get3A_2906 : vector<1x1x32x32xf32> to vector<32x32xf32>
    %get3A_2908 = arith.constant 4 : index
    %get3A_2909 = arith.constant 23 : index
    %get3A_2910 = arith.constant 0 : index
    %get3A_2911 = arith.constant 0 : index
    %get3A_2912 = vector.load %arg2[%get3A_2908, %get3A_2909, %get3A_2910, %get3A_2911] : memref<8x25x32x32xf32, #tpu.memory_space<vmem>>, vector<1x1x32x32xf32>
    %get3A_2913 = vector.shape_cast %get3A_2912 : vector<1x1x32x32xf32> to vector<32x32xf32>
    %get3A_2914 = arith.constant 4 : index
    %get3A_2915 = arith.constant 24 : index
    %get3A_2916 = arith.constant 0 : index
    %get3A_2917 = arith.constant 0 : index
    %get3A_2918 = vector.load %arg2[%get3A_2914, %get3A_2915, %get3A_2916, %get3A_2917] : memref<8x25x32x32xf32, #tpu.memory_space<vmem>>, vector<1x1x32x32xf32>
    %get3A_2919 = vector.shape_cast %get3A_2918 : vector<1x1x32x32xf32> to vector<32x32xf32>
    %neg3A_2920 = arith.constant 0.000000e+00 : f32
    %neg3A_2921 = vector.broadcast %neg3A_2920 : f32 to vector<32x32xf32>
    %neg3A_2922 = arith.subf %neg3A_2921, %get3A_2895 : vector<32x32xf32>
    %exp3A_2923 = math.exp %neg3A_2922 : vector<32x32xf32>
    %add3A_2924 = arith.constant 1.000000e+00 : f32
    %add3A_2925 = vector.broadcast %add3A_2924 : f32 to vector<32x32xf32>
    %add3A_2926 = arith.addf %add3A_2925, %exp3A_2923 : vector<32x32xf32>
    %div3A_2927 = arith.constant 1.000000e+00 : f32
    %div3A_2928 = vector.broadcast %div3A_2927 : f32 to vector<32x32xf32>
    %div3A_2929 = arith.divf %div3A_2928, %add3A_2926 : vector<32x32xf32>
    %neg3A_2930 = arith.constant 0.000000e+00 : f32
    %neg3A_2931 = vector.broadcast %neg3A_2930 : f32 to vector<32x32xf32>
    %neg3A_2932 = arith.subf %neg3A_2931, %get3A_2901 : vector<32x32xf32>
    %exp3A_2933 = math.exp %neg3A_2932 : vector<32x32xf32>
    %add3A_2934 = arith.constant 1.000000e+00 : f32
    %add3A_2935 = vector.broadcast %add3A_2934 : f32 to vector<32x32xf32>
    %add3A_2936 = arith.addf %add3A_2935, %exp3A_2933 : vector<32x32xf32>
    %div3A_2937 = arith.constant 1.000000e+00 : f32
    %div3A_2938 = vector.broadcast %div3A_2937 : f32 to vector<32x32xf32>
    %div3A_2939 = arith.divf %div3A_2938, %add3A_2936 : vector<32x32xf32>
    %neg3A_2940 = arith.constant 0.000000e+00 : f32
    %neg3A_2941 = vector.broadcast %neg3A_2940 : f32 to vector<32x32xf32>
    %neg3A_2942 = arith.subf %neg3A_2941, %get3A_2919 : vector<32x32xf32>
    %exp3A_2943 = math.exp %neg3A_2942 : vector<32x32xf32>
    %add3A_2944 = arith.constant 1.000000e+00 : f32
    %add3A_2945 = vector.broadcast %add3A_2944 : f32 to vector<32x32xf32>
    %add3A_2946 = arith.addf %add3A_2945, %exp3A_2943 : vector<32x32xf32>
    %div3A_2947 = arith.constant 1.000000e+00 : f32
    %div3A_2948 = vector.broadcast %div3A_2947 : f32 to vector<32x32xf32>
    %div3A_2949 = arith.divf %div3A_2948, %add3A_2946 : vector<32x32xf32>
    %exp3A_2950 = math.exp %get3A_2907 : vector<32x32xf32>
    %mul3A_2951 = arith.constant 5.618200e+00 : f32
    %mul3A_2952 = vector.broadcast %mul3A_2951 : f32 to vector<32x32xf32>
    %mul3A_2953 = arith.mulf %exp3A_2950, %mul3A_2952 : vector<32x32xf32>
    %exp3A_2954 = math.exp %get3A_2913 : vector<32x32xf32>
    %mul3A_2955 = arith.constant 5.003550e+00 : f32
    %mul3A_2956 = vector.broadcast %mul3A_2955 : f32 to vector<32x32xf32>
    %mul3A_2957 = arith.mulf %exp3A_2954, %mul3A_2956 : vector<32x32xf32>
    %add3A_2958 = arith.addf %div3A_2929, %mul3A_2953 : vector<32x32xf32>
    %min3A_2959 = arith.minimumf %add3A_2958, %sub3A_2441 : vector<32x32xf32>
    %sub3A_2960 = arith.subf %div3A_2929, %mul3A_2953 : vector<32x32xf32>
    %max3A_2961 = arith.maximumf %sub3A_2960, %sub3A_2439 : vector<32x32xf32>
    %sub3A_2962 = arith.subf %min3A_2959, %max3A_2961 : vector<32x32xf32>
    %add3A_2963 = arith.addf %div3A_2939, %mul3A_2957 : vector<32x32xf32>
    %min3A_2964 = arith.minimumf %add3A_2963, %sub3A_2445 : vector<32x32xf32>
    %sub3A_2965 = arith.subf %div3A_2939, %mul3A_2957 : vector<32x32xf32>
    %max3A_2966 = arith.maximumf %sub3A_2965, %sub3A_2443 : vector<32x32xf32>
    %sub3A_2967 = arith.subf %min3A_2964, %max3A_2966 : vector<32x32xf32>
    %max3A_2968 = arith.constant 0.000000e+00 : f32
    %max3A_2969 = vector.broadcast %max3A_2968 : f32 to vector<32x32xf32>
    %max3A_2970 = arith.maximumf %sub3A_2962, %max3A_2969 : vector<32x32xf32>
    %max3A_2971 = arith.constant 0.000000e+00 : f32
    %max3A_2972 = vector.broadcast %max3A_2971 : f32 to vector<32x32xf32>
    %max3A_2973 = arith.maximumf %sub3A_2967, %max3A_2972 : vector<32x32xf32>
    %mul3A_2974 = arith.mulf %max3A_2970, %max3A_2973 : vector<32x32xf32>
    %mul3A_2975 = arith.mulf %mul3A_2953, %mul3A_2957 : vector<32x32xf32>
    %mul3A_2976 = arith.constant 1.500000e+00 : f32
    %mul3A_2977 = vector.broadcast %mul3A_2976 : f32 to vector<32x32xf32>
    %mul3A_2978 = arith.mulf %mul3A_2977, %mul3A_2975 : vector<32x32xf32>
    %add3A_2979 = vector.broadcast %mul3A_2437 : f32 to vector<32x32xf32>
    %add3A_2980 = arith.addf %mul3A_2978, %add3A_2979 : vector<32x32xf32>
    %gt3A_2981 = arith.cmpf ogt, %mul3A_2974, %add3A_2980 : vector<32x32xf32>
    %mul3A_2982 = arith.mulf %div3A_2949, %div3A_2949 : vector<32x32xf32>
    %jit3A_2983 = arith.constant 0.000000e+00 : f32
    %broadcast_in_dim3A_2984 = vector.broadcast %jit3A_2983 : f32 to vector<32x32xf32>
    %select_n3A_2985 = arith.select %gt3A_2981, %broadcast_in_dim3A_2984, %mul3A_2982 : vector<32x32xi1>, vector<32x32xf32>
    %sub3A_2986 = arith.constant 5.000000e-01 : f32
    %sub3A_2987 = vector.broadcast %sub3A_2986 : f32 to vector<32x32xf32>
    %sub3A_2988 = arith.subf %div3A_2929, %sub3A_2987 : vector<32x32xf32>
    %mul3A_2989 = arith.mulf %sub3A_2988, %sub3A_2988 : vector<32x32xf32>
    %sub3A_2990 = arith.constant 5.000000e-01 : f32
    %sub3A_2991 = vector.broadcast %sub3A_2990 : f32 to vector<32x32xf32>
    %sub3A_2992 = arith.subf %div3A_2939, %sub3A_2991 : vector<32x32xf32>
    %mul3A_2993 = arith.mulf %sub3A_2992, %sub3A_2992 : vector<32x32xf32>
    %add3A_2994 = arith.addf %mul3A_2989, %mul3A_2993 : vector<32x32xf32>
    %mul3A_2995 = arith.mulf %get3A_2907, %get3A_2907 : vector<32x32xf32>
    %add3A_2996 = arith.addf %add3A_2994, %mul3A_2995 : vector<32x32xf32>
    %mul3A_2997 = arith.mulf %get3A_2913, %get3A_2913 : vector<32x32xf32>
    %add3A_2998 = arith.addf %add3A_2996, %mul3A_2997 : vector<32x32xf32>
    %add3A_2999 = arith.addf %add3A_2998, %select_n3A_2985 : vector<32x32xf32>
    %add3A_3000 = arith.addf %add3A_2889, %add3A_2999 : vector<32x32xf32>
    %mul3A_3001 = arith.constant 8 : i32
    %mul3A_3002 = arith.muli %arg0, %mul3A_3001 : i32
    %add3A_3003 = arith.constant 5 : i32
    %add3A_3004 = arith.addi %mul3A_3002, %add3A_3003 : i32
    %get3A_3005 = arith.index_cast %add3A_3004 : i32 to index
    %get3A_3006 = arith.constant 0 : index
    %get3A_3007 = memref.load %arg1[%get3A_3005, %get3A_3006] : memref<16x4xf32, #tpu.memory_space<smem>>
    %mul3A_3008 = arith.constant 3.200000e+01 : f32
    %mul3A_3009 = arith.mulf %get3A_3007, %mul3A_3008 : f32
    %get3A_3010 = arith.index_cast %add3A_3004 : i32 to index
    %get3A_3011 = arith.constant 1 : index
    %get3A_3012 = memref.load %arg1[%get3A_3010, %get3A_3011] : memref<16x4xf32, #tpu.memory_space<smem>>
    %mul3A_3013 = arith.constant 3.200000e+01 : f32
    %mul3A_3014 = arith.mulf %get3A_3012, %mul3A_3013 : f32
    %get3A_3015 = arith.index_cast %add3A_3004 : i32 to index
    %get3A_3016 = arith.constant 2 : index
    %get3A_3017 = memref.load %arg1[%get3A_3015, %get3A_3016] : memref<16x4xf32, #tpu.memory_space<smem>>
    %mul3A_3018 = arith.constant 3.200000e+01 : f32
    %mul3A_3019 = arith.mulf %get3A_3017, %mul3A_3018 : f32
    %get3A_3020 = arith.index_cast %add3A_3004 : i32 to index
    %get3A_3021 = arith.constant 3 : index
    %get3A_3022 = memref.load %arg1[%get3A_3020, %get3A_3021] : memref<16x4xf32, #tpu.memory_space<smem>>
    %mul3A_3023 = arith.constant 3.200000e+01 : f32
    %mul3A_3024 = arith.mulf %get3A_3022, %mul3A_3023 : f32
    %mul3A_3025 = arith.constant 5.000000e-01 : f32
    %mul3A_3026 = arith.mulf %mul3A_3019, %mul3A_3025 : f32
    %sub3A_3027 = arith.subf %mul3A_3009, %mul3A_3026 : f32
    %mul3A_3028 = arith.constant 5.000000e-01 : f32
    %mul3A_3029 = arith.mulf %mul3A_3019, %mul3A_3028 : f32
    %add3A_3030 = arith.addf %mul3A_3009, %mul3A_3029 : f32
    %mul3A_3031 = arith.constant 5.000000e-01 : f32
    %mul3A_3032 = arith.mulf %mul3A_3024, %mul3A_3031 : f32
    %sub3A_3033 = arith.subf %mul3A_3014, %mul3A_3032 : f32
    %mul3A_3034 = arith.constant 5.000000e-01 : f32
    %mul3A_3035 = arith.mulf %mul3A_3024, %mul3A_3034 : f32
    %add3A_3036 = arith.addf %mul3A_3014, %mul3A_3035 : f32
    %mul3A_3037 = arith.mulf %mul3A_3019, %mul3A_3024 : f32
    %mul3A_3038 = arith.constant 3.750000e-01 : f32
    %mul3A_3039 = arith.mulf %mul3A_3037, %mul3A_3038 : f32
    %sub3A_3040 = vector.broadcast %sub3A_3027 : f32 to vector<32x32xf32>
    %sub3A_3041 = arith.subf %sub3A_3040, %convert_element_type3A : vector<32x32xf32>
    %sub3A_3042 = vector.broadcast %add3A_3030 : f32 to vector<32x32xf32>
    %sub3A_3043 = arith.subf %sub3A_3042, %convert_element_type3A : vector<32x32xf32>
    %sub3A_3044 = vector.broadcast %sub3A_3033 : f32 to vector<32x32xf32>
    %sub3A_3045 = arith.subf %sub3A_3044, %convert_element_type3A_1 : vector<32x32xf32>
    %sub3A_3046 = vector.broadcast %add3A_3036 : f32 to vector<32x32xf32>
    %sub3A_3047 = arith.subf %sub3A_3046, %convert_element_type3A_1 : vector<32x32xf32>
    %get3A_3048 = arith.constant 5 : index
    %get3A_3049 = arith.constant 0 : index
    %get3A_3050 = arith.constant 0 : index
    %get3A_3051 = arith.constant 0 : index
    %get3A_3052 = vector.load %arg2[%get3A_3048, %get3A_3049, %get3A_3050, %get3A_3051] : memref<8x25x32x32xf32, #tpu.memory_space<vmem>>, vector<1x1x32x32xf32>
    %get3A_3053 = vector.shape_cast %get3A_3052 : vector<1x1x32x32xf32> to vector<32x32xf32>
    %get3A_3054 = arith.constant 5 : index
    %get3A_3055 = arith.constant 1 : index
    %get3A_3056 = arith.constant 0 : index
    %get3A_3057 = arith.constant 0 : index
    %get3A_3058 = vector.load %arg2[%get3A_3054, %get3A_3055, %get3A_3056, %get3A_3057] : memref<8x25x32x32xf32, #tpu.memory_space<vmem>>, vector<1x1x32x32xf32>
    %get3A_3059 = vector.shape_cast %get3A_3058 : vector<1x1x32x32xf32> to vector<32x32xf32>
    %get3A_3060 = arith.constant 5 : index
    %get3A_3061 = arith.constant 2 : index
    %get3A_3062 = arith.constant 0 : index
    %get3A_3063 = arith.constant 0 : index
    %get3A_3064 = vector.load %arg2[%get3A_3060, %get3A_3061, %get3A_3062, %get3A_3063] : memref<8x25x32x32xf32, #tpu.memory_space<vmem>>, vector<1x1x32x32xf32>
    %get3A_3065 = vector.shape_cast %get3A_3064 : vector<1x1x32x32xf32> to vector<32x32xf32>
    %get3A_3066 = arith.constant 5 : index
    %get3A_3067 = arith.constant 3 : index
    %get3A_3068 = arith.constant 0 : index
    %get3A_3069 = arith.constant 0 : index
    %get3A_3070 = vector.load %arg2[%get3A_3066, %get3A_3067, %get3A_3068, %get3A_3069] : memref<8x25x32x32xf32, #tpu.memory_space<vmem>>, vector<1x1x32x32xf32>
    %get3A_3071 = vector.shape_cast %get3A_3070 : vector<1x1x32x32xf32> to vector<32x32xf32>
    %get3A_3072 = arith.constant 5 : index
    %get3A_3073 = arith.constant 4 : index
    %get3A_3074 = arith.constant 0 : index
    %get3A_3075 = arith.constant 0 : index
    %get3A_3076 = vector.load %arg2[%get3A_3072, %get3A_3073, %get3A_3074, %get3A_3075] : memref<8x25x32x32xf32, #tpu.memory_space<vmem>>, vector<1x1x32x32xf32>
    %get3A_3077 = vector.shape_cast %get3A_3076 : vector<1x1x32x32xf32> to vector<32x32xf32>
    %neg3A_3078 = arith.constant 0.000000e+00 : f32
    %neg3A_3079 = vector.broadcast %neg3A_3078 : f32 to vector<32x32xf32>
    %neg3A_3080 = arith.subf %neg3A_3079, %get3A_3053 : vector<32x32xf32>
    %exp3A_3081 = math.exp %neg3A_3080 : vector<32x32xf32>
    %add3A_3082 = arith.constant 1.000000e+00 : f32
    %add3A_3083 = vector.broadcast %add3A_3082 : f32 to vector<32x32xf32>
    %add3A_3084 = arith.addf %add3A_3083, %exp3A_3081 : vector<32x32xf32>
    %div3A_3085 = arith.constant 1.000000e+00 : f32
    %div3A_3086 = vector.broadcast %div3A_3085 : f32 to vector<32x32xf32>
    %div3A_3087 = arith.divf %div3A_3086, %add3A_3084 : vector<32x32xf32>
    %neg3A_3088 = arith.constant 0.000000e+00 : f32
    %neg3A_3089 = vector.broadcast %neg3A_3088 : f32 to vector<32x32xf32>
    %neg3A_3090 = arith.subf %neg3A_3089, %get3A_3059 : vector<32x32xf32>
    %exp3A_3091 = math.exp %neg3A_3090 : vector<32x32xf32>
    %add3A_3092 = arith.constant 1.000000e+00 : f32
    %add3A_3093 = vector.broadcast %add3A_3092 : f32 to vector<32x32xf32>
    %add3A_3094 = arith.addf %add3A_3093, %exp3A_3091 : vector<32x32xf32>
    %div3A_3095 = arith.constant 1.000000e+00 : f32
    %div3A_3096 = vector.broadcast %div3A_3095 : f32 to vector<32x32xf32>
    %div3A_3097 = arith.divf %div3A_3096, %add3A_3094 : vector<32x32xf32>
    %neg3A_3098 = arith.constant 0.000000e+00 : f32
    %neg3A_3099 = vector.broadcast %neg3A_3098 : f32 to vector<32x32xf32>
    %neg3A_3100 = arith.subf %neg3A_3099, %get3A_3077 : vector<32x32xf32>
    %exp3A_3101 = math.exp %neg3A_3100 : vector<32x32xf32>
    %add3A_3102 = arith.constant 1.000000e+00 : f32
    %add3A_3103 = vector.broadcast %add3A_3102 : f32 to vector<32x32xf32>
    %add3A_3104 = arith.addf %add3A_3103, %exp3A_3101 : vector<32x32xf32>
    %div3A_3105 = arith.constant 1.000000e+00 : f32
    %div3A_3106 = vector.broadcast %div3A_3105 : f32 to vector<32x32xf32>
    %div3A_3107 = arith.divf %div3A_3106, %add3A_3104 : vector<32x32xf32>
    %exp3A_3108 = math.exp %get3A_3065 : vector<32x32xf32>
    %mul3A_3109 = arith.constant 6.610500e-01 : f32
    %mul3A_3110 = vector.broadcast %mul3A_3109 : f32 to vector<32x32xf32>
    %mul3A_3111 = arith.mulf %exp3A_3108, %mul3A_3110 : vector<32x32xf32>
    %exp3A_3112 = math.exp %get3A_3071 : vector<32x32xf32>
    %mul3A_3113 = arith.constant 0.86572498 : f32
    %mul3A_3114 = vector.broadcast %mul3A_3113 : f32 to vector<32x32xf32>
    %mul3A_3115 = arith.mulf %exp3A_3112, %mul3A_3114 : vector<32x32xf32>
    %add3A_3116 = arith.addf %div3A_3087, %mul3A_3111 : vector<32x32xf32>
    %min3A_3117 = arith.minimumf %add3A_3116, %sub3A_3043 : vector<32x32xf32>
    %sub3A_3118 = arith.subf %div3A_3087, %mul3A_3111 : vector<32x32xf32>
    %max3A_3119 = arith.maximumf %sub3A_3118, %sub3A_3041 : vector<32x32xf32>
    %sub3A_3120 = arith.subf %min3A_3117, %max3A_3119 : vector<32x32xf32>
    %add3A_3121 = arith.addf %div3A_3097, %mul3A_3115 : vector<32x32xf32>
    %min3A_3122 = arith.minimumf %add3A_3121, %sub3A_3047 : vector<32x32xf32>
    %sub3A_3123 = arith.subf %div3A_3097, %mul3A_3115 : vector<32x32xf32>
    %max3A_3124 = arith.maximumf %sub3A_3123, %sub3A_3045 : vector<32x32xf32>
    %sub3A_3125 = arith.subf %min3A_3122, %max3A_3124 : vector<32x32xf32>
    %max3A_3126 = arith.constant 0.000000e+00 : f32
    %max3A_3127 = vector.broadcast %max3A_3126 : f32 to vector<32x32xf32>
    %max3A_3128 = arith.maximumf %sub3A_3120, %max3A_3127 : vector<32x32xf32>
    %max3A_3129 = arith.constant 0.000000e+00 : f32
    %max3A_3130 = vector.broadcast %max3A_3129 : f32 to vector<32x32xf32>
    %max3A_3131 = arith.maximumf %sub3A_3125, %max3A_3130 : vector<32x32xf32>
    %mul3A_3132 = arith.mulf %max3A_3128, %max3A_3131 : vector<32x32xf32>
    %mul3A_3133 = arith.mulf %mul3A_3111, %mul3A_3115 : vector<32x32xf32>
    %mul3A_3134 = arith.constant 1.500000e+00 : f32
    %mul3A_3135 = vector.broadcast %mul3A_3134 : f32 to vector<32x32xf32>
    %mul3A_3136 = arith.mulf %mul3A_3135, %mul3A_3133 : vector<32x32xf32>
    %add3A_3137 = vector.broadcast %mul3A_3039 : f32 to vector<32x32xf32>
    %add3A_3138 = arith.addf %mul3A_3136, %add3A_3137 : vector<32x32xf32>
    %gt3A_3139 = arith.cmpf ogt, %mul3A_3132, %add3A_3138 : vector<32x32xf32>
    %mul3A_3140 = arith.mulf %div3A_3107, %div3A_3107 : vector<32x32xf32>
    %jit3A_3141 = arith.constant 0.000000e+00 : f32
    %broadcast_in_dim3A_3142 = vector.broadcast %jit3A_3141 : f32 to vector<32x32xf32>
    %select_n3A_3143 = arith.select %gt3A_3139, %broadcast_in_dim3A_3142, %mul3A_3140 : vector<32x32xi1>, vector<32x32xf32>
    %sub3A_3144 = arith.constant 5.000000e-01 : f32
    %sub3A_3145 = vector.broadcast %sub3A_3144 : f32 to vector<32x32xf32>
    %sub3A_3146 = arith.subf %div3A_3087, %sub3A_3145 : vector<32x32xf32>
    %mul3A_3147 = arith.mulf %sub3A_3146, %sub3A_3146 : vector<32x32xf32>
    %sub3A_3148 = arith.constant 5.000000e-01 : f32
    %sub3A_3149 = vector.broadcast %sub3A_3148 : f32 to vector<32x32xf32>
    %sub3A_3150 = arith.subf %div3A_3097, %sub3A_3149 : vector<32x32xf32>
    %mul3A_3151 = arith.mulf %sub3A_3150, %sub3A_3150 : vector<32x32xf32>
    %add3A_3152 = arith.addf %mul3A_3147, %mul3A_3151 : vector<32x32xf32>
    %mul3A_3153 = arith.mulf %get3A_3065, %get3A_3065 : vector<32x32xf32>
    %add3A_3154 = arith.addf %add3A_3152, %mul3A_3153 : vector<32x32xf32>
    %mul3A_3155 = arith.mulf %get3A_3071, %get3A_3071 : vector<32x32xf32>
    %add3A_3156 = arith.addf %add3A_3154, %mul3A_3155 : vector<32x32xf32>
    %add3A_3157 = arith.addf %add3A_3156, %select_n3A_3143 : vector<32x32xf32>
    %add3A_3158 = arith.addf %add3A_3000, %add3A_3157 : vector<32x32xf32>
    %get3A_3159 = arith.constant 5 : index
    %get3A_3160 = arith.constant 5 : index
    %get3A_3161 = arith.constant 0 : index
    %get3A_3162 = arith.constant 0 : index
    %get3A_3163 = vector.load %arg2[%get3A_3159, %get3A_3160, %get3A_3161, %get3A_3162] : memref<8x25x32x32xf32, #tpu.memory_space<vmem>>, vector<1x1x32x32xf32>
    %get3A_3164 = vector.shape_cast %get3A_3163 : vector<1x1x32x32xf32> to vector<32x32xf32>
    %get3A_3165 = arith.constant 5 : index
    %get3A_3166 = arith.constant 6 : index
    %get3A_3167 = arith.constant 0 : index
    %get3A_3168 = arith.constant 0 : index
    %get3A_3169 = vector.load %arg2[%get3A_3165, %get3A_3166, %get3A_3167, %get3A_3168] : memref<8x25x32x32xf32, #tpu.memory_space<vmem>>, vector<1x1x32x32xf32>
    %get3A_3170 = vector.shape_cast %get3A_3169 : vector<1x1x32x32xf32> to vector<32x32xf32>
    %get3A_3171 = arith.constant 5 : index
    %get3A_3172 = arith.constant 7 : index
    %get3A_3173 = arith.constant 0 : index
    %get3A_3174 = arith.constant 0 : index
    %get3A_3175 = vector.load %arg2[%get3A_3171, %get3A_3172, %get3A_3173, %get3A_3174] : memref<8x25x32x32xf32, #tpu.memory_space<vmem>>, vector<1x1x32x32xf32>
    %get3A_3176 = vector.shape_cast %get3A_3175 : vector<1x1x32x32xf32> to vector<32x32xf32>
    %get3A_3177 = arith.constant 5 : index
    %get3A_3178 = arith.constant 8 : index
    %get3A_3179 = arith.constant 0 : index
    %get3A_3180 = arith.constant 0 : index
    %get3A_3181 = vector.load %arg2[%get3A_3177, %get3A_3178, %get3A_3179, %get3A_3180] : memref<8x25x32x32xf32, #tpu.memory_space<vmem>>, vector<1x1x32x32xf32>
    %get3A_3182 = vector.shape_cast %get3A_3181 : vector<1x1x32x32xf32> to vector<32x32xf32>
    %get3A_3183 = arith.constant 5 : index
    %get3A_3184 = arith.constant 9 : index
    %get3A_3185 = arith.constant 0 : index
    %get3A_3186 = arith.constant 0 : index
    %get3A_3187 = vector.load %arg2[%get3A_3183, %get3A_3184, %get3A_3185, %get3A_3186] : memref<8x25x32x32xf32, #tpu.memory_space<vmem>>, vector<1x1x32x32xf32>
    %get3A_3188 = vector.shape_cast %get3A_3187 : vector<1x1x32x32xf32> to vector<32x32xf32>
    %neg3A_3189 = arith.constant 0.000000e+00 : f32
    %neg3A_3190 = vector.broadcast %neg3A_3189 : f32 to vector<32x32xf32>
    %neg3A_3191 = arith.subf %neg3A_3190, %get3A_3164 : vector<32x32xf32>
    %exp3A_3192 = math.exp %neg3A_3191 : vector<32x32xf32>
    %add3A_3193 = arith.constant 1.000000e+00 : f32
    %add3A_3194 = vector.broadcast %add3A_3193 : f32 to vector<32x32xf32>
    %add3A_3195 = arith.addf %add3A_3194, %exp3A_3192 : vector<32x32xf32>
    %div3A_3196 = arith.constant 1.000000e+00 : f32
    %div3A_3197 = vector.broadcast %div3A_3196 : f32 to vector<32x32xf32>
    %div3A_3198 = arith.divf %div3A_3197, %add3A_3195 : vector<32x32xf32>
    %neg3A_3199 = arith.constant 0.000000e+00 : f32
    %neg3A_3200 = vector.broadcast %neg3A_3199 : f32 to vector<32x32xf32>
    %neg3A_3201 = arith.subf %neg3A_3200, %get3A_3170 : vector<32x32xf32>
    %exp3A_3202 = math.exp %neg3A_3201 : vector<32x32xf32>
    %add3A_3203 = arith.constant 1.000000e+00 : f32
    %add3A_3204 = vector.broadcast %add3A_3203 : f32 to vector<32x32xf32>
    %add3A_3205 = arith.addf %add3A_3204, %exp3A_3202 : vector<32x32xf32>
    %div3A_3206 = arith.constant 1.000000e+00 : f32
    %div3A_3207 = vector.broadcast %div3A_3206 : f32 to vector<32x32xf32>
    %div3A_3208 = arith.divf %div3A_3207, %add3A_3205 : vector<32x32xf32>
    %neg3A_3209 = arith.constant 0.000000e+00 : f32
    %neg3A_3210 = vector.broadcast %neg3A_3209 : f32 to vector<32x32xf32>
    %neg3A_3211 = arith.subf %neg3A_3210, %get3A_3188 : vector<32x32xf32>
    %exp3A_3212 = math.exp %neg3A_3211 : vector<32x32xf32>
    %add3A_3213 = arith.constant 1.000000e+00 : f32
    %add3A_3214 = vector.broadcast %add3A_3213 : f32 to vector<32x32xf32>
    %add3A_3215 = arith.addf %add3A_3214, %exp3A_3212 : vector<32x32xf32>
    %div3A_3216 = arith.constant 1.000000e+00 : f32
    %div3A_3217 = vector.broadcast %div3A_3216 : f32 to vector<32x32xf32>
    %div3A_3218 = arith.divf %div3A_3217, %add3A_3215 : vector<32x32xf32>
    %exp3A_3219 = math.exp %get3A_3176 : vector<32x32xf32>
    %mul3A_3220 = arith.constant 1.59637499 : f32
    %mul3A_3221 = vector.broadcast %mul3A_3220 : f32 to vector<32x32xf32>
    %mul3A_3222 = arith.mulf %exp3A_3219, %mul3A_3221 : vector<32x32xf32>
    %exp3A_3223 = math.exp %get3A_3182 : vector<32x32xf32>
    %mul3A_3224 = arith.constant 2.004720e+00 : f32
    %mul3A_3225 = vector.broadcast %mul3A_3224 : f32 to vector<32x32xf32>
    %mul3A_3226 = arith.mulf %exp3A_3223, %mul3A_3225 : vector<32x32xf32>
    %add3A_3227 = arith.addf %div3A_3198, %mul3A_3222 : vector<32x32xf32>
    %min3A_3228 = arith.minimumf %add3A_3227, %sub3A_3043 : vector<32x32xf32>
    %sub3A_3229 = arith.subf %div3A_3198, %mul3A_3222 : vector<32x32xf32>
    %max3A_3230 = arith.maximumf %sub3A_3229, %sub3A_3041 : vector<32x32xf32>
    %sub3A_3231 = arith.subf %min3A_3228, %max3A_3230 : vector<32x32xf32>
    %add3A_3232 = arith.addf %div3A_3208, %mul3A_3226 : vector<32x32xf32>
    %min3A_3233 = arith.minimumf %add3A_3232, %sub3A_3047 : vector<32x32xf32>
    %sub3A_3234 = arith.subf %div3A_3208, %mul3A_3226 : vector<32x32xf32>
    %max3A_3235 = arith.maximumf %sub3A_3234, %sub3A_3045 : vector<32x32xf32>
    %sub3A_3236 = arith.subf %min3A_3233, %max3A_3235 : vector<32x32xf32>
    %max3A_3237 = arith.constant 0.000000e+00 : f32
    %max3A_3238 = vector.broadcast %max3A_3237 : f32 to vector<32x32xf32>
    %max3A_3239 = arith.maximumf %sub3A_3231, %max3A_3238 : vector<32x32xf32>
    %max3A_3240 = arith.constant 0.000000e+00 : f32
    %max3A_3241 = vector.broadcast %max3A_3240 : f32 to vector<32x32xf32>
    %max3A_3242 = arith.maximumf %sub3A_3236, %max3A_3241 : vector<32x32xf32>
    %mul3A_3243 = arith.mulf %max3A_3239, %max3A_3242 : vector<32x32xf32>
    %mul3A_3244 = arith.mulf %mul3A_3222, %mul3A_3226 : vector<32x32xf32>
    %mul3A_3245 = arith.constant 1.500000e+00 : f32
    %mul3A_3246 = vector.broadcast %mul3A_3245 : f32 to vector<32x32xf32>
    %mul3A_3247 = arith.mulf %mul3A_3246, %mul3A_3244 : vector<32x32xf32>
    %add3A_3248 = vector.broadcast %mul3A_3039 : f32 to vector<32x32xf32>
    %add3A_3249 = arith.addf %mul3A_3247, %add3A_3248 : vector<32x32xf32>
    %gt3A_3250 = arith.cmpf ogt, %mul3A_3243, %add3A_3249 : vector<32x32xf32>
    %mul3A_3251 = arith.mulf %div3A_3218, %div3A_3218 : vector<32x32xf32>
    %jit3A_3252 = arith.constant 0.000000e+00 : f32
    %broadcast_in_dim3A_3253 = vector.broadcast %jit3A_3252 : f32 to vector<32x32xf32>
    %select_n3A_3254 = arith.select %gt3A_3250, %broadcast_in_dim3A_3253, %mul3A_3251 : vector<32x32xi1>, vector<32x32xf32>
    %sub3A_3255 = arith.constant 5.000000e-01 : f32
    %sub3A_3256 = vector.broadcast %sub3A_3255 : f32 to vector<32x32xf32>
    %sub3A_3257 = arith.subf %div3A_3198, %sub3A_3256 : vector<32x32xf32>
    %mul3A_3258 = arith.mulf %sub3A_3257, %sub3A_3257 : vector<32x32xf32>
    %sub3A_3259 = arith.constant 5.000000e-01 : f32
    %sub3A_3260 = vector.broadcast %sub3A_3259 : f32 to vector<32x32xf32>
    %sub3A_3261 = arith.subf %div3A_3208, %sub3A_3260 : vector<32x32xf32>
    %mul3A_3262 = arith.mulf %sub3A_3261, %sub3A_3261 : vector<32x32xf32>
    %add3A_3263 = arith.addf %mul3A_3258, %mul3A_3262 : vector<32x32xf32>
    %mul3A_3264 = arith.mulf %get3A_3176, %get3A_3176 : vector<32x32xf32>
    %add3A_3265 = arith.addf %add3A_3263, %mul3A_3264 : vector<32x32xf32>
    %mul3A_3266 = arith.mulf %get3A_3182, %get3A_3182 : vector<32x32xf32>
    %add3A_3267 = arith.addf %add3A_3265, %mul3A_3266 : vector<32x32xf32>
    %add3A_3268 = arith.addf %add3A_3267, %select_n3A_3254 : vector<32x32xf32>
    %add3A_3269 = arith.addf %add3A_3158, %add3A_3268 : vector<32x32xf32>
    %get3A_3270 = arith.constant 5 : index
    %get3A_3271 = arith.constant 10 : index
    %get3A_3272 = arith.constant 0 : index
    %get3A_3273 = arith.constant 0 : index
    %get3A_3274 = vector.load %arg2[%get3A_3270, %get3A_3271, %get3A_3272, %get3A_3273] : memref<8x25x32x32xf32, #tpu.memory_space<vmem>>, vector<1x1x32x32xf32>
    %get3A_3275 = vector.shape_cast %get3A_3274 : vector<1x1x32x32xf32> to vector<32x32xf32>
    %get3A_3276 = arith.constant 5 : index
    %get3A_3277 = arith.constant 11 : index
    %get3A_3278 = arith.constant 0 : index
    %get3A_3279 = arith.constant 0 : index
    %get3A_3280 = vector.load %arg2[%get3A_3276, %get3A_3277, %get3A_3278, %get3A_3279] : memref<8x25x32x32xf32, #tpu.memory_space<vmem>>, vector<1x1x32x32xf32>
    %get3A_3281 = vector.shape_cast %get3A_3280 : vector<1x1x32x32xf32> to vector<32x32xf32>
    %get3A_3282 = arith.constant 5 : index
    %get3A_3283 = arith.constant 12 : index
    %get3A_3284 = arith.constant 0 : index
    %get3A_3285 = arith.constant 0 : index
    %get3A_3286 = vector.load %arg2[%get3A_3282, %get3A_3283, %get3A_3284, %get3A_3285] : memref<8x25x32x32xf32, #tpu.memory_space<vmem>>, vector<1x1x32x32xf32>
    %get3A_3287 = vector.shape_cast %get3A_3286 : vector<1x1x32x32xf32> to vector<32x32xf32>
    %get3A_3288 = arith.constant 5 : index
    %get3A_3289 = arith.constant 13 : index
    %get3A_3290 = arith.constant 0 : index
    %get3A_3291 = arith.constant 0 : index
    %get3A_3292 = vector.load %arg2[%get3A_3288, %get3A_3289, %get3A_3290, %get3A_3291] : memref<8x25x32x32xf32, #tpu.memory_space<vmem>>, vector<1x1x32x32xf32>
    %get3A_3293 = vector.shape_cast %get3A_3292 : vector<1x1x32x32xf32> to vector<32x32xf32>
    %get3A_3294 = arith.constant 5 : index
    %get3A_3295 = arith.constant 14 : index
    %get3A_3296 = arith.constant 0 : index
    %get3A_3297 = arith.constant 0 : index
    %get3A_3298 = vector.load %arg2[%get3A_3294, %get3A_3295, %get3A_3296, %get3A_3297] : memref<8x25x32x32xf32, #tpu.memory_space<vmem>>, vector<1x1x32x32xf32>
    %get3A_3299 = vector.shape_cast %get3A_3298 : vector<1x1x32x32xf32> to vector<32x32xf32>
    %neg3A_3300 = arith.constant 0.000000e+00 : f32
    %neg3A_3301 = vector.broadcast %neg3A_3300 : f32 to vector<32x32xf32>
    %neg3A_3302 = arith.subf %neg3A_3301, %get3A_3275 : vector<32x32xf32>
    %exp3A_3303 = math.exp %neg3A_3302 : vector<32x32xf32>
    %add3A_3304 = arith.constant 1.000000e+00 : f32
    %add3A_3305 = vector.broadcast %add3A_3304 : f32 to vector<32x32xf32>
    %add3A_3306 = arith.addf %add3A_3305, %exp3A_3303 : vector<32x32xf32>
    %div3A_3307 = arith.constant 1.000000e+00 : f32
    %div3A_3308 = vector.broadcast %div3A_3307 : f32 to vector<32x32xf32>
    %div3A_3309 = arith.divf %div3A_3308, %add3A_3306 : vector<32x32xf32>
    %neg3A_3310 = arith.constant 0.000000e+00 : f32
    %neg3A_3311 = vector.broadcast %neg3A_3310 : f32 to vector<32x32xf32>
    %neg3A_3312 = arith.subf %neg3A_3311, %get3A_3281 : vector<32x32xf32>
    %exp3A_3313 = math.exp %neg3A_3312 : vector<32x32xf32>
    %add3A_3314 = arith.constant 1.000000e+00 : f32
    %add3A_3315 = vector.broadcast %add3A_3314 : f32 to vector<32x32xf32>
    %add3A_3316 = arith.addf %add3A_3315, %exp3A_3313 : vector<32x32xf32>
    %div3A_3317 = arith.constant 1.000000e+00 : f32
    %div3A_3318 = vector.broadcast %div3A_3317 : f32 to vector<32x32xf32>
    %div3A_3319 = arith.divf %div3A_3318, %add3A_3316 : vector<32x32xf32>
    %neg3A_3320 = arith.constant 0.000000e+00 : f32
    %neg3A_3321 = vector.broadcast %neg3A_3320 : f32 to vector<32x32xf32>
    %neg3A_3322 = arith.subf %neg3A_3321, %get3A_3299 : vector<32x32xf32>
    %exp3A_3323 = math.exp %neg3A_3322 : vector<32x32xf32>
    %add3A_3324 = arith.constant 1.000000e+00 : f32
    %add3A_3325 = vector.broadcast %add3A_3324 : f32 to vector<32x32xf32>
    %add3A_3326 = arith.addf %add3A_3325, %exp3A_3323 : vector<32x32xf32>
    %div3A_3327 = arith.constant 1.000000e+00 : f32
    %div3A_3328 = vector.broadcast %div3A_3327 : f32 to vector<32x32xf32>
    %div3A_3329 = arith.divf %div3A_3328, %add3A_3326 : vector<32x32xf32>
    %exp3A_3330 = math.exp %get3A_3287 : vector<32x32xf32>
    %mul3A_3331 = arith.constant 2.52793503 : f32
    %mul3A_3332 = vector.broadcast %mul3A_3331 : f32 to vector<32x32xf32>
    %mul3A_3333 = arith.mulf %exp3A_3330, %mul3A_3332 : vector<32x32xf32>
    %exp3A_3334 = math.exp %get3A_3293 : vector<32x32xf32>
    %mul3A_3335 = arith.constant 4.049460e+00 : f32
    %mul3A_3336 = vector.broadcast %mul3A_3335 : f32 to vector<32x32xf32>
    %mul3A_3337 = arith.mulf %exp3A_3334, %mul3A_3336 : vector<32x32xf32>
    %add3A_3338 = arith.addf %div3A_3309, %mul3A_3333 : vector<32x32xf32>
    %min3A_3339 = arith.minimumf %add3A_3338, %sub3A_3043 : vector<32x32xf32>
    %sub3A_3340 = arith.subf %div3A_3309, %mul3A_3333 : vector<32x32xf32>
    %max3A_3341 = arith.maximumf %sub3A_3340, %sub3A_3041 : vector<32x32xf32>
    %sub3A_3342 = arith.subf %min3A_3339, %max3A_3341 : vector<32x32xf32>
    %add3A_3343 = arith.addf %div3A_3319, %mul3A_3337 : vector<32x32xf32>
    %min3A_3344 = arith.minimumf %add3A_3343, %sub3A_3047 : vector<32x32xf32>
    %sub3A_3345 = arith.subf %div3A_3319, %mul3A_3337 : vector<32x32xf32>
    %max3A_3346 = arith.maximumf %sub3A_3345, %sub3A_3045 : vector<32x32xf32>
    %sub3A_3347 = arith.subf %min3A_3344, %max3A_3346 : vector<32x32xf32>
    %max3A_3348 = arith.constant 0.000000e+00 : f32
    %max3A_3349 = vector.broadcast %max3A_3348 : f32 to vector<32x32xf32>
    %max3A_3350 = arith.maximumf %sub3A_3342, %max3A_3349 : vector<32x32xf32>
    %max3A_3351 = arith.constant 0.000000e+00 : f32
    %max3A_3352 = vector.broadcast %max3A_3351 : f32 to vector<32x32xf32>
    %max3A_3353 = arith.maximumf %sub3A_3347, %max3A_3352 : vector<32x32xf32>
    %mul3A_3354 = arith.mulf %max3A_3350, %max3A_3353 : vector<32x32xf32>
    %mul3A_3355 = arith.mulf %mul3A_3333, %mul3A_3337 : vector<32x32xf32>
    %mul3A_3356 = arith.constant 1.500000e+00 : f32
    %mul3A_3357 = vector.broadcast %mul3A_3356 : f32 to vector<32x32xf32>
    %mul3A_3358 = arith.mulf %mul3A_3357, %mul3A_3355 : vector<32x32xf32>
    %add3A_3359 = vector.broadcast %mul3A_3039 : f32 to vector<32x32xf32>
    %add3A_3360 = arith.addf %mul3A_3358, %add3A_3359 : vector<32x32xf32>
    %gt3A_3361 = arith.cmpf ogt, %mul3A_3354, %add3A_3360 : vector<32x32xf32>
    %mul3A_3362 = arith.mulf %div3A_3329, %div3A_3329 : vector<32x32xf32>
    %jit3A_3363 = arith.constant 0.000000e+00 : f32
    %broadcast_in_dim3A_3364 = vector.broadcast %jit3A_3363 : f32 to vector<32x32xf32>
    %select_n3A_3365 = arith.select %gt3A_3361, %broadcast_in_dim3A_3364, %mul3A_3362 : vector<32x32xi1>, vector<32x32xf32>
    %sub3A_3366 = arith.constant 5.000000e-01 : f32
    %sub3A_3367 = vector.broadcast %sub3A_3366 : f32 to vector<32x32xf32>
    %sub3A_3368 = arith.subf %div3A_3309, %sub3A_3367 : vector<32x32xf32>
    %mul3A_3369 = arith.mulf %sub3A_3368, %sub3A_3368 : vector<32x32xf32>
    %sub3A_3370 = arith.constant 5.000000e-01 : f32
    %sub3A_3371 = vector.broadcast %sub3A_3370 : f32 to vector<32x32xf32>
    %sub3A_3372 = arith.subf %div3A_3319, %sub3A_3371 : vector<32x32xf32>
    %mul3A_3373 = arith.mulf %sub3A_3372, %sub3A_3372 : vector<32x32xf32>
    %add3A_3374 = arith.addf %mul3A_3369, %mul3A_3373 : vector<32x32xf32>
    %mul3A_3375 = arith.mulf %get3A_3287, %get3A_3287 : vector<32x32xf32>
    %add3A_3376 = arith.addf %add3A_3374, %mul3A_3375 : vector<32x32xf32>
    %mul3A_3377 = arith.mulf %get3A_3293, %get3A_3293 : vector<32x32xf32>
    %add3A_3378 = arith.addf %add3A_3376, %mul3A_3377 : vector<32x32xf32>
    %add3A_3379 = arith.addf %add3A_3378, %select_n3A_3365 : vector<32x32xf32>
    %add3A_3380 = arith.addf %add3A_3269, %add3A_3379 : vector<32x32xf32>
    %get3A_3381 = arith.constant 5 : index
    %get3A_3382 = arith.constant 15 : index
    %get3A_3383 = arith.constant 0 : index
    %get3A_3384 = arith.constant 0 : index
    %get3A_3385 = vector.load %arg2[%get3A_3381, %get3A_3382, %get3A_3383, %get3A_3384] : memref<8x25x32x32xf32, #tpu.memory_space<vmem>>, vector<1x1x32x32xf32>
    %get3A_3386 = vector.shape_cast %get3A_3385 : vector<1x1x32x32xf32> to vector<32x32xf32>
    %get3A_3387 = arith.constant 5 : index
    %get3A_3388 = arith.constant 16 : index
    %get3A_3389 = arith.constant 0 : index
    %get3A_3390 = arith.constant 0 : index
    %get3A_3391 = vector.load %arg2[%get3A_3387, %get3A_3388, %get3A_3389, %get3A_3390] : memref<8x25x32x32xf32, #tpu.memory_space<vmem>>, vector<1x1x32x32xf32>
    %get3A_3392 = vector.shape_cast %get3A_3391 : vector<1x1x32x32xf32> to vector<32x32xf32>
    %get3A_3393 = arith.constant 5 : index
    %get3A_3394 = arith.constant 17 : index
    %get3A_3395 = arith.constant 0 : index
    %get3A_3396 = arith.constant 0 : index
    %get3A_3397 = vector.load %arg2[%get3A_3393, %get3A_3394, %get3A_3395, %get3A_3396] : memref<8x25x32x32xf32, #tpu.memory_space<vmem>>, vector<1x1x32x32xf32>
    %get3A_3398 = vector.shape_cast %get3A_3397 : vector<1x1x32x32xf32> to vector<32x32xf32>
    %get3A_3399 = arith.constant 5 : index
    %get3A_3400 = arith.constant 18 : index
    %get3A_3401 = arith.constant 0 : index
    %get3A_3402 = arith.constant 0 : index
    %get3A_3403 = vector.load %arg2[%get3A_3399, %get3A_3400, %get3A_3401, %get3A_3402] : memref<8x25x32x32xf32, #tpu.memory_space<vmem>>, vector<1x1x32x32xf32>
    %get3A_3404 = vector.shape_cast %get3A_3403 : vector<1x1x32x32xf32> to vector<32x32xf32>
    %get3A_3405 = arith.constant 5 : index
    %get3A_3406 = arith.constant 19 : index
    %get3A_3407 = arith.constant 0 : index
    %get3A_3408 = arith.constant 0 : index
    %get3A_3409 = vector.load %arg2[%get3A_3405, %get3A_3406, %get3A_3407, %get3A_3408] : memref<8x25x32x32xf32, #tpu.memory_space<vmem>>, vector<1x1x32x32xf32>
    %get3A_3410 = vector.shape_cast %get3A_3409 : vector<1x1x32x32xf32> to vector<32x32xf32>
    %neg3A_3411 = arith.constant 0.000000e+00 : f32
    %neg3A_3412 = vector.broadcast %neg3A_3411 : f32 to vector<32x32xf32>
    %neg3A_3413 = arith.subf %neg3A_3412, %get3A_3386 : vector<32x32xf32>
    %exp3A_3414 = math.exp %neg3A_3413 : vector<32x32xf32>
    %add3A_3415 = arith.constant 1.000000e+00 : f32
    %add3A_3416 = vector.broadcast %add3A_3415 : f32 to vector<32x32xf32>
    %add3A_3417 = arith.addf %add3A_3416, %exp3A_3414 : vector<32x32xf32>
    %div3A_3418 = arith.constant 1.000000e+00 : f32
    %div3A_3419 = vector.broadcast %div3A_3418 : f32 to vector<32x32xf32>
    %div3A_3420 = arith.divf %div3A_3419, %add3A_3417 : vector<32x32xf32>
    %neg3A_3421 = arith.constant 0.000000e+00 : f32
    %neg3A_3422 = vector.broadcast %neg3A_3421 : f32 to vector<32x32xf32>
    %neg3A_3423 = arith.subf %neg3A_3422, %get3A_3392 : vector<32x32xf32>
    %exp3A_3424 = math.exp %neg3A_3423 : vector<32x32xf32>
    %add3A_3425 = arith.constant 1.000000e+00 : f32
    %add3A_3426 = vector.broadcast %add3A_3425 : f32 to vector<32x32xf32>
    %add3A_3427 = arith.addf %add3A_3426, %exp3A_3424 : vector<32x32xf32>
    %div3A_3428 = arith.constant 1.000000e+00 : f32
    %div3A_3429 = vector.broadcast %div3A_3428 : f32 to vector<32x32xf32>
    %div3A_3430 = arith.divf %div3A_3429, %add3A_3427 : vector<32x32xf32>
    %neg3A_3431 = arith.constant 0.000000e+00 : f32
    %neg3A_3432 = vector.broadcast %neg3A_3431 : f32 to vector<32x32xf32>
    %neg3A_3433 = arith.subf %neg3A_3432, %get3A_3410 : vector<32x32xf32>
    %exp3A_3434 = math.exp %neg3A_3433 : vector<32x32xf32>
    %add3A_3435 = arith.constant 1.000000e+00 : f32
    %add3A_3436 = vector.broadcast %add3A_3435 : f32 to vector<32x32xf32>
    %add3A_3437 = arith.addf %add3A_3436, %exp3A_3434 : vector<32x32xf32>
    %div3A_3438 = arith.constant 1.000000e+00 : f32
    %div3A_3439 = vector.broadcast %div3A_3438 : f32 to vector<32x32xf32>
    %div3A_3440 = arith.divf %div3A_3439, %add3A_3437 : vector<32x32xf32>
    %exp3A_3441 = math.exp %get3A_3398 : vector<32x32xf32>
    %mul3A_3442 = arith.constant 4.735560e+00 : f32
    %mul3A_3443 = vector.broadcast %mul3A_3442 : f32 to vector<32x32xf32>
    %mul3A_3444 = arith.mulf %exp3A_3441, %mul3A_3443 : vector<32x32xf32>
    %exp3A_3445 = math.exp %get3A_3404 : vector<32x32xf32>
    %mul3A_3446 = arith.constant 2.42026496 : f32
    %mul3A_3447 = vector.broadcast %mul3A_3446 : f32 to vector<32x32xf32>
    %mul3A_3448 = arith.mulf %exp3A_3445, %mul3A_3447 : vector<32x32xf32>
    %add3A_3449 = arith.addf %div3A_3420, %mul3A_3444 : vector<32x32xf32>
    %min3A_3450 = arith.minimumf %add3A_3449, %sub3A_3043 : vector<32x32xf32>
    %sub3A_3451 = arith.subf %div3A_3420, %mul3A_3444 : vector<32x32xf32>
    %max3A_3452 = arith.maximumf %sub3A_3451, %sub3A_3041 : vector<32x32xf32>
    %sub3A_3453 = arith.subf %min3A_3450, %max3A_3452 : vector<32x32xf32>
    %add3A_3454 = arith.addf %div3A_3430, %mul3A_3448 : vector<32x32xf32>
    %min3A_3455 = arith.minimumf %add3A_3454, %sub3A_3047 : vector<32x32xf32>
    %sub3A_3456 = arith.subf %div3A_3430, %mul3A_3448 : vector<32x32xf32>
    %max3A_3457 = arith.maximumf %sub3A_3456, %sub3A_3045 : vector<32x32xf32>
    %sub3A_3458 = arith.subf %min3A_3455, %max3A_3457 : vector<32x32xf32>
    %max3A_3459 = arith.constant 0.000000e+00 : f32
    %max3A_3460 = vector.broadcast %max3A_3459 : f32 to vector<32x32xf32>
    %max3A_3461 = arith.maximumf %sub3A_3453, %max3A_3460 : vector<32x32xf32>
    %max3A_3462 = arith.constant 0.000000e+00 : f32
    %max3A_3463 = vector.broadcast %max3A_3462 : f32 to vector<32x32xf32>
    %max3A_3464 = arith.maximumf %sub3A_3458, %max3A_3463 : vector<32x32xf32>
    %mul3A_3465 = arith.mulf %max3A_3461, %max3A_3464 : vector<32x32xf32>
    %mul3A_3466 = arith.mulf %mul3A_3444, %mul3A_3448 : vector<32x32xf32>
    %mul3A_3467 = arith.constant 1.500000e+00 : f32
    %mul3A_3468 = vector.broadcast %mul3A_3467 : f32 to vector<32x32xf32>
    %mul3A_3469 = arith.mulf %mul3A_3468, %mul3A_3466 : vector<32x32xf32>
    %add3A_3470 = vector.broadcast %mul3A_3039 : f32 to vector<32x32xf32>
    %add3A_3471 = arith.addf %mul3A_3469, %add3A_3470 : vector<32x32xf32>
    %gt3A_3472 = arith.cmpf ogt, %mul3A_3465, %add3A_3471 : vector<32x32xf32>
    %mul3A_3473 = arith.mulf %div3A_3440, %div3A_3440 : vector<32x32xf32>
    %jit3A_3474 = arith.constant 0.000000e+00 : f32
    %broadcast_in_dim3A_3475 = vector.broadcast %jit3A_3474 : f32 to vector<32x32xf32>
    %select_n3A_3476 = arith.select %gt3A_3472, %broadcast_in_dim3A_3475, %mul3A_3473 : vector<32x32xi1>, vector<32x32xf32>
    %sub3A_3477 = arith.constant 5.000000e-01 : f32
    %sub3A_3478 = vector.broadcast %sub3A_3477 : f32 to vector<32x32xf32>
    %sub3A_3479 = arith.subf %div3A_3420, %sub3A_3478 : vector<32x32xf32>
    %mul3A_3480 = arith.mulf %sub3A_3479, %sub3A_3479 : vector<32x32xf32>
    %sub3A_3481 = arith.constant 5.000000e-01 : f32
    %sub3A_3482 = vector.broadcast %sub3A_3481 : f32 to vector<32x32xf32>
    %sub3A_3483 = arith.subf %div3A_3430, %sub3A_3482 : vector<32x32xf32>
    %mul3A_3484 = arith.mulf %sub3A_3483, %sub3A_3483 : vector<32x32xf32>
    %add3A_3485 = arith.addf %mul3A_3480, %mul3A_3484 : vector<32x32xf32>
    %mul3A_3486 = arith.mulf %get3A_3398, %get3A_3398 : vector<32x32xf32>
    %add3A_3487 = arith.addf %add3A_3485, %mul3A_3486 : vector<32x32xf32>
    %mul3A_3488 = arith.mulf %get3A_3404, %get3A_3404 : vector<32x32xf32>
    %add3A_3489 = arith.addf %add3A_3487, %mul3A_3488 : vector<32x32xf32>
    %add3A_3490 = arith.addf %add3A_3489, %select_n3A_3476 : vector<32x32xf32>
    %add3A_3491 = arith.addf %add3A_3380, %add3A_3490 : vector<32x32xf32>
    %get3A_3492 = arith.constant 5 : index
    %get3A_3493 = arith.constant 20 : index
    %get3A_3494 = arith.constant 0 : index
    %get3A_3495 = arith.constant 0 : index
    %get3A_3496 = vector.load %arg2[%get3A_3492, %get3A_3493, %get3A_3494, %get3A_3495] : memref<8x25x32x32xf32, #tpu.memory_space<vmem>>, vector<1x1x32x32xf32>
    %get3A_3497 = vector.shape_cast %get3A_3496 : vector<1x1x32x32xf32> to vector<32x32xf32>
    %get3A_3498 = arith.constant 5 : index
    %get3A_3499 = arith.constant 21 : index
    %get3A_3500 = arith.constant 0 : index
    %get3A_3501 = arith.constant 0 : index
    %get3A_3502 = vector.load %arg2[%get3A_3498, %get3A_3499, %get3A_3500, %get3A_3501] : memref<8x25x32x32xf32, #tpu.memory_space<vmem>>, vector<1x1x32x32xf32>
    %get3A_3503 = vector.shape_cast %get3A_3502 : vector<1x1x32x32xf32> to vector<32x32xf32>
    %get3A_3504 = arith.constant 5 : index
    %get3A_3505 = arith.constant 22 : index
    %get3A_3506 = arith.constant 0 : index
    %get3A_3507 = arith.constant 0 : index
    %get3A_3508 = vector.load %arg2[%get3A_3504, %get3A_3505, %get3A_3506, %get3A_3507] : memref<8x25x32x32xf32, #tpu.memory_space<vmem>>, vector<1x1x32x32xf32>
    %get3A_3509 = vector.shape_cast %get3A_3508 : vector<1x1x32x32xf32> to vector<32x32xf32>
    %get3A_3510 = arith.constant 5 : index
    %get3A_3511 = arith.constant 23 : index
    %get3A_3512 = arith.constant 0 : index
    %get3A_3513 = arith.constant 0 : index
    %get3A_3514 = vector.load %arg2[%get3A_3510, %get3A_3511, %get3A_3512, %get3A_3513] : memref<8x25x32x32xf32, #tpu.memory_space<vmem>>, vector<1x1x32x32xf32>
    %get3A_3515 = vector.shape_cast %get3A_3514 : vector<1x1x32x32xf32> to vector<32x32xf32>
    %get3A_3516 = arith.constant 5 : index
    %get3A_3517 = arith.constant 24 : index
    %get3A_3518 = arith.constant 0 : index
    %get3A_3519 = arith.constant 0 : index
    %get3A_3520 = vector.load %arg2[%get3A_3516, %get3A_3517, %get3A_3518, %get3A_3519] : memref<8x25x32x32xf32, #tpu.memory_space<vmem>>, vector<1x1x32x32xf32>
    %get3A_3521 = vector.shape_cast %get3A_3520 : vector<1x1x32x32xf32> to vector<32x32xf32>
    %neg3A_3522 = arith.constant 0.000000e+00 : f32
    %neg3A_3523 = vector.broadcast %neg3A_3522 : f32 to vector<32x32xf32>
    %neg3A_3524 = arith.subf %neg3A_3523, %get3A_3497 : vector<32x32xf32>
    %exp3A_3525 = math.exp %neg3A_3524 : vector<32x32xf32>
    %add3A_3526 = arith.constant 1.000000e+00 : f32
    %add3A_3527 = vector.broadcast %add3A_3526 : f32 to vector<32x32xf32>
    %add3A_3528 = arith.addf %add3A_3527, %exp3A_3525 : vector<32x32xf32>
    %div3A_3529 = arith.constant 1.000000e+00 : f32
    %div3A_3530 = vector.broadcast %div3A_3529 : f32 to vector<32x32xf32>
    %div3A_3531 = arith.divf %div3A_3530, %add3A_3528 : vector<32x32xf32>
    %neg3A_3532 = arith.constant 0.000000e+00 : f32
    %neg3A_3533 = vector.broadcast %neg3A_3532 : f32 to vector<32x32xf32>
    %neg3A_3534 = arith.subf %neg3A_3533, %get3A_3503 : vector<32x32xf32>
    %exp3A_3535 = math.exp %neg3A_3534 : vector<32x32xf32>
    %add3A_3536 = arith.constant 1.000000e+00 : f32
    %add3A_3537 = vector.broadcast %add3A_3536 : f32 to vector<32x32xf32>
    %add3A_3538 = arith.addf %add3A_3537, %exp3A_3535 : vector<32x32xf32>
    %div3A_3539 = arith.constant 1.000000e+00 : f32
    %div3A_3540 = vector.broadcast %div3A_3539 : f32 to vector<32x32xf32>
    %div3A_3541 = arith.divf %div3A_3540, %add3A_3538 : vector<32x32xf32>
    %neg3A_3542 = arith.constant 0.000000e+00 : f32
    %neg3A_3543 = vector.broadcast %neg3A_3542 : f32 to vector<32x32xf32>
    %neg3A_3544 = arith.subf %neg3A_3543, %get3A_3521 : vector<32x32xf32>
    %exp3A_3545 = math.exp %neg3A_3544 : vector<32x32xf32>
    %add3A_3546 = arith.constant 1.000000e+00 : f32
    %add3A_3547 = vector.broadcast %add3A_3546 : f32 to vector<32x32xf32>
    %add3A_3548 = arith.addf %add3A_3547, %exp3A_3545 : vector<32x32xf32>
    %div3A_3549 = arith.constant 1.000000e+00 : f32
    %div3A_3550 = vector.broadcast %div3A_3549 : f32 to vector<32x32xf32>
    %div3A_3551 = arith.divf %div3A_3550, %add3A_3548 : vector<32x32xf32>
    %exp3A_3552 = math.exp %get3A_3509 : vector<32x32xf32>
    %mul3A_3553 = arith.constant 5.618200e+00 : f32
    %mul3A_3554 = vector.broadcast %mul3A_3553 : f32 to vector<32x32xf32>
    %mul3A_3555 = arith.mulf %exp3A_3552, %mul3A_3554 : vector<32x32xf32>
    %exp3A_3556 = math.exp %get3A_3515 : vector<32x32xf32>
    %mul3A_3557 = arith.constant 5.003550e+00 : f32
    %mul3A_3558 = vector.broadcast %mul3A_3557 : f32 to vector<32x32xf32>
    %mul3A_3559 = arith.mulf %exp3A_3556, %mul3A_3558 : vector<32x32xf32>
    %add3A_3560 = arith.addf %div3A_3531, %mul3A_3555 : vector<32x32xf32>
    %min3A_3561 = arith.minimumf %add3A_3560, %sub3A_3043 : vector<32x32xf32>
    %sub3A_3562 = arith.subf %div3A_3531, %mul3A_3555 : vector<32x32xf32>
    %max3A_3563 = arith.maximumf %sub3A_3562, %sub3A_3041 : vector<32x32xf32>
    %sub3A_3564 = arith.subf %min3A_3561, %max3A_3563 : vector<32x32xf32>
    %add3A_3565 = arith.addf %div3A_3541, %mul3A_3559 : vector<32x32xf32>
    %min3A_3566 = arith.minimumf %add3A_3565, %sub3A_3047 : vector<32x32xf32>
    %sub3A_3567 = arith.subf %div3A_3541, %mul3A_3559 : vector<32x32xf32>
    %max3A_3568 = arith.maximumf %sub3A_3567, %sub3A_3045 : vector<32x32xf32>
    %sub3A_3569 = arith.subf %min3A_3566, %max3A_3568 : vector<32x32xf32>
    %max3A_3570 = arith.constant 0.000000e+00 : f32
    %max3A_3571 = vector.broadcast %max3A_3570 : f32 to vector<32x32xf32>
    %max3A_3572 = arith.maximumf %sub3A_3564, %max3A_3571 : vector<32x32xf32>
    %max3A_3573 = arith.constant 0.000000e+00 : f32
    %max3A_3574 = vector.broadcast %max3A_3573 : f32 to vector<32x32xf32>
    %max3A_3575 = arith.maximumf %sub3A_3569, %max3A_3574 : vector<32x32xf32>
    %mul3A_3576 = arith.mulf %max3A_3572, %max3A_3575 : vector<32x32xf32>
    %mul3A_3577 = arith.mulf %mul3A_3555, %mul3A_3559 : vector<32x32xf32>
    %mul3A_3578 = arith.constant 1.500000e+00 : f32
    %mul3A_3579 = vector.broadcast %mul3A_3578 : f32 to vector<32x32xf32>
    %mul3A_3580 = arith.mulf %mul3A_3579, %mul3A_3577 : vector<32x32xf32>
    %add3A_3581 = vector.broadcast %mul3A_3039 : f32 to vector<32x32xf32>
    %add3A_3582 = arith.addf %mul3A_3580, %add3A_3581 : vector<32x32xf32>
    %gt3A_3583 = arith.cmpf ogt, %mul3A_3576, %add3A_3582 : vector<32x32xf32>
    %mul3A_3584 = arith.mulf %div3A_3551, %div3A_3551 : vector<32x32xf32>
    %jit3A_3585 = arith.constant 0.000000e+00 : f32
    %broadcast_in_dim3A_3586 = vector.broadcast %jit3A_3585 : f32 to vector<32x32xf32>
    %select_n3A_3587 = arith.select %gt3A_3583, %broadcast_in_dim3A_3586, %mul3A_3584 : vector<32x32xi1>, vector<32x32xf32>
    %sub3A_3588 = arith.constant 5.000000e-01 : f32
    %sub3A_3589 = vector.broadcast %sub3A_3588 : f32 to vector<32x32xf32>
    %sub3A_3590 = arith.subf %div3A_3531, %sub3A_3589 : vector<32x32xf32>
    %mul3A_3591 = arith.mulf %sub3A_3590, %sub3A_3590 : vector<32x32xf32>
    %sub3A_3592 = arith.constant 5.000000e-01 : f32
    %sub3A_3593 = vector.broadcast %sub3A_3592 : f32 to vector<32x32xf32>
    %sub3A_3594 = arith.subf %div3A_3541, %sub3A_3593 : vector<32x32xf32>
    %mul3A_3595 = arith.mulf %sub3A_3594, %sub3A_3594 : vector<32x32xf32>
    %add3A_3596 = arith.addf %mul3A_3591, %mul3A_3595 : vector<32x32xf32>
    %mul3A_3597 = arith.mulf %get3A_3509, %get3A_3509 : vector<32x32xf32>
    %add3A_3598 = arith.addf %add3A_3596, %mul3A_3597 : vector<32x32xf32>
    %mul3A_3599 = arith.mulf %get3A_3515, %get3A_3515 : vector<32x32xf32>
    %add3A_3600 = arith.addf %add3A_3598, %mul3A_3599 : vector<32x32xf32>
    %add3A_3601 = arith.addf %add3A_3600, %select_n3A_3587 : vector<32x32xf32>
    %add3A_3602 = arith.addf %add3A_3491, %add3A_3601 : vector<32x32xf32>
    %mul3A_3603 = arith.constant 8 : i32
    %mul3A_3604 = arith.muli %arg0, %mul3A_3603 : i32
    %add3A_3605 = arith.constant 6 : i32
    %add3A_3606 = arith.addi %mul3A_3604, %add3A_3605 : i32
    %get3A_3607 = arith.index_cast %add3A_3606 : i32 to index
    %get3A_3608 = arith.constant 0 : index
    %get3A_3609 = memref.load %arg1[%get3A_3607, %get3A_3608] : memref<16x4xf32, #tpu.memory_space<smem>>
    %mul3A_3610 = arith.constant 3.200000e+01 : f32
    %mul3A_3611 = arith.mulf %get3A_3609, %mul3A_3610 : f32
    %get3A_3612 = arith.index_cast %add3A_3606 : i32 to index
    %get3A_3613 = arith.constant 1 : index
    %get3A_3614 = memref.load %arg1[%get3A_3612, %get3A_3613] : memref<16x4xf32, #tpu.memory_space<smem>>
    %mul3A_3615 = arith.constant 3.200000e+01 : f32
    %mul3A_3616 = arith.mulf %get3A_3614, %mul3A_3615 : f32
    %get3A_3617 = arith.index_cast %add3A_3606 : i32 to index
    %get3A_3618 = arith.constant 2 : index
    %get3A_3619 = memref.load %arg1[%get3A_3617, %get3A_3618] : memref<16x4xf32, #tpu.memory_space<smem>>
    %mul3A_3620 = arith.constant 3.200000e+01 : f32
    %mul3A_3621 = arith.mulf %get3A_3619, %mul3A_3620 : f32
    %get3A_3622 = arith.index_cast %add3A_3606 : i32 to index
    %get3A_3623 = arith.constant 3 : index
    %get3A_3624 = memref.load %arg1[%get3A_3622, %get3A_3623] : memref<16x4xf32, #tpu.memory_space<smem>>
    %mul3A_3625 = arith.constant 3.200000e+01 : f32
    %mul3A_3626 = arith.mulf %get3A_3624, %mul3A_3625 : f32
    %mul3A_3627 = arith.constant 5.000000e-01 : f32
    %mul3A_3628 = arith.mulf %mul3A_3621, %mul3A_3627 : f32
    %sub3A_3629 = arith.subf %mul3A_3611, %mul3A_3628 : f32
    %mul3A_3630 = arith.constant 5.000000e-01 : f32
    %mul3A_3631 = arith.mulf %mul3A_3621, %mul3A_3630 : f32
    %add3A_3632 = arith.addf %mul3A_3611, %mul3A_3631 : f32
    %mul3A_3633 = arith.constant 5.000000e-01 : f32
    %mul3A_3634 = arith.mulf %mul3A_3626, %mul3A_3633 : f32
    %sub3A_3635 = arith.subf %mul3A_3616, %mul3A_3634 : f32
    %mul3A_3636 = arith.constant 5.000000e-01 : f32
    %mul3A_3637 = arith.mulf %mul3A_3626, %mul3A_3636 : f32
    %add3A_3638 = arith.addf %mul3A_3616, %mul3A_3637 : f32
    %mul3A_3639 = arith.mulf %mul3A_3621, %mul3A_3626 : f32
    %mul3A_3640 = arith.constant 3.750000e-01 : f32
    %mul3A_3641 = arith.mulf %mul3A_3639, %mul3A_3640 : f32
    %sub3A_3642 = vector.broadcast %sub3A_3629 : f32 to vector<32x32xf32>
    %sub3A_3643 = arith.subf %sub3A_3642, %convert_element_type3A : vector<32x32xf32>
    %sub3A_3644 = vector.broadcast %add3A_3632 : f32 to vector<32x32xf32>
    %sub3A_3645 = arith.subf %sub3A_3644, %convert_element_type3A : vector<32x32xf32>
    %sub3A_3646 = vector.broadcast %sub3A_3635 : f32 to vector<32x32xf32>
    %sub3A_3647 = arith.subf %sub3A_3646, %convert_element_type3A_1 : vector<32x32xf32>
    %sub3A_3648 = vector.broadcast %add3A_3638 : f32 to vector<32x32xf32>
    %sub3A_3649 = arith.subf %sub3A_3648, %convert_element_type3A_1 : vector<32x32xf32>
    %get3A_3650 = arith.constant 6 : index
    %get3A_3651 = arith.constant 0 : index
    %get3A_3652 = arith.constant 0 : index
    %get3A_3653 = arith.constant 0 : index
    %get3A_3654 = vector.load %arg2[%get3A_3650, %get3A_3651, %get3A_3652, %get3A_3653] : memref<8x25x32x32xf32, #tpu.memory_space<vmem>>, vector<1x1x32x32xf32>
    %get3A_3655 = vector.shape_cast %get3A_3654 : vector<1x1x32x32xf32> to vector<32x32xf32>
    %get3A_3656 = arith.constant 6 : index
    %get3A_3657 = arith.constant 1 : index
    %get3A_3658 = arith.constant 0 : index
    %get3A_3659 = arith.constant 0 : index
    %get3A_3660 = vector.load %arg2[%get3A_3656, %get3A_3657, %get3A_3658, %get3A_3659] : memref<8x25x32x32xf32, #tpu.memory_space<vmem>>, vector<1x1x32x32xf32>
    %get3A_3661 = vector.shape_cast %get3A_3660 : vector<1x1x32x32xf32> to vector<32x32xf32>
    %get3A_3662 = arith.constant 6 : index
    %get3A_3663 = arith.constant 2 : index
    %get3A_3664 = arith.constant 0 : index
    %get3A_3665 = arith.constant 0 : index
    %get3A_3666 = vector.load %arg2[%get3A_3662, %get3A_3663, %get3A_3664, %get3A_3665] : memref<8x25x32x32xf32, #tpu.memory_space<vmem>>, vector<1x1x32x32xf32>
    %get3A_3667 = vector.shape_cast %get3A_3666 : vector<1x1x32x32xf32> to vector<32x32xf32>
    %get3A_3668 = arith.constant 6 : index
    %get3A_3669 = arith.constant 3 : index
    %get3A_3670 = arith.constant 0 : index
    %get3A_3671 = arith.constant 0 : index
    %get3A_3672 = vector.load %arg2[%get3A_3668, %get3A_3669, %get3A_3670, %get3A_3671] : memref<8x25x32x32xf32, #tpu.memory_space<vmem>>, vector<1x1x32x32xf32>
    %get3A_3673 = vector.shape_cast %get3A_3672 : vector<1x1x32x32xf32> to vector<32x32xf32>
    %get3A_3674 = arith.constant 6 : index
    %get3A_3675 = arith.constant 4 : index
    %get3A_3676 = arith.constant 0 : index
    %get3A_3677 = arith.constant 0 : index
    %get3A_3678 = vector.load %arg2[%get3A_3674, %get3A_3675, %get3A_3676, %get3A_3677] : memref<8x25x32x32xf32, #tpu.memory_space<vmem>>, vector<1x1x32x32xf32>
    %get3A_3679 = vector.shape_cast %get3A_3678 : vector<1x1x32x32xf32> to vector<32x32xf32>
    %neg3A_3680 = arith.constant 0.000000e+00 : f32
    %neg3A_3681 = vector.broadcast %neg3A_3680 : f32 to vector<32x32xf32>
    %neg3A_3682 = arith.subf %neg3A_3681, %get3A_3655 : vector<32x32xf32>
    %exp3A_3683 = math.exp %neg3A_3682 : vector<32x32xf32>
    %add3A_3684 = arith.constant 1.000000e+00 : f32
    %add3A_3685 = vector.broadcast %add3A_3684 : f32 to vector<32x32xf32>
    %add3A_3686 = arith.addf %add3A_3685, %exp3A_3683 : vector<32x32xf32>
    %div3A_3687 = arith.constant 1.000000e+00 : f32
    %div3A_3688 = vector.broadcast %div3A_3687 : f32 to vector<32x32xf32>
    %div3A_3689 = arith.divf %div3A_3688, %add3A_3686 : vector<32x32xf32>
    %neg3A_3690 = arith.constant 0.000000e+00 : f32
    %neg3A_3691 = vector.broadcast %neg3A_3690 : f32 to vector<32x32xf32>
    %neg3A_3692 = arith.subf %neg3A_3691, %get3A_3661 : vector<32x32xf32>
    %exp3A_3693 = math.exp %neg3A_3692 : vector<32x32xf32>
    %add3A_3694 = arith.constant 1.000000e+00 : f32
    %add3A_3695 = vector.broadcast %add3A_3694 : f32 to vector<32x32xf32>
    %add3A_3696 = arith.addf %add3A_3695, %exp3A_3693 : vector<32x32xf32>
    %div3A_3697 = arith.constant 1.000000e+00 : f32
    %div3A_3698 = vector.broadcast %div3A_3697 : f32 to vector<32x32xf32>
    %div3A_3699 = arith.divf %div3A_3698, %add3A_3696 : vector<32x32xf32>
    %neg3A_3700 = arith.constant 0.000000e+00 : f32
    %neg3A_3701 = vector.broadcast %neg3A_3700 : f32 to vector<32x32xf32>
    %neg3A_3702 = arith.subf %neg3A_3701, %get3A_3679 : vector<32x32xf32>
    %exp3A_3703 = math.exp %neg3A_3702 : vector<32x32xf32>
    %add3A_3704 = arith.constant 1.000000e+00 : f32
    %add3A_3705 = vector.broadcast %add3A_3704 : f32 to vector<32x32xf32>
    %add3A_3706 = arith.addf %add3A_3705, %exp3A_3703 : vector<32x32xf32>
    %div3A_3707 = arith.constant 1.000000e+00 : f32
    %div3A_3708 = vector.broadcast %div3A_3707 : f32 to vector<32x32xf32>
    %div3A_3709 = arith.divf %div3A_3708, %add3A_3706 : vector<32x32xf32>
    %exp3A_3710 = math.exp %get3A_3667 : vector<32x32xf32>
    %mul3A_3711 = arith.constant 6.610500e-01 : f32
    %mul3A_3712 = vector.broadcast %mul3A_3711 : f32 to vector<32x32xf32>
    %mul3A_3713 = arith.mulf %exp3A_3710, %mul3A_3712 : vector<32x32xf32>
    %exp3A_3714 = math.exp %get3A_3673 : vector<32x32xf32>
    %mul3A_3715 = arith.constant 0.86572498 : f32
    %mul3A_3716 = vector.broadcast %mul3A_3715 : f32 to vector<32x32xf32>
    %mul3A_3717 = arith.mulf %exp3A_3714, %mul3A_3716 : vector<32x32xf32>
    %add3A_3718 = arith.addf %div3A_3689, %mul3A_3713 : vector<32x32xf32>
    %min3A_3719 = arith.minimumf %add3A_3718, %sub3A_3645 : vector<32x32xf32>
    %sub3A_3720 = arith.subf %div3A_3689, %mul3A_3713 : vector<32x32xf32>
    %max3A_3721 = arith.maximumf %sub3A_3720, %sub3A_3643 : vector<32x32xf32>
    %sub3A_3722 = arith.subf %min3A_3719, %max3A_3721 : vector<32x32xf32>
    %add3A_3723 = arith.addf %div3A_3699, %mul3A_3717 : vector<32x32xf32>
    %min3A_3724 = arith.minimumf %add3A_3723, %sub3A_3649 : vector<32x32xf32>
    %sub3A_3725 = arith.subf %div3A_3699, %mul3A_3717 : vector<32x32xf32>
    %max3A_3726 = arith.maximumf %sub3A_3725, %sub3A_3647 : vector<32x32xf32>
    %sub3A_3727 = arith.subf %min3A_3724, %max3A_3726 : vector<32x32xf32>
    %max3A_3728 = arith.constant 0.000000e+00 : f32
    %max3A_3729 = vector.broadcast %max3A_3728 : f32 to vector<32x32xf32>
    %max3A_3730 = arith.maximumf %sub3A_3722, %max3A_3729 : vector<32x32xf32>
    %max3A_3731 = arith.constant 0.000000e+00 : f32
    %max3A_3732 = vector.broadcast %max3A_3731 : f32 to vector<32x32xf32>
    %max3A_3733 = arith.maximumf %sub3A_3727, %max3A_3732 : vector<32x32xf32>
    %mul3A_3734 = arith.mulf %max3A_3730, %max3A_3733 : vector<32x32xf32>
    %mul3A_3735 = arith.mulf %mul3A_3713, %mul3A_3717 : vector<32x32xf32>
    %mul3A_3736 = arith.constant 1.500000e+00 : f32
    %mul3A_3737 = vector.broadcast %mul3A_3736 : f32 to vector<32x32xf32>
    %mul3A_3738 = arith.mulf %mul3A_3737, %mul3A_3735 : vector<32x32xf32>
    %add3A_3739 = vector.broadcast %mul3A_3641 : f32 to vector<32x32xf32>
    %add3A_3740 = arith.addf %mul3A_3738, %add3A_3739 : vector<32x32xf32>
    %gt3A_3741 = arith.cmpf ogt, %mul3A_3734, %add3A_3740 : vector<32x32xf32>
    %mul3A_3742 = arith.mulf %div3A_3709, %div3A_3709 : vector<32x32xf32>
    %jit3A_3743 = arith.constant 0.000000e+00 : f32
    %broadcast_in_dim3A_3744 = vector.broadcast %jit3A_3743 : f32 to vector<32x32xf32>
    %select_n3A_3745 = arith.select %gt3A_3741, %broadcast_in_dim3A_3744, %mul3A_3742 : vector<32x32xi1>, vector<32x32xf32>
    %sub3A_3746 = arith.constant 5.000000e-01 : f32
    %sub3A_3747 = vector.broadcast %sub3A_3746 : f32 to vector<32x32xf32>
    %sub3A_3748 = arith.subf %div3A_3689, %sub3A_3747 : vector<32x32xf32>
    %mul3A_3749 = arith.mulf %sub3A_3748, %sub3A_3748 : vector<32x32xf32>
    %sub3A_3750 = arith.constant 5.000000e-01 : f32
    %sub3A_3751 = vector.broadcast %sub3A_3750 : f32 to vector<32x32xf32>
    %sub3A_3752 = arith.subf %div3A_3699, %sub3A_3751 : vector<32x32xf32>
    %mul3A_3753 = arith.mulf %sub3A_3752, %sub3A_3752 : vector<32x32xf32>
    %add3A_3754 = arith.addf %mul3A_3749, %mul3A_3753 : vector<32x32xf32>
    %mul3A_3755 = arith.mulf %get3A_3667, %get3A_3667 : vector<32x32xf32>
    %add3A_3756 = arith.addf %add3A_3754, %mul3A_3755 : vector<32x32xf32>
    %mul3A_3757 = arith.mulf %get3A_3673, %get3A_3673 : vector<32x32xf32>
    %add3A_3758 = arith.addf %add3A_3756, %mul3A_3757 : vector<32x32xf32>
    %add3A_3759 = arith.addf %add3A_3758, %select_n3A_3745 : vector<32x32xf32>
    %add3A_3760 = arith.addf %add3A_3602, %add3A_3759 : vector<32x32xf32>
    %get3A_3761 = arith.constant 6 : index
    %get3A_3762 = arith.constant 5 : index
    %get3A_3763 = arith.constant 0 : index
    %get3A_3764 = arith.constant 0 : index
    %get3A_3765 = vector.load %arg2[%get3A_3761, %get3A_3762, %get3A_3763, %get3A_3764] : memref<8x25x32x32xf32, #tpu.memory_space<vmem>>, vector<1x1x32x32xf32>
    %get3A_3766 = vector.shape_cast %get3A_3765 : vector<1x1x32x32xf32> to vector<32x32xf32>
    %get3A_3767 = arith.constant 6 : index
    %get3A_3768 = arith.constant 6 : index
    %get3A_3769 = arith.constant 0 : index
    %get3A_3770 = arith.constant 0 : index
    %get3A_3771 = vector.load %arg2[%get3A_3767, %get3A_3768, %get3A_3769, %get3A_3770] : memref<8x25x32x32xf32, #tpu.memory_space<vmem>>, vector<1x1x32x32xf32>
    %get3A_3772 = vector.shape_cast %get3A_3771 : vector<1x1x32x32xf32> to vector<32x32xf32>
    %get3A_3773 = arith.constant 6 : index
    %get3A_3774 = arith.constant 7 : index
    %get3A_3775 = arith.constant 0 : index
    %get3A_3776 = arith.constant 0 : index
    %get3A_3777 = vector.load %arg2[%get3A_3773, %get3A_3774, %get3A_3775, %get3A_3776] : memref<8x25x32x32xf32, #tpu.memory_space<vmem>>, vector<1x1x32x32xf32>
    %get3A_3778 = vector.shape_cast %get3A_3777 : vector<1x1x32x32xf32> to vector<32x32xf32>
    %get3A_3779 = arith.constant 6 : index
    %get3A_3780 = arith.constant 8 : index
    %get3A_3781 = arith.constant 0 : index
    %get3A_3782 = arith.constant 0 : index
    %get3A_3783 = vector.load %arg2[%get3A_3779, %get3A_3780, %get3A_3781, %get3A_3782] : memref<8x25x32x32xf32, #tpu.memory_space<vmem>>, vector<1x1x32x32xf32>
    %get3A_3784 = vector.shape_cast %get3A_3783 : vector<1x1x32x32xf32> to vector<32x32xf32>
    %get3A_3785 = arith.constant 6 : index
    %get3A_3786 = arith.constant 9 : index
    %get3A_3787 = arith.constant 0 : index
    %get3A_3788 = arith.constant 0 : index
    %get3A_3789 = vector.load %arg2[%get3A_3785, %get3A_3786, %get3A_3787, %get3A_3788] : memref<8x25x32x32xf32, #tpu.memory_space<vmem>>, vector<1x1x32x32xf32>
    %get3A_3790 = vector.shape_cast %get3A_3789 : vector<1x1x32x32xf32> to vector<32x32xf32>
    %neg3A_3791 = arith.constant 0.000000e+00 : f32
    %neg3A_3792 = vector.broadcast %neg3A_3791 : f32 to vector<32x32xf32>
    %neg3A_3793 = arith.subf %neg3A_3792, %get3A_3766 : vector<32x32xf32>
    %exp3A_3794 = math.exp %neg3A_3793 : vector<32x32xf32>
    %add3A_3795 = arith.constant 1.000000e+00 : f32
    %add3A_3796 = vector.broadcast %add3A_3795 : f32 to vector<32x32xf32>
    %add3A_3797 = arith.addf %add3A_3796, %exp3A_3794 : vector<32x32xf32>
    %div3A_3798 = arith.constant 1.000000e+00 : f32
    %div3A_3799 = vector.broadcast %div3A_3798 : f32 to vector<32x32xf32>
    %div3A_3800 = arith.divf %div3A_3799, %add3A_3797 : vector<32x32xf32>
    %neg3A_3801 = arith.constant 0.000000e+00 : f32
    %neg3A_3802 = vector.broadcast %neg3A_3801 : f32 to vector<32x32xf32>
    %neg3A_3803 = arith.subf %neg3A_3802, %get3A_3772 : vector<32x32xf32>
    %exp3A_3804 = math.exp %neg3A_3803 : vector<32x32xf32>
    %add3A_3805 = arith.constant 1.000000e+00 : f32
    %add3A_3806 = vector.broadcast %add3A_3805 : f32 to vector<32x32xf32>
    %add3A_3807 = arith.addf %add3A_3806, %exp3A_3804 : vector<32x32xf32>
    %div3A_3808 = arith.constant 1.000000e+00 : f32
    %div3A_3809 = vector.broadcast %div3A_3808 : f32 to vector<32x32xf32>
    %div3A_3810 = arith.divf %div3A_3809, %add3A_3807 : vector<32x32xf32>
    %neg3A_3811 = arith.constant 0.000000e+00 : f32
    %neg3A_3812 = vector.broadcast %neg3A_3811 : f32 to vector<32x32xf32>
    %neg3A_3813 = arith.subf %neg3A_3812, %get3A_3790 : vector<32x32xf32>
    %exp3A_3814 = math.exp %neg3A_3813 : vector<32x32xf32>
    %add3A_3815 = arith.constant 1.000000e+00 : f32
    %add3A_3816 = vector.broadcast %add3A_3815 : f32 to vector<32x32xf32>
    %add3A_3817 = arith.addf %add3A_3816, %exp3A_3814 : vector<32x32xf32>
    %div3A_3818 = arith.constant 1.000000e+00 : f32
    %div3A_3819 = vector.broadcast %div3A_3818 : f32 to vector<32x32xf32>
    %div3A_3820 = arith.divf %div3A_3819, %add3A_3817 : vector<32x32xf32>
    %exp3A_3821 = math.exp %get3A_3778 : vector<32x32xf32>
    %mul3A_3822 = arith.constant 1.59637499 : f32
    %mul3A_3823 = vector.broadcast %mul3A_3822 : f32 to vector<32x32xf32>
    %mul3A_3824 = arith.mulf %exp3A_3821, %mul3A_3823 : vector<32x32xf32>
    %exp3A_3825 = math.exp %get3A_3784 : vector<32x32xf32>
    %mul3A_3826 = arith.constant 2.004720e+00 : f32
    %mul3A_3827 = vector.broadcast %mul3A_3826 : f32 to vector<32x32xf32>
    %mul3A_3828 = arith.mulf %exp3A_3825, %mul3A_3827 : vector<32x32xf32>
    %add3A_3829 = arith.addf %div3A_3800, %mul3A_3824 : vector<32x32xf32>
    %min3A_3830 = arith.minimumf %add3A_3829, %sub3A_3645 : vector<32x32xf32>
    %sub3A_3831 = arith.subf %div3A_3800, %mul3A_3824 : vector<32x32xf32>
    %max3A_3832 = arith.maximumf %sub3A_3831, %sub3A_3643 : vector<32x32xf32>
    %sub3A_3833 = arith.subf %min3A_3830, %max3A_3832 : vector<32x32xf32>
    %add3A_3834 = arith.addf %div3A_3810, %mul3A_3828 : vector<32x32xf32>
    %min3A_3835 = arith.minimumf %add3A_3834, %sub3A_3649 : vector<32x32xf32>
    %sub3A_3836 = arith.subf %div3A_3810, %mul3A_3828 : vector<32x32xf32>
    %max3A_3837 = arith.maximumf %sub3A_3836, %sub3A_3647 : vector<32x32xf32>
    %sub3A_3838 = arith.subf %min3A_3835, %max3A_3837 : vector<32x32xf32>
    %max3A_3839 = arith.constant 0.000000e+00 : f32
    %max3A_3840 = vector.broadcast %max3A_3839 : f32 to vector<32x32xf32>
    %max3A_3841 = arith.maximumf %sub3A_3833, %max3A_3840 : vector<32x32xf32>
    %max3A_3842 = arith.constant 0.000000e+00 : f32
    %max3A_3843 = vector.broadcast %max3A_3842 : f32 to vector<32x32xf32>
    %max3A_3844 = arith.maximumf %sub3A_3838, %max3A_3843 : vector<32x32xf32>
    %mul3A_3845 = arith.mulf %max3A_3841, %max3A_3844 : vector<32x32xf32>
    %mul3A_3846 = arith.mulf %mul3A_3824, %mul3A_3828 : vector<32x32xf32>
    %mul3A_3847 = arith.constant 1.500000e+00 : f32
    %mul3A_3848 = vector.broadcast %mul3A_3847 : f32 to vector<32x32xf32>
    %mul3A_3849 = arith.mulf %mul3A_3848, %mul3A_3846 : vector<32x32xf32>
    %add3A_3850 = vector.broadcast %mul3A_3641 : f32 to vector<32x32xf32>
    %add3A_3851 = arith.addf %mul3A_3849, %add3A_3850 : vector<32x32xf32>
    %gt3A_3852 = arith.cmpf ogt, %mul3A_3845, %add3A_3851 : vector<32x32xf32>
    %mul3A_3853 = arith.mulf %div3A_3820, %div3A_3820 : vector<32x32xf32>
    %jit3A_3854 = arith.constant 0.000000e+00 : f32
    %broadcast_in_dim3A_3855 = vector.broadcast %jit3A_3854 : f32 to vector<32x32xf32>
    %select_n3A_3856 = arith.select %gt3A_3852, %broadcast_in_dim3A_3855, %mul3A_3853 : vector<32x32xi1>, vector<32x32xf32>
    %sub3A_3857 = arith.constant 5.000000e-01 : f32
    %sub3A_3858 = vector.broadcast %sub3A_3857 : f32 to vector<32x32xf32>
    %sub3A_3859 = arith.subf %div3A_3800, %sub3A_3858 : vector<32x32xf32>
    %mul3A_3860 = arith.mulf %sub3A_3859, %sub3A_3859 : vector<32x32xf32>
    %sub3A_3861 = arith.constant 5.000000e-01 : f32
    %sub3A_3862 = vector.broadcast %sub3A_3861 : f32 to vector<32x32xf32>
    %sub3A_3863 = arith.subf %div3A_3810, %sub3A_3862 : vector<32x32xf32>
    %mul3A_3864 = arith.mulf %sub3A_3863, %sub3A_3863 : vector<32x32xf32>
    %add3A_3865 = arith.addf %mul3A_3860, %mul3A_3864 : vector<32x32xf32>
    %mul3A_3866 = arith.mulf %get3A_3778, %get3A_3778 : vector<32x32xf32>
    %add3A_3867 = arith.addf %add3A_3865, %mul3A_3866 : vector<32x32xf32>
    %mul3A_3868 = arith.mulf %get3A_3784, %get3A_3784 : vector<32x32xf32>
    %add3A_3869 = arith.addf %add3A_3867, %mul3A_3868 : vector<32x32xf32>
    %add3A_3870 = arith.addf %add3A_3869, %select_n3A_3856 : vector<32x32xf32>
    %add3A_3871 = arith.addf %add3A_3760, %add3A_3870 : vector<32x32xf32>
    %get3A_3872 = arith.constant 6 : index
    %get3A_3873 = arith.constant 10 : index
    %get3A_3874 = arith.constant 0 : index
    %get3A_3875 = arith.constant 0 : index
    %get3A_3876 = vector.load %arg2[%get3A_3872, %get3A_3873, %get3A_3874, %get3A_3875] : memref<8x25x32x32xf32, #tpu.memory_space<vmem>>, vector<1x1x32x32xf32>
    %get3A_3877 = vector.shape_cast %get3A_3876 : vector<1x1x32x32xf32> to vector<32x32xf32>
    %get3A_3878 = arith.constant 6 : index
    %get3A_3879 = arith.constant 11 : index
    %get3A_3880 = arith.constant 0 : index
    %get3A_3881 = arith.constant 0 : index
    %get3A_3882 = vector.load %arg2[%get3A_3878, %get3A_3879, %get3A_3880, %get3A_3881] : memref<8x25x32x32xf32, #tpu.memory_space<vmem>>, vector<1x1x32x32xf32>
    %get3A_3883 = vector.shape_cast %get3A_3882 : vector<1x1x32x32xf32> to vector<32x32xf32>
    %get3A_3884 = arith.constant 6 : index
    %get3A_3885 = arith.constant 12 : index
    %get3A_3886 = arith.constant 0 : index
    %get3A_3887 = arith.constant 0 : index
    %get3A_3888 = vector.load %arg2[%get3A_3884, %get3A_3885, %get3A_3886, %get3A_3887] : memref<8x25x32x32xf32, #tpu.memory_space<vmem>>, vector<1x1x32x32xf32>
    %get3A_3889 = vector.shape_cast %get3A_3888 : vector<1x1x32x32xf32> to vector<32x32xf32>
    %get3A_3890 = arith.constant 6 : index
    %get3A_3891 = arith.constant 13 : index
    %get3A_3892 = arith.constant 0 : index
    %get3A_3893 = arith.constant 0 : index
    %get3A_3894 = vector.load %arg2[%get3A_3890, %get3A_3891, %get3A_3892, %get3A_3893] : memref<8x25x32x32xf32, #tpu.memory_space<vmem>>, vector<1x1x32x32xf32>
    %get3A_3895 = vector.shape_cast %get3A_3894 : vector<1x1x32x32xf32> to vector<32x32xf32>
    %get3A_3896 = arith.constant 6 : index
    %get3A_3897 = arith.constant 14 : index
    %get3A_3898 = arith.constant 0 : index
    %get3A_3899 = arith.constant 0 : index
    %get3A_3900 = vector.load %arg2[%get3A_3896, %get3A_3897, %get3A_3898, %get3A_3899] : memref<8x25x32x32xf32, #tpu.memory_space<vmem>>, vector<1x1x32x32xf32>
    %get3A_3901 = vector.shape_cast %get3A_3900 : vector<1x1x32x32xf32> to vector<32x32xf32>
    %neg3A_3902 = arith.constant 0.000000e+00 : f32
    %neg3A_3903 = vector.broadcast %neg3A_3902 : f32 to vector<32x32xf32>
    %neg3A_3904 = arith.subf %neg3A_3903, %get3A_3877 : vector<32x32xf32>
    %exp3A_3905 = math.exp %neg3A_3904 : vector<32x32xf32>
    %add3A_3906 = arith.constant 1.000000e+00 : f32
    %add3A_3907 = vector.broadcast %add3A_3906 : f32 to vector<32x32xf32>
    %add3A_3908 = arith.addf %add3A_3907, %exp3A_3905 : vector<32x32xf32>
    %div3A_3909 = arith.constant 1.000000e+00 : f32
    %div3A_3910 = vector.broadcast %div3A_3909 : f32 to vector<32x32xf32>
    %div3A_3911 = arith.divf %div3A_3910, %add3A_3908 : vector<32x32xf32>
    %neg3A_3912 = arith.constant 0.000000e+00 : f32
    %neg3A_3913 = vector.broadcast %neg3A_3912 : f32 to vector<32x32xf32>
    %neg3A_3914 = arith.subf %neg3A_3913, %get3A_3883 : vector<32x32xf32>
    %exp3A_3915 = math.exp %neg3A_3914 : vector<32x32xf32>
    %add3A_3916 = arith.constant 1.000000e+00 : f32
    %add3A_3917 = vector.broadcast %add3A_3916 : f32 to vector<32x32xf32>
    %add3A_3918 = arith.addf %add3A_3917, %exp3A_3915 : vector<32x32xf32>
    %div3A_3919 = arith.constant 1.000000e+00 : f32
    %div3A_3920 = vector.broadcast %div3A_3919 : f32 to vector<32x32xf32>
    %div3A_3921 = arith.divf %div3A_3920, %add3A_3918 : vector<32x32xf32>
    %neg3A_3922 = arith.constant 0.000000e+00 : f32
    %neg3A_3923 = vector.broadcast %neg3A_3922 : f32 to vector<32x32xf32>
    %neg3A_3924 = arith.subf %neg3A_3923, %get3A_3901 : vector<32x32xf32>
    %exp3A_3925 = math.exp %neg3A_3924 : vector<32x32xf32>
    %add3A_3926 = arith.constant 1.000000e+00 : f32
    %add3A_3927 = vector.broadcast %add3A_3926 : f32 to vector<32x32xf32>
    %add3A_3928 = arith.addf %add3A_3927, %exp3A_3925 : vector<32x32xf32>
    %div3A_3929 = arith.constant 1.000000e+00 : f32
    %div3A_3930 = vector.broadcast %div3A_3929 : f32 to vector<32x32xf32>
    %div3A_3931 = arith.divf %div3A_3930, %add3A_3928 : vector<32x32xf32>
    %exp3A_3932 = math.exp %get3A_3889 : vector<32x32xf32>
    %mul3A_3933 = arith.constant 2.52793503 : f32
    %mul3A_3934 = vector.broadcast %mul3A_3933 : f32 to vector<32x32xf32>
    %mul3A_3935 = arith.mulf %exp3A_3932, %mul3A_3934 : vector<32x32xf32>
    %exp3A_3936 = math.exp %get3A_3895 : vector<32x32xf32>
    %mul3A_3937 = arith.constant 4.049460e+00 : f32
    %mul3A_3938 = vector.broadcast %mul3A_3937 : f32 to vector<32x32xf32>
    %mul3A_3939 = arith.mulf %exp3A_3936, %mul3A_3938 : vector<32x32xf32>
    %add3A_3940 = arith.addf %div3A_3911, %mul3A_3935 : vector<32x32xf32>
    %min3A_3941 = arith.minimumf %add3A_3940, %sub3A_3645 : vector<32x32xf32>
    %sub3A_3942 = arith.subf %div3A_3911, %mul3A_3935 : vector<32x32xf32>
    %max3A_3943 = arith.maximumf %sub3A_3942, %sub3A_3643 : vector<32x32xf32>
    %sub3A_3944 = arith.subf %min3A_3941, %max3A_3943 : vector<32x32xf32>
    %add3A_3945 = arith.addf %div3A_3921, %mul3A_3939 : vector<32x32xf32>
    %min3A_3946 = arith.minimumf %add3A_3945, %sub3A_3649 : vector<32x32xf32>
    %sub3A_3947 = arith.subf %div3A_3921, %mul3A_3939 : vector<32x32xf32>
    %max3A_3948 = arith.maximumf %sub3A_3947, %sub3A_3647 : vector<32x32xf32>
    %sub3A_3949 = arith.subf %min3A_3946, %max3A_3948 : vector<32x32xf32>
    %max3A_3950 = arith.constant 0.000000e+00 : f32
    %max3A_3951 = vector.broadcast %max3A_3950 : f32 to vector<32x32xf32>
    %max3A_3952 = arith.maximumf %sub3A_3944, %max3A_3951 : vector<32x32xf32>
    %max3A_3953 = arith.constant 0.000000e+00 : f32
    %max3A_3954 = vector.broadcast %max3A_3953 : f32 to vector<32x32xf32>
    %max3A_3955 = arith.maximumf %sub3A_3949, %max3A_3954 : vector<32x32xf32>
    %mul3A_3956 = arith.mulf %max3A_3952, %max3A_3955 : vector<32x32xf32>
    %mul3A_3957 = arith.mulf %mul3A_3935, %mul3A_3939 : vector<32x32xf32>
    %mul3A_3958 = arith.constant 1.500000e+00 : f32
    %mul3A_3959 = vector.broadcast %mul3A_3958 : f32 to vector<32x32xf32>
    %mul3A_3960 = arith.mulf %mul3A_3959, %mul3A_3957 : vector<32x32xf32>
    %add3A_3961 = vector.broadcast %mul3A_3641 : f32 to vector<32x32xf32>
    %add3A_3962 = arith.addf %mul3A_3960, %add3A_3961 : vector<32x32xf32>
    %gt3A_3963 = arith.cmpf ogt, %mul3A_3956, %add3A_3962 : vector<32x32xf32>
    %mul3A_3964 = arith.mulf %div3A_3931, %div3A_3931 : vector<32x32xf32>
    %jit3A_3965 = arith.constant 0.000000e+00 : f32
    %broadcast_in_dim3A_3966 = vector.broadcast %jit3A_3965 : f32 to vector<32x32xf32>
    %select_n3A_3967 = arith.select %gt3A_3963, %broadcast_in_dim3A_3966, %mul3A_3964 : vector<32x32xi1>, vector<32x32xf32>
    %sub3A_3968 = arith.constant 5.000000e-01 : f32
    %sub3A_3969 = vector.broadcast %sub3A_3968 : f32 to vector<32x32xf32>
    %sub3A_3970 = arith.subf %div3A_3911, %sub3A_3969 : vector<32x32xf32>
    %mul3A_3971 = arith.mulf %sub3A_3970, %sub3A_3970 : vector<32x32xf32>
    %sub3A_3972 = arith.constant 5.000000e-01 : f32
    %sub3A_3973 = vector.broadcast %sub3A_3972 : f32 to vector<32x32xf32>
    %sub3A_3974 = arith.subf %div3A_3921, %sub3A_3973 : vector<32x32xf32>
    %mul3A_3975 = arith.mulf %sub3A_3974, %sub3A_3974 : vector<32x32xf32>
    %add3A_3976 = arith.addf %mul3A_3971, %mul3A_3975 : vector<32x32xf32>
    %mul3A_3977 = arith.mulf %get3A_3889, %get3A_3889 : vector<32x32xf32>
    %add3A_3978 = arith.addf %add3A_3976, %mul3A_3977 : vector<32x32xf32>
    %mul3A_3979 = arith.mulf %get3A_3895, %get3A_3895 : vector<32x32xf32>
    %add3A_3980 = arith.addf %add3A_3978, %mul3A_3979 : vector<32x32xf32>
    %add3A_3981 = arith.addf %add3A_3980, %select_n3A_3967 : vector<32x32xf32>
    %add3A_3982 = arith.addf %add3A_3871, %add3A_3981 : vector<32x32xf32>
    %get3A_3983 = arith.constant 6 : index
    %get3A_3984 = arith.constant 15 : index
    %get3A_3985 = arith.constant 0 : index
    %get3A_3986 = arith.constant 0 : index
    %get3A_3987 = vector.load %arg2[%get3A_3983, %get3A_3984, %get3A_3985, %get3A_3986] : memref<8x25x32x32xf32, #tpu.memory_space<vmem>>, vector<1x1x32x32xf32>
    %get3A_3988 = vector.shape_cast %get3A_3987 : vector<1x1x32x32xf32> to vector<32x32xf32>
    %get3A_3989 = arith.constant 6 : index
    %get3A_3990 = arith.constant 16 : index
    %get3A_3991 = arith.constant 0 : index
    %get3A_3992 = arith.constant 0 : index
    %get3A_3993 = vector.load %arg2[%get3A_3989, %get3A_3990, %get3A_3991, %get3A_3992] : memref<8x25x32x32xf32, #tpu.memory_space<vmem>>, vector<1x1x32x32xf32>
    %get3A_3994 = vector.shape_cast %get3A_3993 : vector<1x1x32x32xf32> to vector<32x32xf32>
    %get3A_3995 = arith.constant 6 : index
    %get3A_3996 = arith.constant 17 : index
    %get3A_3997 = arith.constant 0 : index
    %get3A_3998 = arith.constant 0 : index
    %get3A_3999 = vector.load %arg2[%get3A_3995, %get3A_3996, %get3A_3997, %get3A_3998] : memref<8x25x32x32xf32, #tpu.memory_space<vmem>>, vector<1x1x32x32xf32>
    %get3A_4000 = vector.shape_cast %get3A_3999 : vector<1x1x32x32xf32> to vector<32x32xf32>
    %get3A_4001 = arith.constant 6 : index
    %get3A_4002 = arith.constant 18 : index
    %get3A_4003 = arith.constant 0 : index
    %get3A_4004 = arith.constant 0 : index
    %get3A_4005 = vector.load %arg2[%get3A_4001, %get3A_4002, %get3A_4003, %get3A_4004] : memref<8x25x32x32xf32, #tpu.memory_space<vmem>>, vector<1x1x32x32xf32>
    %get3A_4006 = vector.shape_cast %get3A_4005 : vector<1x1x32x32xf32> to vector<32x32xf32>
    %get3A_4007 = arith.constant 6 : index
    %get3A_4008 = arith.constant 19 : index
    %get3A_4009 = arith.constant 0 : index
    %get3A_4010 = arith.constant 0 : index
    %get3A_4011 = vector.load %arg2[%get3A_4007, %get3A_4008, %get3A_4009, %get3A_4010] : memref<8x25x32x32xf32, #tpu.memory_space<vmem>>, vector<1x1x32x32xf32>
    %get3A_4012 = vector.shape_cast %get3A_4011 : vector<1x1x32x32xf32> to vector<32x32xf32>
    %neg3A_4013 = arith.constant 0.000000e+00 : f32
    %neg3A_4014 = vector.broadcast %neg3A_4013 : f32 to vector<32x32xf32>
    %neg3A_4015 = arith.subf %neg3A_4014, %get3A_3988 : vector<32x32xf32>
    %exp3A_4016 = math.exp %neg3A_4015 : vector<32x32xf32>
    %add3A_4017 = arith.constant 1.000000e+00 : f32
    %add3A_4018 = vector.broadcast %add3A_4017 : f32 to vector<32x32xf32>
    %add3A_4019 = arith.addf %add3A_4018, %exp3A_4016 : vector<32x32xf32>
    %div3A_4020 = arith.constant 1.000000e+00 : f32
    %div3A_4021 = vector.broadcast %div3A_4020 : f32 to vector<32x32xf32>
    %div3A_4022 = arith.divf %div3A_4021, %add3A_4019 : vector<32x32xf32>
    %neg3A_4023 = arith.constant 0.000000e+00 : f32
    %neg3A_4024 = vector.broadcast %neg3A_4023 : f32 to vector<32x32xf32>
    %neg3A_4025 = arith.subf %neg3A_4024, %get3A_3994 : vector<32x32xf32>
    %exp3A_4026 = math.exp %neg3A_4025 : vector<32x32xf32>
    %add3A_4027 = arith.constant 1.000000e+00 : f32
    %add3A_4028 = vector.broadcast %add3A_4027 : f32 to vector<32x32xf32>
    %add3A_4029 = arith.addf %add3A_4028, %exp3A_4026 : vector<32x32xf32>
    %div3A_4030 = arith.constant 1.000000e+00 : f32
    %div3A_4031 = vector.broadcast %div3A_4030 : f32 to vector<32x32xf32>
    %div3A_4032 = arith.divf %div3A_4031, %add3A_4029 : vector<32x32xf32>
    %neg3A_4033 = arith.constant 0.000000e+00 : f32
    %neg3A_4034 = vector.broadcast %neg3A_4033 : f32 to vector<32x32xf32>
    %neg3A_4035 = arith.subf %neg3A_4034, %get3A_4012 : vector<32x32xf32>
    %exp3A_4036 = math.exp %neg3A_4035 : vector<32x32xf32>
    %add3A_4037 = arith.constant 1.000000e+00 : f32
    %add3A_4038 = vector.broadcast %add3A_4037 : f32 to vector<32x32xf32>
    %add3A_4039 = arith.addf %add3A_4038, %exp3A_4036 : vector<32x32xf32>
    %div3A_4040 = arith.constant 1.000000e+00 : f32
    %div3A_4041 = vector.broadcast %div3A_4040 : f32 to vector<32x32xf32>
    %div3A_4042 = arith.divf %div3A_4041, %add3A_4039 : vector<32x32xf32>
    %exp3A_4043 = math.exp %get3A_4000 : vector<32x32xf32>
    %mul3A_4044 = arith.constant 4.735560e+00 : f32
    %mul3A_4045 = vector.broadcast %mul3A_4044 : f32 to vector<32x32xf32>
    %mul3A_4046 = arith.mulf %exp3A_4043, %mul3A_4045 : vector<32x32xf32>
    %exp3A_4047 = math.exp %get3A_4006 : vector<32x32xf32>
    %mul3A_4048 = arith.constant 2.42026496 : f32
    %mul3A_4049 = vector.broadcast %mul3A_4048 : f32 to vector<32x32xf32>
    %mul3A_4050 = arith.mulf %exp3A_4047, %mul3A_4049 : vector<32x32xf32>
    %add3A_4051 = arith.addf %div3A_4022, %mul3A_4046 : vector<32x32xf32>
    %min3A_4052 = arith.minimumf %add3A_4051, %sub3A_3645 : vector<32x32xf32>
    %sub3A_4053 = arith.subf %div3A_4022, %mul3A_4046 : vector<32x32xf32>
    %max3A_4054 = arith.maximumf %sub3A_4053, %sub3A_3643 : vector<32x32xf32>
    %sub3A_4055 = arith.subf %min3A_4052, %max3A_4054 : vector<32x32xf32>
    %add3A_4056 = arith.addf %div3A_4032, %mul3A_4050 : vector<32x32xf32>
    %min3A_4057 = arith.minimumf %add3A_4056, %sub3A_3649 : vector<32x32xf32>
    %sub3A_4058 = arith.subf %div3A_4032, %mul3A_4050 : vector<32x32xf32>
    %max3A_4059 = arith.maximumf %sub3A_4058, %sub3A_3647 : vector<32x32xf32>
    %sub3A_4060 = arith.subf %min3A_4057, %max3A_4059 : vector<32x32xf32>
    %max3A_4061 = arith.constant 0.000000e+00 : f32
    %max3A_4062 = vector.broadcast %max3A_4061 : f32 to vector<32x32xf32>
    %max3A_4063 = arith.maximumf %sub3A_4055, %max3A_4062 : vector<32x32xf32>
    %max3A_4064 = arith.constant 0.000000e+00 : f32
    %max3A_4065 = vector.broadcast %max3A_4064 : f32 to vector<32x32xf32>
    %max3A_4066 = arith.maximumf %sub3A_4060, %max3A_4065 : vector<32x32xf32>
    %mul3A_4067 = arith.mulf %max3A_4063, %max3A_4066 : vector<32x32xf32>
    %mul3A_4068 = arith.mulf %mul3A_4046, %mul3A_4050 : vector<32x32xf32>
    %mul3A_4069 = arith.constant 1.500000e+00 : f32
    %mul3A_4070 = vector.broadcast %mul3A_4069 : f32 to vector<32x32xf32>
    %mul3A_4071 = arith.mulf %mul3A_4070, %mul3A_4068 : vector<32x32xf32>
    %add3A_4072 = vector.broadcast %mul3A_3641 : f32 to vector<32x32xf32>
    %add3A_4073 = arith.addf %mul3A_4071, %add3A_4072 : vector<32x32xf32>
    %gt3A_4074 = arith.cmpf ogt, %mul3A_4067, %add3A_4073 : vector<32x32xf32>
    %mul3A_4075 = arith.mulf %div3A_4042, %div3A_4042 : vector<32x32xf32>
    %jit3A_4076 = arith.constant 0.000000e+00 : f32
    %broadcast_in_dim3A_4077 = vector.broadcast %jit3A_4076 : f32 to vector<32x32xf32>
    %select_n3A_4078 = arith.select %gt3A_4074, %broadcast_in_dim3A_4077, %mul3A_4075 : vector<32x32xi1>, vector<32x32xf32>
    %sub3A_4079 = arith.constant 5.000000e-01 : f32
    %sub3A_4080 = vector.broadcast %sub3A_4079 : f32 to vector<32x32xf32>
    %sub3A_4081 = arith.subf %div3A_4022, %sub3A_4080 : vector<32x32xf32>
    %mul3A_4082 = arith.mulf %sub3A_4081, %sub3A_4081 : vector<32x32xf32>
    %sub3A_4083 = arith.constant 5.000000e-01 : f32
    %sub3A_4084 = vector.broadcast %sub3A_4083 : f32 to vector<32x32xf32>
    %sub3A_4085 = arith.subf %div3A_4032, %sub3A_4084 : vector<32x32xf32>
    %mul3A_4086 = arith.mulf %sub3A_4085, %sub3A_4085 : vector<32x32xf32>
    %add3A_4087 = arith.addf %mul3A_4082, %mul3A_4086 : vector<32x32xf32>
    %mul3A_4088 = arith.mulf %get3A_4000, %get3A_4000 : vector<32x32xf32>
    %add3A_4089 = arith.addf %add3A_4087, %mul3A_4088 : vector<32x32xf32>
    %mul3A_4090 = arith.mulf %get3A_4006, %get3A_4006 : vector<32x32xf32>
    %add3A_4091 = arith.addf %add3A_4089, %mul3A_4090 : vector<32x32xf32>
    %add3A_4092 = arith.addf %add3A_4091, %select_n3A_4078 : vector<32x32xf32>
    %add3A_4093 = arith.addf %add3A_3982, %add3A_4092 : vector<32x32xf32>
    %get3A_4094 = arith.constant 6 : index
    %get3A_4095 = arith.constant 20 : index
    %get3A_4096 = arith.constant 0 : index
    %get3A_4097 = arith.constant 0 : index
    %get3A_4098 = vector.load %arg2[%get3A_4094, %get3A_4095, %get3A_4096, %get3A_4097] : memref<8x25x32x32xf32, #tpu.memory_space<vmem>>, vector<1x1x32x32xf32>
    %get3A_4099 = vector.shape_cast %get3A_4098 : vector<1x1x32x32xf32> to vector<32x32xf32>
    %get3A_4100 = arith.constant 6 : index
    %get3A_4101 = arith.constant 21 : index
    %get3A_4102 = arith.constant 0 : index
    %get3A_4103 = arith.constant 0 : index
    %get3A_4104 = vector.load %arg2[%get3A_4100, %get3A_4101, %get3A_4102, %get3A_4103] : memref<8x25x32x32xf32, #tpu.memory_space<vmem>>, vector<1x1x32x32xf32>
    %get3A_4105 = vector.shape_cast %get3A_4104 : vector<1x1x32x32xf32> to vector<32x32xf32>
    %get3A_4106 = arith.constant 6 : index
    %get3A_4107 = arith.constant 22 : index
    %get3A_4108 = arith.constant 0 : index
    %get3A_4109 = arith.constant 0 : index
    %get3A_4110 = vector.load %arg2[%get3A_4106, %get3A_4107, %get3A_4108, %get3A_4109] : memref<8x25x32x32xf32, #tpu.memory_space<vmem>>, vector<1x1x32x32xf32>
    %get3A_4111 = vector.shape_cast %get3A_4110 : vector<1x1x32x32xf32> to vector<32x32xf32>
    %get3A_4112 = arith.constant 6 : index
    %get3A_4113 = arith.constant 23 : index
    %get3A_4114 = arith.constant 0 : index
    %get3A_4115 = arith.constant 0 : index
    %get3A_4116 = vector.load %arg2[%get3A_4112, %get3A_4113, %get3A_4114, %get3A_4115] : memref<8x25x32x32xf32, #tpu.memory_space<vmem>>, vector<1x1x32x32xf32>
    %get3A_4117 = vector.shape_cast %get3A_4116 : vector<1x1x32x32xf32> to vector<32x32xf32>
    %get3A_4118 = arith.constant 6 : index
    %get3A_4119 = arith.constant 24 : index
    %get3A_4120 = arith.constant 0 : index
    %get3A_4121 = arith.constant 0 : index
    %get3A_4122 = vector.load %arg2[%get3A_4118, %get3A_4119, %get3A_4120, %get3A_4121] : memref<8x25x32x32xf32, #tpu.memory_space<vmem>>, vector<1x1x32x32xf32>
    %get3A_4123 = vector.shape_cast %get3A_4122 : vector<1x1x32x32xf32> to vector<32x32xf32>
    %neg3A_4124 = arith.constant 0.000000e+00 : f32
    %neg3A_4125 = vector.broadcast %neg3A_4124 : f32 to vector<32x32xf32>
    %neg3A_4126 = arith.subf %neg3A_4125, %get3A_4099 : vector<32x32xf32>
    %exp3A_4127 = math.exp %neg3A_4126 : vector<32x32xf32>
    %add3A_4128 = arith.constant 1.000000e+00 : f32
    %add3A_4129 = vector.broadcast %add3A_4128 : f32 to vector<32x32xf32>
    %add3A_4130 = arith.addf %add3A_4129, %exp3A_4127 : vector<32x32xf32>
    %div3A_4131 = arith.constant 1.000000e+00 : f32
    %div3A_4132 = vector.broadcast %div3A_4131 : f32 to vector<32x32xf32>
    %div3A_4133 = arith.divf %div3A_4132, %add3A_4130 : vector<32x32xf32>
    %neg3A_4134 = arith.constant 0.000000e+00 : f32
    %neg3A_4135 = vector.broadcast %neg3A_4134 : f32 to vector<32x32xf32>
    %neg3A_4136 = arith.subf %neg3A_4135, %get3A_4105 : vector<32x32xf32>
    %exp3A_4137 = math.exp %neg3A_4136 : vector<32x32xf32>
    %add3A_4138 = arith.constant 1.000000e+00 : f32
    %add3A_4139 = vector.broadcast %add3A_4138 : f32 to vector<32x32xf32>
    %add3A_4140 = arith.addf %add3A_4139, %exp3A_4137 : vector<32x32xf32>
    %div3A_4141 = arith.constant 1.000000e+00 : f32
    %div3A_4142 = vector.broadcast %div3A_4141 : f32 to vector<32x32xf32>
    %div3A_4143 = arith.divf %div3A_4142, %add3A_4140 : vector<32x32xf32>
    %neg3A_4144 = arith.constant 0.000000e+00 : f32
    %neg3A_4145 = vector.broadcast %neg3A_4144 : f32 to vector<32x32xf32>
    %neg3A_4146 = arith.subf %neg3A_4145, %get3A_4123 : vector<32x32xf32>
    %exp3A_4147 = math.exp %neg3A_4146 : vector<32x32xf32>
    %add3A_4148 = arith.constant 1.000000e+00 : f32
    %add3A_4149 = vector.broadcast %add3A_4148 : f32 to vector<32x32xf32>
    %add3A_4150 = arith.addf %add3A_4149, %exp3A_4147 : vector<32x32xf32>
    %div3A_4151 = arith.constant 1.000000e+00 : f32
    %div3A_4152 = vector.broadcast %div3A_4151 : f32 to vector<32x32xf32>
    %div3A_4153 = arith.divf %div3A_4152, %add3A_4150 : vector<32x32xf32>
    %exp3A_4154 = math.exp %get3A_4111 : vector<32x32xf32>
    %mul3A_4155 = arith.constant 5.618200e+00 : f32
    %mul3A_4156 = vector.broadcast %mul3A_4155 : f32 to vector<32x32xf32>
    %mul3A_4157 = arith.mulf %exp3A_4154, %mul3A_4156 : vector<32x32xf32>
    %exp3A_4158 = math.exp %get3A_4117 : vector<32x32xf32>
    %mul3A_4159 = arith.constant 5.003550e+00 : f32
    %mul3A_4160 = vector.broadcast %mul3A_4159 : f32 to vector<32x32xf32>
    %mul3A_4161 = arith.mulf %exp3A_4158, %mul3A_4160 : vector<32x32xf32>
    %add3A_4162 = arith.addf %div3A_4133, %mul3A_4157 : vector<32x32xf32>
    %min3A_4163 = arith.minimumf %add3A_4162, %sub3A_3645 : vector<32x32xf32>
    %sub3A_4164 = arith.subf %div3A_4133, %mul3A_4157 : vector<32x32xf32>
    %max3A_4165 = arith.maximumf %sub3A_4164, %sub3A_3643 : vector<32x32xf32>
    %sub3A_4166 = arith.subf %min3A_4163, %max3A_4165 : vector<32x32xf32>
    %add3A_4167 = arith.addf %div3A_4143, %mul3A_4161 : vector<32x32xf32>
    %min3A_4168 = arith.minimumf %add3A_4167, %sub3A_3649 : vector<32x32xf32>
    %sub3A_4169 = arith.subf %div3A_4143, %mul3A_4161 : vector<32x32xf32>
    %max3A_4170 = arith.maximumf %sub3A_4169, %sub3A_3647 : vector<32x32xf32>
    %sub3A_4171 = arith.subf %min3A_4168, %max3A_4170 : vector<32x32xf32>
    %max3A_4172 = arith.constant 0.000000e+00 : f32
    %max3A_4173 = vector.broadcast %max3A_4172 : f32 to vector<32x32xf32>
    %max3A_4174 = arith.maximumf %sub3A_4166, %max3A_4173 : vector<32x32xf32>
    %max3A_4175 = arith.constant 0.000000e+00 : f32
    %max3A_4176 = vector.broadcast %max3A_4175 : f32 to vector<32x32xf32>
    %max3A_4177 = arith.maximumf %sub3A_4171, %max3A_4176 : vector<32x32xf32>
    %mul3A_4178 = arith.mulf %max3A_4174, %max3A_4177 : vector<32x32xf32>
    %mul3A_4179 = arith.mulf %mul3A_4157, %mul3A_4161 : vector<32x32xf32>
    %mul3A_4180 = arith.constant 1.500000e+00 : f32
    %mul3A_4181 = vector.broadcast %mul3A_4180 : f32 to vector<32x32xf32>
    %mul3A_4182 = arith.mulf %mul3A_4181, %mul3A_4179 : vector<32x32xf32>
    %add3A_4183 = vector.broadcast %mul3A_3641 : f32 to vector<32x32xf32>
    %add3A_4184 = arith.addf %mul3A_4182, %add3A_4183 : vector<32x32xf32>
    %gt3A_4185 = arith.cmpf ogt, %mul3A_4178, %add3A_4184 : vector<32x32xf32>
    %mul3A_4186 = arith.mulf %div3A_4153, %div3A_4153 : vector<32x32xf32>
    %jit3A_4187 = arith.constant 0.000000e+00 : f32
    %broadcast_in_dim3A_4188 = vector.broadcast %jit3A_4187 : f32 to vector<32x32xf32>
    %select_n3A_4189 = arith.select %gt3A_4185, %broadcast_in_dim3A_4188, %mul3A_4186 : vector<32x32xi1>, vector<32x32xf32>
    %sub3A_4190 = arith.constant 5.000000e-01 : f32
    %sub3A_4191 = vector.broadcast %sub3A_4190 : f32 to vector<32x32xf32>
    %sub3A_4192 = arith.subf %div3A_4133, %sub3A_4191 : vector<32x32xf32>
    %mul3A_4193 = arith.mulf %sub3A_4192, %sub3A_4192 : vector<32x32xf32>
    %sub3A_4194 = arith.constant 5.000000e-01 : f32
    %sub3A_4195 = vector.broadcast %sub3A_4194 : f32 to vector<32x32xf32>
    %sub3A_4196 = arith.subf %div3A_4143, %sub3A_4195 : vector<32x32xf32>
    %mul3A_4197 = arith.mulf %sub3A_4196, %sub3A_4196 : vector<32x32xf32>
    %add3A_4198 = arith.addf %mul3A_4193, %mul3A_4197 : vector<32x32xf32>
    %mul3A_4199 = arith.mulf %get3A_4111, %get3A_4111 : vector<32x32xf32>
    %add3A_4200 = arith.addf %add3A_4198, %mul3A_4199 : vector<32x32xf32>
    %mul3A_4201 = arith.mulf %get3A_4117, %get3A_4117 : vector<32x32xf32>
    %add3A_4202 = arith.addf %add3A_4200, %mul3A_4201 : vector<32x32xf32>
    %add3A_4203 = arith.addf %add3A_4202, %select_n3A_4189 : vector<32x32xf32>
    %add3A_4204 = arith.addf %add3A_4093, %add3A_4203 : vector<32x32xf32>
    %mul3A_4205 = arith.constant 8 : i32
    %mul3A_4206 = arith.muli %arg0, %mul3A_4205 : i32
    %add3A_4207 = arith.constant 7 : i32
    %add3A_4208 = arith.addi %mul3A_4206, %add3A_4207 : i32
    %get3A_4209 = arith.index_cast %add3A_4208 : i32 to index
    %get3A_4210 = arith.constant 0 : index
    %get3A_4211 = memref.load %arg1[%get3A_4209, %get3A_4210] : memref<16x4xf32, #tpu.memory_space<smem>>
    %mul3A_4212 = arith.constant 3.200000e+01 : f32
    %mul3A_4213 = arith.mulf %get3A_4211, %mul3A_4212 : f32
    %get3A_4214 = arith.index_cast %add3A_4208 : i32 to index
    %get3A_4215 = arith.constant 1 : index
    %get3A_4216 = memref.load %arg1[%get3A_4214, %get3A_4215] : memref<16x4xf32, #tpu.memory_space<smem>>
    %mul3A_4217 = arith.constant 3.200000e+01 : f32
    %mul3A_4218 = arith.mulf %get3A_4216, %mul3A_4217 : f32
    %get3A_4219 = arith.index_cast %add3A_4208 : i32 to index
    %get3A_4220 = arith.constant 2 : index
    %get3A_4221 = memref.load %arg1[%get3A_4219, %get3A_4220] : memref<16x4xf32, #tpu.memory_space<smem>>
    %mul3A_4222 = arith.constant 3.200000e+01 : f32
    %mul3A_4223 = arith.mulf %get3A_4221, %mul3A_4222 : f32
    %get3A_4224 = arith.index_cast %add3A_4208 : i32 to index
    %get3A_4225 = arith.constant 3 : index
    %get3A_4226 = memref.load %arg1[%get3A_4224, %get3A_4225] : memref<16x4xf32, #tpu.memory_space<smem>>
    %mul3A_4227 = arith.constant 3.200000e+01 : f32
    %mul3A_4228 = arith.mulf %get3A_4226, %mul3A_4227 : f32
    %mul3A_4229 = arith.constant 5.000000e-01 : f32
    %mul3A_4230 = arith.mulf %mul3A_4223, %mul3A_4229 : f32
    %sub3A_4231 = arith.subf %mul3A_4213, %mul3A_4230 : f32
    %mul3A_4232 = arith.constant 5.000000e-01 : f32
    %mul3A_4233 = arith.mulf %mul3A_4223, %mul3A_4232 : f32
    %add3A_4234 = arith.addf %mul3A_4213, %mul3A_4233 : f32
    %mul3A_4235 = arith.constant 5.000000e-01 : f32
    %mul3A_4236 = arith.mulf %mul3A_4228, %mul3A_4235 : f32
    %sub3A_4237 = arith.subf %mul3A_4218, %mul3A_4236 : f32
    %mul3A_4238 = arith.constant 5.000000e-01 : f32
    %mul3A_4239 = arith.mulf %mul3A_4228, %mul3A_4238 : f32
    %add3A_4240 = arith.addf %mul3A_4218, %mul3A_4239 : f32
    %mul3A_4241 = arith.mulf %mul3A_4223, %mul3A_4228 : f32
    %mul3A_4242 = arith.constant 3.750000e-01 : f32
    %mul3A_4243 = arith.mulf %mul3A_4241, %mul3A_4242 : f32
    %sub3A_4244 = vector.broadcast %sub3A_4231 : f32 to vector<32x32xf32>
    %sub3A_4245 = arith.subf %sub3A_4244, %convert_element_type3A : vector<32x32xf32>
    %sub3A_4246 = vector.broadcast %add3A_4234 : f32 to vector<32x32xf32>
    %sub3A_4247 = arith.subf %sub3A_4246, %convert_element_type3A : vector<32x32xf32>
    %sub3A_4248 = vector.broadcast %sub3A_4237 : f32 to vector<32x32xf32>
    %sub3A_4249 = arith.subf %sub3A_4248, %convert_element_type3A_1 : vector<32x32xf32>
    %sub3A_4250 = vector.broadcast %add3A_4240 : f32 to vector<32x32xf32>
    %sub3A_4251 = arith.subf %sub3A_4250, %convert_element_type3A_1 : vector<32x32xf32>
    %get3A_4252 = arith.constant 7 : index
    %get3A_4253 = arith.constant 0 : index
    %get3A_4254 = arith.constant 0 : index
    %get3A_4255 = arith.constant 0 : index
    %get3A_4256 = vector.load %arg2[%get3A_4252, %get3A_4253, %get3A_4254, %get3A_4255] : memref<8x25x32x32xf32, #tpu.memory_space<vmem>>, vector<1x1x32x32xf32>
    %get3A_4257 = vector.shape_cast %get3A_4256 : vector<1x1x32x32xf32> to vector<32x32xf32>
    %get3A_4258 = arith.constant 7 : index
    %get3A_4259 = arith.constant 1 : index
    %get3A_4260 = arith.constant 0 : index
    %get3A_4261 = arith.constant 0 : index
    %get3A_4262 = vector.load %arg2[%get3A_4258, %get3A_4259, %get3A_4260, %get3A_4261] : memref<8x25x32x32xf32, #tpu.memory_space<vmem>>, vector<1x1x32x32xf32>
    %get3A_4263 = vector.shape_cast %get3A_4262 : vector<1x1x32x32xf32> to vector<32x32xf32>
    %get3A_4264 = arith.constant 7 : index
    %get3A_4265 = arith.constant 2 : index
    %get3A_4266 = arith.constant 0 : index
    %get3A_4267 = arith.constant 0 : index
    %get3A_4268 = vector.load %arg2[%get3A_4264, %get3A_4265, %get3A_4266, %get3A_4267] : memref<8x25x32x32xf32, #tpu.memory_space<vmem>>, vector<1x1x32x32xf32>
    %get3A_4269 = vector.shape_cast %get3A_4268 : vector<1x1x32x32xf32> to vector<32x32xf32>
    %get3A_4270 = arith.constant 7 : index
    %get3A_4271 = arith.constant 3 : index
    %get3A_4272 = arith.constant 0 : index
    %get3A_4273 = arith.constant 0 : index
    %get3A_4274 = vector.load %arg2[%get3A_4270, %get3A_4271, %get3A_4272, %get3A_4273] : memref<8x25x32x32xf32, #tpu.memory_space<vmem>>, vector<1x1x32x32xf32>
    %get3A_4275 = vector.shape_cast %get3A_4274 : vector<1x1x32x32xf32> to vector<32x32xf32>
    %get3A_4276 = arith.constant 7 : index
    %get3A_4277 = arith.constant 4 : index
    %get3A_4278 = arith.constant 0 : index
    %get3A_4279 = arith.constant 0 : index
    %get3A_4280 = vector.load %arg2[%get3A_4276, %get3A_4277, %get3A_4278, %get3A_4279] : memref<8x25x32x32xf32, #tpu.memory_space<vmem>>, vector<1x1x32x32xf32>
    %get3A_4281 = vector.shape_cast %get3A_4280 : vector<1x1x32x32xf32> to vector<32x32xf32>
    %neg3A_4282 = arith.constant 0.000000e+00 : f32
    %neg3A_4283 = vector.broadcast %neg3A_4282 : f32 to vector<32x32xf32>
    %neg3A_4284 = arith.subf %neg3A_4283, %get3A_4257 : vector<32x32xf32>
    %exp3A_4285 = math.exp %neg3A_4284 : vector<32x32xf32>
    %add3A_4286 = arith.constant 1.000000e+00 : f32
    %add3A_4287 = vector.broadcast %add3A_4286 : f32 to vector<32x32xf32>
    %add3A_4288 = arith.addf %add3A_4287, %exp3A_4285 : vector<32x32xf32>
    %div3A_4289 = arith.constant 1.000000e+00 : f32
    %div3A_4290 = vector.broadcast %div3A_4289 : f32 to vector<32x32xf32>
    %div3A_4291 = arith.divf %div3A_4290, %add3A_4288 : vector<32x32xf32>
    %neg3A_4292 = arith.constant 0.000000e+00 : f32
    %neg3A_4293 = vector.broadcast %neg3A_4292 : f32 to vector<32x32xf32>
    %neg3A_4294 = arith.subf %neg3A_4293, %get3A_4263 : vector<32x32xf32>
    %exp3A_4295 = math.exp %neg3A_4294 : vector<32x32xf32>
    %add3A_4296 = arith.constant 1.000000e+00 : f32
    %add3A_4297 = vector.broadcast %add3A_4296 : f32 to vector<32x32xf32>
    %add3A_4298 = arith.addf %add3A_4297, %exp3A_4295 : vector<32x32xf32>
    %div3A_4299 = arith.constant 1.000000e+00 : f32
    %div3A_4300 = vector.broadcast %div3A_4299 : f32 to vector<32x32xf32>
    %div3A_4301 = arith.divf %div3A_4300, %add3A_4298 : vector<32x32xf32>
    %neg3A_4302 = arith.constant 0.000000e+00 : f32
    %neg3A_4303 = vector.broadcast %neg3A_4302 : f32 to vector<32x32xf32>
    %neg3A_4304 = arith.subf %neg3A_4303, %get3A_4281 : vector<32x32xf32>
    %exp3A_4305 = math.exp %neg3A_4304 : vector<32x32xf32>
    %add3A_4306 = arith.constant 1.000000e+00 : f32
    %add3A_4307 = vector.broadcast %add3A_4306 : f32 to vector<32x32xf32>
    %add3A_4308 = arith.addf %add3A_4307, %exp3A_4305 : vector<32x32xf32>
    %div3A_4309 = arith.constant 1.000000e+00 : f32
    %div3A_4310 = vector.broadcast %div3A_4309 : f32 to vector<32x32xf32>
    %div3A_4311 = arith.divf %div3A_4310, %add3A_4308 : vector<32x32xf32>
    %exp3A_4312 = math.exp %get3A_4269 : vector<32x32xf32>
    %mul3A_4313 = arith.constant 6.610500e-01 : f32
    %mul3A_4314 = vector.broadcast %mul3A_4313 : f32 to vector<32x32xf32>
    %mul3A_4315 = arith.mulf %exp3A_4312, %mul3A_4314 : vector<32x32xf32>
    %exp3A_4316 = math.exp %get3A_4275 : vector<32x32xf32>
    %mul3A_4317 = arith.constant 0.86572498 : f32
    %mul3A_4318 = vector.broadcast %mul3A_4317 : f32 to vector<32x32xf32>
    %mul3A_4319 = arith.mulf %exp3A_4316, %mul3A_4318 : vector<32x32xf32>
    %add3A_4320 = arith.addf %div3A_4291, %mul3A_4315 : vector<32x32xf32>
    %min3A_4321 = arith.minimumf %add3A_4320, %sub3A_4247 : vector<32x32xf32>
    %sub3A_4322 = arith.subf %div3A_4291, %mul3A_4315 : vector<32x32xf32>
    %max3A_4323 = arith.maximumf %sub3A_4322, %sub3A_4245 : vector<32x32xf32>
    %sub3A_4324 = arith.subf %min3A_4321, %max3A_4323 : vector<32x32xf32>
    %add3A_4325 = arith.addf %div3A_4301, %mul3A_4319 : vector<32x32xf32>
    %min3A_4326 = arith.minimumf %add3A_4325, %sub3A_4251 : vector<32x32xf32>
    %sub3A_4327 = arith.subf %div3A_4301, %mul3A_4319 : vector<32x32xf32>
    %max3A_4328 = arith.maximumf %sub3A_4327, %sub3A_4249 : vector<32x32xf32>
    %sub3A_4329 = arith.subf %min3A_4326, %max3A_4328 : vector<32x32xf32>
    %max3A_4330 = arith.constant 0.000000e+00 : f32
    %max3A_4331 = vector.broadcast %max3A_4330 : f32 to vector<32x32xf32>
    %max3A_4332 = arith.maximumf %sub3A_4324, %max3A_4331 : vector<32x32xf32>
    %max3A_4333 = arith.constant 0.000000e+00 : f32
    %max3A_4334 = vector.broadcast %max3A_4333 : f32 to vector<32x32xf32>
    %max3A_4335 = arith.maximumf %sub3A_4329, %max3A_4334 : vector<32x32xf32>
    %mul3A_4336 = arith.mulf %max3A_4332, %max3A_4335 : vector<32x32xf32>
    %mul3A_4337 = arith.mulf %mul3A_4315, %mul3A_4319 : vector<32x32xf32>
    %mul3A_4338 = arith.constant 1.500000e+00 : f32
    %mul3A_4339 = vector.broadcast %mul3A_4338 : f32 to vector<32x32xf32>
    %mul3A_4340 = arith.mulf %mul3A_4339, %mul3A_4337 : vector<32x32xf32>
    %add3A_4341 = vector.broadcast %mul3A_4243 : f32 to vector<32x32xf32>
    %add3A_4342 = arith.addf %mul3A_4340, %add3A_4341 : vector<32x32xf32>
    %gt3A_4343 = arith.cmpf ogt, %mul3A_4336, %add3A_4342 : vector<32x32xf32>
    %mul3A_4344 = arith.mulf %div3A_4311, %div3A_4311 : vector<32x32xf32>
    %jit3A_4345 = arith.constant 0.000000e+00 : f32
    %broadcast_in_dim3A_4346 = vector.broadcast %jit3A_4345 : f32 to vector<32x32xf32>
    %select_n3A_4347 = arith.select %gt3A_4343, %broadcast_in_dim3A_4346, %mul3A_4344 : vector<32x32xi1>, vector<32x32xf32>
    %sub3A_4348 = arith.constant 5.000000e-01 : f32
    %sub3A_4349 = vector.broadcast %sub3A_4348 : f32 to vector<32x32xf32>
    %sub3A_4350 = arith.subf %div3A_4291, %sub3A_4349 : vector<32x32xf32>
    %mul3A_4351 = arith.mulf %sub3A_4350, %sub3A_4350 : vector<32x32xf32>
    %sub3A_4352 = arith.constant 5.000000e-01 : f32
    %sub3A_4353 = vector.broadcast %sub3A_4352 : f32 to vector<32x32xf32>
    %sub3A_4354 = arith.subf %div3A_4301, %sub3A_4353 : vector<32x32xf32>
    %mul3A_4355 = arith.mulf %sub3A_4354, %sub3A_4354 : vector<32x32xf32>
    %add3A_4356 = arith.addf %mul3A_4351, %mul3A_4355 : vector<32x32xf32>
    %mul3A_4357 = arith.mulf %get3A_4269, %get3A_4269 : vector<32x32xf32>
    %add3A_4358 = arith.addf %add3A_4356, %mul3A_4357 : vector<32x32xf32>
    %mul3A_4359 = arith.mulf %get3A_4275, %get3A_4275 : vector<32x32xf32>
    %add3A_4360 = arith.addf %add3A_4358, %mul3A_4359 : vector<32x32xf32>
    %add3A_4361 = arith.addf %add3A_4360, %select_n3A_4347 : vector<32x32xf32>
    %add3A_4362 = arith.addf %add3A_4204, %add3A_4361 : vector<32x32xf32>
    %get3A_4363 = arith.constant 7 : index
    %get3A_4364 = arith.constant 5 : index
    %get3A_4365 = arith.constant 0 : index
    %get3A_4366 = arith.constant 0 : index
    %get3A_4367 = vector.load %arg2[%get3A_4363, %get3A_4364, %get3A_4365, %get3A_4366] : memref<8x25x32x32xf32, #tpu.memory_space<vmem>>, vector<1x1x32x32xf32>
    %get3A_4368 = vector.shape_cast %get3A_4367 : vector<1x1x32x32xf32> to vector<32x32xf32>
    %get3A_4369 = arith.constant 7 : index
    %get3A_4370 = arith.constant 6 : index
    %get3A_4371 = arith.constant 0 : index
    %get3A_4372 = arith.constant 0 : index
    %get3A_4373 = vector.load %arg2[%get3A_4369, %get3A_4370, %get3A_4371, %get3A_4372] : memref<8x25x32x32xf32, #tpu.memory_space<vmem>>, vector<1x1x32x32xf32>
    %get3A_4374 = vector.shape_cast %get3A_4373 : vector<1x1x32x32xf32> to vector<32x32xf32>
    %get3A_4375 = arith.constant 7 : index
    %get3A_4376 = arith.constant 7 : index
    %get3A_4377 = arith.constant 0 : index
    %get3A_4378 = arith.constant 0 : index
    %get3A_4379 = vector.load %arg2[%get3A_4375, %get3A_4376, %get3A_4377, %get3A_4378] : memref<8x25x32x32xf32, #tpu.memory_space<vmem>>, vector<1x1x32x32xf32>
    %get3A_4380 = vector.shape_cast %get3A_4379 : vector<1x1x32x32xf32> to vector<32x32xf32>
    %get3A_4381 = arith.constant 7 : index
    %get3A_4382 = arith.constant 8 : index
    %get3A_4383 = arith.constant 0 : index
    %get3A_4384 = arith.constant 0 : index
    %get3A_4385 = vector.load %arg2[%get3A_4381, %get3A_4382, %get3A_4383, %get3A_4384] : memref<8x25x32x32xf32, #tpu.memory_space<vmem>>, vector<1x1x32x32xf32>
    %get3A_4386 = vector.shape_cast %get3A_4385 : vector<1x1x32x32xf32> to vector<32x32xf32>
    %get3A_4387 = arith.constant 7 : index
    %get3A_4388 = arith.constant 9 : index
    %get3A_4389 = arith.constant 0 : index
    %get3A_4390 = arith.constant 0 : index
    %get3A_4391 = vector.load %arg2[%get3A_4387, %get3A_4388, %get3A_4389, %get3A_4390] : memref<8x25x32x32xf32, #tpu.memory_space<vmem>>, vector<1x1x32x32xf32>
    %get3A_4392 = vector.shape_cast %get3A_4391 : vector<1x1x32x32xf32> to vector<32x32xf32>
    %neg3A_4393 = arith.constant 0.000000e+00 : f32
    %neg3A_4394 = vector.broadcast %neg3A_4393 : f32 to vector<32x32xf32>
    %neg3A_4395 = arith.subf %neg3A_4394, %get3A_4368 : vector<32x32xf32>
    %exp3A_4396 = math.exp %neg3A_4395 : vector<32x32xf32>
    %add3A_4397 = arith.constant 1.000000e+00 : f32
    %add3A_4398 = vector.broadcast %add3A_4397 : f32 to vector<32x32xf32>
    %add3A_4399 = arith.addf %add3A_4398, %exp3A_4396 : vector<32x32xf32>
    %div3A_4400 = arith.constant 1.000000e+00 : f32
    %div3A_4401 = vector.broadcast %div3A_4400 : f32 to vector<32x32xf32>
    %div3A_4402 = arith.divf %div3A_4401, %add3A_4399 : vector<32x32xf32>
    %neg3A_4403 = arith.constant 0.000000e+00 : f32
    %neg3A_4404 = vector.broadcast %neg3A_4403 : f32 to vector<32x32xf32>
    %neg3A_4405 = arith.subf %neg3A_4404, %get3A_4374 : vector<32x32xf32>
    %exp3A_4406 = math.exp %neg3A_4405 : vector<32x32xf32>
    %add3A_4407 = arith.constant 1.000000e+00 : f32
    %add3A_4408 = vector.broadcast %add3A_4407 : f32 to vector<32x32xf32>
    %add3A_4409 = arith.addf %add3A_4408, %exp3A_4406 : vector<32x32xf32>
    %div3A_4410 = arith.constant 1.000000e+00 : f32
    %div3A_4411 = vector.broadcast %div3A_4410 : f32 to vector<32x32xf32>
    %div3A_4412 = arith.divf %div3A_4411, %add3A_4409 : vector<32x32xf32>
    %neg3A_4413 = arith.constant 0.000000e+00 : f32
    %neg3A_4414 = vector.broadcast %neg3A_4413 : f32 to vector<32x32xf32>
    %neg3A_4415 = arith.subf %neg3A_4414, %get3A_4392 : vector<32x32xf32>
    %exp3A_4416 = math.exp %neg3A_4415 : vector<32x32xf32>
    %add3A_4417 = arith.constant 1.000000e+00 : f32
    %add3A_4418 = vector.broadcast %add3A_4417 : f32 to vector<32x32xf32>
    %add3A_4419 = arith.addf %add3A_4418, %exp3A_4416 : vector<32x32xf32>
    %div3A_4420 = arith.constant 1.000000e+00 : f32
    %div3A_4421 = vector.broadcast %div3A_4420 : f32 to vector<32x32xf32>
    %div3A_4422 = arith.divf %div3A_4421, %add3A_4419 : vector<32x32xf32>
    %exp3A_4423 = math.exp %get3A_4380 : vector<32x32xf32>
    %mul3A_4424 = arith.constant 1.59637499 : f32
    %mul3A_4425 = vector.broadcast %mul3A_4424 : f32 to vector<32x32xf32>
    %mul3A_4426 = arith.mulf %exp3A_4423, %mul3A_4425 : vector<32x32xf32>
    %exp3A_4427 = math.exp %get3A_4386 : vector<32x32xf32>
    %mul3A_4428 = arith.constant 2.004720e+00 : f32
    %mul3A_4429 = vector.broadcast %mul3A_4428 : f32 to vector<32x32xf32>
    %mul3A_4430 = arith.mulf %exp3A_4427, %mul3A_4429 : vector<32x32xf32>
    %add3A_4431 = arith.addf %div3A_4402, %mul3A_4426 : vector<32x32xf32>
    %min3A_4432 = arith.minimumf %add3A_4431, %sub3A_4247 : vector<32x32xf32>
    %sub3A_4433 = arith.subf %div3A_4402, %mul3A_4426 : vector<32x32xf32>
    %max3A_4434 = arith.maximumf %sub3A_4433, %sub3A_4245 : vector<32x32xf32>
    %sub3A_4435 = arith.subf %min3A_4432, %max3A_4434 : vector<32x32xf32>
    %add3A_4436 = arith.addf %div3A_4412, %mul3A_4430 : vector<32x32xf32>
    %min3A_4437 = arith.minimumf %add3A_4436, %sub3A_4251 : vector<32x32xf32>
    %sub3A_4438 = arith.subf %div3A_4412, %mul3A_4430 : vector<32x32xf32>
    %max3A_4439 = arith.maximumf %sub3A_4438, %sub3A_4249 : vector<32x32xf32>
    %sub3A_4440 = arith.subf %min3A_4437, %max3A_4439 : vector<32x32xf32>
    %max3A_4441 = arith.constant 0.000000e+00 : f32
    %max3A_4442 = vector.broadcast %max3A_4441 : f32 to vector<32x32xf32>
    %max3A_4443 = arith.maximumf %sub3A_4435, %max3A_4442 : vector<32x32xf32>
    %max3A_4444 = arith.constant 0.000000e+00 : f32
    %max3A_4445 = vector.broadcast %max3A_4444 : f32 to vector<32x32xf32>
    %max3A_4446 = arith.maximumf %sub3A_4440, %max3A_4445 : vector<32x32xf32>
    %mul3A_4447 = arith.mulf %max3A_4443, %max3A_4446 : vector<32x32xf32>
    %mul3A_4448 = arith.mulf %mul3A_4426, %mul3A_4430 : vector<32x32xf32>
    %mul3A_4449 = arith.constant 1.500000e+00 : f32
    %mul3A_4450 = vector.broadcast %mul3A_4449 : f32 to vector<32x32xf32>
    %mul3A_4451 = arith.mulf %mul3A_4450, %mul3A_4448 : vector<32x32xf32>
    %add3A_4452 = vector.broadcast %mul3A_4243 : f32 to vector<32x32xf32>
    %add3A_4453 = arith.addf %mul3A_4451, %add3A_4452 : vector<32x32xf32>
    %gt3A_4454 = arith.cmpf ogt, %mul3A_4447, %add3A_4453 : vector<32x32xf32>
    %mul3A_4455 = arith.mulf %div3A_4422, %div3A_4422 : vector<32x32xf32>
    %jit3A_4456 = arith.constant 0.000000e+00 : f32
    %broadcast_in_dim3A_4457 = vector.broadcast %jit3A_4456 : f32 to vector<32x32xf32>
    %select_n3A_4458 = arith.select %gt3A_4454, %broadcast_in_dim3A_4457, %mul3A_4455 : vector<32x32xi1>, vector<32x32xf32>
    %sub3A_4459 = arith.constant 5.000000e-01 : f32
    %sub3A_4460 = vector.broadcast %sub3A_4459 : f32 to vector<32x32xf32>
    %sub3A_4461 = arith.subf %div3A_4402, %sub3A_4460 : vector<32x32xf32>
    %mul3A_4462 = arith.mulf %sub3A_4461, %sub3A_4461 : vector<32x32xf32>
    %sub3A_4463 = arith.constant 5.000000e-01 : f32
    %sub3A_4464 = vector.broadcast %sub3A_4463 : f32 to vector<32x32xf32>
    %sub3A_4465 = arith.subf %div3A_4412, %sub3A_4464 : vector<32x32xf32>
    %mul3A_4466 = arith.mulf %sub3A_4465, %sub3A_4465 : vector<32x32xf32>
    %add3A_4467 = arith.addf %mul3A_4462, %mul3A_4466 : vector<32x32xf32>
    %mul3A_4468 = arith.mulf %get3A_4380, %get3A_4380 : vector<32x32xf32>
    %add3A_4469 = arith.addf %add3A_4467, %mul3A_4468 : vector<32x32xf32>
    %mul3A_4470 = arith.mulf %get3A_4386, %get3A_4386 : vector<32x32xf32>
    %add3A_4471 = arith.addf %add3A_4469, %mul3A_4470 : vector<32x32xf32>
    %add3A_4472 = arith.addf %add3A_4471, %select_n3A_4458 : vector<32x32xf32>
    %add3A_4473 = arith.addf %add3A_4362, %add3A_4472 : vector<32x32xf32>
    %get3A_4474 = arith.constant 7 : index
    %get3A_4475 = arith.constant 10 : index
    %get3A_4476 = arith.constant 0 : index
    %get3A_4477 = arith.constant 0 : index
    %get3A_4478 = vector.load %arg2[%get3A_4474, %get3A_4475, %get3A_4476, %get3A_4477] : memref<8x25x32x32xf32, #tpu.memory_space<vmem>>, vector<1x1x32x32xf32>
    %get3A_4479 = vector.shape_cast %get3A_4478 : vector<1x1x32x32xf32> to vector<32x32xf32>
    %get3A_4480 = arith.constant 7 : index
    %get3A_4481 = arith.constant 11 : index
    %get3A_4482 = arith.constant 0 : index
    %get3A_4483 = arith.constant 0 : index
    %get3A_4484 = vector.load %arg2[%get3A_4480, %get3A_4481, %get3A_4482, %get3A_4483] : memref<8x25x32x32xf32, #tpu.memory_space<vmem>>, vector<1x1x32x32xf32>
    %get3A_4485 = vector.shape_cast %get3A_4484 : vector<1x1x32x32xf32> to vector<32x32xf32>
    %get3A_4486 = arith.constant 7 : index
    %get3A_4487 = arith.constant 12 : index
    %get3A_4488 = arith.constant 0 : index
    %get3A_4489 = arith.constant 0 : index
    %get3A_4490 = vector.load %arg2[%get3A_4486, %get3A_4487, %get3A_4488, %get3A_4489] : memref<8x25x32x32xf32, #tpu.memory_space<vmem>>, vector<1x1x32x32xf32>
    %get3A_4491 = vector.shape_cast %get3A_4490 : vector<1x1x32x32xf32> to vector<32x32xf32>
    %get3A_4492 = arith.constant 7 : index
    %get3A_4493 = arith.constant 13 : index
    %get3A_4494 = arith.constant 0 : index
    %get3A_4495 = arith.constant 0 : index
    %get3A_4496 = vector.load %arg2[%get3A_4492, %get3A_4493, %get3A_4494, %get3A_4495] : memref<8x25x32x32xf32, #tpu.memory_space<vmem>>, vector<1x1x32x32xf32>
    %get3A_4497 = vector.shape_cast %get3A_4496 : vector<1x1x32x32xf32> to vector<32x32xf32>
    %get3A_4498 = arith.constant 7 : index
    %get3A_4499 = arith.constant 14 : index
    %get3A_4500 = arith.constant 0 : index
    %get3A_4501 = arith.constant 0 : index
    %get3A_4502 = vector.load %arg2[%get3A_4498, %get3A_4499, %get3A_4500, %get3A_4501] : memref<8x25x32x32xf32, #tpu.memory_space<vmem>>, vector<1x1x32x32xf32>
    %get3A_4503 = vector.shape_cast %get3A_4502 : vector<1x1x32x32xf32> to vector<32x32xf32>
    %neg3A_4504 = arith.constant 0.000000e+00 : f32
    %neg3A_4505 = vector.broadcast %neg3A_4504 : f32 to vector<32x32xf32>
    %neg3A_4506 = arith.subf %neg3A_4505, %get3A_4479 : vector<32x32xf32>
    %exp3A_4507 = math.exp %neg3A_4506 : vector<32x32xf32>
    %add3A_4508 = arith.constant 1.000000e+00 : f32
    %add3A_4509 = vector.broadcast %add3A_4508 : f32 to vector<32x32xf32>
    %add3A_4510 = arith.addf %add3A_4509, %exp3A_4507 : vector<32x32xf32>
    %div3A_4511 = arith.constant 1.000000e+00 : f32
    %div3A_4512 = vector.broadcast %div3A_4511 : f32 to vector<32x32xf32>
    %div3A_4513 = arith.divf %div3A_4512, %add3A_4510 : vector<32x32xf32>
    %neg3A_4514 = arith.constant 0.000000e+00 : f32
    %neg3A_4515 = vector.broadcast %neg3A_4514 : f32 to vector<32x32xf32>
    %neg3A_4516 = arith.subf %neg3A_4515, %get3A_4485 : vector<32x32xf32>
    %exp3A_4517 = math.exp %neg3A_4516 : vector<32x32xf32>
    %add3A_4518 = arith.constant 1.000000e+00 : f32
    %add3A_4519 = vector.broadcast %add3A_4518 : f32 to vector<32x32xf32>
    %add3A_4520 = arith.addf %add3A_4519, %exp3A_4517 : vector<32x32xf32>
    %div3A_4521 = arith.constant 1.000000e+00 : f32
    %div3A_4522 = vector.broadcast %div3A_4521 : f32 to vector<32x32xf32>
    %div3A_4523 = arith.divf %div3A_4522, %add3A_4520 : vector<32x32xf32>
    %neg3A_4524 = arith.constant 0.000000e+00 : f32
    %neg3A_4525 = vector.broadcast %neg3A_4524 : f32 to vector<32x32xf32>
    %neg3A_4526 = arith.subf %neg3A_4525, %get3A_4503 : vector<32x32xf32>
    %exp3A_4527 = math.exp %neg3A_4526 : vector<32x32xf32>
    %add3A_4528 = arith.constant 1.000000e+00 : f32
    %add3A_4529 = vector.broadcast %add3A_4528 : f32 to vector<32x32xf32>
    %add3A_4530 = arith.addf %add3A_4529, %exp3A_4527 : vector<32x32xf32>
    %div3A_4531 = arith.constant 1.000000e+00 : f32
    %div3A_4532 = vector.broadcast %div3A_4531 : f32 to vector<32x32xf32>
    %div3A_4533 = arith.divf %div3A_4532, %add3A_4530 : vector<32x32xf32>
    %exp3A_4534 = math.exp %get3A_4491 : vector<32x32xf32>
    %mul3A_4535 = arith.constant 2.52793503 : f32
    %mul3A_4536 = vector.broadcast %mul3A_4535 : f32 to vector<32x32xf32>
    %mul3A_4537 = arith.mulf %exp3A_4534, %mul3A_4536 : vector<32x32xf32>
    %exp3A_4538 = math.exp %get3A_4497 : vector<32x32xf32>
    %mul3A_4539 = arith.constant 4.049460e+00 : f32
    %mul3A_4540 = vector.broadcast %mul3A_4539 : f32 to vector<32x32xf32>
    %mul3A_4541 = arith.mulf %exp3A_4538, %mul3A_4540 : vector<32x32xf32>
    %add3A_4542 = arith.addf %div3A_4513, %mul3A_4537 : vector<32x32xf32>
    %min3A_4543 = arith.minimumf %add3A_4542, %sub3A_4247 : vector<32x32xf32>
    %sub3A_4544 = arith.subf %div3A_4513, %mul3A_4537 : vector<32x32xf32>
    %max3A_4545 = arith.maximumf %sub3A_4544, %sub3A_4245 : vector<32x32xf32>
    %sub3A_4546 = arith.subf %min3A_4543, %max3A_4545 : vector<32x32xf32>
    %add3A_4547 = arith.addf %div3A_4523, %mul3A_4541 : vector<32x32xf32>
    %min3A_4548 = arith.minimumf %add3A_4547, %sub3A_4251 : vector<32x32xf32>
    %sub3A_4549 = arith.subf %div3A_4523, %mul3A_4541 : vector<32x32xf32>
    %max3A_4550 = arith.maximumf %sub3A_4549, %sub3A_4249 : vector<32x32xf32>
    %sub3A_4551 = arith.subf %min3A_4548, %max3A_4550 : vector<32x32xf32>
    %max3A_4552 = arith.constant 0.000000e+00 : f32
    %max3A_4553 = vector.broadcast %max3A_4552 : f32 to vector<32x32xf32>
    %max3A_4554 = arith.maximumf %sub3A_4546, %max3A_4553 : vector<32x32xf32>
    %max3A_4555 = arith.constant 0.000000e+00 : f32
    %max3A_4556 = vector.broadcast %max3A_4555 : f32 to vector<32x32xf32>
    %max3A_4557 = arith.maximumf %sub3A_4551, %max3A_4556 : vector<32x32xf32>
    %mul3A_4558 = arith.mulf %max3A_4554, %max3A_4557 : vector<32x32xf32>
    %mul3A_4559 = arith.mulf %mul3A_4537, %mul3A_4541 : vector<32x32xf32>
    %mul3A_4560 = arith.constant 1.500000e+00 : f32
    %mul3A_4561 = vector.broadcast %mul3A_4560 : f32 to vector<32x32xf32>
    %mul3A_4562 = arith.mulf %mul3A_4561, %mul3A_4559 : vector<32x32xf32>
    %add3A_4563 = vector.broadcast %mul3A_4243 : f32 to vector<32x32xf32>
    %add3A_4564 = arith.addf %mul3A_4562, %add3A_4563 : vector<32x32xf32>
    %gt3A_4565 = arith.cmpf ogt, %mul3A_4558, %add3A_4564 : vector<32x32xf32>
    %mul3A_4566 = arith.mulf %div3A_4533, %div3A_4533 : vector<32x32xf32>
    %jit3A_4567 = arith.constant 0.000000e+00 : f32
    %broadcast_in_dim3A_4568 = vector.broadcast %jit3A_4567 : f32 to vector<32x32xf32>
    %select_n3A_4569 = arith.select %gt3A_4565, %broadcast_in_dim3A_4568, %mul3A_4566 : vector<32x32xi1>, vector<32x32xf32>
    %sub3A_4570 = arith.constant 5.000000e-01 : f32
    %sub3A_4571 = vector.broadcast %sub3A_4570 : f32 to vector<32x32xf32>
    %sub3A_4572 = arith.subf %div3A_4513, %sub3A_4571 : vector<32x32xf32>
    %mul3A_4573 = arith.mulf %sub3A_4572, %sub3A_4572 : vector<32x32xf32>
    %sub3A_4574 = arith.constant 5.000000e-01 : f32
    %sub3A_4575 = vector.broadcast %sub3A_4574 : f32 to vector<32x32xf32>
    %sub3A_4576 = arith.subf %div3A_4523, %sub3A_4575 : vector<32x32xf32>
    %mul3A_4577 = arith.mulf %sub3A_4576, %sub3A_4576 : vector<32x32xf32>
    %add3A_4578 = arith.addf %mul3A_4573, %mul3A_4577 : vector<32x32xf32>
    %mul3A_4579 = arith.mulf %get3A_4491, %get3A_4491 : vector<32x32xf32>
    %add3A_4580 = arith.addf %add3A_4578, %mul3A_4579 : vector<32x32xf32>
    %mul3A_4581 = arith.mulf %get3A_4497, %get3A_4497 : vector<32x32xf32>
    %add3A_4582 = arith.addf %add3A_4580, %mul3A_4581 : vector<32x32xf32>
    %add3A_4583 = arith.addf %add3A_4582, %select_n3A_4569 : vector<32x32xf32>
    %add3A_4584 = arith.addf %add3A_4473, %add3A_4583 : vector<32x32xf32>
    %get3A_4585 = arith.constant 7 : index
    %get3A_4586 = arith.constant 15 : index
    %get3A_4587 = arith.constant 0 : index
    %get3A_4588 = arith.constant 0 : index
    %get3A_4589 = vector.load %arg2[%get3A_4585, %get3A_4586, %get3A_4587, %get3A_4588] : memref<8x25x32x32xf32, #tpu.memory_space<vmem>>, vector<1x1x32x32xf32>
    %get3A_4590 = vector.shape_cast %get3A_4589 : vector<1x1x32x32xf32> to vector<32x32xf32>
    %get3A_4591 = arith.constant 7 : index
    %get3A_4592 = arith.constant 16 : index
    %get3A_4593 = arith.constant 0 : index
    %get3A_4594 = arith.constant 0 : index
    %get3A_4595 = vector.load %arg2[%get3A_4591, %get3A_4592, %get3A_4593, %get3A_4594] : memref<8x25x32x32xf32, #tpu.memory_space<vmem>>, vector<1x1x32x32xf32>
    %get3A_4596 = vector.shape_cast %get3A_4595 : vector<1x1x32x32xf32> to vector<32x32xf32>
    %get3A_4597 = arith.constant 7 : index
    %get3A_4598 = arith.constant 17 : index
    %get3A_4599 = arith.constant 0 : index
    %get3A_4600 = arith.constant 0 : index
    %get3A_4601 = vector.load %arg2[%get3A_4597, %get3A_4598, %get3A_4599, %get3A_4600] : memref<8x25x32x32xf32, #tpu.memory_space<vmem>>, vector<1x1x32x32xf32>
    %get3A_4602 = vector.shape_cast %get3A_4601 : vector<1x1x32x32xf32> to vector<32x32xf32>
    %get3A_4603 = arith.constant 7 : index
    %get3A_4604 = arith.constant 18 : index
    %get3A_4605 = arith.constant 0 : index
    %get3A_4606 = arith.constant 0 : index
    %get3A_4607 = vector.load %arg2[%get3A_4603, %get3A_4604, %get3A_4605, %get3A_4606] : memref<8x25x32x32xf32, #tpu.memory_space<vmem>>, vector<1x1x32x32xf32>
    %get3A_4608 = vector.shape_cast %get3A_4607 : vector<1x1x32x32xf32> to vector<32x32xf32>
    %get3A_4609 = arith.constant 7 : index
    %get3A_4610 = arith.constant 19 : index
    %get3A_4611 = arith.constant 0 : index
    %get3A_4612 = arith.constant 0 : index
    %get3A_4613 = vector.load %arg2[%get3A_4609, %get3A_4610, %get3A_4611, %get3A_4612] : memref<8x25x32x32xf32, #tpu.memory_space<vmem>>, vector<1x1x32x32xf32>
    %get3A_4614 = vector.shape_cast %get3A_4613 : vector<1x1x32x32xf32> to vector<32x32xf32>
    %neg3A_4615 = arith.constant 0.000000e+00 : f32
    %neg3A_4616 = vector.broadcast %neg3A_4615 : f32 to vector<32x32xf32>
    %neg3A_4617 = arith.subf %neg3A_4616, %get3A_4590 : vector<32x32xf32>
    %exp3A_4618 = math.exp %neg3A_4617 : vector<32x32xf32>
    %add3A_4619 = arith.constant 1.000000e+00 : f32
    %add3A_4620 = vector.broadcast %add3A_4619 : f32 to vector<32x32xf32>
    %add3A_4621 = arith.addf %add3A_4620, %exp3A_4618 : vector<32x32xf32>
    %div3A_4622 = arith.constant 1.000000e+00 : f32
    %div3A_4623 = vector.broadcast %div3A_4622 : f32 to vector<32x32xf32>
    %div3A_4624 = arith.divf %div3A_4623, %add3A_4621 : vector<32x32xf32>
    %neg3A_4625 = arith.constant 0.000000e+00 : f32
    %neg3A_4626 = vector.broadcast %neg3A_4625 : f32 to vector<32x32xf32>
    %neg3A_4627 = arith.subf %neg3A_4626, %get3A_4596 : vector<32x32xf32>
    %exp3A_4628 = math.exp %neg3A_4627 : vector<32x32xf32>
    %add3A_4629 = arith.constant 1.000000e+00 : f32
    %add3A_4630 = vector.broadcast %add3A_4629 : f32 to vector<32x32xf32>
    %add3A_4631 = arith.addf %add3A_4630, %exp3A_4628 : vector<32x32xf32>
    %div3A_4632 = arith.constant 1.000000e+00 : f32
    %div3A_4633 = vector.broadcast %div3A_4632 : f32 to vector<32x32xf32>
    %div3A_4634 = arith.divf %div3A_4633, %add3A_4631 : vector<32x32xf32>
    %neg3A_4635 = arith.constant 0.000000e+00 : f32
    %neg3A_4636 = vector.broadcast %neg3A_4635 : f32 to vector<32x32xf32>
    %neg3A_4637 = arith.subf %neg3A_4636, %get3A_4614 : vector<32x32xf32>
    %exp3A_4638 = math.exp %neg3A_4637 : vector<32x32xf32>
    %add3A_4639 = arith.constant 1.000000e+00 : f32
    %add3A_4640 = vector.broadcast %add3A_4639 : f32 to vector<32x32xf32>
    %add3A_4641 = arith.addf %add3A_4640, %exp3A_4638 : vector<32x32xf32>
    %div3A_4642 = arith.constant 1.000000e+00 : f32
    %div3A_4643 = vector.broadcast %div3A_4642 : f32 to vector<32x32xf32>
    %div3A_4644 = arith.divf %div3A_4643, %add3A_4641 : vector<32x32xf32>
    %exp3A_4645 = math.exp %get3A_4602 : vector<32x32xf32>
    %mul3A_4646 = arith.constant 4.735560e+00 : f32
    %mul3A_4647 = vector.broadcast %mul3A_4646 : f32 to vector<32x32xf32>
    %mul3A_4648 = arith.mulf %exp3A_4645, %mul3A_4647 : vector<32x32xf32>
    %exp3A_4649 = math.exp %get3A_4608 : vector<32x32xf32>
    %mul3A_4650 = arith.constant 2.42026496 : f32
    %mul3A_4651 = vector.broadcast %mul3A_4650 : f32 to vector<32x32xf32>
    %mul3A_4652 = arith.mulf %exp3A_4649, %mul3A_4651 : vector<32x32xf32>
    %add3A_4653 = arith.addf %div3A_4624, %mul3A_4648 : vector<32x32xf32>
    %min3A_4654 = arith.minimumf %add3A_4653, %sub3A_4247 : vector<32x32xf32>
    %sub3A_4655 = arith.subf %div3A_4624, %mul3A_4648 : vector<32x32xf32>
    %max3A_4656 = arith.maximumf %sub3A_4655, %sub3A_4245 : vector<32x32xf32>
    %sub3A_4657 = arith.subf %min3A_4654, %max3A_4656 : vector<32x32xf32>
    %add3A_4658 = arith.addf %div3A_4634, %mul3A_4652 : vector<32x32xf32>
    %min3A_4659 = arith.minimumf %add3A_4658, %sub3A_4251 : vector<32x32xf32>
    %sub3A_4660 = arith.subf %div3A_4634, %mul3A_4652 : vector<32x32xf32>
    %max3A_4661 = arith.maximumf %sub3A_4660, %sub3A_4249 : vector<32x32xf32>
    %sub3A_4662 = arith.subf %min3A_4659, %max3A_4661 : vector<32x32xf32>
    %max3A_4663 = arith.constant 0.000000e+00 : f32
    %max3A_4664 = vector.broadcast %max3A_4663 : f32 to vector<32x32xf32>
    %max3A_4665 = arith.maximumf %sub3A_4657, %max3A_4664 : vector<32x32xf32>
    %max3A_4666 = arith.constant 0.000000e+00 : f32
    %max3A_4667 = vector.broadcast %max3A_4666 : f32 to vector<32x32xf32>
    %max3A_4668 = arith.maximumf %sub3A_4662, %max3A_4667 : vector<32x32xf32>
    %mul3A_4669 = arith.mulf %max3A_4665, %max3A_4668 : vector<32x32xf32>
    %mul3A_4670 = arith.mulf %mul3A_4648, %mul3A_4652 : vector<32x32xf32>
    %mul3A_4671 = arith.constant 1.500000e+00 : f32
    %mul3A_4672 = vector.broadcast %mul3A_4671 : f32 to vector<32x32xf32>
    %mul3A_4673 = arith.mulf %mul3A_4672, %mul3A_4670 : vector<32x32xf32>
    %add3A_4674 = vector.broadcast %mul3A_4243 : f32 to vector<32x32xf32>
    %add3A_4675 = arith.addf %mul3A_4673, %add3A_4674 : vector<32x32xf32>
    %gt3A_4676 = arith.cmpf ogt, %mul3A_4669, %add3A_4675 : vector<32x32xf32>
    %mul3A_4677 = arith.mulf %div3A_4644, %div3A_4644 : vector<32x32xf32>
    %jit3A_4678 = arith.constant 0.000000e+00 : f32
    %broadcast_in_dim3A_4679 = vector.broadcast %jit3A_4678 : f32 to vector<32x32xf32>
    %select_n3A_4680 = arith.select %gt3A_4676, %broadcast_in_dim3A_4679, %mul3A_4677 : vector<32x32xi1>, vector<32x32xf32>
    %sub3A_4681 = arith.constant 5.000000e-01 : f32
    %sub3A_4682 = vector.broadcast %sub3A_4681 : f32 to vector<32x32xf32>
    %sub3A_4683 = arith.subf %div3A_4624, %sub3A_4682 : vector<32x32xf32>
    %mul3A_4684 = arith.mulf %sub3A_4683, %sub3A_4683 : vector<32x32xf32>
    %sub3A_4685 = arith.constant 5.000000e-01 : f32
    %sub3A_4686 = vector.broadcast %sub3A_4685 : f32 to vector<32x32xf32>
    %sub3A_4687 = arith.subf %div3A_4634, %sub3A_4686 : vector<32x32xf32>
    %mul3A_4688 = arith.mulf %sub3A_4687, %sub3A_4687 : vector<32x32xf32>
    %add3A_4689 = arith.addf %mul3A_4684, %mul3A_4688 : vector<32x32xf32>
    %mul3A_4690 = arith.mulf %get3A_4602, %get3A_4602 : vector<32x32xf32>
    %add3A_4691 = arith.addf %add3A_4689, %mul3A_4690 : vector<32x32xf32>
    %mul3A_4692 = arith.mulf %get3A_4608, %get3A_4608 : vector<32x32xf32>
    %add3A_4693 = arith.addf %add3A_4691, %mul3A_4692 : vector<32x32xf32>
    %add3A_4694 = arith.addf %add3A_4693, %select_n3A_4680 : vector<32x32xf32>
    %add3A_4695 = arith.addf %add3A_4584, %add3A_4694 : vector<32x32xf32>
    %get3A_4696 = arith.constant 7 : index
    %get3A_4697 = arith.constant 20 : index
    %get3A_4698 = arith.constant 0 : index
    %get3A_4699 = arith.constant 0 : index
    %get3A_4700 = vector.load %arg2[%get3A_4696, %get3A_4697, %get3A_4698, %get3A_4699] : memref<8x25x32x32xf32, #tpu.memory_space<vmem>>, vector<1x1x32x32xf32>
    %get3A_4701 = vector.shape_cast %get3A_4700 : vector<1x1x32x32xf32> to vector<32x32xf32>
    %get3A_4702 = arith.constant 7 : index
    %get3A_4703 = arith.constant 21 : index
    %get3A_4704 = arith.constant 0 : index
    %get3A_4705 = arith.constant 0 : index
    %get3A_4706 = vector.load %arg2[%get3A_4702, %get3A_4703, %get3A_4704, %get3A_4705] : memref<8x25x32x32xf32, #tpu.memory_space<vmem>>, vector<1x1x32x32xf32>
    %get3A_4707 = vector.shape_cast %get3A_4706 : vector<1x1x32x32xf32> to vector<32x32xf32>
    %get3A_4708 = arith.constant 7 : index
    %get3A_4709 = arith.constant 22 : index
    %get3A_4710 = arith.constant 0 : index
    %get3A_4711 = arith.constant 0 : index
    %get3A_4712 = vector.load %arg2[%get3A_4708, %get3A_4709, %get3A_4710, %get3A_4711] : memref<8x25x32x32xf32, #tpu.memory_space<vmem>>, vector<1x1x32x32xf32>
    %get3A_4713 = vector.shape_cast %get3A_4712 : vector<1x1x32x32xf32> to vector<32x32xf32>
    %get3A_4714 = arith.constant 7 : index
    %get3A_4715 = arith.constant 23 : index
    %get3A_4716 = arith.constant 0 : index
    %get3A_4717 = arith.constant 0 : index
    %get3A_4718 = vector.load %arg2[%get3A_4714, %get3A_4715, %get3A_4716, %get3A_4717] : memref<8x25x32x32xf32, #tpu.memory_space<vmem>>, vector<1x1x32x32xf32>
    %get3A_4719 = vector.shape_cast %get3A_4718 : vector<1x1x32x32xf32> to vector<32x32xf32>
    %get3A_4720 = arith.constant 7 : index
    %get3A_4721 = arith.constant 24 : index
    %get3A_4722 = arith.constant 0 : index
    %get3A_4723 = arith.constant 0 : index
    %get3A_4724 = vector.load %arg2[%get3A_4720, %get3A_4721, %get3A_4722, %get3A_4723] : memref<8x25x32x32xf32, #tpu.memory_space<vmem>>, vector<1x1x32x32xf32>
    %get3A_4725 = vector.shape_cast %get3A_4724 : vector<1x1x32x32xf32> to vector<32x32xf32>
    %neg3A_4726 = arith.constant 0.000000e+00 : f32
    %neg3A_4727 = vector.broadcast %neg3A_4726 : f32 to vector<32x32xf32>
    %neg3A_4728 = arith.subf %neg3A_4727, %get3A_4701 : vector<32x32xf32>
    %exp3A_4729 = math.exp %neg3A_4728 : vector<32x32xf32>
    %add3A_4730 = arith.constant 1.000000e+00 : f32
    %add3A_4731 = vector.broadcast %add3A_4730 : f32 to vector<32x32xf32>
    %add3A_4732 = arith.addf %add3A_4731, %exp3A_4729 : vector<32x32xf32>
    %div3A_4733 = arith.constant 1.000000e+00 : f32
    %div3A_4734 = vector.broadcast %div3A_4733 : f32 to vector<32x32xf32>
    %div3A_4735 = arith.divf %div3A_4734, %add3A_4732 : vector<32x32xf32>
    %neg3A_4736 = arith.constant 0.000000e+00 : f32
    %neg3A_4737 = vector.broadcast %neg3A_4736 : f32 to vector<32x32xf32>
    %neg3A_4738 = arith.subf %neg3A_4737, %get3A_4707 : vector<32x32xf32>
    %exp3A_4739 = math.exp %neg3A_4738 : vector<32x32xf32>
    %add3A_4740 = arith.constant 1.000000e+00 : f32
    %add3A_4741 = vector.broadcast %add3A_4740 : f32 to vector<32x32xf32>
    %add3A_4742 = arith.addf %add3A_4741, %exp3A_4739 : vector<32x32xf32>
    %div3A_4743 = arith.constant 1.000000e+00 : f32
    %div3A_4744 = vector.broadcast %div3A_4743 : f32 to vector<32x32xf32>
    %div3A_4745 = arith.divf %div3A_4744, %add3A_4742 : vector<32x32xf32>
    %neg3A_4746 = arith.constant 0.000000e+00 : f32
    %neg3A_4747 = vector.broadcast %neg3A_4746 : f32 to vector<32x32xf32>
    %neg3A_4748 = arith.subf %neg3A_4747, %get3A_4725 : vector<32x32xf32>
    %exp3A_4749 = math.exp %neg3A_4748 : vector<32x32xf32>
    %add3A_4750 = arith.constant 1.000000e+00 : f32
    %add3A_4751 = vector.broadcast %add3A_4750 : f32 to vector<32x32xf32>
    %add3A_4752 = arith.addf %add3A_4751, %exp3A_4749 : vector<32x32xf32>
    %div3A_4753 = arith.constant 1.000000e+00 : f32
    %div3A_4754 = vector.broadcast %div3A_4753 : f32 to vector<32x32xf32>
    %div3A_4755 = arith.divf %div3A_4754, %add3A_4752 : vector<32x32xf32>
    %exp3A_4756 = math.exp %get3A_4713 : vector<32x32xf32>
    %mul3A_4757 = arith.constant 5.618200e+00 : f32
    %mul3A_4758 = vector.broadcast %mul3A_4757 : f32 to vector<32x32xf32>
    %mul3A_4759 = arith.mulf %exp3A_4756, %mul3A_4758 : vector<32x32xf32>
    %exp3A_4760 = math.exp %get3A_4719 : vector<32x32xf32>
    %mul3A_4761 = arith.constant 5.003550e+00 : f32
    %mul3A_4762 = vector.broadcast %mul3A_4761 : f32 to vector<32x32xf32>
    %mul3A_4763 = arith.mulf %exp3A_4760, %mul3A_4762 : vector<32x32xf32>
    %add3A_4764 = arith.addf %div3A_4735, %mul3A_4759 : vector<32x32xf32>
    %min3A_4765 = arith.minimumf %add3A_4764, %sub3A_4247 : vector<32x32xf32>
    %sub3A_4766 = arith.subf %div3A_4735, %mul3A_4759 : vector<32x32xf32>
    %max3A_4767 = arith.maximumf %sub3A_4766, %sub3A_4245 : vector<32x32xf32>
    %sub3A_4768 = arith.subf %min3A_4765, %max3A_4767 : vector<32x32xf32>
    %add3A_4769 = arith.addf %div3A_4745, %mul3A_4763 : vector<32x32xf32>
    %min3A_4770 = arith.minimumf %add3A_4769, %sub3A_4251 : vector<32x32xf32>
    %sub3A_4771 = arith.subf %div3A_4745, %mul3A_4763 : vector<32x32xf32>
    %max3A_4772 = arith.maximumf %sub3A_4771, %sub3A_4249 : vector<32x32xf32>
    %sub3A_4773 = arith.subf %min3A_4770, %max3A_4772 : vector<32x32xf32>
    %max3A_4774 = arith.constant 0.000000e+00 : f32
    %max3A_4775 = vector.broadcast %max3A_4774 : f32 to vector<32x32xf32>
    %max3A_4776 = arith.maximumf %sub3A_4768, %max3A_4775 : vector<32x32xf32>
    %max3A_4777 = arith.constant 0.000000e+00 : f32
    %max3A_4778 = vector.broadcast %max3A_4777 : f32 to vector<32x32xf32>
    %max3A_4779 = arith.maximumf %sub3A_4773, %max3A_4778 : vector<32x32xf32>
    %mul3A_4780 = arith.mulf %max3A_4776, %max3A_4779 : vector<32x32xf32>
    %mul3A_4781 = arith.mulf %mul3A_4759, %mul3A_4763 : vector<32x32xf32>
    %mul3A_4782 = arith.constant 1.500000e+00 : f32
    %mul3A_4783 = vector.broadcast %mul3A_4782 : f32 to vector<32x32xf32>
    %mul3A_4784 = arith.mulf %mul3A_4783, %mul3A_4781 : vector<32x32xf32>
    %add3A_4785 = vector.broadcast %mul3A_4243 : f32 to vector<32x32xf32>
    %add3A_4786 = arith.addf %mul3A_4784, %add3A_4785 : vector<32x32xf32>
    %gt3A_4787 = arith.cmpf ogt, %mul3A_4780, %add3A_4786 : vector<32x32xf32>
    %mul3A_4788 = arith.mulf %div3A_4755, %div3A_4755 : vector<32x32xf32>
    %jit3A_4789 = arith.constant 0.000000e+00 : f32
    %broadcast_in_dim3A_4790 = vector.broadcast %jit3A_4789 : f32 to vector<32x32xf32>
    %select_n3A_4791 = arith.select %gt3A_4787, %broadcast_in_dim3A_4790, %mul3A_4788 : vector<32x32xi1>, vector<32x32xf32>
    %sub3A_4792 = arith.constant 5.000000e-01 : f32
    %sub3A_4793 = vector.broadcast %sub3A_4792 : f32 to vector<32x32xf32>
    %sub3A_4794 = arith.subf %div3A_4735, %sub3A_4793 : vector<32x32xf32>
    %mul3A_4795 = arith.mulf %sub3A_4794, %sub3A_4794 : vector<32x32xf32>
    %sub3A_4796 = arith.constant 5.000000e-01 : f32
    %sub3A_4797 = vector.broadcast %sub3A_4796 : f32 to vector<32x32xf32>
    %sub3A_4798 = arith.subf %div3A_4745, %sub3A_4797 : vector<32x32xf32>
    %mul3A_4799 = arith.mulf %sub3A_4798, %sub3A_4798 : vector<32x32xf32>
    %add3A_4800 = arith.addf %mul3A_4795, %mul3A_4799 : vector<32x32xf32>
    %mul3A_4801 = arith.mulf %get3A_4713, %get3A_4713 : vector<32x32xf32>
    %add3A_4802 = arith.addf %add3A_4800, %mul3A_4801 : vector<32x32xf32>
    %mul3A_4803 = arith.mulf %get3A_4719, %get3A_4719 : vector<32x32xf32>
    %add3A_4804 = arith.addf %add3A_4802, %mul3A_4803 : vector<32x32xf32>
    %add3A_4805 = arith.addf %add3A_4804, %select_n3A_4791 : vector<32x32xf32>
    %add3A_4806 = arith.addf %add3A_4695, %add3A_4805 : vector<32x32xf32>
    %eq3A = arith.constant 0 : i32
    %eq3A_4807 = arith.cmpi eq, %arg0, %eq3A : i32
    %convert_element_type3A_4808 = arith.extui %eq3A_4807 : i1 to i32
    %cond3A = arith.constant 0 : i32
    %cond3A_4809 = arith.cmpi ne, %convert_element_type3A_4808, %cond3A : i32
    scf.if %cond3A_4809 {
      %broadcast_in_dim3A_4821 = arith.constant 0.000000e+00 : f32
      %broadcast_in_dim3A_4822 = vector.broadcast %broadcast_in_dim3A_4821 : f32 to vector<32x32xf32>
      %swap3A_4823 = arith.constant 0 : index
      %swap3A_4824 = arith.constant 0 : index
      %swap3A_4825 = vector.load %arg4[%swap3A_4823, %swap3A_4824] : memref<32x32xf32, #tpu.memory_space<vmem>>, vector<32x32xf32>
      tpu.vector_store %arg4[%swap3A_4823, %swap3A_4824], %broadcast_in_dim3A_4822 {strides = array<i32>} : memref<32x32xf32, #tpu.memory_space<vmem>>, vector<32x32xf32>,
    } else {
    }
    %get3A_4810 = arith.constant 0 : index
    %get3A_4811 = arith.constant 0 : index
    %get3A_4812 = vector.load %arg4[%get3A_4810, %get3A_4811] : memref<32x32xf32, #tpu.memory_space<vmem>>, vector<32x32xf32>
    %add3A_4813 = arith.addf %get3A_4812, %add3A_4806 : vector<32x32xf32>
    %swap3A = arith.constant 0 : index
    %swap3A_4814 = arith.constant 0 : index
    %swap3A_4815 = vector.load %arg4[%swap3A, %swap3A_4814] : memref<32x32xf32, #tpu.memory_space<vmem>>, vector<32x32xf32>
    tpu.vector_store %arg4[%swap3A, %swap3A_4814], %add3A_4813 {strides = array<i32>} : memref<32x32xf32, #tpu.memory_space<vmem>>, vector<32x32xf32>,
    %eq3A_4816 = arith.constant 1 : i32
    %eq3A_4817 = arith.cmpi eq, %arg0, %eq3A_4816 : i32
    %convert_element_type3A_4818 = arith.extui %eq3A_4817 : i1 to i32
    %cond3A_4819 = arith.constant 0 : i32
    %cond3A_4820 = arith.cmpi ne, %convert_element_type3A_4818, %cond3A_4819 : i32
    scf.if %cond3A_4820 {
      %get3A_4821 = arith.constant 0 : index
      %get3A_4822 = arith.constant 0 : index
      %get3A_4823 = vector.load %arg4[%get3A_4821, %get3A_4822] : memref<32x32xf32, #tpu.memory_space<vmem>>, vector<32x32xf32>
      %reduce_sum3A = vector.shape_cast %get3A_4823 : vector<32x32xf32> to vector<1x32x32xf32>
      %reduce_sum3A_4824 = arith.constant dense<0.000000e+00> : vector<1xf32>
      %reduce_sum3A_4825 = vector.multi_reduction <add>, %reduce_sum3A, %reduce_sum3A_4824 [1, 2] : vector<1x32x32xf32> to vector<1xf32>
      %reduce_sum3A_4826 = vector.shape_cast %reduce_sum3A_4825 : vector<1xf32> to vector<1x1x1xf32>
      %reduce_sum3A_4827 = vector.extract %reduce_sum3A_4826[0, 0, 0] : f32 from vector<1x1x1xf32>
      %swap3A_4828 = arith.constant 0 : index
      %swap3A_4829 = arith.constant 0 : index
      %swap3A_4830 = memref.load %arg3[%swap3A_4828, %swap3A_4829] : memref<1x1xf32, #tpu.memory_space<smem>>
      memref.store %reduce_sum3A_4827, %arg3[%swap3A_4828, %swap3A_4829] : memref<1x1xf32, #tpu.memory_space<smem>>
    } else {
    }
    return
  }
  func.func @transform_0(%arg0: i32) -> (i32, i32) {
    %c0_i32 = arith.constant 0 : i32
    %c0_i32_0 = arith.constant 0 : i32
    %c0_i32_1 = arith.constant 0 : i32
    return %c0_i32, %c0_i32_0 : i32, i32
  }
  func.func @transform_1(%arg0: i32) -> (i32, i32, i32, i32) {
    %c0_i32 = arith.constant 0 : i32
    %c0_i32_0 = arith.constant 0 : i32
    %c0_i32_1 = arith.constant 0 : i32
    %c0_i32_2 = arith.constant 0 : i32
    return %arg0, %c0_i32, %c0_i32_0, %c0_i32_1 : i32, i32, i32, i32
  }
  func.func @transform_2(%arg0: i32) -> (i32, i32) {
    %c0_i32 = arith.constant 0 : i32
    %c0_i32_0 = arith.constant 0 : i32
    %c0_i32_1 = arith.constant 0 : i32
    return %c0_i32, %c0_i32_0 : i32, i32
  }
}

</mosaic_0001>

<sc_bundles>
// kernel: kernel.4.cloned.1.call-start
scs
__scs_entry_jumppad:
0x0: {  	(pc) =	sbr.rel $0x88, $3  }
0x1: {  	(tag) =	ssettag $0x0;
	lr =	simm.s32 $0x1  }
0x2: {  	[smem:$0x3F9E] =	sst lr;
	_ =	strace $0xD0000000  }
0x3: {  	_ = 	snop  }
0x4: {  	_ = 	snop  }
0x5: {  	_ = 	snop  }
0x6: {  	_ = 	snop  }
0x7: {  	_ = 	snop  }
__scs_overlays_trampoline_lowered:
0x8: {  	[smem:$0x3FAD] =	sst s0  }
0x9: {  	[smem:$0x3FAE] =	sst s1  }
0xa: {  	[smem:$0x3FAF] =	sst s2  }
0xb: {  	[smem:$0x3FB0] =	sst s3  }
0xc: {  	[smem:$0x3FB1] =	sst s4  }
0xd: {  	[smem:$0x3FB2] =	sst s5  }
0xe: {  	[smem:$0x3FB3] =	sst s6  }
0xf: {  	[smem:$0x3FB4] =	sst s7  }
0x10: {  	[smem:$0x3FB5] =	sst s8  }
0x11: {  	[smem:$0x3FB6] =	sst s9;
	s0 =	simm.s32 @!p0 $0x0  }
0x12: {  	s1 =	sld [smem:$0x3F9C];
	s0 =	simm.s32 @p0 $0x1  }
0x13: {  	[smem:$0x3FB7] =	sst s0;
	s0 =	simm.s32 @!p1 $0x0  }
0x14: {  	s2 =	sld [smem:$0x3F9B];
	s0 =	simm.s32 @p1 $0x1  }
0x15: {  	[smem:$0x3FB8] =	sst s0;
	s0 =	simm.s32 @!p2 $0x0  }
0x16: {  	s3 =	sld [smem:$0x3FDB];
	s0 =	simm.s32 @p2 $0x1  }
0x17: {  	s4 =	simm.s32 $0x1BF5;
	[smem:$0x3FBA] =	sst s0  }
0x18: {  	s0 =	sld [smem:$0x3F9D];
	_ =	swait.ge [sflag:s4], $0x0  }
0x19: {  	s7 =	sld [smem:$0x3F9E]  }
0x1a: {  	s8 =	sadd.s32 $0xFFFFE003, lr  }
0x1b: {  	s9 =	sadd.s32 $0xFFFFFEF7, lr;
	s5 =	simm.s32 $0xFFFFFFFF;
	p2 =	slt.u32 s8, $0xFFFFF086  }
0x1c: {  	p1 =	slt.u32 s9, $0xF7A;
	s5 =	simm.s32 @!p2 $0x0  }
0x1d: {  	s5 =	simm.s32 @p1 $0x1;
	p0 =	seq.s32 s7, s2  }
0x1e: {  	s7 =	smul.u32 @!p0 $0xF7A, s2;
	p2 =	seq.s32 @!p0 s5, $0x0  }
0x1f: {  	s9 =	smul.u32 $0xF7A, s1;
	s8 =	simm.s32 @!p0 $0x1BF5;
	p2 =	por !p2, p0  }
0x20: {  	[sflag:s8] =	ssyncset.s32 @!p0 $0xFFFFF086;
	s6 =	sadd.s32 @!p0 s3, s7;
	s7 =	simm.s32 @!p0 $0x108  }
0x21: {  	s3 =	sadd.s32 s3, s9;
	s6 =	sadd.s32 @!p0 $0x88, s6;
	s7 =	simm.s32 @p2 $0x1082  }
0x22: {  	[simem:s7], [sflag:s8] =	dma.local @!p0 [hbm:s6], $0xF7A  }
0x23: {  	s9 =	sor.u32 $0xD0000000, s2;
	s6 =	simm.s32 $0x108;
	_ =	swait.ge @!p0 [sflag:s8], $0x0  }
0x24: {  	s3 =	sadd.s32 $0x88, s3;
	s6 =	simm.s32 @!p1 $0x1082;
	[sflag:s4] =	ssyncset.s32 $0xFFFFF086  }
0x25: {  	[simem:s6], [sflag:s4] =	dma.local [hbm:s3], $0xF7A  }
0x26: {  	[smem:$0x3F9E] =	sst s1;
	(tag) =	ssettag s2;
	_ =	strace s9  }
0x27: {  	s1 =	sld [smem:$0x3FAE]  }
0x28: {  	s2 =	sld [smem:$0x3FAF]  }
0x29: {  	s4 =	sld [smem:$0x3FB1]  }
0x2a: {  	p0 =	seq.s32 s5, $0x0;
	s5 =	sld [smem:$0x3FB2]  }
0x2b: {  	s6 =	sld [smem:$0x3FB3]  }
0x2c: {  	s7 =	sld [smem:$0x3FB4]  }
0x2d: {  	s3 =	simm.s32 $0x108;
	s8 =	sld [smem:$0x3FB5]  }
0x2e: {  	s3 =	simm.s32 @!p0 $0x1082;
	s9 =	sld [smem:$0x3FB6]  }
0x2f: {  	lr =	sadd.s32 s0, s3;
	s0 =	sld [smem:$0x3FAD]  }
0x30: {  	s3 =	sld [smem:$0x3FB0]  }
0x31: {  	[smem:$0x3FB9] =	sst s10  }
0x32: {  	s10 =	sld [smem:$0x3FB7];
	_ =	sdelay $0x3  }
0x33: {  	p0 =	seq.s32 s10, $0x1;
	s10 =	sld [smem:$0x3FB9];
	_ =	sdelay $0x3  }
0x34: {  	[smem:$0x3FB9] =	sst s10  }
0x35: {  	s10 =	sld [smem:$0x3FB8];
	_ =	sdelay $0x3  }
0x36: {  	p1 =	seq.s32 s10, $0x1;
	s10 =	sld [smem:$0x3FB9];
	_ =	sdelay $0x3  }
0x37: {  	[smem:$0x3FB9] =	sst s10  }
0x38: {  	s10 =	sld [smem:$0x3FBA]  }
0x39: {  	_ = 	snop;
	(pc) =	sbr.ind lr, $3  }
0x3a: {  	_ = 	snop  }
0x3b: {  	_ = 	snop  }
0x3c: {  	p2 =	seq.s32 s10, $0x1;
	s10 =	sld [smem:$0x3FB9]  }
0x3d: {  	_ =	shalt  }
0x3e: {  	_ =	shalt  }
0x3f: {  	_ =	shalt  }
0x40: {  	_ =	shalt  }
0x41: {  	_ =	shalt  }
0x42: {  	_ =	shalt  }
0x43: {  	_ =	shalt  }
0x44: {  	_ =	shalt  }
0x45: {  	_ =	shalt  }
0x46: {  	_ =	shalt  }
0x47: {  	_ =	shalt  }
0x48: {  	_ =	shalt  }
0x49: {  	_ =	shalt  }
0x4a: {  	_ =	shalt  }
0x4b: {  	_ =	shalt  }
0x4c: {  	_ =	shalt  }
0x4d: {  	_ =	shalt  }
0x4e: {  	_ =	shalt  }
0x4f: {  	_ =	shalt  }
0x50: {  	_ =	shalt  }
0x51: {  	_ =	shalt  }
0x52: {  	_ =	shalt  }
0x53: {  	_ =	shalt  }
0x54: {  	_ =	shalt  }
0x55: {  	_ =	shalt  }
0x56: {  	_ =	shalt  }
0x57: {  	_ =	shalt  }
0x58: {  	_ =	shalt  }
0x59: {  	_ =	shalt  }
0x5a: {  	_ =	shalt  }
0x5b: {  	_ =	shalt  }
0x5c: {  	_ =	shalt  }
0x5d: {  	_ =	shalt  }
0x5e: {  	_ =	shalt  }
0x5f: {  	_ =	shalt  }
0x60: {  	_ =	shalt  }
0x61: {  	_ =	shalt  }
0x62: {  	_ =	shalt  }
0x63: {  	_ =	shalt  }
0x64: {  	_ =	shalt  }
0x65: {  	_ =	shalt  }
0x66: {  	_ =	shalt  }
0x67: {  	_ =	shalt  }
0x68: {  	_ =	shalt  }
0x69: {  	_ =	shalt  }
0x6a: {  	_ =	shalt  }
0x6b: {  	_ =	shalt  }
0x6c: {  	_ =	shalt  }
0x6d: {  	_ =	shalt  }
0x6e: {  	_ =	shalt  }
0x6f: {  	_ =	shalt  }
0x70: {  	_ =	shalt  }
0x71: {  	_ =	shalt  }
0x72: {  	_ =	shalt  }
0x73: {  	_ =	shalt  }
0x74: {  	_ =	shalt  }
0x75: {  	_ =	shalt  }
0x76: {  	_ =	shalt  }
0x77: {  	_ =	shalt  }
0x78: {  	_ =	shalt  }
0x79: {  	_ =	shalt  }
0x7a: {  	_ =	shalt  }
0x7b: {  	_ =	shalt  }
0x7c: {  	_ =	shalt  }
0x7d: {  	_ =	shalt  }
0x7e: {  	_ =	shalt  }
0x7f: {  	_ =	shalt  }
0x80: {  	_ =	shalt  }
0x81: {  	_ =	shalt  }
0x82: {  	_ =	shalt  }
0x83: {  	_ =	shalt  }
0x84: {  	_ =	shalt  }
0x85: {  	_ =	shalt  }
0x86: {  	_ =	shalt  }
0x87: {  	_ =	shalt  }
.Lfunc_end0:
.L_simem_size_0:
called_computation_lowered:
.L_overlay_start_0:
0x88: {  	s2 =	sld [smem:$0x3FD9]  }
0x89: {  	s3 =	sld [smem:$0x3FFE];
	_ =	sdelay $0x1  }
0x8a: {  	s1 =	srdreg.scid  }
0x8b: {  	s0 =	sand.u32 $0x1, s1  }
0x8c: {  	s17 =	sshll.u32 s0, $0xA;
	s2 =	sadd.s32 s3, s2  }
0x8d: {  	s2 =	sadd.s32 s2, s17  }
0x8e: {  	[smem:$0x3FC5] =	sst s2  }
0x8f: {  	_ = 	snop  }
0x90: {  	s2 =	sld [smem:$0x3FC9];
	(tm) =	ssettm $0x1  }
0x91: {  	s18 =	sld [smem:$0x3FFB];
	_ =	sdelay $0x3  }
0x92: {  	_ =	strace s18  }
0x93: {  	s3 =	sld [smem:$0x3FFC];
	_ =	sdelay $0x3  }
0x94: {  	_ =	strace s3  }
0x95: {  	s3 =	sld [smem:$0x3FFD];
	_ =	sdelay $0x3  }
0x96: {  	_ =	strace s3  }
0x97: {  	_ =	strace $0x8FFFFFFF  }
0x98: {  	s19 =	sld [smem:$0x3FDB];
	_ =	sdelay $0x1  }
0x99: {  	s4 =	simm.s32 $_scs_section_size  }
0x9a: {  	s5 =	simm.s32 $_size__tile_overlayer_lowered;
	s6 =	simm.s32 $_tile_overlayer_lowered  }
0x9b: {  	s22 =	simm.s32 $0x1BFF;
	s21 =	sshll.u32 s6, $0x1;
	s3 =	sadd.s32 s4, s19  }
0x9c: {  	s7 =	simm.s32 $0x0;
	s20 =	sshll.u32 s5, $0x1;
	s5 =	sadd.s32 s21, s3  }
0x9d: {  	[timem:s7], [sflag:s22] =	dma.local [hbm:s5], s20  }
0x9e: {  	_ =	swait.ge [sflag:s22], s20  }
0x9f: {  	s4 =	ssub.s32 $0x0, s20;
	[sflag:s22] =	ssyncset.done $0x0  }
0xa0: {  	[sflag:s22] =	ssyncadd.s32 s4;
	_ =	sdelay $0x1  }
0xa1: {  	s23 =	simm.s32 $0x1B8B  }
0xa2: {  	_ =	swait.ge [sflag:s23], $0x1  }
0xa3: {  	[sflag:s23] =	ssyncset.done $0x0  }
0xa4: {  	s25 =	simm.s32 $0x1B8E;
	s24 =	sld [smem:$0x3FFE];
	[sflag:s23] =	ssyncadd.s32 $0xFFFFFFFF  }
0xa5: {  	s26 =	simm.s32 $execute0_lowered;
	[smem:$0x3FD2] =	sst s25  }
0xa6: {  	s5 =	sshll.u32 s26, $0x1;
	_ =	strace $0x80000046;
	[dreg:$0x1] =	wrdreg $0xFFFFFFFF  }
0xa7: {  	s28 =	simm.s32 $_size_execute0_lowered;
	s3 =	sadd.s32 s3, s5;
	[dreg:$0x0] =	wrdreg $0x0  }
0xa8: {  	s5 =	sshll.u32 s28, $0x1;
	[dreg:$0x2] =	wrdreg s3  }
0xa9: {  	[dreg:$0x3] =	wrdreg s5  }
0xaa: {  	[dreg:$0x4] =	wrdreg $0xC0  }
0xab: {  	_ =	task [dreg:s7], $0x5FFFF  }
0xac: {  	[dreg:$0x1] =	wrdreg $0xFFFFFFFF  }
0xad: {  	[dreg:$0x0] =	wrdreg $0x60  }
0xae: {  	[dreg:$0x2] =	wrdreg s2  }
0xaf: {  	[dreg:$0x3] =	wrdreg s24  }
0xb0: {  	[dreg:$0x4] =	wrdreg $0x9  }
0xb1: {  	_ =	task.clear_ibuf [dreg:s7], $0x5FFFF;
	_ =	strace $0x90000046  }
0xb2: {  	s29 =	simm.s32 $0x9;
	_ =	strace $0x80000048  }
0xb3: {  	_ =	swait.ge [sflag:s29], $0x1  }
0xb4: {  	[sflag:s29] =	ssyncadd.s32 $0xFFFFFFFF  }
0xb5: {  	_ =	strace $0x90000048  }
0xb6: {  	_ =	sfence  }
0xb7: {  	s30 =	sld [smem:$0x0];
	_ =	sdelay $0x2  }
0xb8: {  	s31 =	sshll.u32 s1, $0xD;
	s1 =	sshrl.u32 s1, $0x2  }
0xb9: {  	s3 =	sand.u32 $0x4000, s31;
	s1 =	sadd.s32 s1, s30  }
0xba: {  	s0 =	sor.u32 s3, s0;
	s1 =	sshll.u32 s1, $0x11  }
0xbb: {  	s0 =	sor.u32 s1, s0  }
0xbc: {  	s0 =	sadd.s32 $0x8F2B, s0  }
0xbd: {  	[sflag:s0] =	ssyncadd.remote.s32 $0x1  }
0xbe: {  	_ =	sfence.sel $0xFFFF  }
0xbf: {  	[dreg:$0x0] =	wrdreg $0xFFFFFFFF;
	(pc) =	sbr.abs _section_cstart, $3  }
0xc0: {  	[dreg:$0x1] =	wrdreg $0xFFFFFFFF  }
0xc1: {  	_ =	task.clear_ibuf [dreg:s7], $0x2FFFF;
	_ =	strace $0x9FFFFFFF  }
0xc2: {  	(tm) =	ssettm $0x7FFFFFFF  }
0xc3: {  	_ =	shalt  }
tec
execute0_lowered:
.L_overlay_start_1:
0x0: {  	(tag) =	ssettag $0x1  }
0x1: {  	s1 =	srdreg.scid  }
0x2: {  	s1 =	sand.u32 $0x1, s1  }
0x3: {  	p0 =	seq.s32 s1, $0x1  }
.Ltmp0:
0x4: {  	_ = 	snop;
	(pc) =	sbr.rel @p0 .LBB2_2-.Ltmp0, $4  }
0x5: {  	s10 =	rddreg [dreg:$0x0]  }
0x6: {  	s3 =	rddreg [dreg:$0x1];
	s2 =	simm.s32 $0x0  }
0x7: {  	[smem:$0x7FF] =	sst s2  }
0x8: {  	s0 =	rddreg [dreg:$0x2];
	_ =	strace $0x80000047;
	s1 =	stileid.u32  }
0x9: {  	v1 =	vlaneseq.u32  }
0xa: {  	s4 =	sadd.s32 $0x400, s3;
	s5 =	sshll.u32 s1, $0x7;
	s6 =	simm.s32 $0x400;
	v0 =	vand.u32 $0x3, v1  }
0xb: {  	[tilespmem:s6], [sflag:$0x2] =	stream.linear.gather [hbm4b:s4+s2], $0x800, $0x38;
	v0 =	vor.u32 s5, v0;
	[tilespmem:$0xC80] =	vst v63  }
0xc: {  	s4 =	simm.s32 $0x2  }
0xd: {  	_ =	swait.ge [sflag:s4], $0x800  }
0xe: {  	[sflag:s4] =	ssyncset.done $0x0  }
0xf: {  	[sflag:s4] =	ssyncadd.s32 $0xFFFFF800  }
0x10: {  	v2 =	vld.idx.msk [tilespmem:v0+s6+$0x0], $0xffff;
	_ =	sdelay $0x3  }
0x11: {  	vm0 =	vcmask $0x70C  }
0x12: {  	vm7 =	vcmask $0xB10;
	v0 =	vsel vm0, $0x0, v2  }
0x13: {  	v55 =	vsel vm7, $0x0, v2;
	(xrf2) =	vadd.scan.msk.f32 $0xffff, v0  }
0x14: {  	(xrf2) =	vadd.scan.msk.f32 $0xffff, v55;
	_ =	sdelay $0x8  }
0x15: {  	v56, _, _ =	vpop (xrf2)  }
0x16: {  	(v2sf) =	vpush v56, $0xF;
	v57, _, _ =	vpop (xrf2)  }
0x17: {  	(v2sf) =	vpush v57, $0xF;
	_ =	sdelay $0xb  }
0x18: {  	vm8 =	vcmask $0x300;
	v0 =	vimm.f32 $1.000000000e+00  }
0x19: {  	vm1 =	vcmask $0x704;
	vm2 =	vcmask $0xB08;
	v3 =	vsel vm8, $0x3FA93A93, v0  }
0x1a: {  	v4 =	vsel vm8, $0x3FDDA027, v0;
	v5 =	vsel vm8, $0x4012816F, v0;
	v3 =	vsel vm1, $0x404C5604, v3;
	s13 =	spop (v2sf)  }
0x1b: {  	vm3 =	vcmask $0xF0C;
	v4 =	vsel vm1, $0x40804D55, v4;
	v5 =	vsel vm1, $0x414CD177, v5;
	s5 =	smul.f32 $3.200000000e+01, s13;
	s14 =	spop (v2sf)  }
0x1c: {  	vm9 =	vcmask $0x1310;
	v3 =	vsel vm2, $0x40A1C9B0, v3;
	v4 =	vsel vm2, $0x4101952D, v4;
	s6 =	smul.f32 $3.200000000e+01, s14  }
0x1d: {  	v5 =	vsel vm2, $0x4223C9D1, v5;
	v3 =	vsel vm3, $0x411789B5, v3;
	v4 =	vsel vm3, $0x409AE59F, v4  }
0x1e: {  	v5 =	vsel vm3, $0x42376186, v5;
	v3 =	vsel vm9, $0x4133C84B, v3;
	v4 =	vsel vm9, $0x41201D15, v4;
	s8 =	smul.f32 s6, s5  }
0x1f: {  	v5 =	vsel vm9, $0x42E0E337, v5;
	v6 =	vmin.f32 v3, s5;
	v7 =	vmin.f32 v4, s6  }
0x20: {  	v6 =	vmul.f32 v7, v6;
	v5 =	vadd.f32 s8, v5;
	_ =	sdelay $0x1  }
0x21: {  	v5 =	vsub.f32 v5, v6;
	_ =	sdelay $0x1  }
0x22: {  	(erf) = vrcp.f32 v5;
	_ =	sdelay $0x8  }
0x23: {  	v5 =	vpop (erf)  }
0x24: {  	v5 =	vmul.f32 v5, v6  }
0x25: {  	vm10 =	vmmov $0x1f  }
0x26: {  	v5 =	vnsel vm10, $0xBF800000, v5  }
0x27: {  	(xrf0) =	vmax.scan.msk.f32 $0xffff, v5;
	_ =	sdelay $0x5  }
0x28: {  	v58, _, _ =	vpop (xrf0)  }
0x29: {  	v6 =	vbroadcast v58, $0xF;
	_ =	sdelay $0x1  }
0x2a: {  	v59 =	vor.u32 $0x80000000, v1;
	vm0 =	veq.f32 v5, v6  }
0x2b: {  	v5 =	vnsel vm0, $0x80000063, v59  }
0x2c: {  	(xrf0) =	vmin.scan.msk.u32 $0xffff, v5;
	_ =	sdelay $0x5  }
0x2d: {  	v5, _, _ =	vpop (xrf0)  }
0x2e: {  	(v2sf) =	vpush v5, $0xF;
	_ =	sdelay $0xb  }
0x2f: {  	vm11 =	vcmask $0x308  }
0x30: {  	v60 =	vsel vm11, $0x0, v2  }
0x31: {  	(xrf2) =	vadd.scan.msk.f32 $0xffff, v60  }
0x32: {  	s7 =	spop (v2sf)  }
0x33: {  	s9 =	sxor.u32 $0x80000000, s7  }
0x34: {  	v61 =	vmov s9  }
0x35: {  	vm12 =	veq.s32 v61, v1  }
0x36: {  	v4 =	vnsel vm12, $0x0, v4  }
0x37: {  	vm13 =	vmmov $0x1;
	v3 =	vnsel vm12, $0x0, v3;
	(xrf2) =	vadd.scan.msk.f32 $0xffff, v4  }
0x38: {  	v2 =	vnsel vm13, $0x0, v2;
	(xrf2) =	vadd.scan.msk.f32 $0xffff, v3  }
0x39: {  	(xrf2) =	vadd.scan.msk.f32 $0xffff, v2;
	_ =	sdelay $0x1  }
0x3a: {  	v62, _, _ =	vpop (xrf2)  }
0x3b: {  	(v2sf) =	vpush v62, $0xF;
	_ =	sdelay $0x4  }
0x3c: {  	v63, _, _ =	vpop (xrf2)  }
0x3d: {  	v3, _, _ =	vpop (xrf2)  }
0x3e: {  	v12, _, _ =	vpop (xrf2)  }
0x3f: {  	(v2sf) =	vpush v12, $0xF;
	_ =	sdelay $0x6  }
0x40: {  	s15 =	spop (v2sf)  }
0x41: {  	s7 =	smul.f32 $3.200000000e+01, s15;
	_ =	sdelay $0x1  }
0x42: {  	s11 =	scvt.f32.s32 s7;
	_ =	sdelay $0x1  }
0x43: {  	s12 =	smul.u32 $0x19000, s1;
	p0 =	sgt.s32 s11, $0x0  }
0x44: {  	s9 =	smul.u32 $0x5000, s9;
	s11 =	simm.s32 @!p0 $0x0  }
0x45: {  	s11 =	smin.u32 s11, $0x1F  }
0x46: {  	s12 =	sadd.s32 s12, s9;
	s14 =	sshll.u32 s11, $0x7;
	s13 =	spop (v2sf)  }
0x47: {  	s12 =	sor.u32 s14, s12;
	s16 =	smul.f32 $3.200000000e+01, s13  }
0x48: {  	s17 =	simm.s32 $0x80;
	s12 =	sshrl.u32 s12, $0x3  }
0x49: {  	s18 =	simm.s32 $0x1000;
	s10 =	sadd.s32 s10, s12;
	s13 =	scvt.f32.s32 s16  }
0x4a: {  	[tilespmem:s2], [sflag:$0x1] =	stream.strided.gather [hbm4b:s10+s17], $0x280, s18, s17, $0x38;
	[tilespmem:$0xC80] =	vst v63  }
0x4b: {  	s19 =	simm.s32 $0x1;
	p0 =	sgt.s32 s13, $0x0  }
0x4c: {  	_ =	swait.ge [sflag:s19], $0x280;
	s13 =	simm.s32 @!p0 $0x0  }
0x4d: {  	[sflag:s19] =	ssyncset.done $0x0;
	s20 =	smin.u32 s13, $0x1F  }
0x4e: {  	[sflag:s19] =	ssyncadd.s32 $0xFFFFFD80;
	s21 =	sand.u32 $0x10, s20  }
0x4f: {  	v13 =	vld [tilespmem:s21+$0x0];
	_ =	sdelay $0x1  }
0x50: {  	s13 =	sand.u32 $0xF, s20  }
0x51: {  	v14 =	vmov s13  }
0x52: {  	vm14 =	veq.s32 v14, v1  }
0x53: {  	v1 =	vnsel vm14, $0x0, v13  }
0x54: {  	(xrf2) =	vadd.scan.msk.f32 $0xffff, v1;
	_ =	sdelay $0x6  }
0x55: {  	v15 =	vld [tilespmem:s21+$0x80];
	_ =	sdelay $0x2  }
0x56: {  	v16, _, _ =	vpop (xrf2)  }
0x57: {  	v4 =	vsub.f32 $0.0e+00, v16  }
0x58: {  	v1 =	vnsel vm14, $0x0, v15  }
0x59: {  	(xrf2) =	vadd.scan.msk.f32 $0xffff, v1;
	v17 =	vmul.f32 $1.442695020e+00, v4;
	_ =	sdelay $0x1  }
0x5a: {  	v1 =	vbroadcast v17, $0xF;
	_ =	sdelay $0x1  }
0x5b: {  	(erf) = vpow2.f32 v1  }
0x5c: {  	v18 =	vld [tilespmem:s21+$0x100]  }
0x5d: {  	v19 =	vld [tilespmem:s21+$0x180]  }
0x5e: {  	v20 =	vld [tilespmem:s21+$0x200];
	_ =	sdelay $0x2  }
0x5f: {  	v21, _, _ =	vpop (xrf2);
	v1 =	vnsel vm14, $0x0, v18  }
0x60: {  	v22 =	vnsel vm14, $0x0, v19;
	v23 =	vsub.f32 $0.0e+00, v21;
	(xrf2) =	vadd.scan.msk.f32 $0xffff, v1  }
0x61: {  	v24 =	vnsel vm14, $0x0, v20;
	(xrf2) =	vadd.scan.msk.f32 $0xffff, v22  }
0x62: {  	v4 =	vmul.f32 $1.442695020e+00, v23;
	(xrf2) =	vadd.scan.msk.f32 $0xffff, v24;
	v25 =	vpop (erf)  }
0x63: {  	v1 =	vadd.f32 $1.000000000e+00, v25  }
0x64: {  	v4 =	vbroadcast v4, $0xF  }
0x65: {  	(erf) = vrcp.f32 v1  }
0x66: {  	(erf) = vpow2.f32 v4;
	_ =	sdelay $0x3  }
0x67: {  	v26, _, _ =	vpop (xrf2)  }
0x68: {  	v27, _, _ =	vpop (xrf2)  }
0x69: {  	v28, _, _ =	vpop (xrf2)  }
0x6a: {  	v5 =	vsub.f32 $0.0e+00, v28  }
0x6b: {  	v29 =	vpop (erf)  }
0x6c: {  	v5 =	vmul.f32 $1.442695020e+00, v5;
	v30 =	vpop (erf)  }
0x6d: {  	v7 =	vadd.f32 $1.000000000e+00, v30  }
0x6e: {  	v5 =	vbroadcast v5, $0xF  }
0x6f: {  	(erf) = vrcp.f32 v7  }
0x70: {  	(erf) = vpow2.f32 v5;
	_ =	sdelay $0x7  }
0x71: {  	v31 =	vpop (erf)  }
0x72: {  	v32 =	vbroadcast v26, $0xF;
	v8 =	vpop (erf)  }
0x73: {  	v9 =	vbroadcast v27, $0xF;
	v8 =	vadd.f32 $1.000000000e+00, v8  }
0x74: {  	v10 =	vmul.f32 $1.442695020e+00, v32  }
0x75: {  	v33 =	vmul.f32 $1.442695020e+00, v9;
	(erf) = vrcp.f32 v8  }
0x76: {  	(erf) = vpow2.f32 v10  }
0x77: {  	(erf) = vpow2.f32 v33;
	_ =	sdelay $0x6  }
0x78: {  	v3 =	vbroadcast v3, $0xF;
	v34 =	vpop (erf)  }
0x79: {  	v2 =	vbroadcast v63, $0xF;
	v10 =	vpop (erf)  }
0x7a: {  	s25 =	smul.f32 $5.000000000e-01, s6;
	s12 =	scvt.s32.f32 s20;
	v10 =	vmul.f32 v3, v10;
	v11 =	vpop (erf)  }
0x7b: {  	s23 =	scvt.s32.f32 s11;
	v11 =	vmul.f32 v2, v11  }
0x7c: {  	s22 =	smul.f32 $5.000000000e-01, s5;
	s15 =	ssub.f32 s7, s25;
	v12 =	vadd.f32 s12, v29;
	v13 =	vmul.f32 $5.000000000e-01, v10  }
0x7d: {  	s14 =	sadd.f32 s25, s7;
	v14 =	vadd.f32 s23, v31;
	v15 =	vmul.f32 $5.000000000e-01, v11  }
0x7e: {  	s13 =	sadd.f32 s22, s16;
	v16 =	vadd.f32 v13, v12;
	v12 =	vsub.f32 v12, v13  }
0x7f: {  	s24 =	ssub.f32 s16, s22;
	v35 =	vadd.f32 v15, v14;
	v14 =	vsub.f32 v14, v15  }
0x80: {  	v36 =	vmin.f32 v16, s13  }
0x81: {  	v12 =	vmax.f32 v12, s24;
	v13 =	vmin.f32 v35, s14;
	v14 =	vmax.f32 v14, s15  }
0x82: {  	v12 =	vsub.f32 v36, v12;
	v13 =	vsub.f32 v13, v14  }
0x83: {  	v10 =	vmul.f32 v11, v10  }
0x84: {  	v37 =	vmax.f32 v12, $0.0e+00;
	v38 =	vmax.f32 v13, $0.0e+00  }
0x85: {  	v10 =	vadd.f32 s8, v10;
	v11 =	vmul.f32 v38, v37;
	_ =	sdelay $0x1  }
0x86: {  	v10 =	vsub.f32 v10, v11;
	_ =	sdelay $0x1  }
0x87: {  	(erf) = vrcp.f32 v10  }
0x88: {  	(erf) = vrcp.f32 v3;
	_ =	sdelay $0x7  }
0x89: {  	v39 =	vpop (erf)  }
0x8a: {  	v40 =	vpop (erf)  }
0x8b: {  	v10 =	vmul.f32 s5, v40;
	_ =	sdelay $0x1  }
0x8c: {  	v41 =	vand.u32 $0x7FFFFF, v10  }
0x8d: {  	v12 =	vor.u32 $0x3F800000, v41  }
0x8e: {  	v42 =	vadd.f32 $1.000000000e+00, v12;
	_ =	sdelay $0x1  }
0x8f: {  	(erf) = vrcp.f32 v42  }
0x90: {  	(erf) = vrcp.f32 v2;
	_ =	sdelay $0x7  }
0x91: {  	v43 =	vpop (erf)  }
0x92: {  	v44 =	vpop (erf)  }
0x93: {  	v13 =	vmul.f32 s6, v44;
	_ =	sdelay $0x1  }
0x94: {  	v45 =	vand.u32 $0x7FFFFF, v13  }
0x95: {  	v14 =	vor.u32 $0x3F800000, v45  }
0x96: {  	v46 =	vadd.f32 $1.000000000e+00, v14;
	_ =	sdelay $0x1  }
0x97: {  	(erf) = vrcp.f32 v46;
	_ =	sdelay $0x1  }
0x98: {  	v12 =	vadd.f32 $-1.000000000e+00, v12;
	_ =	sdelay $0x1  }
0x99: {  	v2 =	vmul.f32 v43, v12;
	_ =	sdelay $0x1  }
0x9a: {  	v12 =	vmul.f32 v2, v2;
	_ =	sdelay $0x1  }
0x9b: {  	v47 =	vmul.f32 $2.222222240e-01, v12;
	v14 =	vadd.f32 $-1.000000000e+00, v14  }
0x9c: {  	v48 =	vpop (erf)  }
0x9d: {  	v15 =	vadd.f32 $2.857142980e-01, v47;
	v14 =	vmul.f32 v48, v14;
	_ =	sdelay $0x1  }
0x9e: {  	v15 =	vmul.f32 v15, v12;
	v16 =	vmul.f32 v14, v14;
	_ =	sdelay $0x1  }
0x9f: {  	v15 =	vadd.f32 $4.000000060e-01, v15;
	v17 =	vmul.f32 $2.222222240e-01, v16;
	_ =	sdelay $0x1  }
0xa0: {  	v15 =	vmul.f32 v15, v12;
	v17 =	vadd.f32 $2.857142980e-01, v17;
	_ =	sdelay $0x1  }
0xa1: {  	v15 =	vadd.f32 $6.666666860e-01, v15;
	v49 =	vmul.f32 v17, v16  }
0xa2: {  	s28 =	ssub.f32 s7, s23  }
0xa3: {  	v12 =	vmul.f32 v15, v12;
	v15 =	vadd.f32 $4.000000060e-01, v49  }
0xa4: {  	v52 =	vmov s28;
	s26 =	ssub.f32 s16, s12;
	v6 =	vadd.f32 $-5.000000000e-01, v29;
	v10 =	vshra.s32 v10, $0x17  }
0xa5: {  	v10 =	vadd.s32 $0xFFFFFF81, v10;
	v12 =	vadd.f32 $2.000000000e+00, v12;
	v50 =	vmul.f32 v15, v16  }
0xa6: {  	v51 =	vmov s26;
	v6 =	vmul.f32 v6, v6;
	v10 =	vcvt.s32.f32 v10  }
0xa7: {  	v2 =	vmul.f32 v12, v2;
	v15 =	vsub.f32 v29, v51;
	v12 =	vadd.f32 $6.666666860e-01, v50  }
0xa8: {  	v5 =	vadd.f32 $-5.000000000e-01, v31;
	v10 =	vmul.f32 $6.931471820e-01, v10;
	v17 =	vsub.f32 v31, v52  }
0xa9: {  	v13 =	vshra.s32 v13, $0x17;
	v15 =	vmul.f32 v15, v15;
	v53 =	vmul.f32 v12, v16  }
0xaa: {  	v54 =	vadd.s32 $0xFFFFFF81, v13;
	v2 =	vadd.f32 v2, v10;
	v55 =	vmul.f32 v17, v17  }
0xab: {  	v6 =	vsub.f32 v15, v6;
	v12 =	vcvt.s32.f32 v54;
	v10 =	vadd.f32 $2.000000000e+00, v53  }
0xac: {  	v5 =	vmul.f32 v5, v5;
	v2 =	vsub.f32 v32, v2  }
0xad: {  	v6 =	vadd.f32 v6, v55;
	v57 =	vmul.f32 $6.931471820e-01, v12;
	v56 =	vmul.f32 v10, v14  }
0xae: {  	v4 =	vmul.f32 v26, v26  }
0xaf: {  	v2 =	vmul.f32 v2, v2;
	v5 =	vsub.f32 v6, v5;
	v58 =	vadd.f32 v56, v57  }
0xb0: {  	v4 =	vbroadcast v4, $0xF  }
0xb1: {  	v3 =	vmul.f32 v39, v11;
	v2 =	vadd.f32 v2, v5;
	v59 =	vsub.f32 v9, v58  }
0xb2: {  	v1 =	vmul.f32 v27, v27  }
0xb3: {  	v61 =	vsub.f32 v34, v3;
	v2 =	vsub.f32 v2, v4;
	v60 =	vmul.f32 v59, v59  }
0xb4: {  	v1 =	vbroadcast v1, $0xF  }
0xb5: {  	vm15 =	vgt.f32 v3, $6.000000240e-01;
	v62 =	vmul.f32 v61, v61;
	v2 =	vadd.f32 v2, v60  }
0xb6: {  	v0 =	vsel vm15, $0x0, v0  }
0xb7: {  	v0 =	vmul.f32 v0, v34;
	v63 =	vmul.f32 $5.000000000e+00, v62;
	v1 =	vsub.f32 v2, v1;
	_ =	sdelay $0x1  }
0xb8: {  	v0 =	vmul.f32 v0, v34;
	v1 =	vadd.f32 v1, v63;
	_ =	sdelay $0x1  }
0xb9: {  	v0 =	vsub.f32 v1, v0;
	_ =	sdelay $0x1  }
0xba: {  	s29 =	sadd.s32 $0x600, s3;
	s30 =	sshll.u32 s1, $0x4;
	v0 =	vnsel vm13, $0x0, v0  }
0xbb: {  	s31 =	simm.s32 $0xC00;
	s3 =	sadd.s32 s29, s30;
	[tilespmem:$0xC00] =	vst v0  }
0xbc: {  	[hbm4b:s3+s2] =	stream.linear.scatter [tilespmem:s31], [sflag:$0x2], $0x80, $0x38;
	[tilespmem:$0xC80] =	vst v63  }
0xbd: {  	_ =	swait.ge [sflag:s4], $0x80  }
0xbe: {  	[sflag:s4] =	ssyncset.done $0x0  }
0xbf: {  	[sflag:s4] =	ssyncadd.s32 $0xFFFFFF80  }
.LBB2_2:
0xc0: {  	_ =	sfence.sel $0x180000  }
0xc1: {  	[bflag:$0x0] =	sbarrier.arrive $0xFFFF  }
0xc2: {  	p0 =	sne.s32 s1, $0x0;
	_ =	strace $0x90000047  }
0xc3: {  	s0 =	sadd.s32 @!p0 $0x100000, s0;
	[bflag:$0x2] =	sbarrier.arrive $0xFFFF  }
0xc4: {  	[sflag:s0] =	ssyncadd.tile.s32 @!p0 $0x1;
	_ =	shalt  }
.Lfunc_end2:
_tile_overlayer_lowered:
.L_overlay_start_2:
0xc5: {  	(tag) =	ssettag $0x2  }
0xc6: {  	s0 =	rddreg [dreg:$0x0];
	s2 =	stileid.u32  }
0xc7: {  	s1 =	rddreg [dreg:$0x1];
	p0 =	sne.s32 s2, $0x0  }
0xc8: {  	s3 =	rddreg [dreg:$0x2];
	[bflag:$0x3] =	sbarrier.arrive $0xFFFF;
	s2 =	simm.s32 @!p0 $0x1C02  }
0xc9: {  	[timem:s3], [sflag:s2] =	dma.local @!p0 [hbm:s0], s1  }
0xca: {  	s0 =	simm.s32 @!p0 $0x2  }
0xcb: {  	_ =	swait.ge @!p0 [sflag:s0], s1  }
0xcc: {  	s1 =	ssub.s32 @!p0 $0x0, s1;
	[sflag:s0] =	ssyncset.done @!p0 $0x0  }
0xcd: {  	[sflag:s0] =	ssyncadd.s32 @!p0 s1  }
0xce: {  	[bflag:$0x3] =	sbarrier.arrive $0xFFFF  }
0xcf: {  	_ =	shalt  }

</sc_bundles>
